<compile_context>
chip_gen: v7x
topology: tpu7x:2x2x1
jax: 0.10.2.dev20260603
libtpu: 0.0.44.dev20260713+nightly
codegen_flags: <defaults>
</compile_context>

<pallas_src>
import functools

import jax
import jax.numpy as jnp
from jax import lax
from jax.experimental import pallas as pl
from jax.experimental.pallas import tpu as pltpu
from jax.experimental.pallas import tpu_sc as plsc

N = 10000
E = 320000
F_IN = 128
H = 64
C_OUT = 2
D_EDGE = 16

W = 128
NWIN = E // W
NWORK = 32
ROWS_BASE = NWIN // NWORK
ROWS_EXTRA = NWIN - ROWS_BASE * NWORK

_MESH = plsc.VectorSubcoreMesh(
    core_axis_name="c", subcore_axis_name="s", num_cores=2, num_subcores=16)

STRIPE = 632
STRIPE_TAIL = N - 15 * STRIPE
HP = 128


def _stripe_copy(src, dst, s):
    @pl.when(s < 15)
    def _():
        pltpu.sync_copy(src.at[pl.ds(s * STRIPE, STRIPE)],
                        dst.at[pl.ds(s * STRIPE, STRIPE)])

    @pl.when(s == 15)
    def _():
        pltpu.sync_copy(src.at[pl.ds(15 * STRIPE, STRIPE_TAIL)],
                        dst.at[pl.ds(15 * STRIPE, STRIPE_TAIL)])


def _worker_id():
    c = lax.axis_index("c")
    s = lax.axis_index("s")
    return s * 2 + c, c, s


def _worker_rows(wid):
    nrows = jnp.where(wid < ROWS_EXTRA, ROWS_BASE + 1, ROWS_BASE)
    row0 = wid * ROWS_BASE + jnp.minimum(wid, ROWS_EXTRA)
    return row0, nrows


@functools.partial(
    pl.kernel,
    out_type=jax.ShapeDtypeStruct((2, N, H), jnp.float32),
    mesh=_MESH,
    scratch_types=(
        pltpu.VMEM_SHARED((N, H), jnp.float32),
        pltpu.VMEM((4, 2, W), jnp.int32),
        pltpu.VMEM((2, W, H), jnp.float32),
        pltpu.SemaphoreType.DMA,
        pltpu.SemaphoreType.DMA,
        pltpu.SemaphoreType.DMA,
        pltpu.SemaphoreType.DMA,
        pltpu.SemaphoreType.DMA,
        pltpu.SemaphoreType.DMA,
    ),
    compiler_params=pltpu.CompilerParams(use_tc_tiling_on_sc=False),
)
def _sc_agg(y_hbm, idx_hbm, z64_hbm, aggp_hbm, agg_sp, idx_ring, rows2,
            isem0, isem1, isem2, isem3, gsem0, gsem1):
    wid, c, s = _worker_id()
    _stripe_copy(z64_hbm, agg_sp, s)
    row0, nrows = _worker_rows(wid)
    plsc.subcore_barrier()

    isems = (isem0, isem1, isem2, isem3)
    gsems = (gsem0, gsem1)

    pltpu.async_copy(idx_hbm.at[row0], idx_ring.at[0], isems[0])
    pltpu.async_copy(idx_hbm.at[row0 + 1], idx_ring.at[1], isems[1])
    pltpu.make_async_copy(idx_hbm.at[row0], idx_ring.at[0], isems[0]).wait()
    pltpu.async_copy(y_hbm.at[idx_ring.at[0, 0]], rows2.at[0], gsems[0])

    def group(g, carry):
        for b in range(4):
            t = 4 * g + b
            p, q = b % 2, 1 - b % 2
            si, sn, sf = b, (b + 1) % 4, (b + 2) % 4

            @pl.when(t < nrows)
            def _():
                pltpu.make_async_copy(y_hbm.at[idx_ring.at[si, 0]],
                                      rows2.at[p], gsems[p]).wait()

                @pl.when(t + 2 < nrows)
                def _():
                    pltpu.async_copy(idx_hbm.at[row0 + t + 2],
                                     idx_ring.at[sf], isems[sf])

                @pl.when(t + 1 < nrows)
                def _():
                    pltpu.make_async_copy(idx_hbm.at[row0 + t + 1],
                                          idx_ring.at[sn], isems[sn]).wait()
                    pltpu.async_copy(y_hbm.at[idx_ring.at[sn, 0]],
                                     rows2.at[q], gsems[q])

                pltpu.sync_copy(rows2.at[p], agg_sp.at[idx_ring.at[si, 1]],
                                add=True)
        return carry

    lax.fori_loop(0, (ROWS_BASE + 4) // 4, group, 0)
    plsc.subcore_barrier()

    _stripe_copy(agg_sp, aggp_hbm.at[c], s)


@functools.partial(
    pl.kernel,
    out_type=jax.ShapeDtypeStruct((2, N, HP), jnp.float32),
    mesh=_MESH,
    scratch_types=(
        pltpu.VMEM_SHARED((N, HP), jnp.float32),
        pltpu.VMEM((4, 2, W), jnp.int32),
        pltpu.VMEM((2, W, HP), jnp.float32),
        pltpu.SemaphoreType.DMA,
        pltpu.SemaphoreType.DMA,
        pltpu.SemaphoreType.DMA,
        pltpu.SemaphoreType.DMA,
        pltpu.SemaphoreType.DMA,
        pltpu.SemaphoreType.DMA,
    ),
)
def _sc_eagg(eenc_hbm, idx_hbm, z128_hbm, eaggp_hbm, eagg_sp, idx_ring, rows2,
             isem0, isem1, isem2, isem3, gsem0, gsem1):
    wid, c, s = _worker_id()
    _stripe_copy(z128_hbm, eagg_sp, s)
    row0, nrows = _worker_rows(wid)
    plsc.subcore_barrier()

    isems = (isem0, isem1, isem2, isem3)
    gsems = (gsem0, gsem1)

    pltpu.async_copy(idx_hbm.at[row0], idx_ring.at[0], isems[0])
    pltpu.async_copy(idx_hbm.at[row0 + 1], idx_ring.at[1], isems[1])
    pltpu.async_copy(eenc_hbm.at[pl.ds(row0 * W, W)], rows2.at[0], gsems[0])

    def group(g, carry):
        for b in range(4):
            t = 4 * g + b
            p, q = b % 2, 1 - b % 2
            si, sf = b, (b + 2) % 4

            @pl.when(t < nrows)
            def _():
                pltpu.make_async_copy(eenc_hbm.at[pl.ds((row0 + t) * W, W)],
                                      rows2.at[p], gsems[p]).wait()

                @pl.when(t + 2 < nrows)
                def _():
                    pltpu.async_copy(idx_hbm.at[row0 + t + 2],
                                     idx_ring.at[sf], isems[sf])

                @pl.when(t + 1 < nrows)
                def _():
                    pltpu.async_copy(
                        eenc_hbm.at[pl.ds((row0 + t + 1) * W, W)],
                        rows2.at[q], gsems[q])

                pltpu.make_async_copy(idx_hbm.at[row0 + t],
                                      idx_ring.at[si], isems[si]).wait()
                pltpu.sync_copy(rows2.at[p], eagg_sp.at[idx_ring.at[si, 1]],
                                add=True)
        return carry

    lax.fori_loop(0, (ROWS_BASE + 4) // 4, group, 0)
    plsc.subcore_barrier()

    _stripe_copy(eagg_sp, eaggp_hbm.at[c], s)



def _tc_project_body(x_ref, wn_ref, wr_ref, y_ref, xr_ref):
    x = x_ref[...]
    y_ref[...] = jnp.dot(x, wn_ref[...], preferred_element_type=jnp.float32)
    xr_ref[...] = jnp.dot(x, wr_ref[...], preferred_element_type=jnp.float32)


def _tc_project(x, wn, wr):
    return pl.pallas_call(
        _tc_project_body,
        out_shape=(jax.ShapeDtypeStruct((N, H), jnp.float32),
                   jax.ShapeDtypeStruct((N, H), jnp.float32)),
    )(x, wn, wr)


_ENC_BLK = 12800


def _tc_enc_body(ea_ref, we_ref, be_ref, out_ref):
    enc = jnp.dot(ea_ref[...], we_ref[...], preferred_element_type=jnp.float32)
    out_ref[...] = jnp.maximum(enc + be_ref[...], 0.0)


def _tc_enc(edge_attr, we_pad, be_pad):
    return pl.pallas_call(
        _tc_enc_body,
        grid=(E // _ENC_BLK,),
        in_specs=[
            pl.BlockSpec((_ENC_BLK, D_EDGE), lambda i: (i, 0)),
            pl.BlockSpec((D_EDGE, HP), lambda i: (0, 0)),
            pl.BlockSpec((1, HP), lambda i: (0, 0)),
        ],
        out_specs=pl.BlockSpec((_ENC_BLK, HP), lambda i: (i, 0)),
        out_shape=jax.ShapeDtypeStruct((E, HP), jnp.float32),
    )(edge_attr, we_pad, be_pad)


def _bn_relu(h, gamma, beta):
    mu = jnp.mean(h, axis=0, keepdims=True)
    var = jnp.mean((h - mu) ** 2, axis=0, keepdims=True)
    hn = gamma * (h - mu) * lax.rsqrt(var + 1e-5) + beta
    return jnp.maximum(hn, 0.0)


def _tc_comb1_body(xr_ref, aggp_ref, eaggp_ref, b1_ref, g1_ref,
                   be1_ref, wn2_ref, wr2_ref, y2_ref, hr_ref, inv_ref):
    aggp = aggp_ref[...]
    eaggp = eaggp_ref[...]
    eaggf = eaggp[0] + eaggp[1]
    deg = eaggf[:, H]
    inv = 1.0 / jnp.maximum(deg, 1.0)
    agg = aggp[0] + aggp[1]
    eagg = eaggf[:, :H]
    h = xr_ref[...] + agg * inv[:, None] + b1_ref[...] + eagg
    h = _bn_relu(h, g1_ref[...], be1_ref[...])
    y2_ref[...] = jnp.dot(h, wn2_ref[...], preferred_element_type=jnp.float32)
    hr_ref[...] = jnp.dot(h, wr2_ref[...], preferred_element_type=jnp.float32)
    inv_ref[...] = inv[:, None]


def _tc_comb1(xr, aggp, eaggp, b1, g1, be1, wn2, wr2):
    return pl.pallas_call(
        _tc_comb1_body,
        out_shape=(jax.ShapeDtypeStruct((N, H), jnp.float32),
                   jax.ShapeDtypeStruct((N, H), jnp.float32),
                   jax.ShapeDtypeStruct((N, 1), jnp.float32)),
    )(xr, aggp, eaggp, b1, g1, be1, wn2, wr2)


def _tc_comb2_body(hr_ref, aggp_ref, inv_ref, b2_ref, g2_ref, be2_ref,
                   wcls_ref, bcls_ref, out_ref):
    aggp = aggp_ref[...]
    inv = inv_ref[...][:, 0]
    agg = aggp[0] + aggp[1]
    h = hr_ref[...] + agg * inv[:, None] + b2_ref[...]
    h = _bn_relu(h, g2_ref[...], be2_ref[...])
    out_ref[...] = (jnp.dot(h, wcls_ref[...], preferred_element_type=jnp.float32)
                    + bcls_ref[...])


def _tc_comb2(hr, aggp, inv, b2, g2, be2, wcls, bcls):
    return pl.pallas_call(
        _tc_comb2_body,
        out_shape=jax.ShapeDtypeStruct((N, C_OUT), jnp.float32),
    )(hr, aggp, inv, b2, g2, be2, wcls, bcls)


def kernel(x, edge_index, edge_attr, W_edge, b_edge, W_root1, W_neigh1, b1,
           W_root2, W_neigh2, b2, gamma1, beta1, gamma2, beta2, W_cls, b_cls):
    idx3 = jnp.stack([edge_index[0].reshape(NWIN, W),
                      edge_index[1].reshape(NWIN, W)], axis=1)
    z128 = jnp.zeros((N, HP), jnp.float32)
    z64 = jnp.zeros((N, H), jnp.float32)
    we_pad = jnp.pad(W_edge, ((0, 0), (0, HP - H)))
    be_pad = jnp.concatenate(
        [b_edge, jnp.ones((1,), jnp.float32),
         jnp.zeros((HP - H - 1,), jnp.float32)]).reshape(1, HP)

    y1, xr = _tc_project(x, W_neigh1, W_root1)
    eenc = _tc_enc(edge_attr, we_pad, be_pad)
    eaggp = _sc_eagg(eenc, idx3, z128)
    aggp = _sc_agg(y1, idx3, z64)

    y2, hr, inv = _tc_comb1(xr, aggp, eaggp, b1.reshape(1, H),
                            gamma1.reshape(1, H), beta1.reshape(1, H),
                            W_neigh2, W_root2)
    agg2p = _sc_agg(y2, idx3, z64)
    logits = _tc_comb2(hr, agg2p, inv, b2.reshape(1, H),
                       gamma2.reshape(1, H), beta2.reshape(1, H),
                       W_cls, b_cls.reshape(1, C_OUT))
    return logits

# --- scband reference (transcript-rebuilt; emitter-appended) ---
"""Pipeline reference for scband-fraud-gnn-6622839570533 (READ-ONLY COPY).

The authoritative reference and input builder live on the scoring server;
editing this copy changes nothing except your own understanding.
"""

import jax, jax.numpy as jnp
import numpy as np

N = 10000
E = 320000
F_IN = 128
H = 64
C_OUT = 2
D_EDGE = 16


def setup_inputs(seed: int = 0) -> dict:
    key = jax.random.key(seed)
    ks = jax.random.split(key, 14)
    inp = {}
    inp["x"] = jax.random.normal(ks[0], (N, F_IN), dtype=jnp.float32)
    inp["edge_index"] = jax.random.randint(ks[1], (2, E), 0, N, dtype=jnp.int32)
    inp["edge_attr"] = jax.random.normal(ks[2], (E, D_EDGE), dtype=jnp.float32)
    # learned parameters
    inp["W_edge"] = jax.random.normal(ks[3], (D_EDGE, H), dtype=jnp.float32) / np.sqrt(D_EDGE)
    inp["b_edge"] = jnp.zeros((H,), dtype=jnp.float32)
    inp["W_root1"] = jax.random.normal(ks[4], (F_IN, H), dtype=jnp.float32) / np.sqrt(F_IN)
    inp["W_neigh1"] = jax.random.normal(ks[5], (F_IN, H), dtype=jnp.float32) / np.sqrt(F_IN)
    inp["b1"] = jnp.zeros((H,), dtype=jnp.float32)
    inp["W_root2"] = jax.random.normal(ks[6], (H, H), dtype=jnp.float32) / np.sqrt(H)
    inp["W_neigh2"] = jax.random.normal(ks[7], (H, H), dtype=jnp.float32) / np.sqrt(H)
    inp["b2"] = jnp.zeros((H,), dtype=jnp.float32)
    inp["gamma1"] = jnp.ones((H,), dtype=jnp.float32)
    inp["beta1"] = jnp.zeros((H,), dtype=jnp.float32)
    inp["gamma2"] = jnp.ones((H,), dtype=jnp.float32)
    inp["beta2"] = jnp.zeros((H,), dtype=jnp.float32)
    inp["W_cls"] = jax.random.normal(ks[8], (H, C_OUT), dtype=jnp.float32) / np.sqrt(H)
    inp["b_cls"] = jnp.zeros((C_OUT,), dtype=jnp.float32)
    return inp


def _sage(h, src, dst, Wr, Wn, b):
    # GraphSAGE mean aggregation: gather source messages, scatter-add to dst, divide by degree
    msg = h[src]
    agg = jax.ops.segment_sum(msg, dst, num_segments=N)
    deg = jax.ops.segment_sum(jnp.ones((src.shape[0],), h.dtype), dst, num_segments=N)
    mean = agg / jnp.clip(deg, 1.0)[:, None]
    return h @ Wr + mean @ Wn + b


def _bn(h, gamma, beta, eps=1e-5):
    mu = jnp.mean(h, axis=0)
    var = jnp.var(h, axis=0)
    return gamma * (h - mu) / jnp.sqrt(var + eps) + beta


def reference(x, edge_index, edge_attr, W_edge, b_edge, W_root1, W_neigh1, b1,
              W_root2, W_neigh2, b2, gamma1, beta1, gamma2, beta2, W_cls, b_cls):
    src = edge_index[0]
    dst = edge_index[1]
    # edge encoder + scatter-add of edge encodings onto target nodes
    edge_enc = jax.nn.relu(edge_attr @ W_edge + b_edge)
    edge_agg = jax.ops.segment_sum(edge_enc, dst, num_segments=N)
    # layer 1
    h = _sage(x, src, dst, W_root1, W_neigh1, b1)
    h = h + edge_agg
    h = _bn(h, gamma1, beta1)
    h = jax.nn.relu(h)
    # dropout is identity in deterministic reference
    # layer 2
    h = _sage(h, src, dst, W_root2, W_neigh2, b2)
    h = _bn(h, gamma2, beta2)
    h = jax.nn.relu(h)
    logits = h @ W_cls + b_cls
    return logits

if __name__ == "__main__":
    import jax
    _d = setup_inputs()
    print(jax.jit(kernel)(*tuple(_d.values())))

</pallas_src>

<mosaic_0001>
#map = affine_map<(d0, d1) -> (0, 0)>
#map1 = affine_map<(d0, d1) -> (0, 0, 0)>
module attributes {stable_mosaic.version = 14 : i64} {
  func.func @_sc_agg(%arg0: i32, %arg1: i32, %arg2: memref<10000x64xf32, #tpu.memory_space<hbm>>, %arg3: memref<2500x2x128xi32, #tpu.memory_space<hbm>>, %arg4: memref<10000x64xf32, #tpu.memory_space<hbm>>, %arg5: memref<2x10000x64xf32, #tpu.memory_space<hbm>>, %arg6: memref<10000x64xf32, #tpu.memory_space<vmem_shared>>, %arg7: memref<4x2x128xi32, #tpu.memory_space<vmem>>, %arg8: memref<2x128x64xf32, #tpu.memory_space<vmem>>, %arg9: memref<!tpu.dma_semaphore, #tpu.memory_space<semaphore_mem>>, %arg10: memref<!tpu.dma_semaphore, #tpu.memory_space<semaphore_mem>>, %arg11: memref<!tpu.dma_semaphore, #tpu.memory_space<semaphore_mem>>, %arg12: memref<!tpu.dma_semaphore, #tpu.memory_space<semaphore_mem>>, %arg13: memref<!tpu.dma_semaphore, #tpu.memory_space<semaphore_mem>>, %arg14: memref<!tpu.dma_semaphore, #tpu.memory_space<semaphore_mem>>) attributes {dimension_semantics = [#tpu.dimension_semantics<core_parallel>, #tpu.dimension_semantics<subcore_parallel>], iteration_bounds = array<i64: 2, 16>, scalar_prefetch = 0 : i64, scratch_operands = 9 : i64, tpu.core_type = #tpu.core_type<sc_vector_subcore>, window_params = [{transform_indices = #map}, {transform_indices = #map1}, {transform_indices = #map}, {transform_indices = #map1}]} {
    %mul3A = arith.constant 2 : i32
    %mul3A_0 = arith.muli %arg1, %mul3A : i32
    %add3A = arith.addi %mul3A_0, %arg0 : i32
    %lt3A = arith.constant 15 : i32
    %lt3A_1 = arith.cmpi slt, %arg1, %lt3A : i32
    %convert_element_type3A = arith.extui %lt3A_1 : i1 to i32
    %cond3A = arith.constant 0 : i32
    %cond3A_2 = arith.cmpi ne, %convert_element_type3A, %cond3A : i32
    scf.if %cond3A_2 {
      %mul3A_94 = arith.constant 632 : i32
      %mul3A_95 = arith.muli %arg1, %mul3A_94 : i32
      %mul3A_96 = arith.constant 632 : i32
      %mul3A_97 = arith.muli %arg1, %mul3A_96 : i32
      "tpu.region"() ({
        %run_scoped3A = tpu.sem_alloc : memref<!tpu.dma_semaphore, #tpu.memory_space<semaphore_mem>>
        %dma_start3A_98 = arith.constant 0 : i32
        %dma_start3A_99 = tpu.memref_slice %arg6[%mul3A_97, %dma_start3A_98] : memref<10000x64xf32, #tpu.memory_space<vmem_shared>> -> memref<632x64xf32, #tpu.memory_space<vmem_shared>>
        %dma_start3A_100 = arith.constant 0 : i32
        %dma_start3A_101 = tpu.memref_slice %arg4[%mul3A_95, %dma_start3A_100] : memref<10000x64xf32, #tpu.memory_space<hbm>> -> memref<632x64xf32, #tpu.memory_space<hbm>>
        tpu.enqueue_dma source(%dma_start3A_101 : memref<632x64xf32, #tpu.memory_space<hbm>>) target(%dma_start3A_99 : memref<632x64xf32, #tpu.memory_space<vmem_shared>>) target_semaphore(%run_scoped3A : memref<!tpu.dma_semaphore, #tpu.memory_space<semaphore_mem>>)
        %dma_wait3A_102 = arith.constant 0 : i32
        %dma_wait3A_103 = tpu.memref_slice %arg6[%mul3A_97, %dma_wait3A_102] : memref<10000x64xf32, #tpu.memory_space<vmem_shared>> -> memref<632x64xf32, #tpu.memory_space<vmem_shared>>
        %dma_wait3A_104 = arith.constant 0 : i32
        %dma_wait3A_105 = tpu.memref_slice %arg4[%mul3A_95, %dma_wait3A_104] : memref<10000x64xf32, #tpu.memory_space<hbm>> -> memref<632x64xf32, #tpu.memory_space<hbm>>
        tpu.wait_dma2 semaphore(%run_scoped3A : memref<!tpu.dma_semaphore, #tpu.memory_space<semaphore_mem>>) src(%dma_wait3A_105 : memref<632x64xf32, #tpu.memory_space<hbm>>) dst(%dma_wait3A_103 : memref<632x64xf32, #tpu.memory_space<vmem_shared>>)
        tpu.yield
      }) : () -> ()
    } else {
    }
    %eq3A = arith.constant 15 : i32
    %eq3A_3 = arith.cmpi eq, %arg1, %eq3A : i32
    %convert_element_type3A_4 = arith.extui %eq3A_3 : i1 to i32
    %cond3A_5 = arith.constant 0 : i32
    %cond3A_6 = arith.cmpi ne, %convert_element_type3A_4, %cond3A_5 : i32
    scf.if %cond3A_6 {
      "tpu.region"() ({
        %run_scoped3A = tpu.sem_alloc : memref<!tpu.dma_semaphore, #tpu.memory_space<semaphore_mem>>
        %dma_start3A_94 = arith.constant 9480 : i32
        %dma_start3A_95 = arith.constant 0 : i32
        %dma_start3A_96 = tpu.memref_slice %arg6[%dma_start3A_94, %dma_start3A_95] : memref<10000x64xf32, #tpu.memory_space<vmem_shared>> -> memref<520x64xf32, #tpu.memory_space<vmem_shared>>
        %dma_start3A_97 = arith.constant 9480 : i32
        %dma_start3A_98 = arith.constant 0 : i32
        %dma_start3A_99 = tpu.memref_slice %arg4[%dma_start3A_97, %dma_start3A_98] : memref<10000x64xf32, #tpu.memory_space<hbm>> -> memref<520x64xf32, #tpu.memory_space<hbm>>
        tpu.enqueue_dma source(%dma_start3A_99 : memref<520x64xf32, #tpu.memory_space<hbm>>) target(%dma_start3A_96 : memref<520x64xf32, #tpu.memory_space<vmem_shared>>) target_semaphore(%run_scoped3A : memref<!tpu.dma_semaphore, #tpu.memory_space<semaphore_mem>>)
        %dma_wait3A_100 = arith.constant 9480 : i32
        %dma_wait3A_101 = arith.constant 0 : i32
        %dma_wait3A_102 = tpu.memref_slice %arg6[%dma_wait3A_100, %dma_wait3A_101] : memref<10000x64xf32, #tpu.memory_space<vmem_shared>> -> memref<520x64xf32, #tpu.memory_space<vmem_shared>>
        %dma_wait3A_103 = arith.constant 9480 : i32
        %dma_wait3A_104 = arith.constant 0 : i32
        %dma_wait3A_105 = tpu.memref_slice %arg4[%dma_wait3A_103, %dma_wait3A_104] : memref<10000x64xf32, #tpu.memory_space<hbm>> -> memref<520x64xf32, #tpu.memory_space<hbm>>
        tpu.wait_dma2 semaphore(%run_scoped3A : memref<!tpu.dma_semaphore, #tpu.memory_space<semaphore_mem>>) src(%dma_wait3A_105 : memref<520x64xf32, #tpu.memory_space<hbm>>) dst(%dma_wait3A_102 : memref<520x64xf32, #tpu.memory_space<vmem_shared>>)
        tpu.yield
      }) : () -> ()
    } else {
    }
    %lt3A_7 = arith.constant 4 : i32
    %lt3A_8 = arith.cmpi slt, %add3A, %lt3A_7 : i32
    %jit3A = arith.constant 79 : i32
    %jit3A_9 = arith.constant 78 : i32
    %select_n3A = arith.select %lt3A_8, %jit3A, %jit3A_9 : i32
    %mul3A_10 = arith.constant 78 : i32
    %mul3A_11 = arith.muli %add3A, %mul3A_10 : i32
    %min3A = arith.constant 4 : i32
    %min3A_12 = arith.minsi %add3A, %min3A : i32
    %add3A_13 = arith.addi %mul3A_11, %min3A_12 : i32
    %barrier3A = arith.constant 0 : index
    tpu.barrier barrier_id(%barrier3A)
    %dma_start3A = arith.constant 0 : i32
    %dma_start3A_14 = arith.constant 0 : i32
    %dma_start3A_15 = arith.constant 0 : i32
    %dma_start3A_16 = tpu.memref_slice %arg7[%dma_start3A, %dma_start3A_14, %dma_start3A_15] : memref<4x2x128xi32, #tpu.memory_space<vmem>> -> memref<1x2x128xi32, #tpu.memory_space<vmem>>
    %dma_start3A_17 = tpu.memref_squeeze %dma_start3A_16 : memref<1x2x128xi32, #tpu.memory_space<vmem>> -> memref<2x128xi32, #tpu.memory_space<vmem>>
    %dma_start3A_18 = arith.constant 0 : i32
    %dma_start3A_19 = arith.constant 0 : i32
    %dma_start3A_20 = tpu.memref_slice %arg3[%add3A_13, %dma_start3A_18, %dma_start3A_19] : memref<2500x2x128xi32, #tpu.memory_space<hbm>> -> memref<1x2x128xi32, #tpu.memory_space<hbm>>
    %dma_start3A_21 = tpu.memref_squeeze %dma_start3A_20 : memref<1x2x128xi32, #tpu.memory_space<hbm>> -> memref<2x128xi32, #tpu.memory_space<hbm>>
    %dma_start3A_22 = arith.constant 0 : i32
    %dma_start3A_23 = arith.constant 0 : i32
    %dma_start3A_24 = tpu.memref_slice %arg7[%dma_start3A, %dma_start3A_22, %dma_start3A_23] : memref<4x2x128xi32, #tpu.memory_space<vmem>> -> memref<1x2x128xi32, #tpu.memory_space<vmem>>
    %dma_start3A_25 = tpu.memref_squeeze %dma_start3A_24 : memref<1x2x128xi32, #tpu.memory_space<vmem>> -> memref<2x128xi32, #tpu.memory_space<vmem>>
    %dma_start3A_26 = arith.constant 0 : i32
    %dma_start3A_27 = arith.constant 0 : i32
    %dma_start3A_28 = tpu.memref_slice %arg3[%add3A_13, %dma_start3A_26, %dma_start3A_27] : memref<2500x2x128xi32, #tpu.memory_space<hbm>> -> memref<1x2x128xi32, #tpu.memory_space<hbm>>
    %dma_start3A_29 = tpu.memref_squeeze %dma_start3A_28 : memref<1x2x128xi32, #tpu.memory_space<hbm>> -> memref<2x128xi32, #tpu.memory_space<hbm>>
    tpu.enqueue_dma source(%dma_start3A_29 : memref<2x128xi32, #tpu.memory_space<hbm>>) target(%dma_start3A_25 : memref<2x128xi32, #tpu.memory_space<vmem>>) target_semaphore(%arg9 : memref<!tpu.dma_semaphore, #tpu.memory_space<semaphore_mem>>)
    %add3A_30 = arith.constant 1 : i32
    %add3A_31 = arith.addi %add3A_13, %add3A_30 : i32
    %dma_start3A_32 = arith.constant 1 : i32
    %dma_start3A_33 = arith.constant 0 : i32
    %dma_start3A_34 = arith.constant 0 : i32
    %dma_start3A_35 = tpu.memref_slice %arg7[%dma_start3A_32, %dma_start3A_33, %dma_start3A_34] : memref<4x2x128xi32, #tpu.memory_space<vmem>> -> memref<1x2x128xi32, #tpu.memory_space<vmem>>
    %dma_start3A_36 = tpu.memref_squeeze %dma_start3A_35 : memref<1x2x128xi32, #tpu.memory_space<vmem>> -> memref<2x128xi32, #tpu.memory_space<vmem>>
    %dma_start3A_37 = arith.constant 0 : i32
    %dma_start3A_38 = arith.constant 0 : i32
    %dma_start3A_39 = tpu.memref_slice %arg3[%add3A_31, %dma_start3A_37, %dma_start3A_38] : memref<2500x2x128xi32, #tpu.memory_space<hbm>> -> memref<1x2x128xi32, #tpu.memory_space<hbm>>
    %dma_start3A_40 = tpu.memref_squeeze %dma_start3A_39 : memref<1x2x128xi32, #tpu.memory_space<hbm>> -> memref<2x128xi32, #tpu.memory_space<hbm>>
    %dma_start3A_41 = arith.constant 0 : i32
    %dma_start3A_42 = arith.constant 0 : i32
    %dma_start3A_43 = tpu.memref_slice %arg7[%dma_start3A_32, %dma_start3A_41, %dma_start3A_42] : memref<4x2x128xi32, #tpu.memory_space<vmem>> -> memref<1x2x128xi32, #tpu.memory_space<vmem>>
    %dma_start3A_44 = tpu.memref_squeeze %dma_start3A_43 : memref<1x2x128xi32, #tpu.memory_space<vmem>> -> memref<2x128xi32, #tpu.memory_space<vmem>>
    %dma_start3A_45 = arith.constant 0 : i32
    %dma_start3A_46 = arith.constant 0 : i32
    %dma_start3A_47 = tpu.memref_slice %arg3[%add3A_31, %dma_start3A_45, %dma_start3A_46] : memref<2500x2x128xi32, #tpu.memory_space<hbm>> -> memref<1x2x128xi32, #tpu.memory_space<hbm>>
    %dma_start3A_48 = tpu.memref_squeeze %dma_start3A_47 : memref<1x2x128xi32, #tpu.memory_space<hbm>> -> memref<2x128xi32, #tpu.memory_space<hbm>>
    tpu.enqueue_dma source(%dma_start3A_48 : memref<2x128xi32, #tpu.memory_space<hbm>>) target(%dma_start3A_44 : memref<2x128xi32, #tpu.memory_space<vmem>>) target_semaphore(%arg10 : memref<!tpu.dma_semaphore, #tpu.memory_space<semaphore_mem>>)
    %dma_wait3A = arith.constant 0 : i32
    %dma_wait3A_49 = arith.constant 0 : i32
    %dma_wait3A_50 = arith.constant 0 : i32
    %dma_wait3A_51 = tpu.memref_slice %arg7[%dma_wait3A, %dma_wait3A_49, %dma_wait3A_50] : memref<4x2x128xi32, #tpu.memory_space<vmem>> -> memref<1x2x128xi32, #tpu.memory_space<vmem>>
    %dma_wait3A_52 = tpu.memref_squeeze %dma_wait3A_51 : memref<1x2x128xi32, #tpu.memory_space<vmem>> -> memref<2x128xi32, #tpu.memory_space<vmem>>
    %dma_wait3A_53 = arith.constant 0 : i32
    %dma_wait3A_54 = arith.constant 0 : i32
    %dma_wait3A_55 = tpu.memref_slice %arg3[%add3A_13, %dma_wait3A_53, %dma_wait3A_54] : memref<2500x2x128xi32, #tpu.memory_space<hbm>> -> memref<1x2x128xi32, #tpu.memory_space<hbm>>
    %dma_wait3A_56 = tpu.memref_squeeze %dma_wait3A_55 : memref<1x2x128xi32, #tpu.memory_space<hbm>> -> memref<2x128xi32, #tpu.memory_space<hbm>>
    %dma_wait3A_57 = arith.constant 0 : i32
    %dma_wait3A_58 = arith.constant 0 : i32
    %dma_wait3A_59 = tpu.memref_slice %arg7[%dma_wait3A, %dma_wait3A_57, %dma_wait3A_58] : memref<4x2x128xi32, #tpu.memory_space<vmem>> -> memref<1x2x128xi32, #tpu.memory_space<vmem>>
    %dma_wait3A_60 = tpu.memref_squeeze %dma_wait3A_59 : memref<1x2x128xi32, #tpu.memory_space<vmem>> -> memref<2x128xi32, #tpu.memory_space<vmem>>
    %dma_wait3A_61 = arith.constant 0 : i32
    %dma_wait3A_62 = arith.constant 0 : i32
    %dma_wait3A_63 = tpu.memref_slice %arg3[%add3A_13, %dma_wait3A_61, %dma_wait3A_62] : memref<2500x2x128xi32, #tpu.memory_space<hbm>> -> memref<1x2x128xi32, #tpu.memory_space<hbm>>
    %dma_wait3A_64 = tpu.memref_squeeze %dma_wait3A_63 : memref<1x2x128xi32, #tpu.memory_space<hbm>> -> memref<2x128xi32, #tpu.memory_space<hbm>>
    tpu.wait_dma2 semaphore(%arg9 : memref<!tpu.dma_semaphore, #tpu.memory_space<semaphore_mem>>) src(%dma_wait3A_64 : memref<2x128xi32, #tpu.memory_space<hbm>>) dst(%dma_wait3A_60 : memref<2x128xi32, #tpu.memory_space<vmem>>)
    %dma_start3A_65 = arith.constant 0 : i32
    %dma_start3A_66 = arith.constant 0 : i32
    %dma_start3A_67 = arith.constant 0 : i32
    %dma_start3A_68 = arith.constant 0 : i32
    %dma_start3A_69 = arith.constant 0 : i32
    %dma_start3A_70 = tpu.memref_slice %arg8[%dma_start3A_67, %dma_start3A_68, %dma_start3A_69] : memref<2x128x64xf32, #tpu.memory_space<vmem>> -> memref<1x128x64xf32, #tpu.memory_space<vmem>>
    %dma_start3A_71 = tpu.memref_squeeze %dma_start3A_70 : memref<1x128x64xf32, #tpu.memory_space<vmem>> -> memref<128x64xf32, #tpu.memory_space<vmem>>
    %dma_start3A_72 = arith.constant 0 : i32
    %dma_start3A_73 = tpu.memref_slice %arg7[%dma_start3A_65, %dma_start3A_66, %dma_start3A_72] : memref<4x2x128xi32, #tpu.memory_space<vmem>> -> memref<1x1x128xi32, #tpu.memory_space<vmem>>
    %dma_start3A_74 = tpu.memref_squeeze %dma_start3A_73 : memref<1x1x128xi32, #tpu.memory_space<vmem>> -> memref<128xi32, #tpu.memory_space<vmem>>
    %dma_start3A_75 = arith.constant 0 : i32
    %dma_start3A_76 = arith.constant 0 : i32
    %dma_start3A_77 = tpu.memref_slice %arg2[%dma_start3A_75, %dma_start3A_76] : memref<10000x64xf32, #tpu.memory_space<hbm>> -> memref<10000x64xf32, #tpu.memory_space<hbm>>
    tpu.enqueue_indirect_dma source(%dma_start3A_77 : memref<10000x64xf32, #tpu.memory_space<hbm>>) target(%dma_start3A_71 : memref<128x64xf32, #tpu.memory_space<vmem>>) offsets(%dma_start3A_74 : memref<128xi32, #tpu.memory_space<vmem>>) semaphore(%arg13 : memref<!tpu.dma_semaphore, #tpu.memory_space<semaphore_mem>>)
    %scan3A = arith.constant 0 : i32
    %scan3A_78 = arith.constant 0 : i32
    %scan3A_79 = arith.constant 20 : i32
    %scan3A_80 = arith.addi %scan3A_78, %scan3A_79 : i32
    %scan3A_81 = arith.constant 1 : i32
    scf.for %scan3A_94 = %scan3A_78 to %scan3A_80 step %scan3A_81  : i32 {
      %mul3A_95 = arith.constant 4 : i32
      %mul3A_96 = arith.muli %mul3A_95, %scan3A_94 : i32
      %add3A_97 = arith.constant 0 : i32
      %add3A_98 = arith.addi %mul3A_96, %add3A_97 : i32
      %lt3A_99 = arith.cmpi slt, %add3A_98, %select_n3A : i32
      %convert_element_type3A_100 = arith.extui %lt3A_99 : i1 to i32
      %cond3A_101 = arith.constant 0 : i32
      %cond3A_102 = arith.cmpi ne, %convert_element_type3A_100, %cond3A_101 : i32
      scf.if %cond3A_102 {
        %dma_wait3A_127 = arith.constant 0 : i32
        %dma_wait3A_128 = arith.constant 0 : i32
        %dma_wait3A_129 = arith.constant 0 : i32
        %dma_wait3A_130 = arith.constant 0 : i32
        %dma_wait3A_131 = arith.constant 0 : i32
        %dma_wait3A_132 = tpu.memref_slice %arg8[%dma_wait3A_129, %dma_wait3A_130, %dma_wait3A_131] : memref<2x128x64xf32, #tpu.memory_space<vmem>> -> memref<1x128x64xf32, #tpu.memory_space<vmem>>
        %dma_wait3A_133 = tpu.memref_squeeze %dma_wait3A_132 : memref<1x128x64xf32, #tpu.memory_space<vmem>> -> memref<128x64xf32, #tpu.memory_space<vmem>>
        %dma_wait3A_134 = arith.constant 0 : i32
        %dma_wait3A_135 = tpu.memref_slice %arg7[%dma_wait3A_127, %dma_wait3A_128, %dma_wait3A_134] : memref<4x2x128xi32, #tpu.memory_space<vmem>> -> memref<1x1x128xi32, #tpu.memory_space<vmem>>
        %dma_wait3A_136 = tpu.memref_squeeze %dma_wait3A_135 : memref<1x1x128xi32, #tpu.memory_space<vmem>> -> memref<128xi32, #tpu.memory_space<vmem>>
        %dma_wait3A_137 = arith.constant 0 : i32
        %dma_wait3A_138 = arith.constant 0 : i32
        %dma_wait3A_139 = tpu.memref_slice %arg2[%dma_wait3A_137, %dma_wait3A_138] : memref<10000x64xf32, #tpu.memory_space<hbm>> -> memref<10000x64xf32, #tpu.memory_space<hbm>>
        tpu.wait_indirect_dma semaphore(%arg13 : memref<!tpu.dma_semaphore, #tpu.memory_space<semaphore_mem>>) src(%dma_wait3A_139 : memref<10000x64xf32, #tpu.memory_space<hbm>>) dst(%dma_wait3A_133 : memref<128x64xf32, #tpu.memory_space<vmem>>)
        %add3A_140 = arith.constant 2 : i32
        %add3A_141 = arith.addi %add3A_98, %add3A_140 : i32
        %lt3A_142 = arith.cmpi slt, %add3A_141, %select_n3A : i32
        %convert_element_type3A_143 = arith.extui %lt3A_142 : i1 to i32
        %cond3A_144 = arith.constant 0 : i32
        %cond3A_145 = arith.cmpi ne, %convert_element_type3A_143, %cond3A_144 : i32
        scf.if %cond3A_145 {
          %add3A_154 = arith.addi %add3A_13, %add3A_98 : i32
          %add3A_155 = arith.constant 2 : i32
          %add3A_156 = arith.addi %add3A_154, %add3A_155 : i32
          %dma_start3A_157 = arith.constant 2 : i32
          %dma_start3A_158 = arith.constant 0 : i32
          %dma_start3A_159 = arith.constant 0 : i32
          %dma_start3A_160 = tpu.memref_slice %arg7[%dma_start3A_157, %dma_start3A_158, %dma_start3A_159] : memref<4x2x128xi32, #tpu.memory_space<vmem>> -> memref<1x2x128xi32, #tpu.memory_space<vmem>>
          %dma_start3A_161 = tpu.memref_squeeze %dma_start3A_160 : memref<1x2x128xi32, #tpu.memory_space<vmem>> -> memref<2x128xi32, #tpu.memory_space<vmem>>
          %dma_start3A_162 = arith.constant 0 : i32
          %dma_start3A_163 = arith.constant 0 : i32
          %dma_start3A_164 = tpu.memref_slice %arg3[%add3A_156, %dma_start3A_162, %dma_start3A_163] : memref<2500x2x128xi32, #tpu.memory_space<hbm>> -> memref<1x2x128xi32, #tpu.memory_space<hbm>>
          %dma_start3A_165 = tpu.memref_squeeze %dma_start3A_164 : memref<1x2x128xi32, #tpu.memory_space<hbm>> -> memref<2x128xi32, #tpu.memory_space<hbm>>
          %dma_start3A_166 = arith.constant 0 : i32
          %dma_start3A_167 = arith.constant 0 : i32
          %dma_start3A_168 = tpu.memref_slice %arg7[%dma_start3A_157, %dma_start3A_166, %dma_start3A_167] : memref<4x2x128xi32, #tpu.memory_space<vmem>> -> memref<1x2x128xi32, #tpu.memory_space<vmem>>
          %dma_start3A_169 = tpu.memref_squeeze %dma_start3A_168 : memref<1x2x128xi32, #tpu.memory_space<vmem>> -> memref<2x128xi32, #tpu.memory_space<vmem>>
          %dma_start3A_170 = arith.constant 0 : i32
          %dma_start3A_171 = arith.constant 0 : i32
          %dma_start3A_172 = tpu.memref_slice %arg3[%add3A_156, %dma_start3A_170, %dma_start3A_171] : memref<2500x2x128xi32, #tpu.memory_space<hbm>> -> memref<1x2x128xi32, #tpu.memory_space<hbm>>
          %dma_start3A_173 = tpu.memref_squeeze %dma_start3A_172 : memref<1x2x128xi32, #tpu.memory_space<hbm>> -> memref<2x128xi32, #tpu.memory_space<hbm>>
          tpu.enqueue_dma source(%dma_start3A_173 : memref<2x128xi32, #tpu.memory_space<hbm>>) target(%dma_start3A_169 : memref<2x128xi32, #tpu.memory_space<vmem>>) target_semaphore(%arg11 : memref<!tpu.dma_semaphore, #tpu.memory_space<semaphore_mem>>)
        } else {
        }
        %add3A_146 = arith.constant 1 : i32
        %add3A_147 = arith.addi %add3A_98, %add3A_146 : i32
        %lt3A_148 = arith.cmpi slt, %add3A_147, %select_n3A : i32
        %convert_element_type3A_149 = arith.extui %lt3A_148 : i1 to i32
        %cond3A_150 = arith.constant 0 : i32
        %cond3A_151 = arith.cmpi ne, %convert_element_type3A_149, %cond3A_150 : i32
        scf.if %cond3A_151 {
          %add3A_154 = arith.addi %add3A_13, %add3A_98 : i32
          %add3A_155 = arith.constant 1 : i32
          %add3A_156 = arith.addi %add3A_154, %add3A_155 : i32
          %dma_wait3A_157 = arith.constant 1 : i32
          %dma_wait3A_158 = arith.constant 0 : i32
          %dma_wait3A_159 = arith.constant 0 : i32
          %dma_wait3A_160 = tpu.memref_slice %arg7[%dma_wait3A_157, %dma_wait3A_158, %dma_wait3A_159] : memref<4x2x128xi32, #tpu.memory_space<vmem>> -> memref<1x2x128xi32, #tpu.memory_space<vmem>>
          %dma_wait3A_161 = tpu.memref_squeeze %dma_wait3A_160 : memref<1x2x128xi32, #tpu.memory_space<vmem>> -> memref<2x128xi32, #tpu.memory_space<vmem>>
          %dma_wait3A_162 = arith.constant 0 : i32
          %dma_wait3A_163 = arith.constant 0 : i32
          %dma_wait3A_164 = tpu.memref_slice %arg3[%add3A_156, %dma_wait3A_162, %dma_wait3A_163] : memref<2500x2x128xi32, #tpu.memory_space<hbm>> -> memref<1x2x128xi32, #tpu.memory_space<hbm>>
          %dma_wait3A_165 = tpu.memref_squeeze %dma_wait3A_164 : memref<1x2x128xi32, #tpu.memory_space<hbm>> -> memref<2x128xi32, #tpu.memory_space<hbm>>
          %dma_wait3A_166 = arith.constant 0 : i32
          %dma_wait3A_167 = arith.constant 0 : i32
          %dma_wait3A_168 = tpu.memref_slice %arg7[%dma_wait3A_157, %dma_wait3A_166, %dma_wait3A_167] : memref<4x2x128xi32, #tpu.memory_space<vmem>> -> memref<1x2x128xi32, #tpu.memory_space<vmem>>
          %dma_wait3A_169 = tpu.memref_squeeze %dma_wait3A_168 : memref<1x2x128xi32, #tpu.memory_space<vmem>> -> memref<2x128xi32, #tpu.memory_space<vmem>>
          %dma_wait3A_170 = arith.constant 0 : i32
          %dma_wait3A_171 = arith.constant 0 : i32
          %dma_wait3A_172 = tpu.memref_slice %arg3[%add3A_156, %dma_wait3A_170, %dma_wait3A_171] : memref<2500x2x128xi32, #tpu.memory_space<hbm>> -> memref<1x2x128xi32, #tpu.memory_space<hbm>>
          %dma_wait3A_173 = tpu.memref_squeeze %dma_wait3A_172 : memref<1x2x128xi32, #tpu.memory_space<hbm>> -> memref<2x128xi32, #tpu.memory_space<hbm>>
          tpu.wait_dma2 semaphore(%arg10 : memref<!tpu.dma_semaphore, #tpu.memory_space<semaphore_mem>>) src(%dma_wait3A_173 : memref<2x128xi32, #tpu.memory_space<hbm>>) dst(%dma_wait3A_169 : memref<2x128xi32, #tpu.memory_space<vmem>>)
          %dma_start3A_174 = arith.constant 1 : i32
          %dma_start3A_175 = arith.constant 0 : i32
          %dma_start3A_176 = arith.constant 1 : i32
          %dma_start3A_177 = arith.constant 0 : i32
          %dma_start3A_178 = arith.constant 0 : i32
          %dma_start3A_179 = tpu.memref_slice %arg8[%dma_start3A_176, %dma_start3A_177, %dma_start3A_178] : memref<2x128x64xf32, #tpu.memory_space<vmem>> -> memref<1x128x64xf32, #tpu.memory_space<vmem>>
          %dma_start3A_180 = tpu.memref_squeeze %dma_start3A_179 : memref<1x128x64xf32, #tpu.memory_space<vmem>> -> memref<128x64xf32, #tpu.memory_space<vmem>>
          %dma_start3A_181 = arith.constant 0 : i32
          %dma_start3A_182 = tpu.memref_slice %arg7[%dma_start3A_174, %dma_start3A_175, %dma_start3A_181] : memref<4x2x128xi32, #tpu.memory_space<vmem>> -> memref<1x1x128xi32, #tpu.memory_space<vmem>>
          %dma_start3A_183 = tpu.memref_squeeze %dma_start3A_182 : memref<1x1x128xi32, #tpu.memory_space<vmem>> -> memref<128xi32, #tpu.memory_space<vmem>>
          %dma_start3A_184 = arith.constant 0 : i32
          %dma_start3A_185 = arith.constant 0 : i32
          %dma_start3A_186 = tpu.memref_slice %arg2[%dma_start3A_184, %dma_start3A_185] : memref<10000x64xf32, #tpu.memory_space<hbm>> -> memref<10000x64xf32, #tpu.memory_space<hbm>>
          tpu.enqueue_indirect_dma source(%dma_start3A_186 : memref<10000x64xf32, #tpu.memory_space<hbm>>) target(%dma_start3A_180 : memref<128x64xf32, #tpu.memory_space<vmem>>) offsets(%dma_start3A_183 : memref<128xi32, #tpu.memory_space<vmem>>) semaphore(%arg14 : memref<!tpu.dma_semaphore, #tpu.memory_space<semaphore_mem>>)
        } else {
        }
        %run_scoped3A = arith.constant 0 : i32
        %run_scoped3A_152 = arith.constant 0 : i32
        %run_scoped3A_153 = arith.constant 1 : i32
        "tpu.region"() ({
          %run_scoped3A_154 = tpu.sem_alloc : memref<!tpu.dma_semaphore, #tpu.memory_space<semaphore_mem>>
          %dma_start3A_155 = arith.constant 0 : i32
          %dma_start3A_156 = arith.constant 0 : i32
          %dma_start3A_157 = tpu.memref_slice %arg8[%run_scoped3A, %dma_start3A_155, %dma_start3A_156] : memref<2x128x64xf32, #tpu.memory_space<vmem>> -> memref<1x128x64xf32, #tpu.memory_space<vmem>>
          %dma_start3A_158 = tpu.memref_squeeze %dma_start3A_157 : memref<1x128x64xf32, #tpu.memory_space<vmem>> -> memref<128x64xf32, #tpu.memory_space<vmem>>
          %dma_start3A_159 = arith.constant 0 : i32
          %dma_start3A_160 = tpu.memref_slice %arg7[%run_scoped3A_152, %run_scoped3A_153, %dma_start3A_159] : memref<4x2x128xi32, #tpu.memory_space<vmem>> -> memref<1x1x128xi32, #tpu.memory_space<vmem>>
          %dma_start3A_161 = tpu.memref_squeeze %dma_start3A_160 : memref<1x1x128xi32, #tpu.memory_space<vmem>> -> memref<128xi32, #tpu.memory_space<vmem>>
          %dma_start3A_162 = arith.constant 0 : i32
          %dma_start3A_163 = arith.constant 0 : i32
          %dma_start3A_164 = tpu.memref_slice %arg6[%dma_start3A_162, %dma_start3A_163] : memref<10000x64xf32, #tpu.memory_space<vmem_shared>> -> memref<10000x64xf32, #tpu.memory_space<vmem_shared>>
          tpu.enqueue_indirect_dma source(%dma_start3A_158 : memref<128x64xf32, #tpu.memory_space<vmem>>) target(%dma_start3A_164 : memref<10000x64xf32, #tpu.memory_space<vmem_shared>>) offsets(%dma_start3A_161 : memref<128xi32, #tpu.memory_space<vmem>>) semaphore(%run_scoped3A_154 : memref<!tpu.dma_semaphore, #tpu.memory_space<semaphore_mem>>) {add = true}
          %dma_wait3A_165 = arith.constant 0 : i32
          %dma_wait3A_166 = arith.constant 0 : i32
          %dma_wait3A_167 = tpu.memref_slice %arg8[%run_scoped3A, %dma_wait3A_165, %dma_wait3A_166] : memref<2x128x64xf32, #tpu.memory_space<vmem>> -> memref<1x128x64xf32, #tpu.memory_space<vmem>>
          %dma_wait3A_168 = tpu.memref_squeeze %dma_wait3A_167 : memref<1x128x64xf32, #tpu.memory_space<vmem>> -> memref<128x64xf32, #tpu.memory_space<vmem>>
          %dma_wait3A_169 = arith.constant 0 : i32
          %dma_wait3A_170 = tpu.memref_slice %arg7[%run_scoped3A_152, %run_scoped3A_153, %dma_wait3A_169] : memref<4x2x128xi32, #tpu.memory_space<vmem>> -> memref<1x1x128xi32, #tpu.memory_space<vmem>>
          %dma_wait3A_171 = tpu.memref_squeeze %dma_wait3A_170 : memref<1x1x128xi32, #tpu.memory_space<vmem>> -> memref<128xi32, #tpu.memory_space<vmem>>
          %dma_wait3A_172 = arith.constant 0 : i32
          %dma_wait3A_173 = arith.constant 0 : i32
          %dma_wait3A_174 = tpu.memref_slice %arg6[%dma_wait3A_172, %dma_wait3A_173] : memref<10000x64xf32, #tpu.memory_space<vmem_shared>> -> memref<10000x64xf32, #tpu.memory_space<vmem_shared>>
          tpu.wait_indirect_dma semaphore(%run_scoped3A_154 : memref<!tpu.dma_semaphore, #tpu.memory_space<semaphore_mem>>) src(%dma_wait3A_168 : memref<128x64xf32, #tpu.memory_space<vmem>>) dst(%dma_wait3A_174 : memref<10000x64xf32, #tpu.memory_space<vmem_shared>>)
          tpu.yield
        }) : () -> ()
      } else {
      }
      %mul3A_103 = arith.constant 4 : i32
      %mul3A_104 = arith.muli %mul3A_103, %scan3A_94 : i32
      %add3A_105 = arith.constant 1 : i32
      %add3A_106 = arith.addi %mul3A_104, %add3A_105 : i32
      %lt3A_107 = arith.cmpi slt, %add3A_106, %select_n3A : i32
      %convert_element_type3A_108 = arith.extui %lt3A_107 : i1 to i32
      %cond3A_109 = arith.constant 0 : i32
      %cond3A_110 = arith.cmpi ne, %convert_element_type3A_108, %cond3A_109 : i32
      scf.if %cond3A_110 {
        %dma_wait3A_127 = arith.constant 1 : i32
        %dma_wait3A_128 = arith.constant 0 : i32
        %dma_wait3A_129 = arith.constant 1 : i32
        %dma_wait3A_130 = arith.constant 0 : i32
        %dma_wait3A_131 = arith.constant 0 : i32
        %dma_wait3A_132 = tpu.memref_slice %arg8[%dma_wait3A_129, %dma_wait3A_130, %dma_wait3A_131] : memref<2x128x64xf32, #tpu.memory_space<vmem>> -> memref<1x128x64xf32, #tpu.memory_space<vmem>>
        %dma_wait3A_133 = tpu.memref_squeeze %dma_wait3A_132 : memref<1x128x64xf32, #tpu.memory_space<vmem>> -> memref<128x64xf32, #tpu.memory_space<vmem>>
        %dma_wait3A_134 = arith.constant 0 : i32
        %dma_wait3A_135 = tpu.memref_slice %arg7[%dma_wait3A_127, %dma_wait3A_128, %dma_wait3A_134] : memref<4x2x128xi32, #tpu.memory_space<vmem>> -> memref<1x1x128xi32, #tpu.memory_space<vmem>>
        %dma_wait3A_136 = tpu.memref_squeeze %dma_wait3A_135 : memref<1x1x128xi32, #tpu.memory_space<vmem>> -> memref<128xi32, #tpu.memory_space<vmem>>
        %dma_wait3A_137 = arith.constant 0 : i32
        %dma_wait3A_138 = arith.constant 0 : i32
        %dma_wait3A_139 = tpu.memref_slice %arg2[%dma_wait3A_137, %dma_wait3A_138] : memref<10000x64xf32, #tpu.memory_space<hbm>> -> memref<10000x64xf32, #tpu.memory_space<hbm>>
        tpu.wait_indirect_dma semaphore(%arg14 : memref<!tpu.dma_semaphore, #tpu.memory_space<semaphore_mem>>) src(%dma_wait3A_139 : memref<10000x64xf32, #tpu.memory_space<hbm>>) dst(%dma_wait3A_133 : memref<128x64xf32, #tpu.memory_space<vmem>>)
        %add3A_140 = arith.constant 2 : i32
        %add3A_141 = arith.addi %add3A_106, %add3A_140 : i32
        %lt3A_142 = arith.cmpi slt, %add3A_141, %select_n3A : i32
        %convert_element_type3A_143 = arith.extui %lt3A_142 : i1 to i32
        %cond3A_144 = arith.constant 0 : i32
        %cond3A_145 = arith.cmpi ne, %convert_element_type3A_143, %cond3A_144 : i32
        scf.if %cond3A_145 {
          %add3A_154 = arith.addi %add3A_13, %add3A_106 : i32
          %add3A_155 = arith.constant 2 : i32
          %add3A_156 = arith.addi %add3A_154, %add3A_155 : i32
          %dma_start3A_157 = arith.constant 3 : i32
          %dma_start3A_158 = arith.constant 0 : i32
          %dma_start3A_159 = arith.constant 0 : i32
          %dma_start3A_160 = tpu.memref_slice %arg7[%dma_start3A_157, %dma_start3A_158, %dma_start3A_159] : memref<4x2x128xi32, #tpu.memory_space<vmem>> -> memref<1x2x128xi32, #tpu.memory_space<vmem>>
          %dma_start3A_161 = tpu.memref_squeeze %dma_start3A_160 : memref<1x2x128xi32, #tpu.memory_space<vmem>> -> memref<2x128xi32, #tpu.memory_space<vmem>>
          %dma_start3A_162 = arith.constant 0 : i32
          %dma_start3A_163 = arith.constant 0 : i32
          %dma_start3A_164 = tpu.memref_slice %arg3[%add3A_156, %dma_start3A_162, %dma_start3A_163] : memref<2500x2x128xi32, #tpu.memory_space<hbm>> -> memref<1x2x128xi32, #tpu.memory_space<hbm>>
          %dma_start3A_165 = tpu.memref_squeeze %dma_start3A_164 : memref<1x2x128xi32, #tpu.memory_space<hbm>> -> memref<2x128xi32, #tpu.memory_space<hbm>>
          %dma_start3A_166 = arith.constant 0 : i32
          %dma_start3A_167 = arith.constant 0 : i32
          %dma_start3A_168 = tpu.memref_slice %arg7[%dma_start3A_157, %dma_start3A_166, %dma_start3A_167] : memref<4x2x128xi32, #tpu.memory_space<vmem>> -> memref<1x2x128xi32, #tpu.memory_space<vmem>>
          %dma_start3A_169 = tpu.memref_squeeze %dma_start3A_168 : memref<1x2x128xi32, #tpu.memory_space<vmem>> -> memref<2x128xi32, #tpu.memory_space<vmem>>
          %dma_start3A_170 = arith.constant 0 : i32
          %dma_start3A_171 = arith.constant 0 : i32
          %dma_start3A_172 = tpu.memref_slice %arg3[%add3A_156, %dma_start3A_170, %dma_start3A_171] : memref<2500x2x128xi32, #tpu.memory_space<hbm>> -> memref<1x2x128xi32, #tpu.memory_space<hbm>>
          %dma_start3A_173 = tpu.memref_squeeze %dma_start3A_172 : memref<1x2x128xi32, #tpu.memory_space<hbm>> -> memref<2x128xi32, #tpu.memory_space<hbm>>
          tpu.enqueue_dma source(%dma_start3A_173 : memref<2x128xi32, #tpu.memory_space<hbm>>) target(%dma_start3A_169 : memref<2x128xi32, #tpu.memory_space<vmem>>) target_semaphore(%arg12 : memref<!tpu.dma_semaphore, #tpu.memory_space<semaphore_mem>>)
        } else {
        }
        %add3A_146 = arith.constant 1 : i32
        %add3A_147 = arith.addi %add3A_106, %add3A_146 : i32
        %lt3A_148 = arith.cmpi slt, %add3A_147, %select_n3A : i32
        %convert_element_type3A_149 = arith.extui %lt3A_148 : i1 to i32
        %cond3A_150 = arith.constant 0 : i32
        %cond3A_151 = arith.cmpi ne, %convert_element_type3A_149, %cond3A_150 : i32
        scf.if %cond3A_151 {
          %add3A_154 = arith.addi %add3A_13, %add3A_106 : i32
          %add3A_155 = arith.constant 1 : i32
          %add3A_156 = arith.addi %add3A_154, %add3A_155 : i32
          %dma_wait3A_157 = arith.constant 2 : i32
          %dma_wait3A_158 = arith.constant 0 : i32
          %dma_wait3A_159 = arith.constant 0 : i32
          %dma_wait3A_160 = tpu.memref_slice %arg7[%dma_wait3A_157, %dma_wait3A_158, %dma_wait3A_159] : memref<4x2x128xi32, #tpu.memory_space<vmem>> -> memref<1x2x128xi32, #tpu.memory_space<vmem>>
          %dma_wait3A_161 = tpu.memref_squeeze %dma_wait3A_160 : memref<1x2x128xi32, #tpu.memory_space<vmem>> -> memref<2x128xi32, #tpu.memory_space<vmem>>
          %dma_wait3A_162 = arith.constant 0 : i32
          %dma_wait3A_163 = arith.constant 0 : i32
          %dma_wait3A_164 = tpu.memref_slice %arg3[%add3A_156, %dma_wait3A_162, %dma_wait3A_163] : memref<2500x2x128xi32, #tpu.memory_space<hbm>> -> memref<1x2x128xi32, #tpu.memory_space<hbm>>
          %dma_wait3A_165 = tpu.memref_squeeze %dma_wait3A_164 : memref<1x2x128xi32, #tpu.memory_space<hbm>> -> memref<2x128xi32, #tpu.memory_space<hbm>>
          %dma_wait3A_166 = arith.constant 0 : i32
          %dma_wait3A_167 = arith.constant 0 : i32
          %dma_wait3A_168 = tpu.memref_slice %arg7[%dma_wait3A_157, %dma_wait3A_166, %dma_wait3A_167] : memref<4x2x128xi32, #tpu.memory_space<vmem>> -> memref<1x2x128xi32, #tpu.memory_space<vmem>>
          %dma_wait3A_169 = tpu.memref_squeeze %dma_wait3A_168 : memref<1x2x128xi32, #tpu.memory_space<vmem>> -> memref<2x128xi32, #tpu.memory_space<vmem>>
          %dma_wait3A_170 = arith.constant 0 : i32
          %dma_wait3A_171 = arith.constant 0 : i32
          %dma_wait3A_172 = tpu.memref_slice %arg3[%add3A_156, %dma_wait3A_170, %dma_wait3A_171] : memref<2500x2x128xi32, #tpu.memory_space<hbm>> -> memref<1x2x128xi32, #tpu.memory_space<hbm>>
          %dma_wait3A_173 = tpu.memref_squeeze %dma_wait3A_172 : memref<1x2x128xi32, #tpu.memory_space<hbm>> -> memref<2x128xi32, #tpu.memory_space<hbm>>
          tpu.wait_dma2 semaphore(%arg11 : memref<!tpu.dma_semaphore, #tpu.memory_space<semaphore_mem>>) src(%dma_wait3A_173 : memref<2x128xi32, #tpu.memory_space<hbm>>) dst(%dma_wait3A_169 : memref<2x128xi32, #tpu.memory_space<vmem>>)
          %dma_start3A_174 = arith.constant 2 : i32
          %dma_start3A_175 = arith.constant 0 : i32
          %dma_start3A_176 = arith.constant 0 : i32
          %dma_start3A_177 = arith.constant 0 : i32
          %dma_start3A_178 = arith.constant 0 : i32
          %dma_start3A_179 = tpu.memref_slice %arg8[%dma_start3A_176, %dma_start3A_177, %dma_start3A_178] : memref<2x128x64xf32, #tpu.memory_space<vmem>> -> memref<1x128x64xf32, #tpu.memory_space<vmem>>
          %dma_start3A_180 = tpu.memref_squeeze %dma_start3A_179 : memref<1x128x64xf32, #tpu.memory_space<vmem>> -> memref<128x64xf32, #tpu.memory_space<vmem>>
          %dma_start3A_181 = arith.constant 0 : i32
          %dma_start3A_182 = tpu.memref_slice %arg7[%dma_start3A_174, %dma_start3A_175, %dma_start3A_181] : memref<4x2x128xi32, #tpu.memory_space<vmem>> -> memref<1x1x128xi32, #tpu.memory_space<vmem>>
          %dma_start3A_183 = tpu.memref_squeeze %dma_start3A_182 : memref<1x1x128xi32, #tpu.memory_space<vmem>> -> memref<128xi32, #tpu.memory_space<vmem>>
          %dma_start3A_184 = arith.constant 0 : i32
          %dma_start3A_185 = arith.constant 0 : i32
          %dma_start3A_186 = tpu.memref_slice %arg2[%dma_start3A_184, %dma_start3A_185] : memref<10000x64xf32, #tpu.memory_space<hbm>> -> memref<10000x64xf32, #tpu.memory_space<hbm>>
          tpu.enqueue_indirect_dma source(%dma_start3A_186 : memref<10000x64xf32, #tpu.memory_space<hbm>>) target(%dma_start3A_180 : memref<128x64xf32, #tpu.memory_space<vmem>>) offsets(%dma_start3A_183 : memref<128xi32, #tpu.memory_space<vmem>>) semaphore(%arg13 : memref<!tpu.dma_semaphore, #tpu.memory_space<semaphore_mem>>)
        } else {
        }
        %run_scoped3A = arith.constant 1 : i32
        %run_scoped3A_152 = arith.constant 1 : i32
        %run_scoped3A_153 = arith.constant 1 : i32
        "tpu.region"() ({
          %run_scoped3A_154 = tpu.sem_alloc : memref<!tpu.dma_semaphore, #tpu.memory_space<semaphore_mem>>
          %dma_start3A_155 = arith.constant 0 : i32
          %dma_start3A_156 = arith.constant 0 : i32
          %dma_start3A_157 = tpu.memref_slice %arg8[%run_scoped3A, %dma_start3A_155, %dma_start3A_156] : memref<2x128x64xf32, #tpu.memory_space<vmem>> -> memref<1x128x64xf32, #tpu.memory_space<vmem>>
          %dma_start3A_158 = tpu.memref_squeeze %dma_start3A_157 : memref<1x128x64xf32, #tpu.memory_space<vmem>> -> memref<128x64xf32, #tpu.memory_space<vmem>>
          %dma_start3A_159 = arith.constant 0 : i32
          %dma_start3A_160 = tpu.memref_slice %arg7[%run_scoped3A_152, %run_scoped3A_153, %dma_start3A_159] : memref<4x2x128xi32, #tpu.memory_space<vmem>> -> memref<1x1x128xi32, #tpu.memory_space<vmem>>
          %dma_start3A_161 = tpu.memref_squeeze %dma_start3A_160 : memref<1x1x128xi32, #tpu.memory_space<vmem>> -> memref<128xi32, #tpu.memory_space<vmem>>
          %dma_start3A_162 = arith.constant 0 : i32
          %dma_start3A_163 = arith.constant 0 : i32
          %dma_start3A_164 = tpu.memref_slice %arg6[%dma_start3A_162, %dma_start3A_163] : memref<10000x64xf32, #tpu.memory_space<vmem_shared>> -> memref<10000x64xf32, #tpu.memory_space<vmem_shared>>
          tpu.enqueue_indirect_dma source(%dma_start3A_158 : memref<128x64xf32, #tpu.memory_space<vmem>>) target(%dma_start3A_164 : memref<10000x64xf32, #tpu.memory_space<vmem_shared>>) offsets(%dma_start3A_161 : memref<128xi32, #tpu.memory_space<vmem>>) semaphore(%run_scoped3A_154 : memref<!tpu.dma_semaphore, #tpu.memory_space<semaphore_mem>>) {add = true}
          %dma_wait3A_165 = arith.constant 0 : i32
          %dma_wait3A_166 = arith.constant 0 : i32
          %dma_wait3A_167 = tpu.memref_slice %arg8[%run_scoped3A, %dma_wait3A_165, %dma_wait3A_166] : memref<2x128x64xf32, #tpu.memory_space<vmem>> -> memref<1x128x64xf32, #tpu.memory_space<vmem>>
          %dma_wait3A_168 = tpu.memref_squeeze %dma_wait3A_167 : memref<1x128x64xf32, #tpu.memory_space<vmem>> -> memref<128x64xf32, #tpu.memory_space<vmem>>
          %dma_wait3A_169 = arith.constant 0 : i32
          %dma_wait3A_170 = tpu.memref_slice %arg7[%run_scoped3A_152, %run_scoped3A_153, %dma_wait3A_169] : memref<4x2x128xi32, #tpu.memory_space<vmem>> -> memref<1x1x128xi32, #tpu.memory_space<vmem>>
          %dma_wait3A_171 = tpu.memref_squeeze %dma_wait3A_170 : memref<1x1x128xi32, #tpu.memory_space<vmem>> -> memref<128xi32, #tpu.memory_space<vmem>>
          %dma_wait3A_172 = arith.constant 0 : i32
          %dma_wait3A_173 = arith.constant 0 : i32
          %dma_wait3A_174 = tpu.memref_slice %arg6[%dma_wait3A_172, %dma_wait3A_173] : memref<10000x64xf32, #tpu.memory_space<vmem_shared>> -> memref<10000x64xf32, #tpu.memory_space<vmem_shared>>
          tpu.wait_indirect_dma semaphore(%run_scoped3A_154 : memref<!tpu.dma_semaphore, #tpu.memory_space<semaphore_mem>>) src(%dma_wait3A_168 : memref<128x64xf32, #tpu.memory_space<vmem>>) dst(%dma_wait3A_174 : memref<10000x64xf32, #tpu.memory_space<vmem_shared>>)
          tpu.yield
        }) : () -> ()
      } else {
      }
      %mul3A_111 = arith.constant 4 : i32
      %mul3A_112 = arith.muli %mul3A_111, %scan3A_94 : i32
      %add3A_113 = arith.constant 2 : i32
      %add3A_114 = arith.addi %mul3A_112, %add3A_113 : i32
      %lt3A_115 = arith.cmpi slt, %add3A_114, %select_n3A : i32
      %convert_element_type3A_116 = arith.extui %lt3A_115 : i1 to i32
      %cond3A_117 = arith.constant 0 : i32
      %cond3A_118 = arith.cmpi ne, %convert_element_type3A_116, %cond3A_117 : i32
      scf.if %cond3A_118 {
        %dma_wait3A_127 = arith.constant 2 : i32
        %dma_wait3A_128 = arith.constant 0 : i32
        %dma_wait3A_129 = arith.constant 0 : i32
        %dma_wait3A_130 = arith.constant 0 : i32
        %dma_wait3A_131 = arith.constant 0 : i32
        %dma_wait3A_132 = tpu.memref_slice %arg8[%dma_wait3A_129, %dma_wait3A_130, %dma_wait3A_131] : memref<2x128x64xf32, #tpu.memory_space<vmem>> -> memref<1x128x64xf32, #tpu.memory_space<vmem>>
        %dma_wait3A_133 = tpu.memref_squeeze %dma_wait3A_132 : memref<1x128x64xf32, #tpu.memory_space<vmem>> -> memref<128x64xf32, #tpu.memory_space<vmem>>
        %dma_wait3A_134 = arith.constant 0 : i32
        %dma_wait3A_135 = tpu.memref_slice %arg7[%dma_wait3A_127, %dma_wait3A_128, %dma_wait3A_134] : memref<4x2x128xi32, #tpu.memory_space<vmem>> -> memref<1x1x128xi32, #tpu.memory_space<vmem>>
        %dma_wait3A_136 = tpu.memref_squeeze %dma_wait3A_135 : memref<1x1x128xi32, #tpu.memory_space<vmem>> -> memref<128xi32, #tpu.memory_space<vmem>>
        %dma_wait3A_137 = arith.constant 0 : i32
        %dma_wait3A_138 = arith.constant 0 : i32
        %dma_wait3A_139 = tpu.memref_slice %arg2[%dma_wait3A_137, %dma_wait3A_138] : memref<10000x64xf32, #tpu.memory_space<hbm>> -> memref<10000x64xf32, #tpu.memory_space<hbm>>
        tpu.wait_indirect_dma semaphore(%arg13 : memref<!tpu.dma_semaphore, #tpu.memory_space<semaphore_mem>>) src(%dma_wait3A_139 : memref<10000x64xf32, #tpu.memory_space<hbm>>) dst(%dma_wait3A_133 : memref<128x64xf32, #tpu.memory_space<vmem>>)
        %add3A_140 = arith.constant 2 : i32
        %add3A_141 = arith.addi %add3A_114, %add3A_140 : i32
        %lt3A_142 = arith.cmpi slt, %add3A_141, %select_n3A : i32
        %convert_element_type3A_143 = arith.extui %lt3A_142 : i1 to i32
        %cond3A_144 = arith.constant 0 : i32
        %cond3A_145 = arith.cmpi ne, %convert_element_type3A_143, %cond3A_144 : i32
        scf.if %cond3A_145 {
          %add3A_154 = arith.addi %add3A_13, %add3A_114 : i32
          %add3A_155 = arith.constant 2 : i32
          %add3A_156 = arith.addi %add3A_154, %add3A_155 : i32
          %dma_start3A_157 = arith.constant 0 : i32
          %dma_start3A_158 = arith.constant 0 : i32
          %dma_start3A_159 = arith.constant 0 : i32
          %dma_start3A_160 = tpu.memref_slice %arg7[%dma_start3A_157, %dma_start3A_158, %dma_start3A_159] : memref<4x2x128xi32, #tpu.memory_space<vmem>> -> memref<1x2x128xi32, #tpu.memory_space<vmem>>
          %dma_start3A_161 = tpu.memref_squeeze %dma_start3A_160 : memref<1x2x128xi32, #tpu.memory_space<vmem>> -> memref<2x128xi32, #tpu.memory_space<vmem>>
          %dma_start3A_162 = arith.constant 0 : i32
          %dma_start3A_163 = arith.constant 0 : i32
          %dma_start3A_164 = tpu.memref_slice %arg3[%add3A_156, %dma_start3A_162, %dma_start3A_163] : memref<2500x2x128xi32, #tpu.memory_space<hbm>> -> memref<1x2x128xi32, #tpu.memory_space<hbm>>
          %dma_start3A_165 = tpu.memref_squeeze %dma_start3A_164 : memref<1x2x128xi32, #tpu.memory_space<hbm>> -> memref<2x128xi32, #tpu.memory_space<hbm>>
          %dma_start3A_166 = arith.constant 0 : i32
          %dma_start3A_167 = arith.constant 0 : i32
          %dma_start3A_168 = tpu.memref_slice %arg7[%dma_start3A_157, %dma_start3A_166, %dma_start3A_167] : memref<4x2x128xi32, #tpu.memory_space<vmem>> -> memref<1x2x128xi32, #tpu.memory_space<vmem>>
          %dma_start3A_169 = tpu.memref_squeeze %dma_start3A_168 : memref<1x2x128xi32, #tpu.memory_space<vmem>> -> memref<2x128xi32, #tpu.memory_space<vmem>>
          %dma_start3A_170 = arith.constant 0 : i32
          %dma_start3A_171 = arith.constant 0 : i32
          %dma_start3A_172 = tpu.memref_slice %arg3[%add3A_156, %dma_start3A_170, %dma_start3A_171] : memref<2500x2x128xi32, #tpu.memory_space<hbm>> -> memref<1x2x128xi32, #tpu.memory_space<hbm>>
          %dma_start3A_173 = tpu.memref_squeeze %dma_start3A_172 : memref<1x2x128xi32, #tpu.memory_space<hbm>> -> memref<2x128xi32, #tpu.memory_space<hbm>>
          tpu.enqueue_dma source(%dma_start3A_173 : memref<2x128xi32, #tpu.memory_space<hbm>>) target(%dma_start3A_169 : memref<2x128xi32, #tpu.memory_space<vmem>>) target_semaphore(%arg9 : memref<!tpu.dma_semaphore, #tpu.memory_space<semaphore_mem>>)
        } else {
        }
        %add3A_146 = arith.constant 1 : i32
        %add3A_147 = arith.addi %add3A_114, %add3A_146 : i32
        %lt3A_148 = arith.cmpi slt, %add3A_147, %select_n3A : i32
        %convert_element_type3A_149 = arith.extui %lt3A_148 : i1 to i32
        %cond3A_150 = arith.constant 0 : i32
        %cond3A_151 = arith.cmpi ne, %convert_element_type3A_149, %cond3A_150 : i32
        scf.if %cond3A_151 {
          %add3A_154 = arith.addi %add3A_13, %add3A_114 : i32
          %add3A_155 = arith.constant 1 : i32
          %add3A_156 = arith.addi %add3A_154, %add3A_155 : i32
          %dma_wait3A_157 = arith.constant 3 : i32
          %dma_wait3A_158 = arith.constant 0 : i32
          %dma_wait3A_159 = arith.constant 0 : i32
          %dma_wait3A_160 = tpu.memref_slice %arg7[%dma_wait3A_157, %dma_wait3A_158, %dma_wait3A_159] : memref<4x2x128xi32, #tpu.memory_space<vmem>> -> memref<1x2x128xi32, #tpu.memory_space<vmem>>
          %dma_wait3A_161 = tpu.memref_squeeze %dma_wait3A_160 : memref<1x2x128xi32, #tpu.memory_space<vmem>> -> memref<2x128xi32, #tpu.memory_space<vmem>>
          %dma_wait3A_162 = arith.constant 0 : i32
          %dma_wait3A_163 = arith.constant 0 : i32
          %dma_wait3A_164 = tpu.memref_slice %arg3[%add3A_156, %dma_wait3A_162, %dma_wait3A_163] : memref<2500x2x128xi32, #tpu.memory_space<hbm>> -> memref<1x2x128xi32, #tpu.memory_space<hbm>>
          %dma_wait3A_165 = tpu.memref_squeeze %dma_wait3A_164 : memref<1x2x128xi32, #tpu.memory_space<hbm>> -> memref<2x128xi32, #tpu.memory_space<hbm>>
          %dma_wait3A_166 = arith.constant 0 : i32
          %dma_wait3A_167 = arith.constant 0 : i32
          %dma_wait3A_168 = tpu.memref_slice %arg7[%dma_wait3A_157, %dma_wait3A_166, %dma_wait3A_167] : memref<4x2x128xi32, #tpu.memory_space<vmem>> -> memref<1x2x128xi32, #tpu.memory_space<vmem>>
          %dma_wait3A_169 = tpu.memref_squeeze %dma_wait3A_168 : memref<1x2x128xi32, #tpu.memory_space<vmem>> -> memref<2x128xi32, #tpu.memory_space<vmem>>
          %dma_wait3A_170 = arith.constant 0 : i32
          %dma_wait3A_171 = arith.constant 0 : i32
          %dma_wait3A_172 = tpu.memref_slice %arg3[%add3A_156, %dma_wait3A_170, %dma_wait3A_171] : memref<2500x2x128xi32, #tpu.memory_space<hbm>> -> memref<1x2x128xi32, #tpu.memory_space<hbm>>
          %dma_wait3A_173 = tpu.memref_squeeze %dma_wait3A_172 : memref<1x2x128xi32, #tpu.memory_space<hbm>> -> memref<2x128xi32, #tpu.memory_space<hbm>>
          tpu.wait_dma2 semaphore(%arg12 : memref<!tpu.dma_semaphore, #tpu.memory_space<semaphore_mem>>) src(%dma_wait3A_173 : memref<2x128xi32, #tpu.memory_space<hbm>>) dst(%dma_wait3A_169 : memref<2x128xi32, #tpu.memory_space<vmem>>)
          %dma_start3A_174 = arith.constant 3 : i32
          %dma_start3A_175 = arith.constant 0 : i32
          %dma_start3A_176 = arith.constant 1 : i32
          %dma_start3A_177 = arith.constant 0 : i32
          %dma_start3A_178 = arith.constant 0 : i32
          %dma_start3A_179 = tpu.memref_slice %arg8[%dma_start3A_176, %dma_start3A_177, %dma_start3A_178] : memref<2x128x64xf32, #tpu.memory_space<vmem>> -> memref<1x128x64xf32, #tpu.memory_space<vmem>>
          %dma_start3A_180 = tpu.memref_squeeze %dma_start3A_179 : memref<1x128x64xf32, #tpu.memory_space<vmem>> -> memref<128x64xf32, #tpu.memory_space<vmem>>
          %dma_start3A_181 = arith.constant 0 : i32
          %dma_start3A_182 = tpu.memref_slice %arg7[%dma_start3A_174, %dma_start3A_175, %dma_start3A_181] : memref<4x2x128xi32, #tpu.memory_space<vmem>> -> memref<1x1x128xi32, #tpu.memory_space<vmem>>
          %dma_start3A_183 = tpu.memref_squeeze %dma_start3A_182 : memref<1x1x128xi32, #tpu.memory_space<vmem>> -> memref<128xi32, #tpu.memory_space<vmem>>
          %dma_start3A_184 = arith.constant 0 : i32
          %dma_start3A_185 = arith.constant 0 : i32
          %dma_start3A_186 = tpu.memref_slice %arg2[%dma_start3A_184, %dma_start3A_185] : memref<10000x64xf32, #tpu.memory_space<hbm>> -> memref<10000x64xf32, #tpu.memory_space<hbm>>
          tpu.enqueue_indirect_dma source(%dma_start3A_186 : memref<10000x64xf32, #tpu.memory_space<hbm>>) target(%dma_start3A_180 : memref<128x64xf32, #tpu.memory_space<vmem>>) offsets(%dma_start3A_183 : memref<128xi32, #tpu.memory_space<vmem>>) semaphore(%arg14 : memref<!tpu.dma_semaphore, #tpu.memory_space<semaphore_mem>>)
        } else {
        }
        %run_scoped3A = arith.constant 0 : i32
        %run_scoped3A_152 = arith.constant 2 : i32
        %run_scoped3A_153 = arith.constant 1 : i32
        "tpu.region"() ({
          %run_scoped3A_154 = tpu.sem_alloc : memref<!tpu.dma_semaphore, #tpu.memory_space<semaphore_mem>>
          %dma_start3A_155 = arith.constant 0 : i32
          %dma_start3A_156 = arith.constant 0 : i32
          %dma_start3A_157 = tpu.memref_slice %arg8[%run_scoped3A, %dma_start3A_155, %dma_start3A_156] : memref<2x128x64xf32, #tpu.memory_space<vmem>> -> memref<1x128x64xf32, #tpu.memory_space<vmem>>
          %dma_start3A_158 = tpu.memref_squeeze %dma_start3A_157 : memref<1x128x64xf32, #tpu.memory_space<vmem>> -> memref<128x64xf32, #tpu.memory_space<vmem>>
          %dma_start3A_159 = arith.constant 0 : i32
          %dma_start3A_160 = tpu.memref_slice %arg7[%run_scoped3A_152, %run_scoped3A_153, %dma_start3A_159] : memref<4x2x128xi32, #tpu.memory_space<vmem>> -> memref<1x1x128xi32, #tpu.memory_space<vmem>>
          %dma_start3A_161 = tpu.memref_squeeze %dma_start3A_160 : memref<1x1x128xi32, #tpu.memory_space<vmem>> -> memref<128xi32, #tpu.memory_space<vmem>>
          %dma_start3A_162 = arith.constant 0 : i32
          %dma_start3A_163 = arith.constant 0 : i32
          %dma_start3A_164 = tpu.memref_slice %arg6[%dma_start3A_162, %dma_start3A_163] : memref<10000x64xf32, #tpu.memory_space<vmem_shared>> -> memref<10000x64xf32, #tpu.memory_space<vmem_shared>>
          tpu.enqueue_indirect_dma source(%dma_start3A_158 : memref<128x64xf32, #tpu.memory_space<vmem>>) target(%dma_start3A_164 : memref<10000x64xf32, #tpu.memory_space<vmem_shared>>) offsets(%dma_start3A_161 : memref<128xi32, #tpu.memory_space<vmem>>) semaphore(%run_scoped3A_154 : memref<!tpu.dma_semaphore, #tpu.memory_space<semaphore_mem>>) {add = true}
          %dma_wait3A_165 = arith.constant 0 : i32
          %dma_wait3A_166 = arith.constant 0 : i32
          %dma_wait3A_167 = tpu.memref_slice %arg8[%run_scoped3A, %dma_wait3A_165, %dma_wait3A_166] : memref<2x128x64xf32, #tpu.memory_space<vmem>> -> memref<1x128x64xf32, #tpu.memory_space<vmem>>
          %dma_wait3A_168 = tpu.memref_squeeze %dma_wait3A_167 : memref<1x128x64xf32, #tpu.memory_space<vmem>> -> memref<128x64xf32, #tpu.memory_space<vmem>>
          %dma_wait3A_169 = arith.constant 0 : i32
          %dma_wait3A_170 = tpu.memref_slice %arg7[%run_scoped3A_152, %run_scoped3A_153, %dma_wait3A_169] : memref<4x2x128xi32, #tpu.memory_space<vmem>> -> memref<1x1x128xi32, #tpu.memory_space<vmem>>
          %dma_wait3A_171 = tpu.memref_squeeze %dma_wait3A_170 : memref<1x1x128xi32, #tpu.memory_space<vmem>> -> memref<128xi32, #tpu.memory_space<vmem>>
          %dma_wait3A_172 = arith.constant 0 : i32
          %dma_wait3A_173 = arith.constant 0 : i32
          %dma_wait3A_174 = tpu.memref_slice %arg6[%dma_wait3A_172, %dma_wait3A_173] : memref<10000x64xf32, #tpu.memory_space<vmem_shared>> -> memref<10000x64xf32, #tpu.memory_space<vmem_shared>>
          tpu.wait_indirect_dma semaphore(%run_scoped3A_154 : memref<!tpu.dma_semaphore, #tpu.memory_space<semaphore_mem>>) src(%dma_wait3A_168 : memref<128x64xf32, #tpu.memory_space<vmem>>) dst(%dma_wait3A_174 : memref<10000x64xf32, #tpu.memory_space<vmem_shared>>)
          tpu.yield
        }) : () -> ()
      } else {
      }
      %mul3A_119 = arith.constant 4 : i32
      %mul3A_120 = arith.muli %mul3A_119, %scan3A_94 : i32
      %add3A_121 = arith.constant 3 : i32
      %add3A_122 = arith.addi %mul3A_120, %add3A_121 : i32
      %lt3A_123 = arith.cmpi slt, %add3A_122, %select_n3A : i32
      %convert_element_type3A_124 = arith.extui %lt3A_123 : i1 to i32
      %cond3A_125 = arith.constant 0 : i32
      %cond3A_126 = arith.cmpi ne, %convert_element_type3A_124, %cond3A_125 : i32
      scf.if %cond3A_126 {
        %dma_wait3A_127 = arith.constant 3 : i32
        %dma_wait3A_128 = arith.constant 0 : i32
        %dma_wait3A_129 = arith.constant 1 : i32
        %dma_wait3A_130 = arith.constant 0 : i32
        %dma_wait3A_131 = arith.constant 0 : i32
        %dma_wait3A_132 = tpu.memref_slice %arg8[%dma_wait3A_129, %dma_wait3A_130, %dma_wait3A_131] : memref<2x128x64xf32, #tpu.memory_space<vmem>> -> memref<1x128x64xf32, #tpu.memory_space<vmem>>
        %dma_wait3A_133 = tpu.memref_squeeze %dma_wait3A_132 : memref<1x128x64xf32, #tpu.memory_space<vmem>> -> memref<128x64xf32, #tpu.memory_space<vmem>>
        %dma_wait3A_134 = arith.constant 0 : i32
        %dma_wait3A_135 = tpu.memref_slice %arg7[%dma_wait3A_127, %dma_wait3A_128, %dma_wait3A_134] : memref<4x2x128xi32, #tpu.memory_space<vmem>> -> memref<1x1x128xi32, #tpu.memory_space<vmem>>
        %dma_wait3A_136 = tpu.memref_squeeze %dma_wait3A_135 : memref<1x1x128xi32, #tpu.memory_space<vmem>> -> memref<128xi32, #tpu.memory_space<vmem>>
        %dma_wait3A_137 = arith.constant 0 : i32
        %dma_wait3A_138 = arith.constant 0 : i32
        %dma_wait3A_139 = tpu.memref_slice %arg2[%dma_wait3A_137, %dma_wait3A_138] : memref<10000x64xf32, #tpu.memory_space<hbm>> -> memref<10000x64xf32, #tpu.memory_space<hbm>>
        tpu.wait_indirect_dma semaphore(%arg14 : memref<!tpu.dma_semaphore, #tpu.memory_space<semaphore_mem>>) src(%dma_wait3A_139 : memref<10000x64xf32, #tpu.memory_space<hbm>>) dst(%dma_wait3A_133 : memref<128x64xf32, #tpu.memory_space<vmem>>)
        %add3A_140 = arith.constant 2 : i32
        %add3A_141 = arith.addi %add3A_122, %add3A_140 : i32
        %lt3A_142 = arith.cmpi slt, %add3A_141, %select_n3A : i32
        %convert_element_type3A_143 = arith.extui %lt3A_142 : i1 to i32
        %cond3A_144 = arith.constant 0 : i32
        %cond3A_145 = arith.cmpi ne, %convert_element_type3A_143, %cond3A_144 : i32
        scf.if %cond3A_145 {
          %add3A_154 = arith.addi %add3A_13, %add3A_122 : i32
          %add3A_155 = arith.constant 2 : i32
          %add3A_156 = arith.addi %add3A_154, %add3A_155 : i32
          %dma_start3A_157 = arith.constant 1 : i32
          %dma_start3A_158 = arith.constant 0 : i32
          %dma_start3A_159 = arith.constant 0 : i32
          %dma_start3A_160 = tpu.memref_slice %arg7[%dma_start3A_157, %dma_start3A_158, %dma_start3A_159] : memref<4x2x128xi32, #tpu.memory_space<vmem>> -> memref<1x2x128xi32, #tpu.memory_space<vmem>>
          %dma_start3A_161 = tpu.memref_squeeze %dma_start3A_160 : memref<1x2x128xi32, #tpu.memory_space<vmem>> -> memref<2x128xi32, #tpu.memory_space<vmem>>
          %dma_start3A_162 = arith.constant 0 : i32
          %dma_start3A_163 = arith.constant 0 : i32
          %dma_start3A_164 = tpu.memref_slice %arg3[%add3A_156, %dma_start3A_162, %dma_start3A_163] : memref<2500x2x128xi32, #tpu.memory_space<hbm>> -> memref<1x2x128xi32, #tpu.memory_space<hbm>>
          %dma_start3A_165 = tpu.memref_squeeze %dma_start3A_164 : memref<1x2x128xi32, #tpu.memory_space<hbm>> -> memref<2x128xi32, #tpu.memory_space<hbm>>
          %dma_start3A_166 = arith.constant 0 : i32
          %dma_start3A_167 = arith.constant 0 : i32
          %dma_start3A_168 = tpu.memref_slice %arg7[%dma_start3A_157, %dma_start3A_166, %dma_start3A_167] : memref<4x2x128xi32, #tpu.memory_space<vmem>> -> memref<1x2x128xi32, #tpu.memory_space<vmem>>
          %dma_start3A_169 = tpu.memref_squeeze %dma_start3A_168 : memref<1x2x128xi32, #tpu.memory_space<vmem>> -> memref<2x128xi32, #tpu.memory_space<vmem>>
          %dma_start3A_170 = arith.constant 0 : i32
          %dma_start3A_171 = arith.constant 0 : i32
          %dma_start3A_172 = tpu.memref_slice %arg3[%add3A_156, %dma_start3A_170, %dma_start3A_171] : memref<2500x2x128xi32, #tpu.memory_space<hbm>> -> memref<1x2x128xi32, #tpu.memory_space<hbm>>
          %dma_start3A_173 = tpu.memref_squeeze %dma_start3A_172 : memref<1x2x128xi32, #tpu.memory_space<hbm>> -> memref<2x128xi32, #tpu.memory_space<hbm>>
          tpu.enqueue_dma source(%dma_start3A_173 : memref<2x128xi32, #tpu.memory_space<hbm>>) target(%dma_start3A_169 : memref<2x128xi32, #tpu.memory_space<vmem>>) target_semaphore(%arg10 : memref<!tpu.dma_semaphore, #tpu.memory_space<semaphore_mem>>)
        } else {
        }
        %add3A_146 = arith.constant 1 : i32
        %add3A_147 = arith.addi %add3A_122, %add3A_146 : i32
        %lt3A_148 = arith.cmpi slt, %add3A_147, %select_n3A : i32
        %convert_element_type3A_149 = arith.extui %lt3A_148 : i1 to i32
        %cond3A_150 = arith.constant 0 : i32
        %cond3A_151 = arith.cmpi ne, %convert_element_type3A_149, %cond3A_150 : i32
        scf.if %cond3A_151 {
          %add3A_154 = arith.addi %add3A_13, %add3A_122 : i32
          %add3A_155 = arith.constant 1 : i32
          %add3A_156 = arith.addi %add3A_154, %add3A_155 : i32
          %dma_wait3A_157 = arith.constant 0 : i32
          %dma_wait3A_158 = arith.constant 0 : i32
          %dma_wait3A_159 = arith.constant 0 : i32
          %dma_wait3A_160 = tpu.memref_slice %arg7[%dma_wait3A_157, %dma_wait3A_158, %dma_wait3A_159] : memref<4x2x128xi32, #tpu.memory_space<vmem>> -> memref<1x2x128xi32, #tpu.memory_space<vmem>>
          %dma_wait3A_161 = tpu.memref_squeeze %dma_wait3A_160 : memref<1x2x128xi32, #tpu.memory_space<vmem>> -> memref<2x128xi32, #tpu.memory_space<vmem>>
          %dma_wait3A_162 = arith.constant 0 : i32
          %dma_wait3A_163 = arith.constant 0 : i32
          %dma_wait3A_164 = tpu.memref_slice %arg3[%add3A_156, %dma_wait3A_162, %dma_wait3A_163] : memref<2500x2x128xi32, #tpu.memory_space<hbm>> -> memref<1x2x128xi32, #tpu.memory_space<hbm>>
          %dma_wait3A_165 = tpu.memref_squeeze %dma_wait3A_164 : memref<1x2x128xi32, #tpu.memory_space<hbm>> -> memref<2x128xi32, #tpu.memory_space<hbm>>
          %dma_wait3A_166 = arith.constant 0 : i32
          %dma_wait3A_167 = arith.constant 0 : i32
          %dma_wait3A_168 = tpu.memref_slice %arg7[%dma_wait3A_157, %dma_wait3A_166, %dma_wait3A_167] : memref<4x2x128xi32, #tpu.memory_space<vmem>> -> memref<1x2x128xi32, #tpu.memory_space<vmem>>
          %dma_wait3A_169 = tpu.memref_squeeze %dma_wait3A_168 : memref<1x2x128xi32, #tpu.memory_space<vmem>> -> memref<2x128xi32, #tpu.memory_space<vmem>>
          %dma_wait3A_170 = arith.constant 0 : i32
          %dma_wait3A_171 = arith.constant 0 : i32
          %dma_wait3A_172 = tpu.memref_slice %arg3[%add3A_156, %dma_wait3A_170, %dma_wait3A_171] : memref<2500x2x128xi32, #tpu.memory_space<hbm>> -> memref<1x2x128xi32, #tpu.memory_space<hbm>>
          %dma_wait3A_173 = tpu.memref_squeeze %dma_wait3A_172 : memref<1x2x128xi32, #tpu.memory_space<hbm>> -> memref<2x128xi32, #tpu.memory_space<hbm>>
          tpu.wait_dma2 semaphore(%arg9 : memref<!tpu.dma_semaphore, #tpu.memory_space<semaphore_mem>>) src(%dma_wait3A_173 : memref<2x128xi32, #tpu.memory_space<hbm>>) dst(%dma_wait3A_169 : memref<2x128xi32, #tpu.memory_space<vmem>>)
          %dma_start3A_174 = arith.constant 0 : i32
          %dma_start3A_175 = arith.constant 0 : i32
          %dma_start3A_176 = arith.constant 0 : i32
          %dma_start3A_177 = arith.constant 0 : i32
          %dma_start3A_178 = arith.constant 0 : i32
          %dma_start3A_179 = tpu.memref_slice %arg8[%dma_start3A_176, %dma_start3A_177, %dma_start3A_178] : memref<2x128x64xf32, #tpu.memory_space<vmem>> -> memref<1x128x64xf32, #tpu.memory_space<vmem>>
          %dma_start3A_180 = tpu.memref_squeeze %dma_start3A_179 : memref<1x128x64xf32, #tpu.memory_space<vmem>> -> memref<128x64xf32, #tpu.memory_space<vmem>>
          %dma_start3A_181 = arith.constant 0 : i32
          %dma_start3A_182 = tpu.memref_slice %arg7[%dma_start3A_174, %dma_start3A_175, %dma_start3A_181] : memref<4x2x128xi32, #tpu.memory_space<vmem>> -> memref<1x1x128xi32, #tpu.memory_space<vmem>>
          %dma_start3A_183 = tpu.memref_squeeze %dma_start3A_182 : memref<1x1x128xi32, #tpu.memory_space<vmem>> -> memref<128xi32, #tpu.memory_space<vmem>>
          %dma_start3A_184 = arith.constant 0 : i32
          %dma_start3A_185 = arith.constant 0 : i32
          %dma_start3A_186 = tpu.memref_slice %arg2[%dma_start3A_184, %dma_start3A_185] : memref<10000x64xf32, #tpu.memory_space<hbm>> -> memref<10000x64xf32, #tpu.memory_space<hbm>>
          tpu.enqueue_indirect_dma source(%dma_start3A_186 : memref<10000x64xf32, #tpu.memory_space<hbm>>) target(%dma_start3A_180 : memref<128x64xf32, #tpu.memory_space<vmem>>) offsets(%dma_start3A_183 : memref<128xi32, #tpu.memory_space<vmem>>) semaphore(%arg13 : memref<!tpu.dma_semaphore, #tpu.memory_space<semaphore_mem>>)
        } else {
        }
        %run_scoped3A = arith.constant 1 : i32
        %run_scoped3A_152 = arith.constant 3 : i32
        %run_scoped3A_153 = arith.constant 1 : i32
        "tpu.region"() ({
          %run_scoped3A_154 = tpu.sem_alloc : memref<!tpu.dma_semaphore, #tpu.memory_space<semaphore_mem>>
          %dma_start3A_155 = arith.constant 0 : i32
          %dma_start3A_156 = arith.constant 0 : i32
          %dma_start3A_157 = tpu.memref_slice %arg8[%run_scoped3A, %dma_start3A_155, %dma_start3A_156] : memref<2x128x64xf32, #tpu.memory_space<vmem>> -> memref<1x128x64xf32, #tpu.memory_space<vmem>>
          %dma_start3A_158 = tpu.memref_squeeze %dma_start3A_157 : memref<1x128x64xf32, #tpu.memory_space<vmem>> -> memref<128x64xf32, #tpu.memory_space<vmem>>
          %dma_start3A_159 = arith.constant 0 : i32
          %dma_start3A_160 = tpu.memref_slice %arg7[%run_scoped3A_152, %run_scoped3A_153, %dma_start3A_159] : memref<4x2x128xi32, #tpu.memory_space<vmem>> -> memref<1x1x128xi32, #tpu.memory_space<vmem>>
          %dma_start3A_161 = tpu.memref_squeeze %dma_start3A_160 : memref<1x1x128xi32, #tpu.memory_space<vmem>> -> memref<128xi32, #tpu.memory_space<vmem>>
          %dma_start3A_162 = arith.constant 0 : i32
          %dma_start3A_163 = arith.constant 0 : i32
          %dma_start3A_164 = tpu.memref_slice %arg6[%dma_start3A_162, %dma_start3A_163] : memref<10000x64xf32, #tpu.memory_space<vmem_shared>> -> memref<10000x64xf32, #tpu.memory_space<vmem_shared>>
          tpu.enqueue_indirect_dma source(%dma_start3A_158 : memref<128x64xf32, #tpu.memory_space<vmem>>) target(%dma_start3A_164 : memref<10000x64xf32, #tpu.memory_space<vmem_shared>>) offsets(%dma_start3A_161 : memref<128xi32, #tpu.memory_space<vmem>>) semaphore(%run_scoped3A_154 : memref<!tpu.dma_semaphore, #tpu.memory_space<semaphore_mem>>) {add = true}
          %dma_wait3A_165 = arith.constant 0 : i32
          %dma_wait3A_166 = arith.constant 0 : i32
          %dma_wait3A_167 = tpu.memref_slice %arg8[%run_scoped3A, %dma_wait3A_165, %dma_wait3A_166] : memref<2x128x64xf32, #tpu.memory_space<vmem>> -> memref<1x128x64xf32, #tpu.memory_space<vmem>>
          %dma_wait3A_168 = tpu.memref_squeeze %dma_wait3A_167 : memref<1x128x64xf32, #tpu.memory_space<vmem>> -> memref<128x64xf32, #tpu.memory_space<vmem>>
          %dma_wait3A_169 = arith.constant 0 : i32
          %dma_wait3A_170 = tpu.memref_slice %arg7[%run_scoped3A_152, %run_scoped3A_153, %dma_wait3A_169] : memref<4x2x128xi32, #tpu.memory_space<vmem>> -> memref<1x1x128xi32, #tpu.memory_space<vmem>>
          %dma_wait3A_171 = tpu.memref_squeeze %dma_wait3A_170 : memref<1x1x128xi32, #tpu.memory_space<vmem>> -> memref<128xi32, #tpu.memory_space<vmem>>
          %dma_wait3A_172 = arith.constant 0 : i32
          %dma_wait3A_173 = arith.constant 0 : i32
          %dma_wait3A_174 = tpu.memref_slice %arg6[%dma_wait3A_172, %dma_wait3A_173] : memref<10000x64xf32, #tpu.memory_space<vmem_shared>> -> memref<10000x64xf32, #tpu.memory_space<vmem_shared>>
          tpu.wait_indirect_dma semaphore(%run_scoped3A_154 : memref<!tpu.dma_semaphore, #tpu.memory_space<semaphore_mem>>) src(%dma_wait3A_168 : memref<128x64xf32, #tpu.memory_space<vmem>>) dst(%dma_wait3A_174 : memref<10000x64xf32, #tpu.memory_space<vmem_shared>>)
          tpu.yield
        }) : () -> ()
      } else {
      }
    }
    %scan3A_82 = arith.constant 20 : i32
    %barrier3A_83 = arith.constant 0 : index
    tpu.barrier barrier_id(%barrier3A_83)
    %lt3A_84 = arith.constant 15 : i32
    %lt3A_85 = arith.cmpi slt, %arg1, %lt3A_84 : i32
    %convert_element_type3A_86 = arith.extui %lt3A_85 : i1 to i32
    %cond3A_87 = arith.constant 0 : i32
    %cond3A_88 = arith.cmpi ne, %convert_element_type3A_86, %cond3A_87 : i32
    scf.if %cond3A_88 {
      %mul3A_94 = arith.constant 632 : i32
      %mul3A_95 = arith.muli %arg1, %mul3A_94 : i32
      %mul3A_96 = arith.constant 632 : i32
      %mul3A_97 = arith.muli %arg1, %mul3A_96 : i32
      "tpu.region"() ({
        %run_scoped3A = tpu.sem_alloc : memref<!tpu.dma_semaphore, #tpu.memory_space<semaphore_mem>>
        %dma_start3A_98 = arith.constant 0 : i32
        %dma_start3A_99 = arith.constant 0 : i32
        %dma_start3A_100 = tpu.memref_slice %arg5[%arg0, %dma_start3A_98, %dma_start3A_99] : memref<2x10000x64xf32, #tpu.memory_space<hbm>> -> memref<1x10000x64xf32, #tpu.memory_space<hbm>>
        %dma_start3A_101 = tpu.memref_squeeze %dma_start3A_100 : memref<1x10000x64xf32, #tpu.memory_space<hbm>> -> memref<10000x64xf32, #tpu.memory_space<hbm>>
        %dma_start3A_102 = arith.constant 0 : i32
        %dma_start3A_103 = tpu.memref_slice %dma_start3A_101[%mul3A_97, %dma_start3A_102] : memref<10000x64xf32, #tpu.memory_space<hbm>> -> memref<632x64xf32, #tpu.memory_space<hbm>>
        %dma_start3A_104 = arith.constant 0 : i32
        %dma_start3A_105 = tpu.memref_slice %arg6[%mul3A_95, %dma_start3A_104] : memref<10000x64xf32, #tpu.memory_space<vmem_shared>> -> memref<632x64xf32, #tpu.memory_space<vmem_shared>>
        tpu.enqueue_dma source(%dma_start3A_105 : memref<632x64xf32, #tpu.memory_space<vmem_shared>>) target(%dma_start3A_103 : memref<632x64xf32, #tpu.memory_space<hbm>>) target_semaphore(%run_scoped3A : memref<!tpu.dma_semaphore, #tpu.memory_space<semaphore_mem>>)
        %dma_wait3A_106 = arith.constant 0 : i32
        %dma_wait3A_107 = arith.constant 0 : i32
        %dma_wait3A_108 = tpu.memref_slice %arg5[%arg0, %dma_wait3A_106, %dma_wait3A_107] : memref<2x10000x64xf32, #tpu.memory_space<hbm>> -> memref<1x10000x64xf32, #tpu.memory_space<hbm>>
        %dma_wait3A_109 = tpu.memref_squeeze %dma_wait3A_108 : memref<1x10000x64xf32, #tpu.memory_space<hbm>> -> memref<10000x64xf32, #tpu.memory_space<hbm>>
        %dma_wait3A_110 = arith.constant 0 : i32
        %dma_wait3A_111 = tpu.memref_slice %dma_wait3A_109[%mul3A_97, %dma_wait3A_110] : memref<10000x64xf32, #tpu.memory_space<hbm>> -> memref<632x64xf32, #tpu.memory_space<hbm>>
        %dma_wait3A_112 = arith.constant 0 : i32
        %dma_wait3A_113 = tpu.memref_slice %arg6[%mul3A_95, %dma_wait3A_112] : memref<10000x64xf32, #tpu.memory_space<vmem_shared>> -> memref<632x64xf32, #tpu.memory_space<vmem_shared>>
        tpu.wait_dma2 semaphore(%run_scoped3A : memref<!tpu.dma_semaphore, #tpu.memory_space<semaphore_mem>>) src(%dma_wait3A_113 : memref<632x64xf32, #tpu.memory_space<vmem_shared>>) dst(%dma_wait3A_111 : memref<632x64xf32, #tpu.memory_space<hbm>>)
        tpu.yield
      }) : () -> ()
    } else {
    }
    %eq3A_89 = arith.constant 15 : i32
    %eq3A_90 = arith.cmpi eq, %arg1, %eq3A_89 : i32
    %convert_element_type3A_91 = arith.extui %eq3A_90 : i1 to i32
    %cond3A_92 = arith.constant 0 : i32
    %cond3A_93 = arith.cmpi ne, %convert_element_type3A_91, %cond3A_92 : i32
    scf.if %cond3A_93 {
      "tpu.region"() ({
        %run_scoped3A = tpu.sem_alloc : memref<!tpu.dma_semaphore, #tpu.memory_space<semaphore_mem>>
        %dma_start3A_94 = arith.constant 0 : i32
        %dma_start3A_95 = arith.constant 0 : i32
        %dma_start3A_96 = tpu.memref_slice %arg5[%arg0, %dma_start3A_94, %dma_start3A_95] : memref<2x10000x64xf32, #tpu.memory_space<hbm>> -> memref<1x10000x64xf32, #tpu.memory_space<hbm>>
        %dma_start3A_97 = tpu.memref_squeeze %dma_start3A_96 : memref<1x10000x64xf32, #tpu.memory_space<hbm>> -> memref<10000x64xf32, #tpu.memory_space<hbm>>
        %dma_start3A_98 = arith.constant 9480 : i32
        %dma_start3A_99 = arith.constant 0 : i32
        %dma_start3A_100 = tpu.memref_slice %dma_start3A_97[%dma_start3A_98, %dma_start3A_99] : memref<10000x64xf32, #tpu.memory_space<hbm>> -> memref<520x64xf32, #tpu.memory_space<hbm>>
        %dma_start3A_101 = arith.constant 9480 : i32
        %dma_start3A_102 = arith.constant 0 : i32
        %dma_start3A_103 = tpu.memref_slice %arg6[%dma_start3A_101, %dma_start3A_102] : memref<10000x64xf32, #tpu.memory_space<vmem_shared>> -> memref<520x64xf32, #tpu.memory_space<vmem_shared>>
        tpu.enqueue_dma source(%dma_start3A_103 : memref<520x64xf32, #tpu.memory_space<vmem_shared>>) target(%dma_start3A_100 : memref<520x64xf32, #tpu.memory_space<hbm>>) target_semaphore(%run_scoped3A : memref<!tpu.dma_semaphore, #tpu.memory_space<semaphore_mem>>)
        %dma_wait3A_104 = arith.constant 0 : i32
        %dma_wait3A_105 = arith.constant 0 : i32
        %dma_wait3A_106 = tpu.memref_slice %arg5[%arg0, %dma_wait3A_104, %dma_wait3A_105] : memref<2x10000x64xf32, #tpu.memory_space<hbm>> -> memref<1x10000x64xf32, #tpu.memory_space<hbm>>
        %dma_wait3A_107 = tpu.memref_squeeze %dma_wait3A_106 : memref<1x10000x64xf32, #tpu.memory_space<hbm>> -> memref<10000x64xf32, #tpu.memory_space<hbm>>
        %dma_wait3A_108 = arith.constant 9480 : i32
        %dma_wait3A_109 = arith.constant 0 : i32
        %dma_wait3A_110 = tpu.memref_slice %dma_wait3A_107[%dma_wait3A_108, %dma_wait3A_109] : memref<10000x64xf32, #tpu.memory_space<hbm>> -> memref<520x64xf32, #tpu.memory_space<hbm>>
        %dma_wait3A_111 = arith.constant 9480 : i32
        %dma_wait3A_112 = arith.constant 0 : i32
        %dma_wait3A_113 = tpu.memref_slice %arg6[%dma_wait3A_111, %dma_wait3A_112] : memref<10000x64xf32, #tpu.memory_space<vmem_shared>> -> memref<520x64xf32, #tpu.memory_space<vmem_shared>>
        tpu.wait_dma2 semaphore(%run_scoped3A : memref<!tpu.dma_semaphore, #tpu.memory_space<semaphore_mem>>) src(%dma_wait3A_113 : memref<520x64xf32, #tpu.memory_space<vmem_shared>>) dst(%dma_wait3A_110 : memref<520x64xf32, #tpu.memory_space<hbm>>)
        tpu.yield
      }) : () -> ()
    } else {
    }
    return
  }
}

#map = affine_map<(d0, d1) -> (0, 0)>
#map1 = affine_map<(d0, d1) -> (0, 0, 0)>
module attributes {stable_mosaic.version = 14 : i64} {
  func.func @_sc_eagg(%arg0: i32, %arg1: i32, %arg2: memref<320000x128xf32, #tpu.memory_space<hbm>>, %arg3: memref<2500x2x128xi32, #tpu.memory_space<hbm>>, %arg4: memref<10000x128xf32, #tpu.memory_space<hbm>>, %arg5: memref<2x10000x128xf32, #tpu.memory_space<hbm>>, %arg6: memref<10000x128xf32, #tpu.memory_space<vmem_shared>>, %arg7: memref<4x2x128xi32, #tpu.memory_space<vmem>>, %arg8: memref<2x128x128xf32, #tpu.memory_space<vmem>>, %arg9: memref<!tpu.dma_semaphore, #tpu.memory_space<semaphore_mem>>, %arg10: memref<!tpu.dma_semaphore, #tpu.memory_space<semaphore_mem>>, %arg11: memref<!tpu.dma_semaphore, #tpu.memory_space<semaphore_mem>>, %arg12: memref<!tpu.dma_semaphore, #tpu.memory_space<semaphore_mem>>, %arg13: memref<!tpu.dma_semaphore, #tpu.memory_space<semaphore_mem>>, %arg14: memref<!tpu.dma_semaphore, #tpu.memory_space<semaphore_mem>>) attributes {dimension_semantics = [#tpu.dimension_semantics<core_parallel>, #tpu.dimension_semantics<subcore_parallel>], iteration_bounds = array<i64: 2, 16>, scalar_prefetch = 0 : i64, scratch_operands = 9 : i64, tpu.core_type = #tpu.core_type<sc_vector_subcore>, window_params = [{transform_indices = #map}, {transform_indices = #map1}, {transform_indices = #map}, {transform_indices = #map1}]} {
    %mul3A = arith.constant 2 : i32
    %mul3A_0 = arith.muli %arg1, %mul3A : i32
    %add3A = arith.addi %mul3A_0, %arg0 : i32
    %lt3A = arith.constant 15 : i32
    %lt3A_1 = arith.cmpi slt, %arg1, %lt3A : i32
    %convert_element_type3A = arith.extui %lt3A_1 : i1 to i32
    %cond3A = arith.constant 0 : i32
    %cond3A_2 = arith.cmpi ne, %convert_element_type3A, %cond3A : i32
    scf.if %cond3A_2 {
      %mul3A_80 = arith.constant 632 : i32
      %mul3A_81 = arith.muli %arg1, %mul3A_80 : i32
      %mul3A_82 = arith.constant 632 : i32
      %mul3A_83 = arith.muli %arg1, %mul3A_82 : i32
      "tpu.region"() ({
        %run_scoped3A = tpu.sem_alloc : memref<!tpu.dma_semaphore, #tpu.memory_space<semaphore_mem>>
        %dma_start3A_84 = arith.constant 0 : i32
        %dma_start3A_85 = tpu.memref_slice %arg6[%mul3A_83, %dma_start3A_84] : memref<10000x128xf32, #tpu.memory_space<vmem_shared>> -> memref<632x128xf32, #tpu.memory_space<vmem_shared>>
        %dma_start3A_86 = arith.constant 0 : i32
        %dma_start3A_87 = tpu.memref_slice %arg4[%mul3A_81, %dma_start3A_86] : memref<10000x128xf32, #tpu.memory_space<hbm>> -> memref<632x128xf32, #tpu.memory_space<hbm>>
        tpu.enqueue_dma source(%dma_start3A_87 : memref<632x128xf32, #tpu.memory_space<hbm>>) target(%dma_start3A_85 : memref<632x128xf32, #tpu.memory_space<vmem_shared>>) target_semaphore(%run_scoped3A : memref<!tpu.dma_semaphore, #tpu.memory_space<semaphore_mem>>)
        %dma_wait3A = arith.constant 0 : i32
        %dma_wait3A_88 = tpu.memref_slice %arg6[%mul3A_83, %dma_wait3A] : memref<10000x128xf32, #tpu.memory_space<vmem_shared>> -> memref<632x128xf32, #tpu.memory_space<vmem_shared>>
        %dma_wait3A_89 = arith.constant 0 : i32
        %dma_wait3A_90 = tpu.memref_slice %arg4[%mul3A_81, %dma_wait3A_89] : memref<10000x128xf32, #tpu.memory_space<hbm>> -> memref<632x128xf32, #tpu.memory_space<hbm>>
        tpu.wait_dma2 semaphore(%run_scoped3A : memref<!tpu.dma_semaphore, #tpu.memory_space<semaphore_mem>>) src(%dma_wait3A_90 : memref<632x128xf32, #tpu.memory_space<hbm>>) dst(%dma_wait3A_88 : memref<632x128xf32, #tpu.memory_space<vmem_shared>>)
        tpu.yield
      }) : () -> ()
    } else {
    }
    %eq3A = arith.constant 15 : i32
    %eq3A_3 = arith.cmpi eq, %arg1, %eq3A : i32
    %convert_element_type3A_4 = arith.extui %eq3A_3 : i1 to i32
    %cond3A_5 = arith.constant 0 : i32
    %cond3A_6 = arith.cmpi ne, %convert_element_type3A_4, %cond3A_5 : i32
    scf.if %cond3A_6 {
      "tpu.region"() ({
        %run_scoped3A = tpu.sem_alloc : memref<!tpu.dma_semaphore, #tpu.memory_space<semaphore_mem>>
        %dma_start3A_80 = arith.constant 9480 : i32
        %dma_start3A_81 = arith.constant 0 : i32
        %dma_start3A_82 = tpu.memref_slice %arg6[%dma_start3A_80, %dma_start3A_81] : memref<10000x128xf32, #tpu.memory_space<vmem_shared>> -> memref<520x128xf32, #tpu.memory_space<vmem_shared>>
        %dma_start3A_83 = arith.constant 9480 : i32
        %dma_start3A_84 = arith.constant 0 : i32
        %dma_start3A_85 = tpu.memref_slice %arg4[%dma_start3A_83, %dma_start3A_84] : memref<10000x128xf32, #tpu.memory_space<hbm>> -> memref<520x128xf32, #tpu.memory_space<hbm>>
        tpu.enqueue_dma source(%dma_start3A_85 : memref<520x128xf32, #tpu.memory_space<hbm>>) target(%dma_start3A_82 : memref<520x128xf32, #tpu.memory_space<vmem_shared>>) target_semaphore(%run_scoped3A : memref<!tpu.dma_semaphore, #tpu.memory_space<semaphore_mem>>)
        %dma_wait3A = arith.constant 9480 : i32
        %dma_wait3A_86 = arith.constant 0 : i32
        %dma_wait3A_87 = tpu.memref_slice %arg6[%dma_wait3A, %dma_wait3A_86] : memref<10000x128xf32, #tpu.memory_space<vmem_shared>> -> memref<520x128xf32, #tpu.memory_space<vmem_shared>>
        %dma_wait3A_88 = arith.constant 9480 : i32
        %dma_wait3A_89 = arith.constant 0 : i32
        %dma_wait3A_90 = tpu.memref_slice %arg4[%dma_wait3A_88, %dma_wait3A_89] : memref<10000x128xf32, #tpu.memory_space<hbm>> -> memref<520x128xf32, #tpu.memory_space<hbm>>
        tpu.wait_dma2 semaphore(%run_scoped3A : memref<!tpu.dma_semaphore, #tpu.memory_space<semaphore_mem>>) src(%dma_wait3A_90 : memref<520x128xf32, #tpu.memory_space<hbm>>) dst(%dma_wait3A_87 : memref<520x128xf32, #tpu.memory_space<vmem_shared>>)
        tpu.yield
      }) : () -> ()
    } else {
    }
    %lt3A_7 = arith.constant 4 : i32
    %lt3A_8 = arith.cmpi slt, %add3A, %lt3A_7 : i32
    %jit3A = arith.constant 79 : i32
    %jit3A_9 = arith.constant 78 : i32
    %select_n3A = arith.select %lt3A_8, %jit3A, %jit3A_9 : i32
    %mul3A_10 = arith.constant 78 : i32
    %mul3A_11 = arith.muli %add3A, %mul3A_10 : i32
    %min3A = arith.constant 4 : i32
    %min3A_12 = arith.minsi %add3A, %min3A : i32
    %add3A_13 = arith.addi %mul3A_11, %min3A_12 : i32
    %barrier3A = arith.constant 0 : index
    tpu.barrier barrier_id(%barrier3A)
    %dma_start3A = arith.constant 0 : i32
    %dma_start3A_14 = arith.constant 0 : i32
    %dma_start3A_15 = arith.constant 0 : i32
    %dma_start3A_16 = tpu.memref_slice %arg7[%dma_start3A, %dma_start3A_14, %dma_start3A_15] : memref<4x2x128xi32, #tpu.memory_space<vmem>> -> memref<1x2x128xi32, #tpu.memory_space<vmem>>
    %dma_start3A_17 = tpu.memref_squeeze %dma_start3A_16 : memref<1x2x128xi32, #tpu.memory_space<vmem>> -> memref<2x128xi32, #tpu.memory_space<vmem>>
    %dma_start3A_18 = arith.constant 0 : i32
    %dma_start3A_19 = arith.constant 0 : i32
    %dma_start3A_20 = tpu.memref_slice %arg3[%add3A_13, %dma_start3A_18, %dma_start3A_19] : memref<2500x2x128xi32, #tpu.memory_space<hbm>> -> memref<1x2x128xi32, #tpu.memory_space<hbm>>
    %dma_start3A_21 = tpu.memref_squeeze %dma_start3A_20 : memref<1x2x128xi32, #tpu.memory_space<hbm>> -> memref<2x128xi32, #tpu.memory_space<hbm>>
    %dma_start3A_22 = arith.constant 0 : i32
    %dma_start3A_23 = arith.constant 0 : i32
    %dma_start3A_24 = tpu.memref_slice %arg7[%dma_start3A, %dma_start3A_22, %dma_start3A_23] : memref<4x2x128xi32, #tpu.memory_space<vmem>> -> memref<1x2x128xi32, #tpu.memory_space<vmem>>
    %dma_start3A_25 = tpu.memref_squeeze %dma_start3A_24 : memref<1x2x128xi32, #tpu.memory_space<vmem>> -> memref<2x128xi32, #tpu.memory_space<vmem>>
    %dma_start3A_26 = arith.constant 0 : i32
    %dma_start3A_27 = arith.constant 0 : i32
    %dma_start3A_28 = tpu.memref_slice %arg3[%add3A_13, %dma_start3A_26, %dma_start3A_27] : memref<2500x2x128xi32, #tpu.memory_space<hbm>> -> memref<1x2x128xi32, #tpu.memory_space<hbm>>
    %dma_start3A_29 = tpu.memref_squeeze %dma_start3A_28 : memref<1x2x128xi32, #tpu.memory_space<hbm>> -> memref<2x128xi32, #tpu.memory_space<hbm>>
    tpu.enqueue_dma source(%dma_start3A_29 : memref<2x128xi32, #tpu.memory_space<hbm>>) target(%dma_start3A_25 : memref<2x128xi32, #tpu.memory_space<vmem>>) target_semaphore(%arg9 : memref<!tpu.dma_semaphore, #tpu.memory_space<semaphore_mem>>)
    %add3A_30 = arith.constant 1 : i32
    %add3A_31 = arith.addi %add3A_13, %add3A_30 : i32
    %dma_start3A_32 = arith.constant 1 : i32
    %dma_start3A_33 = arith.constant 0 : i32
    %dma_start3A_34 = arith.constant 0 : i32
    %dma_start3A_35 = tpu.memref_slice %arg7[%dma_start3A_32, %dma_start3A_33, %dma_start3A_34] : memref<4x2x128xi32, #tpu.memory_space<vmem>> -> memref<1x2x128xi32, #tpu.memory_space<vmem>>
    %dma_start3A_36 = tpu.memref_squeeze %dma_start3A_35 : memref<1x2x128xi32, #tpu.memory_space<vmem>> -> memref<2x128xi32, #tpu.memory_space<vmem>>
    %dma_start3A_37 = arith.constant 0 : i32
    %dma_start3A_38 = arith.constant 0 : i32
    %dma_start3A_39 = tpu.memref_slice %arg3[%add3A_31, %dma_start3A_37, %dma_start3A_38] : memref<2500x2x128xi32, #tpu.memory_space<hbm>> -> memref<1x2x128xi32, #tpu.memory_space<hbm>>
    %dma_start3A_40 = tpu.memref_squeeze %dma_start3A_39 : memref<1x2x128xi32, #tpu.memory_space<hbm>> -> memref<2x128xi32, #tpu.memory_space<hbm>>
    %dma_start3A_41 = arith.constant 0 : i32
    %dma_start3A_42 = arith.constant 0 : i32
    %dma_start3A_43 = tpu.memref_slice %arg7[%dma_start3A_32, %dma_start3A_41, %dma_start3A_42] : memref<4x2x128xi32, #tpu.memory_space<vmem>> -> memref<1x2x128xi32, #tpu.memory_space<vmem>>
    %dma_start3A_44 = tpu.memref_squeeze %dma_start3A_43 : memref<1x2x128xi32, #tpu.memory_space<vmem>> -> memref<2x128xi32, #tpu.memory_space<vmem>>
    %dma_start3A_45 = arith.constant 0 : i32
    %dma_start3A_46 = arith.constant 0 : i32
    %dma_start3A_47 = tpu.memref_slice %arg3[%add3A_31, %dma_start3A_45, %dma_start3A_46] : memref<2500x2x128xi32, #tpu.memory_space<hbm>> -> memref<1x2x128xi32, #tpu.memory_space<hbm>>
    %dma_start3A_48 = tpu.memref_squeeze %dma_start3A_47 : memref<1x2x128xi32, #tpu.memory_space<hbm>> -> memref<2x128xi32, #tpu.memory_space<hbm>>
    tpu.enqueue_dma source(%dma_start3A_48 : memref<2x128xi32, #tpu.memory_space<hbm>>) target(%dma_start3A_44 : memref<2x128xi32, #tpu.memory_space<vmem>>) target_semaphore(%arg10 : memref<!tpu.dma_semaphore, #tpu.memory_space<semaphore_mem>>)
    %mul3A_49 = arith.constant 128 : i32
    %mul3A_50 = arith.muli %add3A_13, %mul3A_49 : i32
    %dma_start3A_51 = arith.constant 0 : i32
    %dma_start3A_52 = arith.constant 0 : i32
    %dma_start3A_53 = arith.constant 0 : i32
    %dma_start3A_54 = tpu.memref_slice %arg8[%dma_start3A_51, %dma_start3A_52, %dma_start3A_53] : memref<2x128x128xf32, #tpu.memory_space<vmem>> -> memref<1x128x128xf32, #tpu.memory_space<vmem>>
    %dma_start3A_55 = tpu.memref_squeeze %dma_start3A_54 : memref<1x128x128xf32, #tpu.memory_space<vmem>> -> memref<128x128xf32, #tpu.memory_space<vmem>>
    %dma_start3A_56 = arith.constant 0 : i32
    %dma_start3A_57 = tpu.memref_slice %arg2[%mul3A_50, %dma_start3A_56] : memref<320000x128xf32, #tpu.memory_space<hbm>> -> memref<128x128xf32, #tpu.memory_space<hbm>>
    %dma_start3A_58 = arith.constant 0 : i32
    %dma_start3A_59 = arith.constant 0 : i32
    %dma_start3A_60 = tpu.memref_slice %arg8[%dma_start3A_51, %dma_start3A_58, %dma_start3A_59] : memref<2x128x128xf32, #tpu.memory_space<vmem>> -> memref<1x128x128xf32, #tpu.memory_space<vmem>>
    %dma_start3A_61 = tpu.memref_squeeze %dma_start3A_60 : memref<1x128x128xf32, #tpu.memory_space<vmem>> -> memref<128x128xf32, #tpu.memory_space<vmem>>
    %dma_start3A_62 = arith.constant 0 : i32
    %dma_start3A_63 = tpu.memref_slice %arg2[%mul3A_50, %dma_start3A_62] : memref<320000x128xf32, #tpu.memory_space<hbm>> -> memref<128x128xf32, #tpu.memory_space<hbm>>
    tpu.enqueue_dma source(%dma_start3A_63 : memref<128x128xf32, #tpu.memory_space<hbm>>) target(%dma_start3A_61 : memref<128x128xf32, #tpu.memory_space<vmem>>) target_semaphore(%arg13 : memref<!tpu.dma_semaphore, #tpu.memory_space<semaphore_mem>>)
    %scan3A = arith.constant 0 : i32
    %scan3A_64 = arith.constant 0 : i32
    %scan3A_65 = arith.constant 20 : i32
    %scan3A_66 = arith.addi %scan3A_64, %scan3A_65 : i32
    %scan3A_67 = arith.constant 1 : i32
    scf.for %scan3A_80 = %scan3A_64 to %scan3A_66 step %scan3A_67  : i32 {
      %mul3A_81 = arith.constant 4 : i32
      %mul3A_82 = arith.muli %mul3A_81, %scan3A_80 : i32
      %add3A_83 = arith.constant 0 : i32
      %add3A_84 = arith.addi %mul3A_82, %add3A_83 : i32
      %lt3A_85 = arith.cmpi slt, %add3A_84, %select_n3A : i32
      %convert_element_type3A_86 = arith.extui %lt3A_85 : i1 to i32
      %cond3A_87 = arith.constant 0 : i32
      %cond3A_88 = arith.cmpi ne, %convert_element_type3A_86, %cond3A_87 : i32
      scf.if %cond3A_88 {
        %add3A_113 = arith.addi %add3A_13, %add3A_84 : i32
        %mul3A_114 = arith.constant 128 : i32
        %mul3A_115 = arith.muli %add3A_113, %mul3A_114 : i32
        %dma_wait3A = arith.constant 0 : i32
        %dma_wait3A_116 = arith.constant 0 : i32
        %dma_wait3A_117 = arith.constant 0 : i32
        %dma_wait3A_118 = tpu.memref_slice %arg8[%dma_wait3A, %dma_wait3A_116, %dma_wait3A_117] : memref<2x128x128xf32, #tpu.memory_space<vmem>> -> memref<1x128x128xf32, #tpu.memory_space<vmem>>
        %dma_wait3A_119 = tpu.memref_squeeze %dma_wait3A_118 : memref<1x128x128xf32, #tpu.memory_space<vmem>> -> memref<128x128xf32, #tpu.memory_space<vmem>>
        %dma_wait3A_120 = arith.constant 0 : i32
        %dma_wait3A_121 = tpu.memref_slice %arg2[%mul3A_115, %dma_wait3A_120] : memref<320000x128xf32, #tpu.memory_space<hbm>> -> memref<128x128xf32, #tpu.memory_space<hbm>>
        %dma_wait3A_122 = arith.constant 0 : i32
        %dma_wait3A_123 = arith.constant 0 : i32
        %dma_wait3A_124 = tpu.memref_slice %arg8[%dma_wait3A, %dma_wait3A_122, %dma_wait3A_123] : memref<2x128x128xf32, #tpu.memory_space<vmem>> -> memref<1x128x128xf32, #tpu.memory_space<vmem>>
        %dma_wait3A_125 = tpu.memref_squeeze %dma_wait3A_124 : memref<1x128x128xf32, #tpu.memory_space<vmem>> -> memref<128x128xf32, #tpu.memory_space<vmem>>
        %dma_wait3A_126 = arith.constant 0 : i32
        %dma_wait3A_127 = tpu.memref_slice %arg2[%mul3A_115, %dma_wait3A_126] : memref<320000x128xf32, #tpu.memory_space<hbm>> -> memref<128x128xf32, #tpu.memory_space<hbm>>
        tpu.wait_dma2 semaphore(%arg13 : memref<!tpu.dma_semaphore, #tpu.memory_space<semaphore_mem>>) src(%dma_wait3A_127 : memref<128x128xf32, #tpu.memory_space<hbm>>) dst(%dma_wait3A_125 : memref<128x128xf32, #tpu.memory_space<vmem>>)
        %add3A_128 = arith.constant 2 : i32
        %add3A_129 = arith.addi %add3A_84, %add3A_128 : i32
        %lt3A_130 = arith.cmpi slt, %add3A_129, %select_n3A : i32
        %convert_element_type3A_131 = arith.extui %lt3A_130 : i1 to i32
        %cond3A_132 = arith.constant 0 : i32
        %cond3A_133 = arith.cmpi ne, %convert_element_type3A_131, %cond3A_132 : i32
        scf.if %cond3A_133 {
          %add3A_160 = arith.addi %add3A_13, %add3A_84 : i32
          %add3A_161 = arith.constant 2 : i32
          %add3A_162 = arith.addi %add3A_160, %add3A_161 : i32
          %dma_start3A_163 = arith.constant 2 : i32
          %dma_start3A_164 = arith.constant 0 : i32
          %dma_start3A_165 = arith.constant 0 : i32
          %dma_start3A_166 = tpu.memref_slice %arg7[%dma_start3A_163, %dma_start3A_164, %dma_start3A_165] : memref<4x2x128xi32, #tpu.memory_space<vmem>> -> memref<1x2x128xi32, #tpu.memory_space<vmem>>
          %dma_start3A_167 = tpu.memref_squeeze %dma_start3A_166 : memref<1x2x128xi32, #tpu.memory_space<vmem>> -> memref<2x128xi32, #tpu.memory_space<vmem>>
          %dma_start3A_168 = arith.constant 0 : i32
          %dma_start3A_169 = arith.constant 0 : i32
          %dma_start3A_170 = tpu.memref_slice %arg3[%add3A_162, %dma_start3A_168, %dma_start3A_169] : memref<2500x2x128xi32, #tpu.memory_space<hbm>> -> memref<1x2x128xi32, #tpu.memory_space<hbm>>
          %dma_start3A_171 = tpu.memref_squeeze %dma_start3A_170 : memref<1x2x128xi32, #tpu.memory_space<hbm>> -> memref<2x128xi32, #tpu.memory_space<hbm>>
          %dma_start3A_172 = arith.constant 0 : i32
          %dma_start3A_173 = arith.constant 0 : i32
          %dma_start3A_174 = tpu.memref_slice %arg7[%dma_start3A_163, %dma_start3A_172, %dma_start3A_173] : memref<4x2x128xi32, #tpu.memory_space<vmem>> -> memref<1x2x128xi32, #tpu.memory_space<vmem>>
          %dma_start3A_175 = tpu.memref_squeeze %dma_start3A_174 : memref<1x2x128xi32, #tpu.memory_space<vmem>> -> memref<2x128xi32, #tpu.memory_space<vmem>>
          %dma_start3A_176 = arith.constant 0 : i32
          %dma_start3A_177 = arith.constant 0 : i32
          %dma_start3A_178 = tpu.memref_slice %arg3[%add3A_162, %dma_start3A_176, %dma_start3A_177] : memref<2500x2x128xi32, #tpu.memory_space<hbm>> -> memref<1x2x128xi32, #tpu.memory_space<hbm>>
          %dma_start3A_179 = tpu.memref_squeeze %dma_start3A_178 : memref<1x2x128xi32, #tpu.memory_space<hbm>> -> memref<2x128xi32, #tpu.memory_space<hbm>>
          tpu.enqueue_dma source(%dma_start3A_179 : memref<2x128xi32, #tpu.memory_space<hbm>>) target(%dma_start3A_175 : memref<2x128xi32, #tpu.memory_space<vmem>>) target_semaphore(%arg11 : memref<!tpu.dma_semaphore, #tpu.memory_space<semaphore_mem>>)
        } else {
        }
        %add3A_134 = arith.constant 1 : i32
        %add3A_135 = arith.addi %add3A_84, %add3A_134 : i32
        %lt3A_136 = arith.cmpi slt, %add3A_135, %select_n3A : i32
        %convert_element_type3A_137 = arith.extui %lt3A_136 : i1 to i32
        %cond3A_138 = arith.constant 0 : i32
        %cond3A_139 = arith.cmpi ne, %convert_element_type3A_137, %cond3A_138 : i32
        scf.if %cond3A_139 {
          %add3A_160 = arith.addi %add3A_13, %add3A_84 : i32
          %add3A_161 = arith.constant 1 : i32
          %add3A_162 = arith.addi %add3A_160, %add3A_161 : i32
          %mul3A_163 = arith.constant 128 : i32
          %mul3A_164 = arith.muli %add3A_162, %mul3A_163 : i32
          %dma_start3A_165 = arith.constant 1 : i32
          %dma_start3A_166 = arith.constant 0 : i32
          %dma_start3A_167 = arith.constant 0 : i32
          %dma_start3A_168 = tpu.memref_slice %arg8[%dma_start3A_165, %dma_start3A_166, %dma_start3A_167] : memref<2x128x128xf32, #tpu.memory_space<vmem>> -> memref<1x128x128xf32, #tpu.memory_space<vmem>>
          %dma_start3A_169 = tpu.memref_squeeze %dma_start3A_168 : memref<1x128x128xf32, #tpu.memory_space<vmem>> -> memref<128x128xf32, #tpu.memory_space<vmem>>
          %dma_start3A_170 = arith.constant 0 : i32
          %dma_start3A_171 = tpu.memref_slice %arg2[%mul3A_164, %dma_start3A_170] : memref<320000x128xf32, #tpu.memory_space<hbm>> -> memref<128x128xf32, #tpu.memory_space<hbm>>
          %dma_start3A_172 = arith.constant 0 : i32
          %dma_start3A_173 = arith.constant 0 : i32
          %dma_start3A_174 = tpu.memref_slice %arg8[%dma_start3A_165, %dma_start3A_172, %dma_start3A_173] : memref<2x128x128xf32, #tpu.memory_space<vmem>> -> memref<1x128x128xf32, #tpu.memory_space<vmem>>
          %dma_start3A_175 = tpu.memref_squeeze %dma_start3A_174 : memref<1x128x128xf32, #tpu.memory_space<vmem>> -> memref<128x128xf32, #tpu.memory_space<vmem>>
          %dma_start3A_176 = arith.constant 0 : i32
          %dma_start3A_177 = tpu.memref_slice %arg2[%mul3A_164, %dma_start3A_176] : memref<320000x128xf32, #tpu.memory_space<hbm>> -> memref<128x128xf32, #tpu.memory_space<hbm>>
          tpu.enqueue_dma source(%dma_start3A_177 : memref<128x128xf32, #tpu.memory_space<hbm>>) target(%dma_start3A_175 : memref<128x128xf32, #tpu.memory_space<vmem>>) target_semaphore(%arg14 : memref<!tpu.dma_semaphore, #tpu.memory_space<semaphore_mem>>)
        } else {
        }
        %add3A_140 = arith.addi %add3A_13, %add3A_84 : i32
        %dma_wait3A_141 = arith.constant 0 : i32
        %dma_wait3A_142 = arith.constant 0 : i32
        %dma_wait3A_143 = arith.constant 0 : i32
        %dma_wait3A_144 = tpu.memref_slice %arg7[%dma_wait3A_141, %dma_wait3A_142, %dma_wait3A_143] : memref<4x2x128xi32, #tpu.memory_space<vmem>> -> memref<1x2x128xi32, #tpu.memory_space<vmem>>
        %dma_wait3A_145 = tpu.memref_squeeze %dma_wait3A_144 : memref<1x2x128xi32, #tpu.memory_space<vmem>> -> memref<2x128xi32, #tpu.memory_space<vmem>>
        %dma_wait3A_146 = arith.constant 0 : i32
        %dma_wait3A_147 = arith.constant 0 : i32
        %dma_wait3A_148 = tpu.memref_slice %arg3[%add3A_140, %dma_wait3A_146, %dma_wait3A_147] : memref<2500x2x128xi32, #tpu.memory_space<hbm>> -> memref<1x2x128xi32, #tpu.memory_space<hbm>>
        %dma_wait3A_149 = tpu.memref_squeeze %dma_wait3A_148 : memref<1x2x128xi32, #tpu.memory_space<hbm>> -> memref<2x128xi32, #tpu.memory_space<hbm>>
        %dma_wait3A_150 = arith.constant 0 : i32
        %dma_wait3A_151 = arith.constant 0 : i32
        %dma_wait3A_152 = tpu.memref_slice %arg7[%dma_wait3A_141, %dma_wait3A_150, %dma_wait3A_151] : memref<4x2x128xi32, #tpu.memory_space<vmem>> -> memref<1x2x128xi32, #tpu.memory_space<vmem>>
        %dma_wait3A_153 = tpu.memref_squeeze %dma_wait3A_152 : memref<1x2x128xi32, #tpu.memory_space<vmem>> -> memref<2x128xi32, #tpu.memory_space<vmem>>
        %dma_wait3A_154 = arith.constant 0 : i32
        %dma_wait3A_155 = arith.constant 0 : i32
        %dma_wait3A_156 = tpu.memref_slice %arg3[%add3A_140, %dma_wait3A_154, %dma_wait3A_155] : memref<2500x2x128xi32, #tpu.memory_space<hbm>> -> memref<1x2x128xi32, #tpu.memory_space<hbm>>
        %dma_wait3A_157 = tpu.memref_squeeze %dma_wait3A_156 : memref<1x2x128xi32, #tpu.memory_space<hbm>> -> memref<2x128xi32, #tpu.memory_space<hbm>>
        tpu.wait_dma2 semaphore(%arg9 : memref<!tpu.dma_semaphore, #tpu.memory_space<semaphore_mem>>) src(%dma_wait3A_157 : memref<2x128xi32, #tpu.memory_space<hbm>>) dst(%dma_wait3A_153 : memref<2x128xi32, #tpu.memory_space<vmem>>)
        %run_scoped3A = arith.constant 0 : i32
        %run_scoped3A_158 = arith.constant 0 : i32
        %run_scoped3A_159 = arith.constant 1 : i32
        "tpu.region"() ({
          %run_scoped3A_160 = tpu.sem_alloc : memref<!tpu.dma_semaphore, #tpu.memory_space<semaphore_mem>>
          %dma_start3A_161 = arith.constant 0 : i32
          %dma_start3A_162 = arith.constant 0 : i32
          %dma_start3A_163 = tpu.memref_slice %arg8[%run_scoped3A, %dma_start3A_161, %dma_start3A_162] : memref<2x128x128xf32, #tpu.memory_space<vmem>> -> memref<1x128x128xf32, #tpu.memory_space<vmem>>
          %dma_start3A_164 = tpu.memref_squeeze %dma_start3A_163 : memref<1x128x128xf32, #tpu.memory_space<vmem>> -> memref<128x128xf32, #tpu.memory_space<vmem>>
          %dma_start3A_165 = arith.constant 0 : i32
          %dma_start3A_166 = tpu.memref_slice %arg7[%run_scoped3A_158, %run_scoped3A_159, %dma_start3A_165] : memref<4x2x128xi32, #tpu.memory_space<vmem>> -> memref<1x1x128xi32, #tpu.memory_space<vmem>>
          %dma_start3A_167 = tpu.memref_squeeze %dma_start3A_166 : memref<1x1x128xi32, #tpu.memory_space<vmem>> -> memref<128xi32, #tpu.memory_space<vmem>>
          %dma_start3A_168 = arith.constant 0 : i32
          %dma_start3A_169 = arith.constant 0 : i32
          %dma_start3A_170 = tpu.memref_slice %arg6[%dma_start3A_168, %dma_start3A_169] : memref<10000x128xf32, #tpu.memory_space<vmem_shared>> -> memref<10000x128xf32, #tpu.memory_space<vmem_shared>>
          tpu.enqueue_indirect_dma source(%dma_start3A_164 : memref<128x128xf32, #tpu.memory_space<vmem>>) target(%dma_start3A_170 : memref<10000x128xf32, #tpu.memory_space<vmem_shared>>) offsets(%dma_start3A_167 : memref<128xi32, #tpu.memory_space<vmem>>) semaphore(%run_scoped3A_160 : memref<!tpu.dma_semaphore, #tpu.memory_space<semaphore_mem>>) {add = true}
          %dma_wait3A_171 = arith.constant 0 : i32
          %dma_wait3A_172 = arith.constant 0 : i32
          %dma_wait3A_173 = tpu.memref_slice %arg8[%run_scoped3A, %dma_wait3A_171, %dma_wait3A_172] : memref<2x128x128xf32, #tpu.memory_space<vmem>> -> memref<1x128x128xf32, #tpu.memory_space<vmem>>
          %dma_wait3A_174 = tpu.memref_squeeze %dma_wait3A_173 : memref<1x128x128xf32, #tpu.memory_space<vmem>> -> memref<128x128xf32, #tpu.memory_space<vmem>>
          %dma_wait3A_175 = arith.constant 0 : i32
          %dma_wait3A_176 = tpu.memref_slice %arg7[%run_scoped3A_158, %run_scoped3A_159, %dma_wait3A_175] : memref<4x2x128xi32, #tpu.memory_space<vmem>> -> memref<1x1x128xi32, #tpu.memory_space<vmem>>
          %dma_wait3A_177 = tpu.memref_squeeze %dma_wait3A_176 : memref<1x1x128xi32, #tpu.memory_space<vmem>> -> memref<128xi32, #tpu.memory_space<vmem>>
          %dma_wait3A_178 = arith.constant 0 : i32
          %dma_wait3A_179 = arith.constant 0 : i32
          %dma_wait3A_180 = tpu.memref_slice %arg6[%dma_wait3A_178, %dma_wait3A_179] : memref<10000x128xf32, #tpu.memory_space<vmem_shared>> -> memref<10000x128xf32, #tpu.memory_space<vmem_shared>>
          tpu.wait_indirect_dma semaphore(%run_scoped3A_160 : memref<!tpu.dma_semaphore, #tpu.memory_space<semaphore_mem>>) src(%dma_wait3A_174 : memref<128x128xf32, #tpu.memory_space<vmem>>) dst(%dma_wait3A_180 : memref<10000x128xf32, #tpu.memory_space<vmem_shared>>)
          tpu.yield
        }) : () -> ()
      } else {
      }
      %mul3A_89 = arith.constant 4 : i32
      %mul3A_90 = arith.muli %mul3A_89, %scan3A_80 : i32
      %add3A_91 = arith.constant 1 : i32
      %add3A_92 = arith.addi %mul3A_90, %add3A_91 : i32
      %lt3A_93 = arith.cmpi slt, %add3A_92, %select_n3A : i32
      %convert_element_type3A_94 = arith.extui %lt3A_93 : i1 to i32
      %cond3A_95 = arith.constant 0 : i32
      %cond3A_96 = arith.cmpi ne, %convert_element_type3A_94, %cond3A_95 : i32
      scf.if %cond3A_96 {
        %add3A_113 = arith.addi %add3A_13, %add3A_92 : i32
        %mul3A_114 = arith.constant 128 : i32
        %mul3A_115 = arith.muli %add3A_113, %mul3A_114 : i32
        %dma_wait3A = arith.constant 1 : i32
        %dma_wait3A_116 = arith.constant 0 : i32
        %dma_wait3A_117 = arith.constant 0 : i32
        %dma_wait3A_118 = tpu.memref_slice %arg8[%dma_wait3A, %dma_wait3A_116, %dma_wait3A_117] : memref<2x128x128xf32, #tpu.memory_space<vmem>> -> memref<1x128x128xf32, #tpu.memory_space<vmem>>
        %dma_wait3A_119 = tpu.memref_squeeze %dma_wait3A_118 : memref<1x128x128xf32, #tpu.memory_space<vmem>> -> memref<128x128xf32, #tpu.memory_space<vmem>>
        %dma_wait3A_120 = arith.constant 0 : i32
        %dma_wait3A_121 = tpu.memref_slice %arg2[%mul3A_115, %dma_wait3A_120] : memref<320000x128xf32, #tpu.memory_space<hbm>> -> memref<128x128xf32, #tpu.memory_space<hbm>>
        %dma_wait3A_122 = arith.constant 0 : i32
        %dma_wait3A_123 = arith.constant 0 : i32
        %dma_wait3A_124 = tpu.memref_slice %arg8[%dma_wait3A, %dma_wait3A_122, %dma_wait3A_123] : memref<2x128x128xf32, #tpu.memory_space<vmem>> -> memref<1x128x128xf32, #tpu.memory_space<vmem>>
        %dma_wait3A_125 = tpu.memref_squeeze %dma_wait3A_124 : memref<1x128x128xf32, #tpu.memory_space<vmem>> -> memref<128x128xf32, #tpu.memory_space<vmem>>
        %dma_wait3A_126 = arith.constant 0 : i32
        %dma_wait3A_127 = tpu.memref_slice %arg2[%mul3A_115, %dma_wait3A_126] : memref<320000x128xf32, #tpu.memory_space<hbm>> -> memref<128x128xf32, #tpu.memory_space<hbm>>
        tpu.wait_dma2 semaphore(%arg14 : memref<!tpu.dma_semaphore, #tpu.memory_space<semaphore_mem>>) src(%dma_wait3A_127 : memref<128x128xf32, #tpu.memory_space<hbm>>) dst(%dma_wait3A_125 : memref<128x128xf32, #tpu.memory_space<vmem>>)
        %add3A_128 = arith.constant 2 : i32
        %add3A_129 = arith.addi %add3A_92, %add3A_128 : i32
        %lt3A_130 = arith.cmpi slt, %add3A_129, %select_n3A : i32
        %convert_element_type3A_131 = arith.extui %lt3A_130 : i1 to i32
        %cond3A_132 = arith.constant 0 : i32
        %cond3A_133 = arith.cmpi ne, %convert_element_type3A_131, %cond3A_132 : i32
        scf.if %cond3A_133 {
          %add3A_160 = arith.addi %add3A_13, %add3A_92 : i32
          %add3A_161 = arith.constant 2 : i32
          %add3A_162 = arith.addi %add3A_160, %add3A_161 : i32
          %dma_start3A_163 = arith.constant 3 : i32
          %dma_start3A_164 = arith.constant 0 : i32
          %dma_start3A_165 = arith.constant 0 : i32
          %dma_start3A_166 = tpu.memref_slice %arg7[%dma_start3A_163, %dma_start3A_164, %dma_start3A_165] : memref<4x2x128xi32, #tpu.memory_space<vmem>> -> memref<1x2x128xi32, #tpu.memory_space<vmem>>
          %dma_start3A_167 = tpu.memref_squeeze %dma_start3A_166 : memref<1x2x128xi32, #tpu.memory_space<vmem>> -> memref<2x128xi32, #tpu.memory_space<vmem>>
          %dma_start3A_168 = arith.constant 0 : i32
          %dma_start3A_169 = arith.constant 0 : i32
          %dma_start3A_170 = tpu.memref_slice %arg3[%add3A_162, %dma_start3A_168, %dma_start3A_169] : memref<2500x2x128xi32, #tpu.memory_space<hbm>> -> memref<1x2x128xi32, #tpu.memory_space<hbm>>
          %dma_start3A_171 = tpu.memref_squeeze %dma_start3A_170 : memref<1x2x128xi32, #tpu.memory_space<hbm>> -> memref<2x128xi32, #tpu.memory_space<hbm>>
          %dma_start3A_172 = arith.constant 0 : i32
          %dma_start3A_173 = arith.constant 0 : i32
          %dma_start3A_174 = tpu.memref_slice %arg7[%dma_start3A_163, %dma_start3A_172, %dma_start3A_173] : memref<4x2x128xi32, #tpu.memory_space<vmem>> -> memref<1x2x128xi32, #tpu.memory_space<vmem>>
          %dma_start3A_175 = tpu.memref_squeeze %dma_start3A_174 : memref<1x2x128xi32, #tpu.memory_space<vmem>> -> memref<2x128xi32, #tpu.memory_space<vmem>>
          %dma_start3A_176 = arith.constant 0 : i32
          %dma_start3A_177 = arith.constant 0 : i32
          %dma_start3A_178 = tpu.memref_slice %arg3[%add3A_162, %dma_start3A_176, %dma_start3A_177] : memref<2500x2x128xi32, #tpu.memory_space<hbm>> -> memref<1x2x128xi32, #tpu.memory_space<hbm>>
          %dma_start3A_179 = tpu.memref_squeeze %dma_start3A_178 : memref<1x2x128xi32, #tpu.memory_space<hbm>> -> memref<2x128xi32, #tpu.memory_space<hbm>>
          tpu.enqueue_dma source(%dma_start3A_179 : memref<2x128xi32, #tpu.memory_space<hbm>>) target(%dma_start3A_175 : memref<2x128xi32, #tpu.memory_space<vmem>>) target_semaphore(%arg12 : memref<!tpu.dma_semaphore, #tpu.memory_space<semaphore_mem>>)
        } else {
        }
        %add3A_134 = arith.constant 1 : i32
        %add3A_135 = arith.addi %add3A_92, %add3A_134 : i32
        %lt3A_136 = arith.cmpi slt, %add3A_135, %select_n3A : i32
        %convert_element_type3A_137 = arith.extui %lt3A_136 : i1 to i32
        %cond3A_138 = arith.constant 0 : i32
        %cond3A_139 = arith.cmpi ne, %convert_element_type3A_137, %cond3A_138 : i32
        scf.if %cond3A_139 {
          %add3A_160 = arith.addi %add3A_13, %add3A_92 : i32
          %add3A_161 = arith.constant 1 : i32
          %add3A_162 = arith.addi %add3A_160, %add3A_161 : i32
          %mul3A_163 = arith.constant 128 : i32
          %mul3A_164 = arith.muli %add3A_162, %mul3A_163 : i32
          %dma_start3A_165 = arith.constant 0 : i32
          %dma_start3A_166 = arith.constant 0 : i32
          %dma_start3A_167 = arith.constant 0 : i32
          %dma_start3A_168 = tpu.memref_slice %arg8[%dma_start3A_165, %dma_start3A_166, %dma_start3A_167] : memref<2x128x128xf32, #tpu.memory_space<vmem>> -> memref<1x128x128xf32, #tpu.memory_space<vmem>>
          %dma_start3A_169 = tpu.memref_squeeze %dma_start3A_168 : memref<1x128x128xf32, #tpu.memory_space<vmem>> -> memref<128x128xf32, #tpu.memory_space<vmem>>
          %dma_start3A_170 = arith.constant 0 : i32
          %dma_start3A_171 = tpu.memref_slice %arg2[%mul3A_164, %dma_start3A_170] : memref<320000x128xf32, #tpu.memory_space<hbm>> -> memref<128x128xf32, #tpu.memory_space<hbm>>
          %dma_start3A_172 = arith.constant 0 : i32
          %dma_start3A_173 = arith.constant 0 : i32
          %dma_start3A_174 = tpu.memref_slice %arg8[%dma_start3A_165, %dma_start3A_172, %dma_start3A_173] : memref<2x128x128xf32, #tpu.memory_space<vmem>> -> memref<1x128x128xf32, #tpu.memory_space<vmem>>
          %dma_start3A_175 = tpu.memref_squeeze %dma_start3A_174 : memref<1x128x128xf32, #tpu.memory_space<vmem>> -> memref<128x128xf32, #tpu.memory_space<vmem>>
          %dma_start3A_176 = arith.constant 0 : i32
          %dma_start3A_177 = tpu.memref_slice %arg2[%mul3A_164, %dma_start3A_176] : memref<320000x128xf32, #tpu.memory_space<hbm>> -> memref<128x128xf32, #tpu.memory_space<hbm>>
          tpu.enqueue_dma source(%dma_start3A_177 : memref<128x128xf32, #tpu.memory_space<hbm>>) target(%dma_start3A_175 : memref<128x128xf32, #tpu.memory_space<vmem>>) target_semaphore(%arg13 : memref<!tpu.dma_semaphore, #tpu.memory_space<semaphore_mem>>)
        } else {
        }
        %add3A_140 = arith.addi %add3A_13, %add3A_92 : i32
        %dma_wait3A_141 = arith.constant 1 : i32
        %dma_wait3A_142 = arith.constant 0 : i32
        %dma_wait3A_143 = arith.constant 0 : i32
        %dma_wait3A_144 = tpu.memref_slice %arg7[%dma_wait3A_141, %dma_wait3A_142, %dma_wait3A_143] : memref<4x2x128xi32, #tpu.memory_space<vmem>> -> memref<1x2x128xi32, #tpu.memory_space<vmem>>
        %dma_wait3A_145 = tpu.memref_squeeze %dma_wait3A_144 : memref<1x2x128xi32, #tpu.memory_space<vmem>> -> memref<2x128xi32, #tpu.memory_space<vmem>>
        %dma_wait3A_146 = arith.constant 0 : i32
        %dma_wait3A_147 = arith.constant 0 : i32
        %dma_wait3A_148 = tpu.memref_slice %arg3[%add3A_140, %dma_wait3A_146, %dma_wait3A_147] : memref<2500x2x128xi32, #tpu.memory_space<hbm>> -> memref<1x2x128xi32, #tpu.memory_space<hbm>>
        %dma_wait3A_149 = tpu.memref_squeeze %dma_wait3A_148 : memref<1x2x128xi32, #tpu.memory_space<hbm>> -> memref<2x128xi32, #tpu.memory_space<hbm>>
        %dma_wait3A_150 = arith.constant 0 : i32
        %dma_wait3A_151 = arith.constant 0 : i32
        %dma_wait3A_152 = tpu.memref_slice %arg7[%dma_wait3A_141, %dma_wait3A_150, %dma_wait3A_151] : memref<4x2x128xi32, #tpu.memory_space<vmem>> -> memref<1x2x128xi32, #tpu.memory_space<vmem>>
        %dma_wait3A_153 = tpu.memref_squeeze %dma_wait3A_152 : memref<1x2x128xi32, #tpu.memory_space<vmem>> -> memref<2x128xi32, #tpu.memory_space<vmem>>
        %dma_wait3A_154 = arith.constant 0 : i32
        %dma_wait3A_155 = arith.constant 0 : i32
        %dma_wait3A_156 = tpu.memref_slice %arg3[%add3A_140, %dma_wait3A_154, %dma_wait3A_155] : memref<2500x2x128xi32, #tpu.memory_space<hbm>> -> memref<1x2x128xi32, #tpu.memory_space<hbm>>
        %dma_wait3A_157 = tpu.memref_squeeze %dma_wait3A_156 : memref<1x2x128xi32, #tpu.memory_space<hbm>> -> memref<2x128xi32, #tpu.memory_space<hbm>>
        tpu.wait_dma2 semaphore(%arg10 : memref<!tpu.dma_semaphore, #tpu.memory_space<semaphore_mem>>) src(%dma_wait3A_157 : memref<2x128xi32, #tpu.memory_space<hbm>>) dst(%dma_wait3A_153 : memref<2x128xi32, #tpu.memory_space<vmem>>)
        %run_scoped3A = arith.constant 1 : i32
        %run_scoped3A_158 = arith.constant 1 : i32
        %run_scoped3A_159 = arith.constant 1 : i32
        "tpu.region"() ({
          %run_scoped3A_160 = tpu.sem_alloc : memref<!tpu.dma_semaphore, #tpu.memory_space<semaphore_mem>>
          %dma_start3A_161 = arith.constant 0 : i32
          %dma_start3A_162 = arith.constant 0 : i32
          %dma_start3A_163 = tpu.memref_slice %arg8[%run_scoped3A, %dma_start3A_161, %dma_start3A_162] : memref<2x128x128xf32, #tpu.memory_space<vmem>> -> memref<1x128x128xf32, #tpu.memory_space<vmem>>
          %dma_start3A_164 = tpu.memref_squeeze %dma_start3A_163 : memref<1x128x128xf32, #tpu.memory_space<vmem>> -> memref<128x128xf32, #tpu.memory_space<vmem>>
          %dma_start3A_165 = arith.constant 0 : i32
          %dma_start3A_166 = tpu.memref_slice %arg7[%run_scoped3A_158, %run_scoped3A_159, %dma_start3A_165] : memref<4x2x128xi32, #tpu.memory_space<vmem>> -> memref<1x1x128xi32, #tpu.memory_space<vmem>>
          %dma_start3A_167 = tpu.memref_squeeze %dma_start3A_166 : memref<1x1x128xi32, #tpu.memory_space<vmem>> -> memref<128xi32, #tpu.memory_space<vmem>>
          %dma_start3A_168 = arith.constant 0 : i32
          %dma_start3A_169 = arith.constant 0 : i32
          %dma_start3A_170 = tpu.memref_slice %arg6[%dma_start3A_168, %dma_start3A_169] : memref<10000x128xf32, #tpu.memory_space<vmem_shared>> -> memref<10000x128xf32, #tpu.memory_space<vmem_shared>>
          tpu.enqueue_indirect_dma source(%dma_start3A_164 : memref<128x128xf32, #tpu.memory_space<vmem>>) target(%dma_start3A_170 : memref<10000x128xf32, #tpu.memory_space<vmem_shared>>) offsets(%dma_start3A_167 : memref<128xi32, #tpu.memory_space<vmem>>) semaphore(%run_scoped3A_160 : memref<!tpu.dma_semaphore, #tpu.memory_space<semaphore_mem>>) {add = true}
          %dma_wait3A_171 = arith.constant 0 : i32
          %dma_wait3A_172 = arith.constant 0 : i32
          %dma_wait3A_173 = tpu.memref_slice %arg8[%run_scoped3A, %dma_wait3A_171, %dma_wait3A_172] : memref<2x128x128xf32, #tpu.memory_space<vmem>> -> memref<1x128x128xf32, #tpu.memory_space<vmem>>
          %dma_wait3A_174 = tpu.memref_squeeze %dma_wait3A_173 : memref<1x128x128xf32, #tpu.memory_space<vmem>> -> memref<128x128xf32, #tpu.memory_space<vmem>>
          %dma_wait3A_175 = arith.constant 0 : i32
          %dma_wait3A_176 = tpu.memref_slice %arg7[%run_scoped3A_158, %run_scoped3A_159, %dma_wait3A_175] : memref<4x2x128xi32, #tpu.memory_space<vmem>> -> memref<1x1x128xi32, #tpu.memory_space<vmem>>
          %dma_wait3A_177 = tpu.memref_squeeze %dma_wait3A_176 : memref<1x1x128xi32, #tpu.memory_space<vmem>> -> memref<128xi32, #tpu.memory_space<vmem>>
          %dma_wait3A_178 = arith.constant 0 : i32
          %dma_wait3A_179 = arith.constant 0 : i32
          %dma_wait3A_180 = tpu.memref_slice %arg6[%dma_wait3A_178, %dma_wait3A_179] : memref<10000x128xf32, #tpu.memory_space<vmem_shared>> -> memref<10000x128xf32, #tpu.memory_space<vmem_shared>>
          tpu.wait_indirect_dma semaphore(%run_scoped3A_160 : memref<!tpu.dma_semaphore, #tpu.memory_space<semaphore_mem>>) src(%dma_wait3A_174 : memref<128x128xf32, #tpu.memory_space<vmem>>) dst(%dma_wait3A_180 : memref<10000x128xf32, #tpu.memory_space<vmem_shared>>)
          tpu.yield
        }) : () -> ()
      } else {
      }
      %mul3A_97 = arith.constant 4 : i32
      %mul3A_98 = arith.muli %mul3A_97, %scan3A_80 : i32
      %add3A_99 = arith.constant 2 : i32
      %add3A_100 = arith.addi %mul3A_98, %add3A_99 : i32
      %lt3A_101 = arith.cmpi slt, %add3A_100, %select_n3A : i32
      %convert_element_type3A_102 = arith.extui %lt3A_101 : i1 to i32
      %cond3A_103 = arith.constant 0 : i32
      %cond3A_104 = arith.cmpi ne, %convert_element_type3A_102, %cond3A_103 : i32
      scf.if %cond3A_104 {
        %add3A_113 = arith.addi %add3A_13, %add3A_100 : i32
        %mul3A_114 = arith.constant 128 : i32
        %mul3A_115 = arith.muli %add3A_113, %mul3A_114 : i32
        %dma_wait3A = arith.constant 0 : i32
        %dma_wait3A_116 = arith.constant 0 : i32
        %dma_wait3A_117 = arith.constant 0 : i32
        %dma_wait3A_118 = tpu.memref_slice %arg8[%dma_wait3A, %dma_wait3A_116, %dma_wait3A_117] : memref<2x128x128xf32, #tpu.memory_space<vmem>> -> memref<1x128x128xf32, #tpu.memory_space<vmem>>
        %dma_wait3A_119 = tpu.memref_squeeze %dma_wait3A_118 : memref<1x128x128xf32, #tpu.memory_space<vmem>> -> memref<128x128xf32, #tpu.memory_space<vmem>>
        %dma_wait3A_120 = arith.constant 0 : i32
        %dma_wait3A_121 = tpu.memref_slice %arg2[%mul3A_115, %dma_wait3A_120] : memref<320000x128xf32, #tpu.memory_space<hbm>> -> memref<128x128xf32, #tpu.memory_space<hbm>>
        %dma_wait3A_122 = arith.constant 0 : i32
        %dma_wait3A_123 = arith.constant 0 : i32
        %dma_wait3A_124 = tpu.memref_slice %arg8[%dma_wait3A, %dma_wait3A_122, %dma_wait3A_123] : memref<2x128x128xf32, #tpu.memory_space<vmem>> -> memref<1x128x128xf32, #tpu.memory_space<vmem>>
        %dma_wait3A_125 = tpu.memref_squeeze %dma_wait3A_124 : memref<1x128x128xf32, #tpu.memory_space<vmem>> -> memref<128x128xf32, #tpu.memory_space<vmem>>
        %dma_wait3A_126 = arith.constant 0 : i32
        %dma_wait3A_127 = tpu.memref_slice %arg2[%mul3A_115, %dma_wait3A_126] : memref<320000x128xf32, #tpu.memory_space<hbm>> -> memref<128x128xf32, #tpu.memory_space<hbm>>
        tpu.wait_dma2 semaphore(%arg13 : memref<!tpu.dma_semaphore, #tpu.memory_space<semaphore_mem>>) src(%dma_wait3A_127 : memref<128x128xf32, #tpu.memory_space<hbm>>) dst(%dma_wait3A_125 : memref<128x128xf32, #tpu.memory_space<vmem>>)
        %add3A_128 = arith.constant 2 : i32
        %add3A_129 = arith.addi %add3A_100, %add3A_128 : i32
        %lt3A_130 = arith.cmpi slt, %add3A_129, %select_n3A : i32
        %convert_element_type3A_131 = arith.extui %lt3A_130 : i1 to i32
        %cond3A_132 = arith.constant 0 : i32
        %cond3A_133 = arith.cmpi ne, %convert_element_type3A_131, %cond3A_132 : i32
        scf.if %cond3A_133 {
          %add3A_160 = arith.addi %add3A_13, %add3A_100 : i32
          %add3A_161 = arith.constant 2 : i32
          %add3A_162 = arith.addi %add3A_160, %add3A_161 : i32
          %dma_start3A_163 = arith.constant 0 : i32
          %dma_start3A_164 = arith.constant 0 : i32
          %dma_start3A_165 = arith.constant 0 : i32
          %dma_start3A_166 = tpu.memref_slice %arg7[%dma_start3A_163, %dma_start3A_164, %dma_start3A_165] : memref<4x2x128xi32, #tpu.memory_space<vmem>> -> memref<1x2x128xi32, #tpu.memory_space<vmem>>
          %dma_start3A_167 = tpu.memref_squeeze %dma_start3A_166 : memref<1x2x128xi32, #tpu.memory_space<vmem>> -> memref<2x128xi32, #tpu.memory_space<vmem>>
          %dma_start3A_168 = arith.constant 0 : i32
          %dma_start3A_169 = arith.constant 0 : i32
          %dma_start3A_170 = tpu.memref_slice %arg3[%add3A_162, %dma_start3A_168, %dma_start3A_169] : memref<2500x2x128xi32, #tpu.memory_space<hbm>> -> memref<1x2x128xi32, #tpu.memory_space<hbm>>
          %dma_start3A_171 = tpu.memref_squeeze %dma_start3A_170 : memref<1x2x128xi32, #tpu.memory_space<hbm>> -> memref<2x128xi32, #tpu.memory_space<hbm>>
          %dma_start3A_172 = arith.constant 0 : i32
          %dma_start3A_173 = arith.constant 0 : i32
          %dma_start3A_174 = tpu.memref_slice %arg7[%dma_start3A_163, %dma_start3A_172, %dma_start3A_173] : memref<4x2x128xi32, #tpu.memory_space<vmem>> -> memref<1x2x128xi32, #tpu.memory_space<vmem>>
          %dma_start3A_175 = tpu.memref_squeeze %dma_start3A_174 : memref<1x2x128xi32, #tpu.memory_space<vmem>> -> memref<2x128xi32, #tpu.memory_space<vmem>>
          %dma_start3A_176 = arith.constant 0 : i32
          %dma_start3A_177 = arith.constant 0 : i32
          %dma_start3A_178 = tpu.memref_slice %arg3[%add3A_162, %dma_start3A_176, %dma_start3A_177] : memref<2500x2x128xi32, #tpu.memory_space<hbm>> -> memref<1x2x128xi32, #tpu.memory_space<hbm>>
          %dma_start3A_179 = tpu.memref_squeeze %dma_start3A_178 : memref<1x2x128xi32, #tpu.memory_space<hbm>> -> memref<2x128xi32, #tpu.memory_space<hbm>>
          tpu.enqueue_dma source(%dma_start3A_179 : memref<2x128xi32, #tpu.memory_space<hbm>>) target(%dma_start3A_175 : memref<2x128xi32, #tpu.memory_space<vmem>>) target_semaphore(%arg9 : memref<!tpu.dma_semaphore, #tpu.memory_space<semaphore_mem>>)
        } else {
        }
        %add3A_134 = arith.constant 1 : i32
        %add3A_135 = arith.addi %add3A_100, %add3A_134 : i32
        %lt3A_136 = arith.cmpi slt, %add3A_135, %select_n3A : i32
        %convert_element_type3A_137 = arith.extui %lt3A_136 : i1 to i32
        %cond3A_138 = arith.constant 0 : i32
        %cond3A_139 = arith.cmpi ne, %convert_element_type3A_137, %cond3A_138 : i32
        scf.if %cond3A_139 {
          %add3A_160 = arith.addi %add3A_13, %add3A_100 : i32
          %add3A_161 = arith.constant 1 : i32
          %add3A_162 = arith.addi %add3A_160, %add3A_161 : i32
          %mul3A_163 = arith.constant 128 : i32
          %mul3A_164 = arith.muli %add3A_162, %mul3A_163 : i32
          %dma_start3A_165 = arith.constant 1 : i32
          %dma_start3A_166 = arith.constant 0 : i32
          %dma_start3A_167 = arith.constant 0 : i32
          %dma_start3A_168 = tpu.memref_slice %arg8[%dma_start3A_165, %dma_start3A_166, %dma_start3A_167] : memref<2x128x128xf32, #tpu.memory_space<vmem>> -> memref<1x128x128xf32, #tpu.memory_space<vmem>>
          %dma_start3A_169 = tpu.memref_squeeze %dma_start3A_168 : memref<1x128x128xf32, #tpu.memory_space<vmem>> -> memref<128x128xf32, #tpu.memory_space<vmem>>
          %dma_start3A_170 = arith.constant 0 : i32
          %dma_start3A_171 = tpu.memref_slice %arg2[%mul3A_164, %dma_start3A_170] : memref<320000x128xf32, #tpu.memory_space<hbm>> -> memref<128x128xf32, #tpu.memory_space<hbm>>
          %dma_start3A_172 = arith.constant 0 : i32
          %dma_start3A_173 = arith.constant 0 : i32
          %dma_start3A_174 = tpu.memref_slice %arg8[%dma_start3A_165, %dma_start3A_172, %dma_start3A_173] : memref<2x128x128xf32, #tpu.memory_space<vmem>> -> memref<1x128x128xf32, #tpu.memory_space<vmem>>
          %dma_start3A_175 = tpu.memref_squeeze %dma_start3A_174 : memref<1x128x128xf32, #tpu.memory_space<vmem>> -> memref<128x128xf32, #tpu.memory_space<vmem>>
          %dma_start3A_176 = arith.constant 0 : i32
          %dma_start3A_177 = tpu.memref_slice %arg2[%mul3A_164, %dma_start3A_176] : memref<320000x128xf32, #tpu.memory_space<hbm>> -> memref<128x128xf32, #tpu.memory_space<hbm>>
          tpu.enqueue_dma source(%dma_start3A_177 : memref<128x128xf32, #tpu.memory_space<hbm>>) target(%dma_start3A_175 : memref<128x128xf32, #tpu.memory_space<vmem>>) target_semaphore(%arg14 : memref<!tpu.dma_semaphore, #tpu.memory_space<semaphore_mem>>)
        } else {
        }
        %add3A_140 = arith.addi %add3A_13, %add3A_100 : i32
        %dma_wait3A_141 = arith.constant 2 : i32
        %dma_wait3A_142 = arith.constant 0 : i32
        %dma_wait3A_143 = arith.constant 0 : i32
        %dma_wait3A_144 = tpu.memref_slice %arg7[%dma_wait3A_141, %dma_wait3A_142, %dma_wait3A_143] : memref<4x2x128xi32, #tpu.memory_space<vmem>> -> memref<1x2x128xi32, #tpu.memory_space<vmem>>
        %dma_wait3A_145 = tpu.memref_squeeze %dma_wait3A_144 : memref<1x2x128xi32, #tpu.memory_space<vmem>> -> memref<2x128xi32, #tpu.memory_space<vmem>>
        %dma_wait3A_146 = arith.constant 0 : i32
        %dma_wait3A_147 = arith.constant 0 : i32
        %dma_wait3A_148 = tpu.memref_slice %arg3[%add3A_140, %dma_wait3A_146, %dma_wait3A_147] : memref<2500x2x128xi32, #tpu.memory_space<hbm>> -> memref<1x2x128xi32, #tpu.memory_space<hbm>>
        %dma_wait3A_149 = tpu.memref_squeeze %dma_wait3A_148 : memref<1x2x128xi32, #tpu.memory_space<hbm>> -> memref<2x128xi32, #tpu.memory_space<hbm>>
        %dma_wait3A_150 = arith.constant 0 : i32
        %dma_wait3A_151 = arith.constant 0 : i32
        %dma_wait3A_152 = tpu.memref_slice %arg7[%dma_wait3A_141, %dma_wait3A_150, %dma_wait3A_151] : memref<4x2x128xi32, #tpu.memory_space<vmem>> -> memref<1x2x128xi32, #tpu.memory_space<vmem>>
        %dma_wait3A_153 = tpu.memref_squeeze %dma_wait3A_152 : memref<1x2x128xi32, #tpu.memory_space<vmem>> -> memref<2x128xi32, #tpu.memory_space<vmem>>
        %dma_wait3A_154 = arith.constant 0 : i32
        %dma_wait3A_155 = arith.constant 0 : i32
        %dma_wait3A_156 = tpu.memref_slice %arg3[%add3A_140, %dma_wait3A_154, %dma_wait3A_155] : memref<2500x2x128xi32, #tpu.memory_space<hbm>> -> memref<1x2x128xi32, #tpu.memory_space<hbm>>
        %dma_wait3A_157 = tpu.memref_squeeze %dma_wait3A_156 : memref<1x2x128xi32, #tpu.memory_space<hbm>> -> memref<2x128xi32, #tpu.memory_space<hbm>>
        tpu.wait_dma2 semaphore(%arg11 : memref<!tpu.dma_semaphore, #tpu.memory_space<semaphore_mem>>) src(%dma_wait3A_157 : memref<2x128xi32, #tpu.memory_space<hbm>>) dst(%dma_wait3A_153 : memref<2x128xi32, #tpu.memory_space<vmem>>)
        %run_scoped3A = arith.constant 0 : i32
        %run_scoped3A_158 = arith.constant 2 : i32
        %run_scoped3A_159 = arith.constant 1 : i32
        "tpu.region"() ({
          %run_scoped3A_160 = tpu.sem_alloc : memref<!tpu.dma_semaphore, #tpu.memory_space<semaphore_mem>>
          %dma_start3A_161 = arith.constant 0 : i32
          %dma_start3A_162 = arith.constant 0 : i32
          %dma_start3A_163 = tpu.memref_slice %arg8[%run_scoped3A, %dma_start3A_161, %dma_start3A_162] : memref<2x128x128xf32, #tpu.memory_space<vmem>> -> memref<1x128x128xf32, #tpu.memory_space<vmem>>
          %dma_start3A_164 = tpu.memref_squeeze %dma_start3A_163 : memref<1x128x128xf32, #tpu.memory_space<vmem>> -> memref<128x128xf32, #tpu.memory_space<vmem>>
          %dma_start3A_165 = arith.constant 0 : i32
          %dma_start3A_166 = tpu.memref_slice %arg7[%run_scoped3A_158, %run_scoped3A_159, %dma_start3A_165] : memref<4x2x128xi32, #tpu.memory_space<vmem>> -> memref<1x1x128xi32, #tpu.memory_space<vmem>>
          %dma_start3A_167 = tpu.memref_squeeze %dma_start3A_166 : memref<1x1x128xi32, #tpu.memory_space<vmem>> -> memref<128xi32, #tpu.memory_space<vmem>>
          %dma_start3A_168 = arith.constant 0 : i32
          %dma_start3A_169 = arith.constant 0 : i32
          %dma_start3A_170 = tpu.memref_slice %arg6[%dma_start3A_168, %dma_start3A_169] : memref<10000x128xf32, #tpu.memory_space<vmem_shared>> -> memref<10000x128xf32, #tpu.memory_space<vmem_shared>>
          tpu.enqueue_indirect_dma source(%dma_start3A_164 : memref<128x128xf32, #tpu.memory_space<vmem>>) target(%dma_start3A_170 : memref<10000x128xf32, #tpu.memory_space<vmem_shared>>) offsets(%dma_start3A_167 : memref<128xi32, #tpu.memory_space<vmem>>) semaphore(%run_scoped3A_160 : memref<!tpu.dma_semaphore, #tpu.memory_space<semaphore_mem>>) {add = true}
          %dma_wait3A_171 = arith.constant 0 : i32
          %dma_wait3A_172 = arith.constant 0 : i32
          %dma_wait3A_173 = tpu.memref_slice %arg8[%run_scoped3A, %dma_wait3A_171, %dma_wait3A_172] : memref<2x128x128xf32, #tpu.memory_space<vmem>> -> memref<1x128x128xf32, #tpu.memory_space<vmem>>
          %dma_wait3A_174 = tpu.memref_squeeze %dma_wait3A_173 : memref<1x128x128xf32, #tpu.memory_space<vmem>> -> memref<128x128xf32, #tpu.memory_space<vmem>>
          %dma_wait3A_175 = arith.constant 0 : i32
          %dma_wait3A_176 = tpu.memref_slice %arg7[%run_scoped3A_158, %run_scoped3A_159, %dma_wait3A_175] : memref<4x2x128xi32, #tpu.memory_space<vmem>> -> memref<1x1x128xi32, #tpu.memory_space<vmem>>
          %dma_wait3A_177 = tpu.memref_squeeze %dma_wait3A_176 : memref<1x1x128xi32, #tpu.memory_space<vmem>> -> memref<128xi32, #tpu.memory_space<vmem>>
          %dma_wait3A_178 = arith.constant 0 : i32
          %dma_wait3A_179 = arith.constant 0 : i32
          %dma_wait3A_180 = tpu.memref_slice %arg6[%dma_wait3A_178, %dma_wait3A_179] : memref<10000x128xf32, #tpu.memory_space<vmem_shared>> -> memref<10000x128xf32, #tpu.memory_space<vmem_shared>>
          tpu.wait_indirect_dma semaphore(%run_scoped3A_160 : memref<!tpu.dma_semaphore, #tpu.memory_space<semaphore_mem>>) src(%dma_wait3A_174 : memref<128x128xf32, #tpu.memory_space<vmem>>) dst(%dma_wait3A_180 : memref<10000x128xf32, #tpu.memory_space<vmem_shared>>)
          tpu.yield
        }) : () -> ()
      } else {
      }
      %mul3A_105 = arith.constant 4 : i32
      %mul3A_106 = arith.muli %mul3A_105, %scan3A_80 : i32
      %add3A_107 = arith.constant 3 : i32
      %add3A_108 = arith.addi %mul3A_106, %add3A_107 : i32
      %lt3A_109 = arith.cmpi slt, %add3A_108, %select_n3A : i32
      %convert_element_type3A_110 = arith.extui %lt3A_109 : i1 to i32
      %cond3A_111 = arith.constant 0 : i32
      %cond3A_112 = arith.cmpi ne, %convert_element_type3A_110, %cond3A_111 : i32
      scf.if %cond3A_112 {
        %add3A_113 = arith.addi %add3A_13, %add3A_108 : i32
        %mul3A_114 = arith.constant 128 : i32
        %mul3A_115 = arith.muli %add3A_113, %mul3A_114 : i32
        %dma_wait3A = arith.constant 1 : i32
        %dma_wait3A_116 = arith.constant 0 : i32
        %dma_wait3A_117 = arith.constant 0 : i32
        %dma_wait3A_118 = tpu.memref_slice %arg8[%dma_wait3A, %dma_wait3A_116, %dma_wait3A_117] : memref<2x128x128xf32, #tpu.memory_space<vmem>> -> memref<1x128x128xf32, #tpu.memory_space<vmem>>
        %dma_wait3A_119 = tpu.memref_squeeze %dma_wait3A_118 : memref<1x128x128xf32, #tpu.memory_space<vmem>> -> memref<128x128xf32, #tpu.memory_space<vmem>>
        %dma_wait3A_120 = arith.constant 0 : i32
        %dma_wait3A_121 = tpu.memref_slice %arg2[%mul3A_115, %dma_wait3A_120] : memref<320000x128xf32, #tpu.memory_space<hbm>> -> memref<128x128xf32, #tpu.memory_space<hbm>>
        %dma_wait3A_122 = arith.constant 0 : i32
        %dma_wait3A_123 = arith.constant 0 : i32
        %dma_wait3A_124 = tpu.memref_slice %arg8[%dma_wait3A, %dma_wait3A_122, %dma_wait3A_123] : memref<2x128x128xf32, #tpu.memory_space<vmem>> -> memref<1x128x128xf32, #tpu.memory_space<vmem>>
        %dma_wait3A_125 = tpu.memref_squeeze %dma_wait3A_124 : memref<1x128x128xf32, #tpu.memory_space<vmem>> -> memref<128x128xf32, #tpu.memory_space<vmem>>
        %dma_wait3A_126 = arith.constant 0 : i32
        %dma_wait3A_127 = tpu.memref_slice %arg2[%mul3A_115, %dma_wait3A_126] : memref<320000x128xf32, #tpu.memory_space<hbm>> -> memref<128x128xf32, #tpu.memory_space<hbm>>
        tpu.wait_dma2 semaphore(%arg14 : memref<!tpu.dma_semaphore, #tpu.memory_space<semaphore_mem>>) src(%dma_wait3A_127 : memref<128x128xf32, #tpu.memory_space<hbm>>) dst(%dma_wait3A_125 : memref<128x128xf32, #tpu.memory_space<vmem>>)
        %add3A_128 = arith.constant 2 : i32
        %add3A_129 = arith.addi %add3A_108, %add3A_128 : i32
        %lt3A_130 = arith.cmpi slt, %add3A_129, %select_n3A : i32
        %convert_element_type3A_131 = arith.extui %lt3A_130 : i1 to i32
        %cond3A_132 = arith.constant 0 : i32
        %cond3A_133 = arith.cmpi ne, %convert_element_type3A_131, %cond3A_132 : i32
        scf.if %cond3A_133 {
          %add3A_160 = arith.addi %add3A_13, %add3A_108 : i32
          %add3A_161 = arith.constant 2 : i32
          %add3A_162 = arith.addi %add3A_160, %add3A_161 : i32
          %dma_start3A_163 = arith.constant 1 : i32
          %dma_start3A_164 = arith.constant 0 : i32
          %dma_start3A_165 = arith.constant 0 : i32
          %dma_start3A_166 = tpu.memref_slice %arg7[%dma_start3A_163, %dma_start3A_164, %dma_start3A_165] : memref<4x2x128xi32, #tpu.memory_space<vmem>> -> memref<1x2x128xi32, #tpu.memory_space<vmem>>
          %dma_start3A_167 = tpu.memref_squeeze %dma_start3A_166 : memref<1x2x128xi32, #tpu.memory_space<vmem>> -> memref<2x128xi32, #tpu.memory_space<vmem>>
          %dma_start3A_168 = arith.constant 0 : i32
          %dma_start3A_169 = arith.constant 0 : i32
          %dma_start3A_170 = tpu.memref_slice %arg3[%add3A_162, %dma_start3A_168, %dma_start3A_169] : memref<2500x2x128xi32, #tpu.memory_space<hbm>> -> memref<1x2x128xi32, #tpu.memory_space<hbm>>
          %dma_start3A_171 = tpu.memref_squeeze %dma_start3A_170 : memref<1x2x128xi32, #tpu.memory_space<hbm>> -> memref<2x128xi32, #tpu.memory_space<hbm>>
          %dma_start3A_172 = arith.constant 0 : i32
          %dma_start3A_173 = arith.constant 0 : i32
          %dma_start3A_174 = tpu.memref_slice %arg7[%dma_start3A_163, %dma_start3A_172, %dma_start3A_173] : memref<4x2x128xi32, #tpu.memory_space<vmem>> -> memref<1x2x128xi32, #tpu.memory_space<vmem>>
          %dma_start3A_175 = tpu.memref_squeeze %dma_start3A_174 : memref<1x2x128xi32, #tpu.memory_space<vmem>> -> memref<2x128xi32, #tpu.memory_space<vmem>>
          %dma_start3A_176 = arith.constant 0 : i32
          %dma_start3A_177 = arith.constant 0 : i32
          %dma_start3A_178 = tpu.memref_slice %arg3[%add3A_162, %dma_start3A_176, %dma_start3A_177] : memref<2500x2x128xi32, #tpu.memory_space<hbm>> -> memref<1x2x128xi32, #tpu.memory_space<hbm>>
          %dma_start3A_179 = tpu.memref_squeeze %dma_start3A_178 : memref<1x2x128xi32, #tpu.memory_space<hbm>> -> memref<2x128xi32, #tpu.memory_space<hbm>>
          tpu.enqueue_dma source(%dma_start3A_179 : memref<2x128xi32, #tpu.memory_space<hbm>>) target(%dma_start3A_175 : memref<2x128xi32, #tpu.memory_space<vmem>>) target_semaphore(%arg10 : memref<!tpu.dma_semaphore, #tpu.memory_space<semaphore_mem>>)
        } else {
        }
        %add3A_134 = arith.constant 1 : i32
        %add3A_135 = arith.addi %add3A_108, %add3A_134 : i32
        %lt3A_136 = arith.cmpi slt, %add3A_135, %select_n3A : i32
        %convert_element_type3A_137 = arith.extui %lt3A_136 : i1 to i32
        %cond3A_138 = arith.constant 0 : i32
        %cond3A_139 = arith.cmpi ne, %convert_element_type3A_137, %cond3A_138 : i32
        scf.if %cond3A_139 {
          %add3A_160 = arith.addi %add3A_13, %add3A_108 : i32
          %add3A_161 = arith.constant 1 : i32
          %add3A_162 = arith.addi %add3A_160, %add3A_161 : i32
          %mul3A_163 = arith.constant 128 : i32
          %mul3A_164 = arith.muli %add3A_162, %mul3A_163 : i32
          %dma_start3A_165 = arith.constant 0 : i32
          %dma_start3A_166 = arith.constant 0 : i32
          %dma_start3A_167 = arith.constant 0 : i32
          %dma_start3A_168 = tpu.memref_slice %arg8[%dma_start3A_165, %dma_start3A_166, %dma_start3A_167] : memref<2x128x128xf32, #tpu.memory_space<vmem>> -> memref<1x128x128xf32, #tpu.memory_space<vmem>>
          %dma_start3A_169 = tpu.memref_squeeze %dma_start3A_168 : memref<1x128x128xf32, #tpu.memory_space<vmem>> -> memref<128x128xf32, #tpu.memory_space<vmem>>
          %dma_start3A_170 = arith.constant 0 : i32
          %dma_start3A_171 = tpu.memref_slice %arg2[%mul3A_164, %dma_start3A_170] : memref<320000x128xf32, #tpu.memory_space<hbm>> -> memref<128x128xf32, #tpu.memory_space<hbm>>
          %dma_start3A_172 = arith.constant 0 : i32
          %dma_start3A_173 = arith.constant 0 : i32
          %dma_start3A_174 = tpu.memref_slice %arg8[%dma_start3A_165, %dma_start3A_172, %dma_start3A_173] : memref<2x128x128xf32, #tpu.memory_space<vmem>> -> memref<1x128x128xf32, #tpu.memory_space<vmem>>
          %dma_start3A_175 = tpu.memref_squeeze %dma_start3A_174 : memref<1x128x128xf32, #tpu.memory_space<vmem>> -> memref<128x128xf32, #tpu.memory_space<vmem>>
          %dma_start3A_176 = arith.constant 0 : i32
          %dma_start3A_177 = tpu.memref_slice %arg2[%mul3A_164, %dma_start3A_176] : memref<320000x128xf32, #tpu.memory_space<hbm>> -> memref<128x128xf32, #tpu.memory_space<hbm>>
          tpu.enqueue_dma source(%dma_start3A_177 : memref<128x128xf32, #tpu.memory_space<hbm>>) target(%dma_start3A_175 : memref<128x128xf32, #tpu.memory_space<vmem>>) target_semaphore(%arg13 : memref<!tpu.dma_semaphore, #tpu.memory_space<semaphore_mem>>)
        } else {
        }
        %add3A_140 = arith.addi %add3A_13, %add3A_108 : i32
        %dma_wait3A_141 = arith.constant 3 : i32
        %dma_wait3A_142 = arith.constant 0 : i32
        %dma_wait3A_143 = arith.constant 0 : i32
        %dma_wait3A_144 = tpu.memref_slice %arg7[%dma_wait3A_141, %dma_wait3A_142, %dma_wait3A_143] : memref<4x2x128xi32, #tpu.memory_space<vmem>> -> memref<1x2x128xi32, #tpu.memory_space<vmem>>
        %dma_wait3A_145 = tpu.memref_squeeze %dma_wait3A_144 : memref<1x2x128xi32, #tpu.memory_space<vmem>> -> memref<2x128xi32, #tpu.memory_space<vmem>>
        %dma_wait3A_146 = arith.constant 0 : i32
        %dma_wait3A_147 = arith.constant 0 : i32
        %dma_wait3A_148 = tpu.memref_slice %arg3[%add3A_140, %dma_wait3A_146, %dma_wait3A_147] : memref<2500x2x128xi32, #tpu.memory_space<hbm>> -> memref<1x2x128xi32, #tpu.memory_space<hbm>>
        %dma_wait3A_149 = tpu.memref_squeeze %dma_wait3A_148 : memref<1x2x128xi32, #tpu.memory_space<hbm>> -> memref<2x128xi32, #tpu.memory_space<hbm>>
        %dma_wait3A_150 = arith.constant 0 : i32
        %dma_wait3A_151 = arith.constant 0 : i32
        %dma_wait3A_152 = tpu.memref_slice %arg7[%dma_wait3A_141, %dma_wait3A_150, %dma_wait3A_151] : memref<4x2x128xi32, #tpu.memory_space<vmem>> -> memref<1x2x128xi32, #tpu.memory_space<vmem>>
        %dma_wait3A_153 = tpu.memref_squeeze %dma_wait3A_152 : memref<1x2x128xi32, #tpu.memory_space<vmem>> -> memref<2x128xi32, #tpu.memory_space<vmem>>
        %dma_wait3A_154 = arith.constant 0 : i32
        %dma_wait3A_155 = arith.constant 0 : i32
        %dma_wait3A_156 = tpu.memref_slice %arg3[%add3A_140, %dma_wait3A_154, %dma_wait3A_155] : memref<2500x2x128xi32, #tpu.memory_space<hbm>> -> memref<1x2x128xi32, #tpu.memory_space<hbm>>
        %dma_wait3A_157 = tpu.memref_squeeze %dma_wait3A_156 : memref<1x2x128xi32, #tpu.memory_space<hbm>> -> memref<2x128xi32, #tpu.memory_space<hbm>>
        tpu.wait_dma2 semaphore(%arg12 : memref<!tpu.dma_semaphore, #tpu.memory_space<semaphore_mem>>) src(%dma_wait3A_157 : memref<2x128xi32, #tpu.memory_space<hbm>>) dst(%dma_wait3A_153 : memref<2x128xi32, #tpu.memory_space<vmem>>)
        %run_scoped3A = arith.constant 1 : i32
        %run_scoped3A_158 = arith.constant 3 : i32
        %run_scoped3A_159 = arith.constant 1 : i32
        "tpu.region"() ({
          %run_scoped3A_160 = tpu.sem_alloc : memref<!tpu.dma_semaphore, #tpu.memory_space<semaphore_mem>>
          %dma_start3A_161 = arith.constant 0 : i32
          %dma_start3A_162 = arith.constant 0 : i32
          %dma_start3A_163 = tpu.memref_slice %arg8[%run_scoped3A, %dma_start3A_161, %dma_start3A_162] : memref<2x128x128xf32, #tpu.memory_space<vmem>> -> memref<1x128x128xf32, #tpu.memory_space<vmem>>
          %dma_start3A_164 = tpu.memref_squeeze %dma_start3A_163 : memref<1x128x128xf32, #tpu.memory_space<vmem>> -> memref<128x128xf32, #tpu.memory_space<vmem>>
          %dma_start3A_165 = arith.constant 0 : i32
          %dma_start3A_166 = tpu.memref_slice %arg7[%run_scoped3A_158, %run_scoped3A_159, %dma_start3A_165] : memref<4x2x128xi32, #tpu.memory_space<vmem>> -> memref<1x1x128xi32, #tpu.memory_space<vmem>>
          %dma_start3A_167 = tpu.memref_squeeze %dma_start3A_166 : memref<1x1x128xi32, #tpu.memory_space<vmem>> -> memref<128xi32, #tpu.memory_space<vmem>>
          %dma_start3A_168 = arith.constant 0 : i32
          %dma_start3A_169 = arith.constant 0 : i32
          %dma_start3A_170 = tpu.memref_slice %arg6[%dma_start3A_168, %dma_start3A_169] : memref<10000x128xf32, #tpu.memory_space<vmem_shared>> -> memref<10000x128xf32, #tpu.memory_space<vmem_shared>>
          tpu.enqueue_indirect_dma source(%dma_start3A_164 : memref<128x128xf32, #tpu.memory_space<vmem>>) target(%dma_start3A_170 : memref<10000x128xf32, #tpu.memory_space<vmem_shared>>) offsets(%dma_start3A_167 : memref<128xi32, #tpu.memory_space<vmem>>) semaphore(%run_scoped3A_160 : memref<!tpu.dma_semaphore, #tpu.memory_space<semaphore_mem>>) {add = true}
          %dma_wait3A_171 = arith.constant 0 : i32
          %dma_wait3A_172 = arith.constant 0 : i32
          %dma_wait3A_173 = tpu.memref_slice %arg8[%run_scoped3A, %dma_wait3A_171, %dma_wait3A_172] : memref<2x128x128xf32, #tpu.memory_space<vmem>> -> memref<1x128x128xf32, #tpu.memory_space<vmem>>
          %dma_wait3A_174 = tpu.memref_squeeze %dma_wait3A_173 : memref<1x128x128xf32, #tpu.memory_space<vmem>> -> memref<128x128xf32, #tpu.memory_space<vmem>>
          %dma_wait3A_175 = arith.constant 0 : i32
          %dma_wait3A_176 = tpu.memref_slice %arg7[%run_scoped3A_158, %run_scoped3A_159, %dma_wait3A_175] : memref<4x2x128xi32, #tpu.memory_space<vmem>> -> memref<1x1x128xi32, #tpu.memory_space<vmem>>
          %dma_wait3A_177 = tpu.memref_squeeze %dma_wait3A_176 : memref<1x1x128xi32, #tpu.memory_space<vmem>> -> memref<128xi32, #tpu.memory_space<vmem>>
          %dma_wait3A_178 = arith.constant 0 : i32
          %dma_wait3A_179 = arith.constant 0 : i32
          %dma_wait3A_180 = tpu.memref_slice %arg6[%dma_wait3A_178, %dma_wait3A_179] : memref<10000x128xf32, #tpu.memory_space<vmem_shared>> -> memref<10000x128xf32, #tpu.memory_space<vmem_shared>>
          tpu.wait_indirect_dma semaphore(%run_scoped3A_160 : memref<!tpu.dma_semaphore, #tpu.memory_space<semaphore_mem>>) src(%dma_wait3A_174 : memref<128x128xf32, #tpu.memory_space<vmem>>) dst(%dma_wait3A_180 : memref<10000x128xf32, #tpu.memory_space<vmem_shared>>)
          tpu.yield
        }) : () -> ()
      } else {
      }
    }
    %scan3A_68 = arith.constant 20 : i32
    %barrier3A_69 = arith.constant 0 : index
    tpu.barrier barrier_id(%barrier3A_69)
    %lt3A_70 = arith.constant 15 : i32
    %lt3A_71 = arith.cmpi slt, %arg1, %lt3A_70 : i32
    %convert_element_type3A_72 = arith.extui %lt3A_71 : i1 to i32
    %cond3A_73 = arith.constant 0 : i32
    %cond3A_74 = arith.cmpi ne, %convert_element_type3A_72, %cond3A_73 : i32
    scf.if %cond3A_74 {
      %mul3A_80 = arith.constant 632 : i32
      %mul3A_81 = arith.muli %arg1, %mul3A_80 : i32
      %mul3A_82 = arith.constant 632 : i32
      %mul3A_83 = arith.muli %arg1, %mul3A_82 : i32
      "tpu.region"() ({
        %run_scoped3A = tpu.sem_alloc : memref<!tpu.dma_semaphore, #tpu.memory_space<semaphore_mem>>
        %dma_start3A_84 = arith.constant 0 : i32
        %dma_start3A_85 = arith.constant 0 : i32
        %dma_start3A_86 = tpu.memref_slice %arg5[%arg0, %dma_start3A_84, %dma_start3A_85] : memref<2x10000x128xf32, #tpu.memory_space<hbm>> -> memref<1x10000x128xf32, #tpu.memory_space<hbm>>
        %dma_start3A_87 = tpu.memref_squeeze %dma_start3A_86 : memref<1x10000x128xf32, #tpu.memory_space<hbm>> -> memref<10000x128xf32, #tpu.memory_space<hbm>>
        %dma_start3A_88 = arith.constant 0 : i32
        %dma_start3A_89 = tpu.memref_slice %dma_start3A_87[%mul3A_83, %dma_start3A_88] : memref<10000x128xf32, #tpu.memory_space<hbm>> -> memref<632x128xf32, #tpu.memory_space<hbm>>
        %dma_start3A_90 = arith.constant 0 : i32
        %dma_start3A_91 = tpu.memref_slice %arg6[%mul3A_81, %dma_start3A_90] : memref<10000x128xf32, #tpu.memory_space<vmem_shared>> -> memref<632x128xf32, #tpu.memory_space<vmem_shared>>
        tpu.enqueue_dma source(%dma_start3A_91 : memref<632x128xf32, #tpu.memory_space<vmem_shared>>) target(%dma_start3A_89 : memref<632x128xf32, #tpu.memory_space<hbm>>) target_semaphore(%run_scoped3A : memref<!tpu.dma_semaphore, #tpu.memory_space<semaphore_mem>>)
        %dma_wait3A = arith.constant 0 : i32
        %dma_wait3A_92 = arith.constant 0 : i32
        %dma_wait3A_93 = tpu.memref_slice %arg5[%arg0, %dma_wait3A, %dma_wait3A_92] : memref<2x10000x128xf32, #tpu.memory_space<hbm>> -> memref<1x10000x128xf32, #tpu.memory_space<hbm>>
        %dma_wait3A_94 = tpu.memref_squeeze %dma_wait3A_93 : memref<1x10000x128xf32, #tpu.memory_space<hbm>> -> memref<10000x128xf32, #tpu.memory_space<hbm>>
        %dma_wait3A_95 = arith.constant 0 : i32
        %dma_wait3A_96 = tpu.memref_slice %dma_wait3A_94[%mul3A_83, %dma_wait3A_95] : memref<10000x128xf32, #tpu.memory_space<hbm>> -> memref<632x128xf32, #tpu.memory_space<hbm>>
        %dma_wait3A_97 = arith.constant 0 : i32
        %dma_wait3A_98 = tpu.memref_slice %arg6[%mul3A_81, %dma_wait3A_97] : memref<10000x128xf32, #tpu.memory_space<vmem_shared>> -> memref<632x128xf32, #tpu.memory_space<vmem_shared>>
        tpu.wait_dma2 semaphore(%run_scoped3A : memref<!tpu.dma_semaphore, #tpu.memory_space<semaphore_mem>>) src(%dma_wait3A_98 : memref<632x128xf32, #tpu.memory_space<vmem_shared>>) dst(%dma_wait3A_96 : memref<632x128xf32, #tpu.memory_space<hbm>>)
        tpu.yield
      }) : () -> ()
    } else {
    }
    %eq3A_75 = arith.constant 15 : i32
    %eq3A_76 = arith.cmpi eq, %arg1, %eq3A_75 : i32
    %convert_element_type3A_77 = arith.extui %eq3A_76 : i1 to i32
    %cond3A_78 = arith.constant 0 : i32
    %cond3A_79 = arith.cmpi ne, %convert_element_type3A_77, %cond3A_78 : i32
    scf.if %cond3A_79 {
      "tpu.region"() ({
        %run_scoped3A = tpu.sem_alloc : memref<!tpu.dma_semaphore, #tpu.memory_space<semaphore_mem>>
        %dma_start3A_80 = arith.constant 0 : i32
        %dma_start3A_81 = arith.constant 0 : i32
        %dma_start3A_82 = tpu.memref_slice %arg5[%arg0, %dma_start3A_80, %dma_start3A_81] : memref<2x10000x128xf32, #tpu.memory_space<hbm>> -> memref<1x10000x128xf32, #tpu.memory_space<hbm>>
        %dma_start3A_83 = tpu.memref_squeeze %dma_start3A_82 : memref<1x10000x128xf32, #tpu.memory_space<hbm>> -> memref<10000x128xf32, #tpu.memory_space<hbm>>
        %dma_start3A_84 = arith.constant 9480 : i32
        %dma_start3A_85 = arith.constant 0 : i32
        %dma_start3A_86 = tpu.memref_slice %dma_start3A_83[%dma_start3A_84, %dma_start3A_85] : memref<10000x128xf32, #tpu.memory_space<hbm>> -> memref<520x128xf32, #tpu.memory_space<hbm>>
        %dma_start3A_87 = arith.constant 9480 : i32
        %dma_start3A_88 = arith.constant 0 : i32
        %dma_start3A_89 = tpu.memref_slice %arg6[%dma_start3A_87, %dma_start3A_88] : memref<10000x128xf32, #tpu.memory_space<vmem_shared>> -> memref<520x128xf32, #tpu.memory_space<vmem_shared>>
        tpu.enqueue_dma source(%dma_start3A_89 : memref<520x128xf32, #tpu.memory_space<vmem_shared>>) target(%dma_start3A_86 : memref<520x128xf32, #tpu.memory_space<hbm>>) target_semaphore(%run_scoped3A : memref<!tpu.dma_semaphore, #tpu.memory_space<semaphore_mem>>)
        %dma_wait3A = arith.constant 0 : i32
        %dma_wait3A_90 = arith.constant 0 : i32
        %dma_wait3A_91 = tpu.memref_slice %arg5[%arg0, %dma_wait3A, %dma_wait3A_90] : memref<2x10000x128xf32, #tpu.memory_space<hbm>> -> memref<1x10000x128xf32, #tpu.memory_space<hbm>>
        %dma_wait3A_92 = tpu.memref_squeeze %dma_wait3A_91 : memref<1x10000x128xf32, #tpu.memory_space<hbm>> -> memref<10000x128xf32, #tpu.memory_space<hbm>>
        %dma_wait3A_93 = arith.constant 9480 : i32
        %dma_wait3A_94 = arith.constant 0 : i32
        %dma_wait3A_95 = tpu.memref_slice %dma_wait3A_92[%dma_wait3A_93, %dma_wait3A_94] : memref<10000x128xf32, #tpu.memory_space<hbm>> -> memref<520x128xf32, #tpu.memory_space<hbm>>
        %dma_wait3A_96 = arith.constant 9480 : i32
        %dma_wait3A_97 = arith.constant 0 : i32
        %dma_wait3A_98 = tpu.memref_slice %arg6[%dma_wait3A_96, %dma_wait3A_97] : memref<10000x128xf32, #tpu.memory_space<vmem_shared>> -> memref<520x128xf32, #tpu.memory_space<vmem_shared>>
        tpu.wait_dma2 semaphore(%run_scoped3A : memref<!tpu.dma_semaphore, #tpu.memory_space<semaphore_mem>>) src(%dma_wait3A_98 : memref<520x128xf32, #tpu.memory_space<vmem_shared>>) dst(%dma_wait3A_95 : memref<520x128xf32, #tpu.memory_space<hbm>>)
        tpu.yield
      }) : () -> ()
    } else {
    }
    return
  }
}

#map = affine_map<(d0, d1) -> (0, 0)>
#map1 = affine_map<(d0, d1) -> (0, 0, 0)>
module attributes {stable_mosaic.version = 14 : i64} {
  func.func @_sc_agg(%arg0: i32, %arg1: i32, %arg2: memref<10000x64xf32, #tpu.memory_space<hbm>>, %arg3: memref<2500x2x128xi32, #tpu.memory_space<hbm>>, %arg4: memref<10000x64xf32, #tpu.memory_space<hbm>>, %arg5: memref<2x10000x64xf32, #tpu.memory_space<hbm>>, %arg6: memref<10000x64xf32, #tpu.memory_space<vmem_shared>>, %arg7: memref<4x2x128xi32, #tpu.memory_space<vmem>>, %arg8: memref<2x128x64xf32, #tpu.memory_space<vmem>>, %arg9: memref<!tpu.dma_semaphore, #tpu.memory_space<semaphore_mem>>, %arg10: memref<!tpu.dma_semaphore, #tpu.memory_space<semaphore_mem>>, %arg11: memref<!tpu.dma_semaphore, #tpu.memory_space<semaphore_mem>>, %arg12: memref<!tpu.dma_semaphore, #tpu.memory_space<semaphore_mem>>, %arg13: memref<!tpu.dma_semaphore, #tpu.memory_space<semaphore_mem>>, %arg14: memref<!tpu.dma_semaphore, #tpu.memory_space<semaphore_mem>>) attributes {dimension_semantics = [#tpu.dimension_semantics<core_parallel>, #tpu.dimension_semantics<subcore_parallel>], iteration_bounds = array<i64: 2, 16>, scalar_prefetch = 0 : i64, scratch_operands = 9 : i64, tpu.core_type = #tpu.core_type<sc_vector_subcore>, window_params = [{transform_indices = #map}, {transform_indices = #map1}, {transform_indices = #map}, {transform_indices = #map1}]} {
    %mul3A = arith.constant 2 : i32
    %mul3A_0 = arith.muli %arg1, %mul3A : i32
    %add3A = arith.addi %mul3A_0, %arg0 : i32
    %lt3A = arith.constant 15 : i32
    %lt3A_1 = arith.cmpi slt, %arg1, %lt3A : i32
    %convert_element_type3A = arith.extui %lt3A_1 : i1 to i32
    %cond3A = arith.constant 0 : i32
    %cond3A_2 = arith.cmpi ne, %convert_element_type3A, %cond3A : i32
    scf.if %cond3A_2 {
      %mul3A_94 = arith.constant 632 : i32
      %mul3A_95 = arith.muli %arg1, %mul3A_94 : i32
      %mul3A_96 = arith.constant 632 : i32
      %mul3A_97 = arith.muli %arg1, %mul3A_96 : i32
      "tpu.region"() ({
        %run_scoped3A = tpu.sem_alloc : memref<!tpu.dma_semaphore, #tpu.memory_space<semaphore_mem>>
        %dma_start3A_98 = arith.constant 0 : i32
        %dma_start3A_99 = tpu.memref_slice %arg6[%mul3A_97, %dma_start3A_98] : memref<10000x64xf32, #tpu.memory_space<vmem_shared>> -> memref<632x64xf32, #tpu.memory_space<vmem_shared>>
        %dma_start3A_100 = arith.constant 0 : i32
        %dma_start3A_101 = tpu.memref_slice %arg4[%mul3A_95, %dma_start3A_100] : memref<10000x64xf32, #tpu.memory_space<hbm>> -> memref<632x64xf32, #tpu.memory_space<hbm>>
        tpu.enqueue_dma source(%dma_start3A_101 : memref<632x64xf32, #tpu.memory_space<hbm>>) target(%dma_start3A_99 : memref<632x64xf32, #tpu.memory_space<vmem_shared>>) target_semaphore(%run_scoped3A : memref<!tpu.dma_semaphore, #tpu.memory_space<semaphore_mem>>)
        %dma_wait3A_102 = arith.constant 0 : i32
        %dma_wait3A_103 = tpu.memref_slice %arg6[%mul3A_97, %dma_wait3A_102] : memref<10000x64xf32, #tpu.memory_space<vmem_shared>> -> memref<632x64xf32, #tpu.memory_space<vmem_shared>>
        %dma_wait3A_104 = arith.constant 0 : i32
        %dma_wait3A_105 = tpu.memref_slice %arg4[%mul3A_95, %dma_wait3A_104] : memref<10000x64xf32, #tpu.memory_space<hbm>> -> memref<632x64xf32, #tpu.memory_space<hbm>>
        tpu.wait_dma2 semaphore(%run_scoped3A : memref<!tpu.dma_semaphore, #tpu.memory_space<semaphore_mem>>) src(%dma_wait3A_105 : memref<632x64xf32, #tpu.memory_space<hbm>>) dst(%dma_wait3A_103 : memref<632x64xf32, #tpu.memory_space<vmem_shared>>)
        tpu.yield
      }) : () -> ()
    } else {
    }
    %eq3A = arith.constant 15 : i32
    %eq3A_3 = arith.cmpi eq, %arg1, %eq3A : i32
    %convert_element_type3A_4 = arith.extui %eq3A_3 : i1 to i32
    %cond3A_5 = arith.constant 0 : i32
    %cond3A_6 = arith.cmpi ne, %convert_element_type3A_4, %cond3A_5 : i32
    scf.if %cond3A_6 {
      "tpu.region"() ({
        %run_scoped3A = tpu.sem_alloc : memref<!tpu.dma_semaphore, #tpu.memory_space<semaphore_mem>>
        %dma_start3A_94 = arith.constant 9480 : i32
        %dma_start3A_95 = arith.constant 0 : i32
        %dma_start3A_96 = tpu.memref_slice %arg6[%dma_start3A_94, %dma_start3A_95] : memref<10000x64xf32, #tpu.memory_space<vmem_shared>> -> memref<520x64xf32, #tpu.memory_space<vmem_shared>>
        %dma_start3A_97 = arith.constant 9480 : i32
        %dma_start3A_98 = arith.constant 0 : i32
        %dma_start3A_99 = tpu.memref_slice %arg4[%dma_start3A_97, %dma_start3A_98] : memref<10000x64xf32, #tpu.memory_space<hbm>> -> memref<520x64xf32, #tpu.memory_space<hbm>>
        tpu.enqueue_dma source(%dma_start3A_99 : memref<520x64xf32, #tpu.memory_space<hbm>>) target(%dma_start3A_96 : memref<520x64xf32, #tpu.memory_space<vmem_shared>>) target_semaphore(%run_scoped3A : memref<!tpu.dma_semaphore, #tpu.memory_space<semaphore_mem>>)
        %dma_wait3A_100 = arith.constant 9480 : i32
        %dma_wait3A_101 = arith.constant 0 : i32
        %dma_wait3A_102 = tpu.memref_slice %arg6[%dma_wait3A_100, %dma_wait3A_101] : memref<10000x64xf32, #tpu.memory_space<vmem_shared>> -> memref<520x64xf32, #tpu.memory_space<vmem_shared>>
        %dma_wait3A_103 = arith.constant 9480 : i32
        %dma_wait3A_104 = arith.constant 0 : i32
        %dma_wait3A_105 = tpu.memref_slice %arg4[%dma_wait3A_103, %dma_wait3A_104] : memref<10000x64xf32, #tpu.memory_space<hbm>> -> memref<520x64xf32, #tpu.memory_space<hbm>>
        tpu.wait_dma2 semaphore(%run_scoped3A : memref<!tpu.dma_semaphore, #tpu.memory_space<semaphore_mem>>) src(%dma_wait3A_105 : memref<520x64xf32, #tpu.memory_space<hbm>>) dst(%dma_wait3A_102 : memref<520x64xf32, #tpu.memory_space<vmem_shared>>)
        tpu.yield
      }) : () -> ()
    } else {
    }
    %lt3A_7 = arith.constant 4 : i32
    %lt3A_8 = arith.cmpi slt, %add3A, %lt3A_7 : i32
    %jit3A = arith.constant 79 : i32
    %jit3A_9 = arith.constant 78 : i32
    %select_n3A = arith.select %lt3A_8, %jit3A, %jit3A_9 : i32
    %mul3A_10 = arith.constant 78 : i32
    %mul3A_11 = arith.muli %add3A, %mul3A_10 : i32
    %min3A = arith.constant 4 : i32
    %min3A_12 = arith.minsi %add3A, %min3A : i32
    %add3A_13 = arith.addi %mul3A_11, %min3A_12 : i32
    %barrier3A = arith.constant 0 : index
    tpu.barrier barrier_id(%barrier3A)
    %dma_start3A = arith.constant 0 : i32
    %dma_start3A_14 = arith.constant 0 : i32
    %dma_start3A_15 = arith.constant 0 : i32
    %dma_start3A_16 = tpu.memref_slice %arg7[%dma_start3A, %dma_start3A_14, %dma_start3A_15] : memref<4x2x128xi32, #tpu.memory_space<vmem>> -> memref<1x2x128xi32, #tpu.memory_space<vmem>>
    %dma_start3A_17 = tpu.memref_squeeze %dma_start3A_16 : memref<1x2x128xi32, #tpu.memory_space<vmem>> -> memref<2x128xi32, #tpu.memory_space<vmem>>
    %dma_start3A_18 = arith.constant 0 : i32
    %dma_start3A_19 = arith.constant 0 : i32
    %dma_start3A_20 = tpu.memref_slice %arg3[%add3A_13, %dma_start3A_18, %dma_start3A_19] : memref<2500x2x128xi32, #tpu.memory_space<hbm>> -> memref<1x2x128xi32, #tpu.memory_space<hbm>>
    %dma_start3A_21 = tpu.memref_squeeze %dma_start3A_20 : memref<1x2x128xi32, #tpu.memory_space<hbm>> -> memref<2x128xi32, #tpu.memory_space<hbm>>
    %dma_start3A_22 = arith.constant 0 : i32
    %dma_start3A_23 = arith.constant 0 : i32
    %dma_start3A_24 = tpu.memref_slice %arg7[%dma_start3A, %dma_start3A_22, %dma_start3A_23] : memref<4x2x128xi32, #tpu.memory_space<vmem>> -> memref<1x2x128xi32, #tpu.memory_space<vmem>>
    %dma_start3A_25 = tpu.memref_squeeze %dma_start3A_24 : memref<1x2x128xi32, #tpu.memory_space<vmem>> -> memref<2x128xi32, #tpu.memory_space<vmem>>
    %dma_start3A_26 = arith.constant 0 : i32
    %dma_start3A_27 = arith.constant 0 : i32
    %dma_start3A_28 = tpu.memref_slice %arg3[%add3A_13, %dma_start3A_26, %dma_start3A_27] : memref<2500x2x128xi32, #tpu.memory_space<hbm>> -> memref<1x2x128xi32, #tpu.memory_space<hbm>>
    %dma_start3A_29 = tpu.memref_squeeze %dma_start3A_28 : memref<1x2x128xi32, #tpu.memory_space<hbm>> -> memref<2x128xi32, #tpu.memory_space<hbm>>
    tpu.enqueue_dma source(%dma_start3A_29 : memref<2x128xi32, #tpu.memory_space<hbm>>) target(%dma_start3A_25 : memref<2x128xi32, #tpu.memory_space<vmem>>) target_semaphore(%arg9 : memref<!tpu.dma_semaphore, #tpu.memory_space<semaphore_mem>>)
    %add3A_30 = arith.constant 1 : i32
    %add3A_31 = arith.addi %add3A_13, %add3A_30 : i32
    %dma_start3A_32 = arith.constant 1 : i32
    %dma_start3A_33 = arith.constant 0 : i32
    %dma_start3A_34 = arith.constant 0 : i32
    %dma_start3A_35 = tpu.memref_slice %arg7[%dma_start3A_32, %dma_start3A_33, %dma_start3A_34] : memref<4x2x128xi32, #tpu.memory_space<vmem>> -> memref<1x2x128xi32, #tpu.memory_space<vmem>>
    %dma_start3A_36 = tpu.memref_squeeze %dma_start3A_35 : memref<1x2x128xi32, #tpu.memory_space<vmem>> -> memref<2x128xi32, #tpu.memory_space<vmem>>
    %dma_start3A_37 = arith.constant 0 : i32
    %dma_start3A_38 = arith.constant 0 : i32
    %dma_start3A_39 = tpu.memref_slice %arg3[%add3A_31, %dma_start3A_37, %dma_start3A_38] : memref<2500x2x128xi32, #tpu.memory_space<hbm>> -> memref<1x2x128xi32, #tpu.memory_space<hbm>>
    %dma_start3A_40 = tpu.memref_squeeze %dma_start3A_39 : memref<1x2x128xi32, #tpu.memory_space<hbm>> -> memref<2x128xi32, #tpu.memory_space<hbm>>
    %dma_start3A_41 = arith.constant 0 : i32
    %dma_start3A_42 = arith.constant 0 : i32
    %dma_start3A_43 = tpu.memref_slice %arg7[%dma_start3A_32, %dma_start3A_41, %dma_start3A_42] : memref<4x2x128xi32, #tpu.memory_space<vmem>> -> memref<1x2x128xi32, #tpu.memory_space<vmem>>
    %dma_start3A_44 = tpu.memref_squeeze %dma_start3A_43 : memref<1x2x128xi32, #tpu.memory_space<vmem>> -> memref<2x128xi32, #tpu.memory_space<vmem>>
    %dma_start3A_45 = arith.constant 0 : i32
    %dma_start3A_46 = arith.constant 0 : i32
    %dma_start3A_47 = tpu.memref_slice %arg3[%add3A_31, %dma_start3A_45, %dma_start3A_46] : memref<2500x2x128xi32, #tpu.memory_space<hbm>> -> memref<1x2x128xi32, #tpu.memory_space<hbm>>
    %dma_start3A_48 = tpu.memref_squeeze %dma_start3A_47 : memref<1x2x128xi32, #tpu.memory_space<hbm>> -> memref<2x128xi32, #tpu.memory_space<hbm>>
    tpu.enqueue_dma source(%dma_start3A_48 : memref<2x128xi32, #tpu.memory_space<hbm>>) target(%dma_start3A_44 : memref<2x128xi32, #tpu.memory_space<vmem>>) target_semaphore(%arg10 : memref<!tpu.dma_semaphore, #tpu.memory_space<semaphore_mem>>)
    %dma_wait3A = arith.constant 0 : i32
    %dma_wait3A_49 = arith.constant 0 : i32
    %dma_wait3A_50 = arith.constant 0 : i32
    %dma_wait3A_51 = tpu.memref_slice %arg7[%dma_wait3A, %dma_wait3A_49, %dma_wait3A_50] : memref<4x2x128xi32, #tpu.memory_space<vmem>> -> memref<1x2x128xi32, #tpu.memory_space<vmem>>
    %dma_wait3A_52 = tpu.memref_squeeze %dma_wait3A_51 : memref<1x2x128xi32, #tpu.memory_space<vmem>> -> memref<2x128xi32, #tpu.memory_space<vmem>>
    %dma_wait3A_53 = arith.constant 0 : i32
    %dma_wait3A_54 = arith.constant 0 : i32
    %dma_wait3A_55 = tpu.memref_slice %arg3[%add3A_13, %dma_wait3A_53, %dma_wait3A_54] : memref<2500x2x128xi32, #tpu.memory_space<hbm>> -> memref<1x2x128xi32, #tpu.memory_space<hbm>>
    %dma_wait3A_56 = tpu.memref_squeeze %dma_wait3A_55 : memref<1x2x128xi32, #tpu.memory_space<hbm>> -> memref<2x128xi32, #tpu.memory_space<hbm>>
    %dma_wait3A_57 = arith.constant 0 : i32
    %dma_wait3A_58 = arith.constant 0 : i32
    %dma_wait3A_59 = tpu.memref_slice %arg7[%dma_wait3A, %dma_wait3A_57, %dma_wait3A_58] : memref<4x2x128xi32, #tpu.memory_space<vmem>> -> memref<1x2x128xi32, #tpu.memory_space<vmem>>
    %dma_wait3A_60 = tpu.memref_squeeze %dma_wait3A_59 : memref<1x2x128xi32, #tpu.memory_space<vmem>> -> memref<2x128xi32, #tpu.memory_space<vmem>>
    %dma_wait3A_61 = arith.constant 0 : i32
    %dma_wait3A_62 = arith.constant 0 : i32
    %dma_wait3A_63 = tpu.memref_slice %arg3[%add3A_13, %dma_wait3A_61, %dma_wait3A_62] : memref<2500x2x128xi32, #tpu.memory_space<hbm>> -> memref<1x2x128xi32, #tpu.memory_space<hbm>>
    %dma_wait3A_64 = tpu.memref_squeeze %dma_wait3A_63 : memref<1x2x128xi32, #tpu.memory_space<hbm>> -> memref<2x128xi32, #tpu.memory_space<hbm>>
    tpu.wait_dma2 semaphore(%arg9 : memref<!tpu.dma_semaphore, #tpu.memory_space<semaphore_mem>>) src(%dma_wait3A_64 : memref<2x128xi32, #tpu.memory_space<hbm>>) dst(%dma_wait3A_60 : memref<2x128xi32, #tpu.memory_space<vmem>>)
    %dma_start3A_65 = arith.constant 0 : i32
    %dma_start3A_66 = arith.constant 0 : i32
    %dma_start3A_67 = arith.constant 0 : i32
    %dma_start3A_68 = arith.constant 0 : i32
    %dma_start3A_69 = arith.constant 0 : i32
    %dma_start3A_70 = tpu.memref_slice %arg8[%dma_start3A_67, %dma_start3A_68, %dma_start3A_69] : memref<2x128x64xf32, #tpu.memory_space<vmem>> -> memref<1x128x64xf32, #tpu.memory_space<vmem>>
    %dma_start3A_71 = tpu.memref_squeeze %dma_start3A_70 : memref<1x128x64xf32, #tpu.memory_space<vmem>> -> memref<128x64xf32, #tpu.memory_space<vmem>>
    %dma_start3A_72 = arith.constant 0 : i32
    %dma_start3A_73 = tpu.memref_slice %arg7[%dma_start3A_65, %dma_start3A_66, %dma_start3A_72] : memref<4x2x128xi32, #tpu.memory_space<vmem>> -> memref<1x1x128xi32, #tpu.memory_space<vmem>>
    %dma_start3A_74 = tpu.memref_squeeze %dma_start3A_73 : memref<1x1x128xi32, #tpu.memory_space<vmem>> -> memref<128xi32, #tpu.memory_space<vmem>>
    %dma_start3A_75 = arith.constant 0 : i32
    %dma_start3A_76 = arith.constant 0 : i32
    %dma_start3A_77 = tpu.memref_slice %arg2[%dma_start3A_75, %dma_start3A_76] : memref<10000x64xf32, #tpu.memory_space<hbm>> -> memref<10000x64xf32, #tpu.memory_space<hbm>>
    tpu.enqueue_indirect_dma source(%dma_start3A_77 : memref<10000x64xf32, #tpu.memory_space<hbm>>) target(%dma_start3A_71 : memref<128x64xf32, #tpu.memory_space<vmem>>) offsets(%dma_start3A_74 : memref<128xi32, #tpu.memory_space<vmem>>) semaphore(%arg13 : memref<!tpu.dma_semaphore, #tpu.memory_space<semaphore_mem>>)
    %scan3A = arith.constant 0 : i32
    %scan3A_78 = arith.constant 0 : i32
    %scan3A_79 = arith.constant 20 : i32
    %scan3A_80 = arith.addi %scan3A_78, %scan3A_79 : i32
    %scan3A_81 = arith.constant 1 : i32
    scf.for %scan3A_94 = %scan3A_78 to %scan3A_80 step %scan3A_81  : i32 {
      %mul3A_95 = arith.constant 4 : i32
      %mul3A_96 = arith.muli %mul3A_95, %scan3A_94 : i32
      %add3A_97 = arith.constant 0 : i32
      %add3A_98 = arith.addi %mul3A_96, %add3A_97 : i32
      %lt3A_99 = arith.cmpi slt, %add3A_98, %select_n3A : i32
      %convert_element_type3A_100 = arith.extui %lt3A_99 : i1 to i32
      %cond3A_101 = arith.constant 0 : i32
      %cond3A_102 = arith.cmpi ne, %convert_element_type3A_100, %cond3A_101 : i32
      scf.if %cond3A_102 {
        %dma_wait3A_127 = arith.constant 0 : i32
        %dma_wait3A_128 = arith.constant 0 : i32
        %dma_wait3A_129 = arith.constant 0 : i32
        %dma_wait3A_130 = arith.constant 0 : i32
        %dma_wait3A_131 = arith.constant 0 : i32
        %dma_wait3A_132 = tpu.memref_slice %arg8[%dma_wait3A_129, %dma_wait3A_130, %dma_wait3A_131] : memref<2x128x64xf32, #tpu.memory_space<vmem>> -> memref<1x128x64xf32, #tpu.memory_space<vmem>>
        %dma_wait3A_133 = tpu.memref_squeeze %dma_wait3A_132 : memref<1x128x64xf32, #tpu.memory_space<vmem>> -> memref<128x64xf32, #tpu.memory_space<vmem>>
        %dma_wait3A_134 = arith.constant 0 : i32
        %dma_wait3A_135 = tpu.memref_slice %arg7[%dma_wait3A_127, %dma_wait3A_128, %dma_wait3A_134] : memref<4x2x128xi32, #tpu.memory_space<vmem>> -> memref<1x1x128xi32, #tpu.memory_space<vmem>>
        %dma_wait3A_136 = tpu.memref_squeeze %dma_wait3A_135 : memref<1x1x128xi32, #tpu.memory_space<vmem>> -> memref<128xi32, #tpu.memory_space<vmem>>
        %dma_wait3A_137 = arith.constant 0 : i32
        %dma_wait3A_138 = arith.constant 0 : i32
        %dma_wait3A_139 = tpu.memref_slice %arg2[%dma_wait3A_137, %dma_wait3A_138] : memref<10000x64xf32, #tpu.memory_space<hbm>> -> memref<10000x64xf32, #tpu.memory_space<hbm>>
        tpu.wait_indirect_dma semaphore(%arg13 : memref<!tpu.dma_semaphore, #tpu.memory_space<semaphore_mem>>) src(%dma_wait3A_139 : memref<10000x64xf32, #tpu.memory_space<hbm>>) dst(%dma_wait3A_133 : memref<128x64xf32, #tpu.memory_space<vmem>>)
        %add3A_140 = arith.constant 2 : i32
        %add3A_141 = arith.addi %add3A_98, %add3A_140 : i32
        %lt3A_142 = arith.cmpi slt, %add3A_141, %select_n3A : i32
        %convert_element_type3A_143 = arith.extui %lt3A_142 : i1 to i32
        %cond3A_144 = arith.constant 0 : i32
        %cond3A_145 = arith.cmpi ne, %convert_element_type3A_143, %cond3A_144 : i32
        scf.if %cond3A_145 {
          %add3A_154 = arith.addi %add3A_13, %add3A_98 : i32
          %add3A_155 = arith.constant 2 : i32
          %add3A_156 = arith.addi %add3A_154, %add3A_155 : i32
          %dma_start3A_157 = arith.constant 2 : i32
          %dma_start3A_158 = arith.constant 0 : i32
          %dma_start3A_159 = arith.constant 0 : i32
          %dma_start3A_160 = tpu.memref_slice %arg7[%dma_start3A_157, %dma_start3A_158, %dma_start3A_159] : memref<4x2x128xi32, #tpu.memory_space<vmem>> -> memref<1x2x128xi32, #tpu.memory_space<vmem>>
          %dma_start3A_161 = tpu.memref_squeeze %dma_start3A_160 : memref<1x2x128xi32, #tpu.memory_space<vmem>> -> memref<2x128xi32, #tpu.memory_space<vmem>>
          %dma_start3A_162 = arith.constant 0 : i32
          %dma_start3A_163 = arith.constant 0 : i32
          %dma_start3A_164 = tpu.memref_slice %arg3[%add3A_156, %dma_start3A_162, %dma_start3A_163] : memref<2500x2x128xi32, #tpu.memory_space<hbm>> -> memref<1x2x128xi32, #tpu.memory_space<hbm>>
          %dma_start3A_165 = tpu.memref_squeeze %dma_start3A_164 : memref<1x2x128xi32, #tpu.memory_space<hbm>> -> memref<2x128xi32, #tpu.memory_space<hbm>>
          %dma_start3A_166 = arith.constant 0 : i32
          %dma_start3A_167 = arith.constant 0 : i32
          %dma_start3A_168 = tpu.memref_slice %arg7[%dma_start3A_157, %dma_start3A_166, %dma_start3A_167] : memref<4x2x128xi32, #tpu.memory_space<vmem>> -> memref<1x2x128xi32, #tpu.memory_space<vmem>>
          %dma_start3A_169 = tpu.memref_squeeze %dma_start3A_168 : memref<1x2x128xi32, #tpu.memory_space<vmem>> -> memref<2x128xi32, #tpu.memory_space<vmem>>
          %dma_start3A_170 = arith.constant 0 : i32
          %dma_start3A_171 = arith.constant 0 : i32
          %dma_start3A_172 = tpu.memref_slice %arg3[%add3A_156, %dma_start3A_170, %dma_start3A_171] : memref<2500x2x128xi32, #tpu.memory_space<hbm>> -> memref<1x2x128xi32, #tpu.memory_space<hbm>>
          %dma_start3A_173 = tpu.memref_squeeze %dma_start3A_172 : memref<1x2x128xi32, #tpu.memory_space<hbm>> -> memref<2x128xi32, #tpu.memory_space<hbm>>
          tpu.enqueue_dma source(%dma_start3A_173 : memref<2x128xi32, #tpu.memory_space<hbm>>) target(%dma_start3A_169 : memref<2x128xi32, #tpu.memory_space<vmem>>) target_semaphore(%arg11 : memref<!tpu.dma_semaphore, #tpu.memory_space<semaphore_mem>>)
        } else {
        }
        %add3A_146 = arith.constant 1 : i32
        %add3A_147 = arith.addi %add3A_98, %add3A_146 : i32
        %lt3A_148 = arith.cmpi slt, %add3A_147, %select_n3A : i32
        %convert_element_type3A_149 = arith.extui %lt3A_148 : i1 to i32
        %cond3A_150 = arith.constant 0 : i32
        %cond3A_151 = arith.cmpi ne, %convert_element_type3A_149, %cond3A_150 : i32
        scf.if %cond3A_151 {
          %add3A_154 = arith.addi %add3A_13, %add3A_98 : i32
          %add3A_155 = arith.constant 1 : i32
          %add3A_156 = arith.addi %add3A_154, %add3A_155 : i32
          %dma_wait3A_157 = arith.constant 1 : i32
          %dma_wait3A_158 = arith.constant 0 : i32
          %dma_wait3A_159 = arith.constant 0 : i32
          %dma_wait3A_160 = tpu.memref_slice %arg7[%dma_wait3A_157, %dma_wait3A_158, %dma_wait3A_159] : memref<4x2x128xi32, #tpu.memory_space<vmem>> -> memref<1x2x128xi32, #tpu.memory_space<vmem>>
          %dma_wait3A_161 = tpu.memref_squeeze %dma_wait3A_160 : memref<1x2x128xi32, #tpu.memory_space<vmem>> -> memref<2x128xi32, #tpu.memory_space<vmem>>
          %dma_wait3A_162 = arith.constant 0 : i32
          %dma_wait3A_163 = arith.constant 0 : i32
          %dma_wait3A_164 = tpu.memref_slice %arg3[%add3A_156, %dma_wait3A_162, %dma_wait3A_163] : memref<2500x2x128xi32, #tpu.memory_space<hbm>> -> memref<1x2x128xi32, #tpu.memory_space<hbm>>
          %dma_wait3A_165 = tpu.memref_squeeze %dma_wait3A_164 : memref<1x2x128xi32, #tpu.memory_space<hbm>> -> memref<2x128xi32, #tpu.memory_space<hbm>>
          %dma_wait3A_166 = arith.constant 0 : i32
          %dma_wait3A_167 = arith.constant 0 : i32
          %dma_wait3A_168 = tpu.memref_slice %arg7[%dma_wait3A_157, %dma_wait3A_166, %dma_wait3A_167] : memref<4x2x128xi32, #tpu.memory_space<vmem>> -> memref<1x2x128xi32, #tpu.memory_space<vmem>>
          %dma_wait3A_169 = tpu.memref_squeeze %dma_wait3A_168 : memref<1x2x128xi32, #tpu.memory_space<vmem>> -> memref<2x128xi32, #tpu.memory_space<vmem>>
          %dma_wait3A_170 = arith.constant 0 : i32
          %dma_wait3A_171 = arith.constant 0 : i32
          %dma_wait3A_172 = tpu.memref_slice %arg3[%add3A_156, %dma_wait3A_170, %dma_wait3A_171] : memref<2500x2x128xi32, #tpu.memory_space<hbm>> -> memref<1x2x128xi32, #tpu.memory_space<hbm>>
          %dma_wait3A_173 = tpu.memref_squeeze %dma_wait3A_172 : memref<1x2x128xi32, #tpu.memory_space<hbm>> -> memref<2x128xi32, #tpu.memory_space<hbm>>
          tpu.wait_dma2 semaphore(%arg10 : memref<!tpu.dma_semaphore, #tpu.memory_space<semaphore_mem>>) src(%dma_wait3A_173 : memref<2x128xi32, #tpu.memory_space<hbm>>) dst(%dma_wait3A_169 : memref<2x128xi32, #tpu.memory_space<vmem>>)
          %dma_start3A_174 = arith.constant 1 : i32
          %dma_start3A_175 = arith.constant 0 : i32
          %dma_start3A_176 = arith.constant 1 : i32
          %dma_start3A_177 = arith.constant 0 : i32
          %dma_start3A_178 = arith.constant 0 : i32
          %dma_start3A_179 = tpu.memref_slice %arg8[%dma_start3A_176, %dma_start3A_177, %dma_start3A_178] : memref<2x128x64xf32, #tpu.memory_space<vmem>> -> memref<1x128x64xf32, #tpu.memory_space<vmem>>
          %dma_start3A_180 = tpu.memref_squeeze %dma_start3A_179 : memref<1x128x64xf32, #tpu.memory_space<vmem>> -> memref<128x64xf32, #tpu.memory_space<vmem>>
          %dma_start3A_181 = arith.constant 0 : i32
          %dma_start3A_182 = tpu.memref_slice %arg7[%dma_start3A_174, %dma_start3A_175, %dma_start3A_181] : memref<4x2x128xi32, #tpu.memory_space<vmem>> -> memref<1x1x128xi32, #tpu.memory_space<vmem>>
          %dma_start3A_183 = tpu.memref_squeeze %dma_start3A_182 : memref<1x1x128xi32, #tpu.memory_space<vmem>> -> memref<128xi32, #tpu.memory_space<vmem>>
          %dma_start3A_184 = arith.constant 0 : i32
          %dma_start3A_185 = arith.constant 0 : i32
          %dma_start3A_186 = tpu.memref_slice %arg2[%dma_start3A_184, %dma_start3A_185] : memref<10000x64xf32, #tpu.memory_space<hbm>> -> memref<10000x64xf32, #tpu.memory_space<hbm>>
          tpu.enqueue_indirect_dma source(%dma_start3A_186 : memref<10000x64xf32, #tpu.memory_space<hbm>>) target(%dma_start3A_180 : memref<128x64xf32, #tpu.memory_space<vmem>>) offsets(%dma_start3A_183 : memref<128xi32, #tpu.memory_space<vmem>>) semaphore(%arg14 : memref<!tpu.dma_semaphore, #tpu.memory_space<semaphore_mem>>)
        } else {
        }
        %run_scoped3A = arith.constant 0 : i32
        %run_scoped3A_152 = arith.constant 0 : i32
        %run_scoped3A_153 = arith.constant 1 : i32
        "tpu.region"() ({
          %run_scoped3A_154 = tpu.sem_alloc : memref<!tpu.dma_semaphore, #tpu.memory_space<semaphore_mem>>
          %dma_start3A_155 = arith.constant 0 : i32
          %dma_start3A_156 = arith.constant 0 : i32
          %dma_start3A_157 = tpu.memref_slice %arg8[%run_scoped3A, %dma_start3A_155, %dma_start3A_156] : memref<2x128x64xf32, #tpu.memory_space<vmem>> -> memref<1x128x64xf32, #tpu.memory_space<vmem>>
          %dma_start3A_158 = tpu.memref_squeeze %dma_start3A_157 : memref<1x128x64xf32, #tpu.memory_space<vmem>> -> memref<128x64xf32, #tpu.memory_space<vmem>>
          %dma_start3A_159 = arith.constant 0 : i32
          %dma_start3A_160 = tpu.memref_slice %arg7[%run_scoped3A_152, %run_scoped3A_153, %dma_start3A_159] : memref<4x2x128xi32, #tpu.memory_space<vmem>> -> memref<1x1x128xi32, #tpu.memory_space<vmem>>
          %dma_start3A_161 = tpu.memref_squeeze %dma_start3A_160 : memref<1x1x128xi32, #tpu.memory_space<vmem>> -> memref<128xi32, #tpu.memory_space<vmem>>
          %dma_start3A_162 = arith.constant 0 : i32
          %dma_start3A_163 = arith.constant 0 : i32
          %dma_start3A_164 = tpu.memref_slice %arg6[%dma_start3A_162, %dma_start3A_163] : memref<10000x64xf32, #tpu.memory_space<vmem_shared>> -> memref<10000x64xf32, #tpu.memory_space<vmem_shared>>
          tpu.enqueue_indirect_dma source(%dma_start3A_158 : memref<128x64xf32, #tpu.memory_space<vmem>>) target(%dma_start3A_164 : memref<10000x64xf32, #tpu.memory_space<vmem_shared>>) offsets(%dma_start3A_161 : memref<128xi32, #tpu.memory_space<vmem>>) semaphore(%run_scoped3A_154 : memref<!tpu.dma_semaphore, #tpu.memory_space<semaphore_mem>>) {add = true}
          %dma_wait3A_165 = arith.constant 0 : i32
          %dma_wait3A_166 = arith.constant 0 : i32
          %dma_wait3A_167 = tpu.memref_slice %arg8[%run_scoped3A, %dma_wait3A_165, %dma_wait3A_166] : memref<2x128x64xf32, #tpu.memory_space<vmem>> -> memref<1x128x64xf32, #tpu.memory_space<vmem>>
          %dma_wait3A_168 = tpu.memref_squeeze %dma_wait3A_167 : memref<1x128x64xf32, #tpu.memory_space<vmem>> -> memref<128x64xf32, #tpu.memory_space<vmem>>
          %dma_wait3A_169 = arith.constant 0 : i32
          %dma_wait3A_170 = tpu.memref_slice %arg7[%run_scoped3A_152, %run_scoped3A_153, %dma_wait3A_169] : memref<4x2x128xi32, #tpu.memory_space<vmem>> -> memref<1x1x128xi32, #tpu.memory_space<vmem>>
          %dma_wait3A_171 = tpu.memref_squeeze %dma_wait3A_170 : memref<1x1x128xi32, #tpu.memory_space<vmem>> -> memref<128xi32, #tpu.memory_space<vmem>>
          %dma_wait3A_172 = arith.constant 0 : i32
          %dma_wait3A_173 = arith.constant 0 : i32
          %dma_wait3A_174 = tpu.memref_slice %arg6[%dma_wait3A_172, %dma_wait3A_173] : memref<10000x64xf32, #tpu.memory_space<vmem_shared>> -> memref<10000x64xf32, #tpu.memory_space<vmem_shared>>
          tpu.wait_indirect_dma semaphore(%run_scoped3A_154 : memref<!tpu.dma_semaphore, #tpu.memory_space<semaphore_mem>>) src(%dma_wait3A_168 : memref<128x64xf32, #tpu.memory_space<vmem>>) dst(%dma_wait3A_174 : memref<10000x64xf32, #tpu.memory_space<vmem_shared>>)
          tpu.yield
        }) : () -> ()
      } else {
      }
      %mul3A_103 = arith.constant 4 : i32
      %mul3A_104 = arith.muli %mul3A_103, %scan3A_94 : i32
      %add3A_105 = arith.constant 1 : i32
      %add3A_106 = arith.addi %mul3A_104, %add3A_105 : i32
      %lt3A_107 = arith.cmpi slt, %add3A_106, %select_n3A : i32
      %convert_element_type3A_108 = arith.extui %lt3A_107 : i1 to i32
      %cond3A_109 = arith.constant 0 : i32
      %cond3A_110 = arith.cmpi ne, %convert_element_type3A_108, %cond3A_109 : i32
      scf.if %cond3A_110 {
        %dma_wait3A_127 = arith.constant 1 : i32
        %dma_wait3A_128 = arith.constant 0 : i32
        %dma_wait3A_129 = arith.constant 1 : i32
        %dma_wait3A_130 = arith.constant 0 : i32
        %dma_wait3A_131 = arith.constant 0 : i32
        %dma_wait3A_132 = tpu.memref_slice %arg8[%dma_wait3A_129, %dma_wait3A_130, %dma_wait3A_131] : memref<2x128x64xf32, #tpu.memory_space<vmem>> -> memref<1x128x64xf32, #tpu.memory_space<vmem>>
        %dma_wait3A_133 = tpu.memref_squeeze %dma_wait3A_132 : memref<1x128x64xf32, #tpu.memory_space<vmem>> -> memref<128x64xf32, #tpu.memory_space<vmem>>
        %dma_wait3A_134 = arith.constant 0 : i32
        %dma_wait3A_135 = tpu.memref_slice %arg7[%dma_wait3A_127, %dma_wait3A_128, %dma_wait3A_134] : memref<4x2x128xi32, #tpu.memory_space<vmem>> -> memref<1x1x128xi32, #tpu.memory_space<vmem>>
        %dma_wait3A_136 = tpu.memref_squeeze %dma_wait3A_135 : memref<1x1x128xi32, #tpu.memory_space<vmem>> -> memref<128xi32, #tpu.memory_space<vmem>>
        %dma_wait3A_137 = arith.constant 0 : i32
        %dma_wait3A_138 = arith.constant 0 : i32
        %dma_wait3A_139 = tpu.memref_slice %arg2[%dma_wait3A_137, %dma_wait3A_138] : memref<10000x64xf32, #tpu.memory_space<hbm>> -> memref<10000x64xf32, #tpu.memory_space<hbm>>
        tpu.wait_indirect_dma semaphore(%arg14 : memref<!tpu.dma_semaphore, #tpu.memory_space<semaphore_mem>>) src(%dma_wait3A_139 : memref<10000x64xf32, #tpu.memory_space<hbm>>) dst(%dma_wait3A_133 : memref<128x64xf32, #tpu.memory_space<vmem>>)
        %add3A_140 = arith.constant 2 : i32
        %add3A_141 = arith.addi %add3A_106, %add3A_140 : i32
        %lt3A_142 = arith.cmpi slt, %add3A_141, %select_n3A : i32
        %convert_element_type3A_143 = arith.extui %lt3A_142 : i1 to i32
        %cond3A_144 = arith.constant 0 : i32
        %cond3A_145 = arith.cmpi ne, %convert_element_type3A_143, %cond3A_144 : i32
        scf.if %cond3A_145 {
          %add3A_154 = arith.addi %add3A_13, %add3A_106 : i32
          %add3A_155 = arith.constant 2 : i32
          %add3A_156 = arith.addi %add3A_154, %add3A_155 : i32
          %dma_start3A_157 = arith.constant 3 : i32
          %dma_start3A_158 = arith.constant 0 : i32
          %dma_start3A_159 = arith.constant 0 : i32
          %dma_start3A_160 = tpu.memref_slice %arg7[%dma_start3A_157, %dma_start3A_158, %dma_start3A_159] : memref<4x2x128xi32, #tpu.memory_space<vmem>> -> memref<1x2x128xi32, #tpu.memory_space<vmem>>
          %dma_start3A_161 = tpu.memref_squeeze %dma_start3A_160 : memref<1x2x128xi32, #tpu.memory_space<vmem>> -> memref<2x128xi32, #tpu.memory_space<vmem>>
          %dma_start3A_162 = arith.constant 0 : i32
          %dma_start3A_163 = arith.constant 0 : i32
          %dma_start3A_164 = tpu.memref_slice %arg3[%add3A_156, %dma_start3A_162, %dma_start3A_163] : memref<2500x2x128xi32, #tpu.memory_space<hbm>> -> memref<1x2x128xi32, #tpu.memory_space<hbm>>
          %dma_start3A_165 = tpu.memref_squeeze %dma_start3A_164 : memref<1x2x128xi32, #tpu.memory_space<hbm>> -> memref<2x128xi32, #tpu.memory_space<hbm>>
          %dma_start3A_166 = arith.constant 0 : i32
          %dma_start3A_167 = arith.constant 0 : i32
          %dma_start3A_168 = tpu.memref_slice %arg7[%dma_start3A_157, %dma_start3A_166, %dma_start3A_167] : memref<4x2x128xi32, #tpu.memory_space<vmem>> -> memref<1x2x128xi32, #tpu.memory_space<vmem>>
          %dma_start3A_169 = tpu.memref_squeeze %dma_start3A_168 : memref<1x2x128xi32, #tpu.memory_space<vmem>> -> memref<2x128xi32, #tpu.memory_space<vmem>>
          %dma_start3A_170 = arith.constant 0 : i32
          %dma_start3A_171 = arith.constant 0 : i32
          %dma_start3A_172 = tpu.memref_slice %arg3[%add3A_156, %dma_start3A_170, %dma_start3A_171] : memref<2500x2x128xi32, #tpu.memory_space<hbm>> -> memref<1x2x128xi32, #tpu.memory_space<hbm>>
          %dma_start3A_173 = tpu.memref_squeeze %dma_start3A_172 : memref<1x2x128xi32, #tpu.memory_space<hbm>> -> memref<2x128xi32, #tpu.memory_space<hbm>>
          tpu.enqueue_dma source(%dma_start3A_173 : memref<2x128xi32, #tpu.memory_space<hbm>>) target(%dma_start3A_169 : memref<2x128xi32, #tpu.memory_space<vmem>>) target_semaphore(%arg12 : memref<!tpu.dma_semaphore, #tpu.memory_space<semaphore_mem>>)
        } else {
        }
        %add3A_146 = arith.constant 1 : i32
        %add3A_147 = arith.addi %add3A_106, %add3A_146 : i32
        %lt3A_148 = arith.cmpi slt, %add3A_147, %select_n3A : i32
        %convert_element_type3A_149 = arith.extui %lt3A_148 : i1 to i32
        %cond3A_150 = arith.constant 0 : i32
        %cond3A_151 = arith.cmpi ne, %convert_element_type3A_149, %cond3A_150 : i32
        scf.if %cond3A_151 {
          %add3A_154 = arith.addi %add3A_13, %add3A_106 : i32
          %add3A_155 = arith.constant 1 : i32
          %add3A_156 = arith.addi %add3A_154, %add3A_155 : i32
          %dma_wait3A_157 = arith.constant 2 : i32
          %dma_wait3A_158 = arith.constant 0 : i32
          %dma_wait3A_159 = arith.constant 0 : i32
          %dma_wait3A_160 = tpu.memref_slice %arg7[%dma_wait3A_157, %dma_wait3A_158, %dma_wait3A_159] : memref<4x2x128xi32, #tpu.memory_space<vmem>> -> memref<1x2x128xi32, #tpu.memory_space<vmem>>
          %dma_wait3A_161 = tpu.memref_squeeze %dma_wait3A_160 : memref<1x2x128xi32, #tpu.memory_space<vmem>> -> memref<2x128xi32, #tpu.memory_space<vmem>>
          %dma_wait3A_162 = arith.constant 0 : i32
          %dma_wait3A_163 = arith.constant 0 : i32
          %dma_wait3A_164 = tpu.memref_slice %arg3[%add3A_156, %dma_wait3A_162, %dma_wait3A_163] : memref<2500x2x128xi32, #tpu.memory_space<hbm>> -> memref<1x2x128xi32, #tpu.memory_space<hbm>>
          %dma_wait3A_165 = tpu.memref_squeeze %dma_wait3A_164 : memref<1x2x128xi32, #tpu.memory_space<hbm>> -> memref<2x128xi32, #tpu.memory_space<hbm>>
          %dma_wait3A_166 = arith.constant 0 : i32
          %dma_wait3A_167 = arith.constant 0 : i32
          %dma_wait3A_168 = tpu.memref_slice %arg7[%dma_wait3A_157, %dma_wait3A_166, %dma_wait3A_167] : memref<4x2x128xi32, #tpu.memory_space<vmem>> -> memref<1x2x128xi32, #tpu.memory_space<vmem>>
          %dma_wait3A_169 = tpu.memref_squeeze %dma_wait3A_168 : memref<1x2x128xi32, #tpu.memory_space<vmem>> -> memref<2x128xi32, #tpu.memory_space<vmem>>
          %dma_wait3A_170 = arith.constant 0 : i32
          %dma_wait3A_171 = arith.constant 0 : i32
          %dma_wait3A_172 = tpu.memref_slice %arg3[%add3A_156, %dma_wait3A_170, %dma_wait3A_171] : memref<2500x2x128xi32, #tpu.memory_space<hbm>> -> memref<1x2x128xi32, #tpu.memory_space<hbm>>
          %dma_wait3A_173 = tpu.memref_squeeze %dma_wait3A_172 : memref<1x2x128xi32, #tpu.memory_space<hbm>> -> memref<2x128xi32, #tpu.memory_space<hbm>>
          tpu.wait_dma2 semaphore(%arg11 : memref<!tpu.dma_semaphore, #tpu.memory_space<semaphore_mem>>) src(%dma_wait3A_173 : memref<2x128xi32, #tpu.memory_space<hbm>>) dst(%dma_wait3A_169 : memref<2x128xi32, #tpu.memory_space<vmem>>)
          %dma_start3A_174 = arith.constant 2 : i32
          %dma_start3A_175 = arith.constant 0 : i32
          %dma_start3A_176 = arith.constant 0 : i32
          %dma_start3A_177 = arith.constant 0 : i32
          %dma_start3A_178 = arith.constant 0 : i32
          %dma_start3A_179 = tpu.memref_slice %arg8[%dma_start3A_176, %dma_start3A_177, %dma_start3A_178] : memref<2x128x64xf32, #tpu.memory_space<vmem>> -> memref<1x128x64xf32, #tpu.memory_space<vmem>>
          %dma_start3A_180 = tpu.memref_squeeze %dma_start3A_179 : memref<1x128x64xf32, #tpu.memory_space<vmem>> -> memref<128x64xf32, #tpu.memory_space<vmem>>
          %dma_start3A_181 = arith.constant 0 : i32
          %dma_start3A_182 = tpu.memref_slice %arg7[%dma_start3A_174, %dma_start3A_175, %dma_start3A_181] : memref<4x2x128xi32, #tpu.memory_space<vmem>> -> memref<1x1x128xi32, #tpu.memory_space<vmem>>
          %dma_start3A_183 = tpu.memref_squeeze %dma_start3A_182 : memref<1x1x128xi32, #tpu.memory_space<vmem>> -> memref<128xi32, #tpu.memory_space<vmem>>
          %dma_start3A_184 = arith.constant 0 : i32
          %dma_start3A_185 = arith.constant 0 : i32
          %dma_start3A_186 = tpu.memref_slice %arg2[%dma_start3A_184, %dma_start3A_185] : memref<10000x64xf32, #tpu.memory_space<hbm>> -> memref<10000x64xf32, #tpu.memory_space<hbm>>
          tpu.enqueue_indirect_dma source(%dma_start3A_186 : memref<10000x64xf32, #tpu.memory_space<hbm>>) target(%dma_start3A_180 : memref<128x64xf32, #tpu.memory_space<vmem>>) offsets(%dma_start3A_183 : memref<128xi32, #tpu.memory_space<vmem>>) semaphore(%arg13 : memref<!tpu.dma_semaphore, #tpu.memory_space<semaphore_mem>>)
        } else {
        }
        %run_scoped3A = arith.constant 1 : i32
        %run_scoped3A_152 = arith.constant 1 : i32
        %run_scoped3A_153 = arith.constant 1 : i32
        "tpu.region"() ({
          %run_scoped3A_154 = tpu.sem_alloc : memref<!tpu.dma_semaphore, #tpu.memory_space<semaphore_mem>>
          %dma_start3A_155 = arith.constant 0 : i32
          %dma_start3A_156 = arith.constant 0 : i32
          %dma_start3A_157 = tpu.memref_slice %arg8[%run_scoped3A, %dma_start3A_155, %dma_start3A_156] : memref<2x128x64xf32, #tpu.memory_space<vmem>> -> memref<1x128x64xf32, #tpu.memory_space<vmem>>
          %dma_start3A_158 = tpu.memref_squeeze %dma_start3A_157 : memref<1x128x64xf32, #tpu.memory_space<vmem>> -> memref<128x64xf32, #tpu.memory_space<vmem>>
          %dma_start3A_159 = arith.constant 0 : i32
          %dma_start3A_160 = tpu.memref_slice %arg7[%run_scoped3A_152, %run_scoped3A_153, %dma_start3A_159] : memref<4x2x128xi32, #tpu.memory_space<vmem>> -> memref<1x1x128xi32, #tpu.memory_space<vmem>>
          %dma_start3A_161 = tpu.memref_squeeze %dma_start3A_160 : memref<1x1x128xi32, #tpu.memory_space<vmem>> -> memref<128xi32, #tpu.memory_space<vmem>>
          %dma_start3A_162 = arith.constant 0 : i32
          %dma_start3A_163 = arith.constant 0 : i32
          %dma_start3A_164 = tpu.memref_slice %arg6[%dma_start3A_162, %dma_start3A_163] : memref<10000x64xf32, #tpu.memory_space<vmem_shared>> -> memref<10000x64xf32, #tpu.memory_space<vmem_shared>>
          tpu.enqueue_indirect_dma source(%dma_start3A_158 : memref<128x64xf32, #tpu.memory_space<vmem>>) target(%dma_start3A_164 : memref<10000x64xf32, #tpu.memory_space<vmem_shared>>) offsets(%dma_start3A_161 : memref<128xi32, #tpu.memory_space<vmem>>) semaphore(%run_scoped3A_154 : memref<!tpu.dma_semaphore, #tpu.memory_space<semaphore_mem>>) {add = true}
          %dma_wait3A_165 = arith.constant 0 : i32
          %dma_wait3A_166 = arith.constant 0 : i32
          %dma_wait3A_167 = tpu.memref_slice %arg8[%run_scoped3A, %dma_wait3A_165, %dma_wait3A_166] : memref<2x128x64xf32, #tpu.memory_space<vmem>> -> memref<1x128x64xf32, #tpu.memory_space<vmem>>
          %dma_wait3A_168 = tpu.memref_squeeze %dma_wait3A_167 : memref<1x128x64xf32, #tpu.memory_space<vmem>> -> memref<128x64xf32, #tpu.memory_space<vmem>>
          %dma_wait3A_169 = arith.constant 0 : i32
          %dma_wait3A_170 = tpu.memref_slice %arg7[%run_scoped3A_152, %run_scoped3A_153, %dma_wait3A_169] : memref<4x2x128xi32, #tpu.memory_space<vmem>> -> memref<1x1x128xi32, #tpu.memory_space<vmem>>
          %dma_wait3A_171 = tpu.memref_squeeze %dma_wait3A_170 : memref<1x1x128xi32, #tpu.memory_space<vmem>> -> memref<128xi32, #tpu.memory_space<vmem>>
          %dma_wait3A_172 = arith.constant 0 : i32
          %dma_wait3A_173 = arith.constant 0 : i32
          %dma_wait3A_174 = tpu.memref_slice %arg6[%dma_wait3A_172, %dma_wait3A_173] : memref<10000x64xf32, #tpu.memory_space<vmem_shared>> -> memref<10000x64xf32, #tpu.memory_space<vmem_shared>>
          tpu.wait_indirect_dma semaphore(%run_scoped3A_154 : memref<!tpu.dma_semaphore, #tpu.memory_space<semaphore_mem>>) src(%dma_wait3A_168 : memref<128x64xf32, #tpu.memory_space<vmem>>) dst(%dma_wait3A_174 : memref<10000x64xf32, #tpu.memory_space<vmem_shared>>)
          tpu.yield
        }) : () -> ()
      } else {
      }
      %mul3A_111 = arith.constant 4 : i32
      %mul3A_112 = arith.muli %mul3A_111, %scan3A_94 : i32
      %add3A_113 = arith.constant 2 : i32
      %add3A_114 = arith.addi %mul3A_112, %add3A_113 : i32
      %lt3A_115 = arith.cmpi slt, %add3A_114, %select_n3A : i32
      %convert_element_type3A_116 = arith.extui %lt3A_115 : i1 to i32
      %cond3A_117 = arith.constant 0 : i32
      %cond3A_118 = arith.cmpi ne, %convert_element_type3A_116, %cond3A_117 : i32
      scf.if %cond3A_118 {
        %dma_wait3A_127 = arith.constant 2 : i32
        %dma_wait3A_128 = arith.constant 0 : i32
        %dma_wait3A_129 = arith.constant 0 : i32
        %dma_wait3A_130 = arith.constant 0 : i32
        %dma_wait3A_131 = arith.constant 0 : i32
        %dma_wait3A_132 = tpu.memref_slice %arg8[%dma_wait3A_129, %dma_wait3A_130, %dma_wait3A_131] : memref<2x128x64xf32, #tpu.memory_space<vmem>> -> memref<1x128x64xf32, #tpu.memory_space<vmem>>
        %dma_wait3A_133 = tpu.memref_squeeze %dma_wait3A_132 : memref<1x128x64xf32, #tpu.memory_space<vmem>> -> memref<128x64xf32, #tpu.memory_space<vmem>>
        %dma_wait3A_134 = arith.constant 0 : i32
        %dma_wait3A_135 = tpu.memref_slice %arg7[%dma_wait3A_127, %dma_wait3A_128, %dma_wait3A_134] : memref<4x2x128xi32, #tpu.memory_space<vmem>> -> memref<1x1x128xi32, #tpu.memory_space<vmem>>
        %dma_wait3A_136 = tpu.memref_squeeze %dma_wait3A_135 : memref<1x1x128xi32, #tpu.memory_space<vmem>> -> memref<128xi32, #tpu.memory_space<vmem>>
        %dma_wait3A_137 = arith.constant 0 : i32
        %dma_wait3A_138 = arith.constant 0 : i32
        %dma_wait3A_139 = tpu.memref_slice %arg2[%dma_wait3A_137, %dma_wait3A_138] : memref<10000x64xf32, #tpu.memory_space<hbm>> -> memref<10000x64xf32, #tpu.memory_space<hbm>>
        tpu.wait_indirect_dma semaphore(%arg13 : memref<!tpu.dma_semaphore, #tpu.memory_space<semaphore_mem>>) src(%dma_wait3A_139 : memref<10000x64xf32, #tpu.memory_space<hbm>>) dst(%dma_wait3A_133 : memref<128x64xf32, #tpu.memory_space<vmem>>)
        %add3A_140 = arith.constant 2 : i32
        %add3A_141 = arith.addi %add3A_114, %add3A_140 : i32
        %lt3A_142 = arith.cmpi slt, %add3A_141, %select_n3A : i32
        %convert_element_type3A_143 = arith.extui %lt3A_142 : i1 to i32
        %cond3A_144 = arith.constant 0 : i32
        %cond3A_145 = arith.cmpi ne, %convert_element_type3A_143, %cond3A_144 : i32
        scf.if %cond3A_145 {
          %add3A_154 = arith.addi %add3A_13, %add3A_114 : i32
          %add3A_155 = arith.constant 2 : i32
          %add3A_156 = arith.addi %add3A_154, %add3A_155 : i32
          %dma_start3A_157 = arith.constant 0 : i32
          %dma_start3A_158 = arith.constant 0 : i32
          %dma_start3A_159 = arith.constant 0 : i32
          %dma_start3A_160 = tpu.memref_slice %arg7[%dma_start3A_157, %dma_start3A_158, %dma_start3A_159] : memref<4x2x128xi32, #tpu.memory_space<vmem>> -> memref<1x2x128xi32, #tpu.memory_space<vmem>>
          %dma_start3A_161 = tpu.memref_squeeze %dma_start3A_160 : memref<1x2x128xi32, #tpu.memory_space<vmem>> -> memref<2x128xi32, #tpu.memory_space<vmem>>
          %dma_start3A_162 = arith.constant 0 : i32
          %dma_start3A_163 = arith.constant 0 : i32
          %dma_start3A_164 = tpu.memref_slice %arg3[%add3A_156, %dma_start3A_162, %dma_start3A_163] : memref<2500x2x128xi32, #tpu.memory_space<hbm>> -> memref<1x2x128xi32, #tpu.memory_space<hbm>>
          %dma_start3A_165 = tpu.memref_squeeze %dma_start3A_164 : memref<1x2x128xi32, #tpu.memory_space<hbm>> -> memref<2x128xi32, #tpu.memory_space<hbm>>
          %dma_start3A_166 = arith.constant 0 : i32
          %dma_start3A_167 = arith.constant 0 : i32
          %dma_start3A_168 = tpu.memref_slice %arg7[%dma_start3A_157, %dma_start3A_166, %dma_start3A_167] : memref<4x2x128xi32, #tpu.memory_space<vmem>> -> memref<1x2x128xi32, #tpu.memory_space<vmem>>
          %dma_start3A_169 = tpu.memref_squeeze %dma_start3A_168 : memref<1x2x128xi32, #tpu.memory_space<vmem>> -> memref<2x128xi32, #tpu.memory_space<vmem>>
          %dma_start3A_170 = arith.constant 0 : i32
          %dma_start3A_171 = arith.constant 0 : i32
          %dma_start3A_172 = tpu.memref_slice %arg3[%add3A_156, %dma_start3A_170, %dma_start3A_171] : memref<2500x2x128xi32, #tpu.memory_space<hbm>> -> memref<1x2x128xi32, #tpu.memory_space<hbm>>
          %dma_start3A_173 = tpu.memref_squeeze %dma_start3A_172 : memref<1x2x128xi32, #tpu.memory_space<hbm>> -> memref<2x128xi32, #tpu.memory_space<hbm>>
          tpu.enqueue_dma source(%dma_start3A_173 : memref<2x128xi32, #tpu.memory_space<hbm>>) target(%dma_start3A_169 : memref<2x128xi32, #tpu.memory_space<vmem>>) target_semaphore(%arg9 : memref<!tpu.dma_semaphore, #tpu.memory_space<semaphore_mem>>)
        } else {
        }
        %add3A_146 = arith.constant 1 : i32
        %add3A_147 = arith.addi %add3A_114, %add3A_146 : i32
        %lt3A_148 = arith.cmpi slt, %add3A_147, %select_n3A : i32
        %convert_element_type3A_149 = arith.extui %lt3A_148 : i1 to i32
        %cond3A_150 = arith.constant 0 : i32
        %cond3A_151 = arith.cmpi ne, %convert_element_type3A_149, %cond3A_150 : i32
        scf.if %cond3A_151 {
          %add3A_154 = arith.addi %add3A_13, %add3A_114 : i32
          %add3A_155 = arith.constant 1 : i32
          %add3A_156 = arith.addi %add3A_154, %add3A_155 : i32
          %dma_wait3A_157 = arith.constant 3 : i32
          %dma_wait3A_158 = arith.constant 0 : i32
          %dma_wait3A_159 = arith.constant 0 : i32
          %dma_wait3A_160 = tpu.memref_slice %arg7[%dma_wait3A_157, %dma_wait3A_158, %dma_wait3A_159] : memref<4x2x128xi32, #tpu.memory_space<vmem>> -> memref<1x2x128xi32, #tpu.memory_space<vmem>>
          %dma_wait3A_161 = tpu.memref_squeeze %dma_wait3A_160 : memref<1x2x128xi32, #tpu.memory_space<vmem>> -> memref<2x128xi32, #tpu.memory_space<vmem>>
          %dma_wait3A_162 = arith.constant 0 : i32
          %dma_wait3A_163 = arith.constant 0 : i32
          %dma_wait3A_164 = tpu.memref_slice %arg3[%add3A_156, %dma_wait3A_162, %dma_wait3A_163] : memref<2500x2x128xi32, #tpu.memory_space<hbm>> -> memref<1x2x128xi32, #tpu.memory_space<hbm>>
          %dma_wait3A_165 = tpu.memref_squeeze %dma_wait3A_164 : memref<1x2x128xi32, #tpu.memory_space<hbm>> -> memref<2x128xi32, #tpu.memory_space<hbm>>
          %dma_wait3A_166 = arith.constant 0 : i32
          %dma_wait3A_167 = arith.constant 0 : i32
          %dma_wait3A_168 = tpu.memref_slice %arg7[%dma_wait3A_157, %dma_wait3A_166, %dma_wait3A_167] : memref<4x2x128xi32, #tpu.memory_space<vmem>> -> memref<1x2x128xi32, #tpu.memory_space<vmem>>
          %dma_wait3A_169 = tpu.memref_squeeze %dma_wait3A_168 : memref<1x2x128xi32, #tpu.memory_space<vmem>> -> memref<2x128xi32, #tpu.memory_space<vmem>>
          %dma_wait3A_170 = arith.constant 0 : i32
          %dma_wait3A_171 = arith.constant 0 : i32
          %dma_wait3A_172 = tpu.memref_slice %arg3[%add3A_156, %dma_wait3A_170, %dma_wait3A_171] : memref<2500x2x128xi32, #tpu.memory_space<hbm>> -> memref<1x2x128xi32, #tpu.memory_space<hbm>>
          %dma_wait3A_173 = tpu.memref_squeeze %dma_wait3A_172 : memref<1x2x128xi32, #tpu.memory_space<hbm>> -> memref<2x128xi32, #tpu.memory_space<hbm>>
          tpu.wait_dma2 semaphore(%arg12 : memref<!tpu.dma_semaphore, #tpu.memory_space<semaphore_mem>>) src(%dma_wait3A_173 : memref<2x128xi32, #tpu.memory_space<hbm>>) dst(%dma_wait3A_169 : memref<2x128xi32, #tpu.memory_space<vmem>>)
          %dma_start3A_174 = arith.constant 3 : i32
          %dma_start3A_175 = arith.constant 0 : i32
          %dma_start3A_176 = arith.constant 1 : i32
          %dma_start3A_177 = arith.constant 0 : i32
          %dma_start3A_178 = arith.constant 0 : i32
          %dma_start3A_179 = tpu.memref_slice %arg8[%dma_start3A_176, %dma_start3A_177, %dma_start3A_178] : memref<2x128x64xf32, #tpu.memory_space<vmem>> -> memref<1x128x64xf32, #tpu.memory_space<vmem>>
          %dma_start3A_180 = tpu.memref_squeeze %dma_start3A_179 : memref<1x128x64xf32, #tpu.memory_space<vmem>> -> memref<128x64xf32, #tpu.memory_space<vmem>>
          %dma_start3A_181 = arith.constant 0 : i32
          %dma_start3A_182 = tpu.memref_slice %arg7[%dma_start3A_174, %dma_start3A_175, %dma_start3A_181] : memref<4x2x128xi32, #tpu.memory_space<vmem>> -> memref<1x1x128xi32, #tpu.memory_space<vmem>>
          %dma_start3A_183 = tpu.memref_squeeze %dma_start3A_182 : memref<1x1x128xi32, #tpu.memory_space<vmem>> -> memref<128xi32, #tpu.memory_space<vmem>>
          %dma_start3A_184 = arith.constant 0 : i32
          %dma_start3A_185 = arith.constant 0 : i32
          %dma_start3A_186 = tpu.memref_slice %arg2[%dma_start3A_184, %dma_start3A_185] : memref<10000x64xf32, #tpu.memory_space<hbm>> -> memref<10000x64xf32, #tpu.memory_space<hbm>>
          tpu.enqueue_indirect_dma source(%dma_start3A_186 : memref<10000x64xf32, #tpu.memory_space<hbm>>) target(%dma_start3A_180 : memref<128x64xf32, #tpu.memory_space<vmem>>) offsets(%dma_start3A_183 : memref<128xi32, #tpu.memory_space<vmem>>) semaphore(%arg14 : memref<!tpu.dma_semaphore, #tpu.memory_space<semaphore_mem>>)
        } else {
        }
        %run_scoped3A = arith.constant 0 : i32
        %run_scoped3A_152 = arith.constant 2 : i32
        %run_scoped3A_153 = arith.constant 1 : i32
        "tpu.region"() ({
          %run_scoped3A_154 = tpu.sem_alloc : memref<!tpu.dma_semaphore, #tpu.memory_space<semaphore_mem>>
          %dma_start3A_155 = arith.constant 0 : i32
          %dma_start3A_156 = arith.constant 0 : i32
          %dma_start3A_157 = tpu.memref_slice %arg8[%run_scoped3A, %dma_start3A_155, %dma_start3A_156] : memref<2x128x64xf32, #tpu.memory_space<vmem>> -> memref<1x128x64xf32, #tpu.memory_space<vmem>>
          %dma_start3A_158 = tpu.memref_squeeze %dma_start3A_157 : memref<1x128x64xf32, #tpu.memory_space<vmem>> -> memref<128x64xf32, #tpu.memory_space<vmem>>
          %dma_start3A_159 = arith.constant 0 : i32
          %dma_start3A_160 = tpu.memref_slice %arg7[%run_scoped3A_152, %run_scoped3A_153, %dma_start3A_159] : memref<4x2x128xi32, #tpu.memory_space<vmem>> -> memref<1x1x128xi32, #tpu.memory_space<vmem>>
          %dma_start3A_161 = tpu.memref_squeeze %dma_start3A_160 : memref<1x1x128xi32, #tpu.memory_space<vmem>> -> memref<128xi32, #tpu.memory_space<vmem>>
          %dma_start3A_162 = arith.constant 0 : i32
          %dma_start3A_163 = arith.constant 0 : i32
          %dma_start3A_164 = tpu.memref_slice %arg6[%dma_start3A_162, %dma_start3A_163] : memref<10000x64xf32, #tpu.memory_space<vmem_shared>> -> memref<10000x64xf32, #tpu.memory_space<vmem_shared>>
          tpu.enqueue_indirect_dma source(%dma_start3A_158 : memref<128x64xf32, #tpu.memory_space<vmem>>) target(%dma_start3A_164 : memref<10000x64xf32, #tpu.memory_space<vmem_shared>>) offsets(%dma_start3A_161 : memref<128xi32, #tpu.memory_space<vmem>>) semaphore(%run_scoped3A_154 : memref<!tpu.dma_semaphore, #tpu.memory_space<semaphore_mem>>) {add = true}
          %dma_wait3A_165 = arith.constant 0 : i32
          %dma_wait3A_166 = arith.constant 0 : i32
          %dma_wait3A_167 = tpu.memref_slice %arg8[%run_scoped3A, %dma_wait3A_165, %dma_wait3A_166] : memref<2x128x64xf32, #tpu.memory_space<vmem>> -> memref<1x128x64xf32, #tpu.memory_space<vmem>>
          %dma_wait3A_168 = tpu.memref_squeeze %dma_wait3A_167 : memref<1x128x64xf32, #tpu.memory_space<vmem>> -> memref<128x64xf32, #tpu.memory_space<vmem>>
          %dma_wait3A_169 = arith.constant 0 : i32
          %dma_wait3A_170 = tpu.memref_slice %arg7[%run_scoped3A_152, %run_scoped3A_153, %dma_wait3A_169] : memref<4x2x128xi32, #tpu.memory_space<vmem>> -> memref<1x1x128xi32, #tpu.memory_space<vmem>>
          %dma_wait3A_171 = tpu.memref_squeeze %dma_wait3A_170 : memref<1x1x128xi32, #tpu.memory_space<vmem>> -> memref<128xi32, #tpu.memory_space<vmem>>
          %dma_wait3A_172 = arith.constant 0 : i32
          %dma_wait3A_173 = arith.constant 0 : i32
          %dma_wait3A_174 = tpu.memref_slice %arg6[%dma_wait3A_172, %dma_wait3A_173] : memref<10000x64xf32, #tpu.memory_space<vmem_shared>> -> memref<10000x64xf32, #tpu.memory_space<vmem_shared>>
          tpu.wait_indirect_dma semaphore(%run_scoped3A_154 : memref<!tpu.dma_semaphore, #tpu.memory_space<semaphore_mem>>) src(%dma_wait3A_168 : memref<128x64xf32, #tpu.memory_space<vmem>>) dst(%dma_wait3A_174 : memref<10000x64xf32, #tpu.memory_space<vmem_shared>>)
          tpu.yield
        }) : () -> ()
      } else {
      }
      %mul3A_119 = arith.constant 4 : i32
      %mul3A_120 = arith.muli %mul3A_119, %scan3A_94 : i32
      %add3A_121 = arith.constant 3 : i32
      %add3A_122 = arith.addi %mul3A_120, %add3A_121 : i32
      %lt3A_123 = arith.cmpi slt, %add3A_122, %select_n3A : i32
      %convert_element_type3A_124 = arith.extui %lt3A_123 : i1 to i32
      %cond3A_125 = arith.constant 0 : i32
      %cond3A_126 = arith.cmpi ne, %convert_element_type3A_124, %cond3A_125 : i32
      scf.if %cond3A_126 {
        %dma_wait3A_127 = arith.constant 3 : i32
        %dma_wait3A_128 = arith.constant 0 : i32
        %dma_wait3A_129 = arith.constant 1 : i32
        %dma_wait3A_130 = arith.constant 0 : i32
        %dma_wait3A_131 = arith.constant 0 : i32
        %dma_wait3A_132 = tpu.memref_slice %arg8[%dma_wait3A_129, %dma_wait3A_130, %dma_wait3A_131] : memref<2x128x64xf32, #tpu.memory_space<vmem>> -> memref<1x128x64xf32, #tpu.memory_space<vmem>>
        %dma_wait3A_133 = tpu.memref_squeeze %dma_wait3A_132 : memref<1x128x64xf32, #tpu.memory_space<vmem>> -> memref<128x64xf32, #tpu.memory_space<vmem>>
        %dma_wait3A_134 = arith.constant 0 : i32
        %dma_wait3A_135 = tpu.memref_slice %arg7[%dma_wait3A_127, %dma_wait3A_128, %dma_wait3A_134] : memref<4x2x128xi32, #tpu.memory_space<vmem>> -> memref<1x1x128xi32, #tpu.memory_space<vmem>>
        %dma_wait3A_136 = tpu.memref_squeeze %dma_wait3A_135 : memref<1x1x128xi32, #tpu.memory_space<vmem>> -> memref<128xi32, #tpu.memory_space<vmem>>
        %dma_wait3A_137 = arith.constant 0 : i32
        %dma_wait3A_138 = arith.constant 0 : i32
        %dma_wait3A_139 = tpu.memref_slice %arg2[%dma_wait3A_137, %dma_wait3A_138] : memref<10000x64xf32, #tpu.memory_space<hbm>> -> memref<10000x64xf32, #tpu.memory_space<hbm>>
        tpu.wait_indirect_dma semaphore(%arg14 : memref<!tpu.dma_semaphore, #tpu.memory_space<semaphore_mem>>) src(%dma_wait3A_139 : memref<10000x64xf32, #tpu.memory_space<hbm>>) dst(%dma_wait3A_133 : memref<128x64xf32, #tpu.memory_space<vmem>>)
        %add3A_140 = arith.constant 2 : i32
        %add3A_141 = arith.addi %add3A_122, %add3A_140 : i32
        %lt3A_142 = arith.cmpi slt, %add3A_141, %select_n3A : i32
        %convert_element_type3A_143 = arith.extui %lt3A_142 : i1 to i32
        %cond3A_144 = arith.constant 0 : i32
        %cond3A_145 = arith.cmpi ne, %convert_element_type3A_143, %cond3A_144 : i32
        scf.if %cond3A_145 {
          %add3A_154 = arith.addi %add3A_13, %add3A_122 : i32
          %add3A_155 = arith.constant 2 : i32
          %add3A_156 = arith.addi %add3A_154, %add3A_155 : i32
          %dma_start3A_157 = arith.constant 1 : i32
          %dma_start3A_158 = arith.constant 0 : i32
          %dma_start3A_159 = arith.constant 0 : i32
          %dma_start3A_160 = tpu.memref_slice %arg7[%dma_start3A_157, %dma_start3A_158, %dma_start3A_159] : memref<4x2x128xi32, #tpu.memory_space<vmem>> -> memref<1x2x128xi32, #tpu.memory_space<vmem>>
          %dma_start3A_161 = tpu.memref_squeeze %dma_start3A_160 : memref<1x2x128xi32, #tpu.memory_space<vmem>> -> memref<2x128xi32, #tpu.memory_space<vmem>>
          %dma_start3A_162 = arith.constant 0 : i32
          %dma_start3A_163 = arith.constant 0 : i32
          %dma_start3A_164 = tpu.memref_slice %arg3[%add3A_156, %dma_start3A_162, %dma_start3A_163] : memref<2500x2x128xi32, #tpu.memory_space<hbm>> -> memref<1x2x128xi32, #tpu.memory_space<hbm>>
          %dma_start3A_165 = tpu.memref_squeeze %dma_start3A_164 : memref<1x2x128xi32, #tpu.memory_space<hbm>> -> memref<2x128xi32, #tpu.memory_space<hbm>>
          %dma_start3A_166 = arith.constant 0 : i32
          %dma_start3A_167 = arith.constant 0 : i32
          %dma_start3A_168 = tpu.memref_slice %arg7[%dma_start3A_157, %dma_start3A_166, %dma_start3A_167] : memref<4x2x128xi32, #tpu.memory_space<vmem>> -> memref<1x2x128xi32, #tpu.memory_space<vmem>>
          %dma_start3A_169 = tpu.memref_squeeze %dma_start3A_168 : memref<1x2x128xi32, #tpu.memory_space<vmem>> -> memref<2x128xi32, #tpu.memory_space<vmem>>
          %dma_start3A_170 = arith.constant 0 : i32
          %dma_start3A_171 = arith.constant 0 : i32
          %dma_start3A_172 = tpu.memref_slice %arg3[%add3A_156, %dma_start3A_170, %dma_start3A_171] : memref<2500x2x128xi32, #tpu.memory_space<hbm>> -> memref<1x2x128xi32, #tpu.memory_space<hbm>>
          %dma_start3A_173 = tpu.memref_squeeze %dma_start3A_172 : memref<1x2x128xi32, #tpu.memory_space<hbm>> -> memref<2x128xi32, #tpu.memory_space<hbm>>
          tpu.enqueue_dma source(%dma_start3A_173 : memref<2x128xi32, #tpu.memory_space<hbm>>) target(%dma_start3A_169 : memref<2x128xi32, #tpu.memory_space<vmem>>) target_semaphore(%arg10 : memref<!tpu.dma_semaphore, #tpu.memory_space<semaphore_mem>>)
        } else {
        }
        %add3A_146 = arith.constant 1 : i32
        %add3A_147 = arith.addi %add3A_122, %add3A_146 : i32
        %lt3A_148 = arith.cmpi slt, %add3A_147, %select_n3A : i32
        %convert_element_type3A_149 = arith.extui %lt3A_148 : i1 to i32
        %cond3A_150 = arith.constant 0 : i32
        %cond3A_151 = arith.cmpi ne, %convert_element_type3A_149, %cond3A_150 : i32
        scf.if %cond3A_151 {
          %add3A_154 = arith.addi %add3A_13, %add3A_122 : i32
          %add3A_155 = arith.constant 1 : i32
          %add3A_156 = arith.addi %add3A_154, %add3A_155 : i32
          %dma_wait3A_157 = arith.constant 0 : i32
          %dma_wait3A_158 = arith.constant 0 : i32
          %dma_wait3A_159 = arith.constant 0 : i32
          %dma_wait3A_160 = tpu.memref_slice %arg7[%dma_wait3A_157, %dma_wait3A_158, %dma_wait3A_159] : memref<4x2x128xi32, #tpu.memory_space<vmem>> -> memref<1x2x128xi32, #tpu.memory_space<vmem>>
          %dma_wait3A_161 = tpu.memref_squeeze %dma_wait3A_160 : memref<1x2x128xi32, #tpu.memory_space<vmem>> -> memref<2x128xi32, #tpu.memory_space<vmem>>
          %dma_wait3A_162 = arith.constant 0 : i32
          %dma_wait3A_163 = arith.constant 0 : i32
          %dma_wait3A_164 = tpu.memref_slice %arg3[%add3A_156, %dma_wait3A_162, %dma_wait3A_163] : memref<2500x2x128xi32, #tpu.memory_space<hbm>> -> memref<1x2x128xi32, #tpu.memory_space<hbm>>
          %dma_wait3A_165 = tpu.memref_squeeze %dma_wait3A_164 : memref<1x2x128xi32, #tpu.memory_space<hbm>> -> memref<2x128xi32, #tpu.memory_space<hbm>>
          %dma_wait3A_166 = arith.constant 0 : i32
          %dma_wait3A_167 = arith.constant 0 : i32
          %dma_wait3A_168 = tpu.memref_slice %arg7[%dma_wait3A_157, %dma_wait3A_166, %dma_wait3A_167] : memref<4x2x128xi32, #tpu.memory_space<vmem>> -> memref<1x2x128xi32, #tpu.memory_space<vmem>>
          %dma_wait3A_169 = tpu.memref_squeeze %dma_wait3A_168 : memref<1x2x128xi32, #tpu.memory_space<vmem>> -> memref<2x128xi32, #tpu.memory_space<vmem>>
          %dma_wait3A_170 = arith.constant 0 : i32
          %dma_wait3A_171 = arith.constant 0 : i32
          %dma_wait3A_172 = tpu.memref_slice %arg3[%add3A_156, %dma_wait3A_170, %dma_wait3A_171] : memref<2500x2x128xi32, #tpu.memory_space<hbm>> -> memref<1x2x128xi32, #tpu.memory_space<hbm>>
          %dma_wait3A_173 = tpu.memref_squeeze %dma_wait3A_172 : memref<1x2x128xi32, #tpu.memory_space<hbm>> -> memref<2x128xi32, #tpu.memory_space<hbm>>
          tpu.wait_dma2 semaphore(%arg9 : memref<!tpu.dma_semaphore, #tpu.memory_space<semaphore_mem>>) src(%dma_wait3A_173 : memref<2x128xi32, #tpu.memory_space<hbm>>) dst(%dma_wait3A_169 : memref<2x128xi32, #tpu.memory_space<vmem>>)
          %dma_start3A_174 = arith.constant 0 : i32
          %dma_start3A_175 = arith.constant 0 : i32
          %dma_start3A_176 = arith.constant 0 : i32
          %dma_start3A_177 = arith.constant 0 : i32
          %dma_start3A_178 = arith.constant 0 : i32
          %dma_start3A_179 = tpu.memref_slice %arg8[%dma_start3A_176, %dma_start3A_177, %dma_start3A_178] : memref<2x128x64xf32, #tpu.memory_space<vmem>> -> memref<1x128x64xf32, #tpu.memory_space<vmem>>
          %dma_start3A_180 = tpu.memref_squeeze %dma_start3A_179 : memref<1x128x64xf32, #tpu.memory_space<vmem>> -> memref<128x64xf32, #tpu.memory_space<vmem>>
          %dma_start3A_181 = arith.constant 0 : i32
          %dma_start3A_182 = tpu.memref_slice %arg7[%dma_start3A_174, %dma_start3A_175, %dma_start3A_181] : memref<4x2x128xi32, #tpu.memory_space<vmem>> -> memref<1x1x128xi32, #tpu.memory_space<vmem>>
          %dma_start3A_183 = tpu.memref_squeeze %dma_start3A_182 : memref<1x1x128xi32, #tpu.memory_space<vmem>> -> memref<128xi32, #tpu.memory_space<vmem>>
          %dma_start3A_184 = arith.constant 0 : i32
          %dma_start3A_185 = arith.constant 0 : i32
          %dma_start3A_186 = tpu.memref_slice %arg2[%dma_start3A_184, %dma_start3A_185] : memref<10000x64xf32, #tpu.memory_space<hbm>> -> memref<10000x64xf32, #tpu.memory_space<hbm>>
          tpu.enqueue_indirect_dma source(%dma_start3A_186 : memref<10000x64xf32, #tpu.memory_space<hbm>>) target(%dma_start3A_180 : memref<128x64xf32, #tpu.memory_space<vmem>>) offsets(%dma_start3A_183 : memref<128xi32, #tpu.memory_space<vmem>>) semaphore(%arg13 : memref<!tpu.dma_semaphore, #tpu.memory_space<semaphore_mem>>)
        } else {
        }
        %run_scoped3A = arith.constant 1 : i32
        %run_scoped3A_152 = arith.constant 3 : i32
        %run_scoped3A_153 = arith.constant 1 : i32
        "tpu.region"() ({
          %run_scoped3A_154 = tpu.sem_alloc : memref<!tpu.dma_semaphore, #tpu.memory_space<semaphore_mem>>
          %dma_start3A_155 = arith.constant 0 : i32
          %dma_start3A_156 = arith.constant 0 : i32
          %dma_start3A_157 = tpu.memref_slice %arg8[%run_scoped3A, %dma_start3A_155, %dma_start3A_156] : memref<2x128x64xf32, #tpu.memory_space<vmem>> -> memref<1x128x64xf32, #tpu.memory_space<vmem>>
          %dma_start3A_158 = tpu.memref_squeeze %dma_start3A_157 : memref<1x128x64xf32, #tpu.memory_space<vmem>> -> memref<128x64xf32, #tpu.memory_space<vmem>>
          %dma_start3A_159 = arith.constant 0 : i32
          %dma_start3A_160 = tpu.memref_slice %arg7[%run_scoped3A_152, %run_scoped3A_153, %dma_start3A_159] : memref<4x2x128xi32, #tpu.memory_space<vmem>> -> memref<1x1x128xi32, #tpu.memory_space<vmem>>
          %dma_start3A_161 = tpu.memref_squeeze %dma_start3A_160 : memref<1x1x128xi32, #tpu.memory_space<vmem>> -> memref<128xi32, #tpu.memory_space<vmem>>
          %dma_start3A_162 = arith.constant 0 : i32
          %dma_start3A_163 = arith.constant 0 : i32
          %dma_start3A_164 = tpu.memref_slice %arg6[%dma_start3A_162, %dma_start3A_163] : memref<10000x64xf32, #tpu.memory_space<vmem_shared>> -> memref<10000x64xf32, #tpu.memory_space<vmem_shared>>
          tpu.enqueue_indirect_dma source(%dma_start3A_158 : memref<128x64xf32, #tpu.memory_space<vmem>>) target(%dma_start3A_164 : memref<10000x64xf32, #tpu.memory_space<vmem_shared>>) offsets(%dma_start3A_161 : memref<128xi32, #tpu.memory_space<vmem>>) semaphore(%run_scoped3A_154 : memref<!tpu.dma_semaphore, #tpu.memory_space<semaphore_mem>>) {add = true}
          %dma_wait3A_165 = arith.constant 0 : i32
          %dma_wait3A_166 = arith.constant 0 : i32
          %dma_wait3A_167 = tpu.memref_slice %arg8[%run_scoped3A, %dma_wait3A_165, %dma_wait3A_166] : memref<2x128x64xf32, #tpu.memory_space<vmem>> -> memref<1x128x64xf32, #tpu.memory_space<vmem>>
          %dma_wait3A_168 = tpu.memref_squeeze %dma_wait3A_167 : memref<1x128x64xf32, #tpu.memory_space<vmem>> -> memref<128x64xf32, #tpu.memory_space<vmem>>
          %dma_wait3A_169 = arith.constant 0 : i32
          %dma_wait3A_170 = tpu.memref_slice %arg7[%run_scoped3A_152, %run_scoped3A_153, %dma_wait3A_169] : memref<4x2x128xi32, #tpu.memory_space<vmem>> -> memref<1x1x128xi32, #tpu.memory_space<vmem>>
          %dma_wait3A_171 = tpu.memref_squeeze %dma_wait3A_170 : memref<1x1x128xi32, #tpu.memory_space<vmem>> -> memref<128xi32, #tpu.memory_space<vmem>>
          %dma_wait3A_172 = arith.constant 0 : i32
          %dma_wait3A_173 = arith.constant 0 : i32
          %dma_wait3A_174 = tpu.memref_slice %arg6[%dma_wait3A_172, %dma_wait3A_173] : memref<10000x64xf32, #tpu.memory_space<vmem_shared>> -> memref<10000x64xf32, #tpu.memory_space<vmem_shared>>
          tpu.wait_indirect_dma semaphore(%run_scoped3A_154 : memref<!tpu.dma_semaphore, #tpu.memory_space<semaphore_mem>>) src(%dma_wait3A_168 : memref<128x64xf32, #tpu.memory_space<vmem>>) dst(%dma_wait3A_174 : memref<10000x64xf32, #tpu.memory_space<vmem_shared>>)
          tpu.yield
        }) : () -> ()
      } else {
      }
    }
    %scan3A_82 = arith.constant 20 : i32
    %barrier3A_83 = arith.constant 0 : index
    tpu.barrier barrier_id(%barrier3A_83)
    %lt3A_84 = arith.constant 15 : i32
    %lt3A_85 = arith.cmpi slt, %arg1, %lt3A_84 : i32
    %convert_element_type3A_86 = arith.extui %lt3A_85 : i1 to i32
    %cond3A_87 = arith.constant 0 : i32
    %cond3A_88 = arith.cmpi ne, %convert_element_type3A_86, %cond3A_87 : i32
    scf.if %cond3A_88 {
      %mul3A_94 = arith.constant 632 : i32
      %mul3A_95 = arith.muli %arg1, %mul3A_94 : i32
      %mul3A_96 = arith.constant 632 : i32
      %mul3A_97 = arith.muli %arg1, %mul3A_96 : i32
      "tpu.region"() ({
        %run_scoped3A = tpu.sem_alloc : memref<!tpu.dma_semaphore, #tpu.memory_space<semaphore_mem>>
        %dma_start3A_98 = arith.constant 0 : i32
        %dma_start3A_99 = arith.constant 0 : i32
        %dma_start3A_100 = tpu.memref_slice %arg5[%arg0, %dma_start3A_98, %dma_start3A_99] : memref<2x10000x64xf32, #tpu.memory_space<hbm>> -> memref<1x10000x64xf32, #tpu.memory_space<hbm>>
        %dma_start3A_101 = tpu.memref_squeeze %dma_start3A_100 : memref<1x10000x64xf32, #tpu.memory_space<hbm>> -> memref<10000x64xf32, #tpu.memory_space<hbm>>
        %dma_start3A_102 = arith.constant 0 : i32
        %dma_start3A_103 = tpu.memref_slice %dma_start3A_101[%mul3A_97, %dma_start3A_102] : memref<10000x64xf32, #tpu.memory_space<hbm>> -> memref<632x64xf32, #tpu.memory_space<hbm>>
        %dma_start3A_104 = arith.constant 0 : i32
        %dma_start3A_105 = tpu.memref_slice %arg6[%mul3A_95, %dma_start3A_104] : memref<10000x64xf32, #tpu.memory_space<vmem_shared>> -> memref<632x64xf32, #tpu.memory_space<vmem_shared>>
        tpu.enqueue_dma source(%dma_start3A_105 : memref<632x64xf32, #tpu.memory_space<vmem_shared>>) target(%dma_start3A_103 : memref<632x64xf32, #tpu.memory_space<hbm>>) target_semaphore(%run_scoped3A : memref<!tpu.dma_semaphore, #tpu.memory_space<semaphore_mem>>)
        %dma_wait3A_106 = arith.constant 0 : i32
        %dma_wait3A_107 = arith.constant 0 : i32
        %dma_wait3A_108 = tpu.memref_slice %arg5[%arg0, %dma_wait3A_106, %dma_wait3A_107] : memref<2x10000x64xf32, #tpu.memory_space<hbm>> -> memref<1x10000x64xf32, #tpu.memory_space<hbm>>
        %dma_wait3A_109 = tpu.memref_squeeze %dma_wait3A_108 : memref<1x10000x64xf32, #tpu.memory_space<hbm>> -> memref<10000x64xf32, #tpu.memory_space<hbm>>
        %dma_wait3A_110 = arith.constant 0 : i32
        %dma_wait3A_111 = tpu.memref_slice %dma_wait3A_109[%mul3A_97, %dma_wait3A_110] : memref<10000x64xf32, #tpu.memory_space<hbm>> -> memref<632x64xf32, #tpu.memory_space<hbm>>
        %dma_wait3A_112 = arith.constant 0 : i32
        %dma_wait3A_113 = tpu.memref_slice %arg6[%mul3A_95, %dma_wait3A_112] : memref<10000x64xf32, #tpu.memory_space<vmem_shared>> -> memref<632x64xf32, #tpu.memory_space<vmem_shared>>
        tpu.wait_dma2 semaphore(%run_scoped3A : memref<!tpu.dma_semaphore, #tpu.memory_space<semaphore_mem>>) src(%dma_wait3A_113 : memref<632x64xf32, #tpu.memory_space<vmem_shared>>) dst(%dma_wait3A_111 : memref<632x64xf32, #tpu.memory_space<hbm>>)
        tpu.yield
      }) : () -> ()
    } else {
    }
    %eq3A_89 = arith.constant 15 : i32
    %eq3A_90 = arith.cmpi eq, %arg1, %eq3A_89 : i32
    %convert_element_type3A_91 = arith.extui %eq3A_90 : i1 to i32
    %cond3A_92 = arith.constant 0 : i32
    %cond3A_93 = arith.cmpi ne, %convert_element_type3A_91, %cond3A_92 : i32
    scf.if %cond3A_93 {
      "tpu.region"() ({
        %run_scoped3A = tpu.sem_alloc : memref<!tpu.dma_semaphore, #tpu.memory_space<semaphore_mem>>
        %dma_start3A_94 = arith.constant 0 : i32
        %dma_start3A_95 = arith.constant 0 : i32
        %dma_start3A_96 = tpu.memref_slice %arg5[%arg0, %dma_start3A_94, %dma_start3A_95] : memref<2x10000x64xf32, #tpu.memory_space<hbm>> -> memref<1x10000x64xf32, #tpu.memory_space<hbm>>
        %dma_start3A_97 = tpu.memref_squeeze %dma_start3A_96 : memref<1x10000x64xf32, #tpu.memory_space<hbm>> -> memref<10000x64xf32, #tpu.memory_space<hbm>>
        %dma_start3A_98 = arith.constant 9480 : i32
        %dma_start3A_99 = arith.constant 0 : i32
        %dma_start3A_100 = tpu.memref_slice %dma_start3A_97[%dma_start3A_98, %dma_start3A_99] : memref<10000x64xf32, #tpu.memory_space<hbm>> -> memref<520x64xf32, #tpu.memory_space<hbm>>
        %dma_start3A_101 = arith.constant 9480 : i32
        %dma_start3A_102 = arith.constant 0 : i32
        %dma_start3A_103 = tpu.memref_slice %arg6[%dma_start3A_101, %dma_start3A_102] : memref<10000x64xf32, #tpu.memory_space<vmem_shared>> -> memref<520x64xf32, #tpu.memory_space<vmem_shared>>
        tpu.enqueue_dma source(%dma_start3A_103 : memref<520x64xf32, #tpu.memory_space<vmem_shared>>) target(%dma_start3A_100 : memref<520x64xf32, #tpu.memory_space<hbm>>) target_semaphore(%run_scoped3A : memref<!tpu.dma_semaphore, #tpu.memory_space<semaphore_mem>>)
        %dma_wait3A_104 = arith.constant 0 : i32
        %dma_wait3A_105 = arith.constant 0 : i32
        %dma_wait3A_106 = tpu.memref_slice %arg5[%arg0, %dma_wait3A_104, %dma_wait3A_105] : memref<2x10000x64xf32, #tpu.memory_space<hbm>> -> memref<1x10000x64xf32, #tpu.memory_space<hbm>>
        %dma_wait3A_107 = tpu.memref_squeeze %dma_wait3A_106 : memref<1x10000x64xf32, #tpu.memory_space<hbm>> -> memref<10000x64xf32, #tpu.memory_space<hbm>>
        %dma_wait3A_108 = arith.constant 9480 : i32
        %dma_wait3A_109 = arith.constant 0 : i32
        %dma_wait3A_110 = tpu.memref_slice %dma_wait3A_107[%dma_wait3A_108, %dma_wait3A_109] : memref<10000x64xf32, #tpu.memory_space<hbm>> -> memref<520x64xf32, #tpu.memory_space<hbm>>
        %dma_wait3A_111 = arith.constant 9480 : i32
        %dma_wait3A_112 = arith.constant 0 : i32
        %dma_wait3A_113 = tpu.memref_slice %arg6[%dma_wait3A_111, %dma_wait3A_112] : memref<10000x64xf32, #tpu.memory_space<vmem_shared>> -> memref<520x64xf32, #tpu.memory_space<vmem_shared>>
        tpu.wait_dma2 semaphore(%run_scoped3A : memref<!tpu.dma_semaphore, #tpu.memory_space<semaphore_mem>>) src(%dma_wait3A_113 : memref<520x64xf32, #tpu.memory_space<vmem_shared>>) dst(%dma_wait3A_110 : memref<520x64xf32, #tpu.memory_space<hbm>>)
        tpu.yield
      }) : () -> ()
    } else {
    }
    return
  }
}

module attributes {stable_mosaic.version = 14 : i64} {
  func.func @_tc_project_body(%arg0: memref<10000x128xf32, #tpu.memory_space<vmem>>, %arg1: memref<128x64xf32, #tpu.memory_space<vmem>>, %arg2: memref<128x64xf32, #tpu.memory_space<vmem>>, %arg3: memref<10000x64xf32, #tpu.memory_space<vmem>>, %arg4: memref<10000x64xf32, #tpu.memory_space<vmem>>) attributes {dimension_semantics = [], scalar_prefetch = 0 : i64, scratch_operands = 0 : i64, tpu.core_type = #tpu.core_type<tc>} {
    %get3A = arith.constant 0 : index
    %get3A_0 = arith.constant 0 : index
    %get3A_1 = vector.load %arg0[%get3A, %get3A_0] : memref<10000x128xf32, #tpu.memory_space<vmem>>, vector<10000x128xf32>
    %get3A_2 = arith.constant 0 : index
    %get3A_3 = arith.constant 0 : index
    %get3A_4 = vector.load %arg1[%get3A_2, %get3A_3] : memref<128x64xf32, #tpu.memory_space<vmem>>, vector<128x64xf32>
    %dot_general3A = arith.constant dense<0.000000e+00> : vector<10000x64xf32>
    %dot_general3A_5 = tpu.matmul %get3A_1, %get3A_4, %dot_general3A {dimension_numbers = #tpu.dot_dimension_numbers<[1], [0], [0], [1], [0, 0, 1, 1], [], []>, transpose_lhs_hint = false} : vector<10000x128xf32>, vector<128x64xf32>, vector<10000x64xf32> -> vector<10000x64xf32>
    %swap3A = arith.constant 0 : index
    %swap3A_6 = arith.constant 0 : index
    %swap3A_7 = vector.load %arg3[%swap3A, %swap3A_6] : memref<10000x64xf32, #tpu.memory_space<vmem>>, vector<10000x64xf32>
    tpu.vector_store %arg3[%swap3A, %swap3A_6], %dot_general3A_5 {strides = array<i32>} : memref<10000x64xf32, #tpu.memory_space<vmem>>, vector<10000x64xf32>,
    %get3A_8 = arith.constant 0 : index
    %get3A_9 = arith.constant 0 : index
    %get3A_10 = vector.load %arg2[%get3A_8, %get3A_9] : memref<128x64xf32, #tpu.memory_space<vmem>>, vector<128x64xf32>
    %dot_general3A_11 = arith.constant dense<0.000000e+00> : vector<10000x64xf32>
    %dot_general3A_12 = tpu.matmul %get3A_1, %get3A_10, %dot_general3A_11 {dimension_numbers = #tpu.dot_dimension_numbers<[1], [0], [0], [1], [0, 0, 1, 1], [], []>, transpose_lhs_hint = false} : vector<10000x128xf32>, vector<128x64xf32>, vector<10000x64xf32> -> vector<10000x64xf32>
    %swap3A_13 = arith.constant 0 : index
    %swap3A_14 = arith.constant 0 : index
    %swap3A_15 = vector.load %arg4[%swap3A_13, %swap3A_14] : memref<10000x64xf32, #tpu.memory_space<vmem>>, vector<10000x64xf32>
    tpu.vector_store %arg4[%swap3A_13, %swap3A_14], %dot_general3A_12 {strides = array<i32>} : memref<10000x64xf32, #tpu.memory_space<vmem>>, vector<10000x64xf32>,
    return
  }
}

module attributes {stable_mosaic.version = 14 : i64} {
  func.func @_tc_enc_body(%arg0: i32, %arg1: memref<12800x16xf32, #tpu.memory_space<vmem>>, %arg2: memref<16x128xf32, #tpu.memory_space<vmem>>, %arg3: memref<1x128xf32, #tpu.memory_space<vmem>>, %arg4: memref<12800x128xf32, #tpu.memory_space<vmem>>) attributes {dimension_semantics = [#tpu.dimension_semantics<arbitrary>], iteration_bounds = array<i64: 25>, scalar_prefetch = 0 : i64, scratch_operands = 0 : i64, tpu.core_type = #tpu.core_type<tc>, window_params = [{transform_indices = @transform_0, window_bounds = array<i64: 12800, 16>}, {pipeline_mode = #tpu.pipeline_mode<synchronous>, transform_indices = @transform_1, window_bounds = array<i64: 16, 128>}, {pipeline_mode = #tpu.pipeline_mode<synchronous>, transform_indices = @transform_2, window_bounds = array<i64: 1, 128>}, {transform_indices = @transform_3, window_bounds = array<i64: 12800, 128>}]} {
    %get3A = arith.constant 0 : index
    %get3A_0 = arith.constant 0 : index
    %get3A_1 = vector.load %arg1[%get3A, %get3A_0] : memref<12800x16xf32, #tpu.memory_space<vmem>>, vector<12800x16xf32>
    %get3A_2 = arith.constant 0 : index
    %get3A_3 = arith.constant 0 : index
    %get3A_4 = vector.load %arg2[%get3A_2, %get3A_3] : memref<16x128xf32, #tpu.memory_space<vmem>>, vector<16x128xf32>
    %dot_general3A = arith.constant dense<0.000000e+00> : vector<12800x128xf32>
    %dot_general3A_5 = tpu.matmul %get3A_1, %get3A_4, %dot_general3A {dimension_numbers = #tpu.dot_dimension_numbers<[1], [0], [0], [1], [0, 0, 1, 1], [], []>, transpose_lhs_hint = false} : vector<12800x16xf32>, vector<16x128xf32>, vector<12800x128xf32> -> vector<12800x128xf32>
    %get3A_6 = arith.constant 0 : index
    %get3A_7 = arith.constant 0 : index
    %get3A_8 = vector.load %arg3[%get3A_6, %get3A_7] : memref<1x128xf32, #tpu.memory_space<vmem>>, vector<1x128xf32>
    %add3A = vector.broadcast %get3A_8 : vector<1x128xf32> to vector<12800x128xf32>
    %add3A_9 = arith.addf %dot_general3A_5, %add3A : vector<12800x128xf32>
    %max3A = arith.constant 0.000000e+00 : f32
    %max3A_10 = vector.broadcast %max3A : f32 to vector<12800x128xf32>
    %max3A_11 = arith.maximumf %add3A_9, %max3A_10 : vector<12800x128xf32>
    %swap3A = arith.constant 0 : index
    %swap3A_12 = arith.constant 0 : index
    %swap3A_13 = vector.load %arg4[%swap3A, %swap3A_12] : memref<12800x128xf32, #tpu.memory_space<vmem>>, vector<12800x128xf32>
    tpu.vector_store %arg4[%swap3A, %swap3A_12], %max3A_11 {strides = array<i32>} : memref<12800x128xf32, #tpu.memory_space<vmem>>, vector<12800x128xf32>,
    return
  }
  func.func @transform_0(%arg0: i32) -> (i32, i32) {
    %c0_i32 = arith.constant 0 : i32
    %c0_i32_0 = arith.constant 0 : i32
    return %arg0, %c0_i32 : i32, i32
  }
  func.func @transform_1(%arg0: i32) -> (i32, i32) {
    %c0_i32 = arith.constant 0 : i32
    %c0_i32_0 = arith.constant 0 : i32
    %c0_i32_1 = arith.constant 0 : i32
    return %c0_i32, %c0_i32_0 : i32, i32
  }
  func.func @transform_2(%arg0: i32) -> (i32, i32) {
    %c0_i32 = arith.constant 0 : i32
    %c0_i32_0 = arith.constant 0 : i32
    %c0_i32_1 = arith.constant 0 : i32
    return %c0_i32, %c0_i32_0 : i32, i32
  }
  func.func @transform_3(%arg0: i32) -> (i32, i32) {
    %c0_i32 = arith.constant 0 : i32
    %c0_i32_0 = arith.constant 0 : i32
    return %arg0, %c0_i32 : i32, i32
  }
}

module attributes {stable_mosaic.version = 14 : i64} {
  func.func @_tc_comb1_body(%arg0: memref<10000x64xf32, #tpu.memory_space<vmem>>, %arg1: memref<2x10000x64xf32, #tpu.memory_space<vmem>>, %arg2: memref<2x10000x128xf32, #tpu.memory_space<vmem>>, %arg3: memref<1x64xf32, #tpu.memory_space<vmem>>, %arg4: memref<1x64xf32, #tpu.memory_space<vmem>>, %arg5: memref<1x64xf32, #tpu.memory_space<vmem>>, %arg6: memref<64x64xf32, #tpu.memory_space<vmem>>, %arg7: memref<64x64xf32, #tpu.memory_space<vmem>>, %arg8: memref<10000x64xf32, #tpu.memory_space<vmem>>, %arg9: memref<10000x64xf32, #tpu.memory_space<vmem>>, %arg10: memref<10000x1xf32, #tpu.memory_space<vmem>>) attributes {dimension_semantics = [], scalar_prefetch = 0 : i64, scratch_operands = 0 : i64, tpu.core_type = #tpu.core_type<tc>} {
    %get3A = arith.constant 0 : index
    %get3A_0 = arith.constant 0 : index
    %get3A_1 = arith.constant 0 : index
    %get3A_2 = vector.load %arg1[%get3A, %get3A_0, %get3A_1] : memref<2x10000x64xf32, #tpu.memory_space<vmem>>, vector<2x10000x64xf32>
    %get3A_3 = arith.constant 0 : index
    %get3A_4 = arith.constant 0 : index
    %get3A_5 = arith.constant 0 : index
    %get3A_6 = vector.load %arg2[%get3A_3, %get3A_4, %get3A_5] : memref<2x10000x128xf32, #tpu.memory_space<vmem>>, vector<2x10000x128xf32>
    %slice3A = vector.extract_strided_slice %get3A_6 {offsets = [0, 0, 0], sizes = [1, 10000, 128], strides = [1, 1, 1]} : vector<2x10000x128xf32> to vector<1x10000x128xf32>
    %squeeze3A = vector.shape_cast %slice3A : vector<1x10000x128xf32> to vector<10000x128xf32>
    %slice3A_7 = vector.extract_strided_slice %get3A_6 {offsets = [1, 0, 0], sizes = [1, 10000, 128], strides = [1, 1, 1]} : vector<2x10000x128xf32> to vector<1x10000x128xf32>
    %squeeze3A_8 = vector.shape_cast %slice3A_7 : vector<1x10000x128xf32> to vector<10000x128xf32>
    %add3A = arith.addf %squeeze3A, %squeeze3A_8 : vector<10000x128xf32>
    %slice3A_9 = vector.extract_strided_slice %add3A {offsets = [0, 64], sizes = [10000, 1], strides = [1, 1]} : vector<10000x128xf32> to vector<10000x1xf32>
    %squeeze3A_10 = vector.shape_cast %slice3A_9 : vector<10000x1xf32> to vector<10000xf32>
    %max3A = arith.constant 1.000000e+00 : f32
    %max3A_11 = vector.broadcast %max3A : f32 to vector<10000xf32>
    %max3A_12 = arith.maximumf %squeeze3A_10, %max3A_11 : vector<10000xf32>
    %div3A = arith.constant 1.000000e+00 : f32
    %div3A_13 = vector.broadcast %div3A : f32 to vector<10000xf32>
    %div3A_14 = arith.divf %div3A_13, %max3A_12 : vector<10000xf32>
    %slice3A_15 = vector.extract_strided_slice %get3A_2 {offsets = [0, 0, 0], sizes = [1, 10000, 64], strides = [1, 1, 1]} : vector<2x10000x64xf32> to vector<1x10000x64xf32>
    %squeeze3A_16 = vector.shape_cast %slice3A_15 : vector<1x10000x64xf32> to vector<10000x64xf32>
    %slice3A_17 = vector.extract_strided_slice %get3A_2 {offsets = [1, 0, 0], sizes = [1, 10000, 64], strides = [1, 1, 1]} : vector<2x10000x64xf32> to vector<1x10000x64xf32>
    %squeeze3A_18 = vector.shape_cast %slice3A_17 : vector<1x10000x64xf32> to vector<10000x64xf32>
    %add3A_19 = arith.addf %squeeze3A_16, %squeeze3A_18 : vector<10000x64xf32>
    %slice3A_20 = vector.extract_strided_slice %add3A {offsets = [0, 0], sizes = [10000, 64], strides = [1, 1]} : vector<10000x128xf32> to vector<10000x64xf32>
    %get3A_21 = arith.constant 0 : index
    %get3A_22 = arith.constant 0 : index
    %get3A_23 = vector.load %arg0[%get3A_21, %get3A_22] : memref<10000x64xf32, #tpu.memory_space<vmem>>, vector<10000x64xf32>
    %broadcast_in_dim3A = vector.shape_cast %div3A_14 : vector<10000xf32> to vector<10000x1xf32>
    %mul3A = vector.broadcast %broadcast_in_dim3A : vector<10000x1xf32> to vector<10000x64xf32>
    %mul3A_24 = arith.mulf %add3A_19, %mul3A : vector<10000x64xf32>
    %add3A_25 = arith.addf %get3A_23, %mul3A_24 : vector<10000x64xf32>
    %get3A_26 = arith.constant 0 : index
    %get3A_27 = arith.constant 0 : index
    %get3A_28 = vector.load %arg3[%get3A_26, %get3A_27] : memref<1x64xf32, #tpu.memory_space<vmem>>, vector<1x64xf32>
    %add3A_29 = vector.broadcast %get3A_28 : vector<1x64xf32> to vector<10000x64xf32>
    %add3A_30 = arith.addf %add3A_25, %add3A_29 : vector<10000x64xf32>
    %add3A_31 = arith.addf %add3A_30, %slice3A_20 : vector<10000x64xf32>
    %get3A_32 = arith.constant 0 : index
    %get3A_33 = arith.constant 0 : index
    %get3A_34 = vector.load %arg4[%get3A_32, %get3A_33] : memref<1x64xf32, #tpu.memory_space<vmem>>, vector<1x64xf32>
    %get3A_35 = arith.constant 0 : index
    %get3A_36 = arith.constant 0 : index
    %get3A_37 = vector.load %arg5[%get3A_35, %get3A_36] : memref<1x64xf32, #tpu.memory_space<vmem>>, vector<1x64xf32>
    %reduce_sum3A = arith.constant dense<0.000000e+00> : vector<64xf32>
    %reduce_sum3A_38 = vector.multi_reduction <add>, %add3A_31, %reduce_sum3A [0] : vector<10000x64xf32> to vector<64xf32>
    %broadcast_in_dim3A_39 = vector.shape_cast %reduce_sum3A_38 : vector<64xf32> to vector<1x64xf32>
    %div3A_40 = arith.constant 1.000000e+04 : f32
    %div3A_41 = vector.broadcast %div3A_40 : f32 to vector<1x64xf32>
    %div3A_42 = arith.divf %broadcast_in_dim3A_39, %div3A_41 : vector<1x64xf32>
    %sub3A = vector.broadcast %div3A_42 : vector<1x64xf32> to vector<10000x64xf32>
    %sub3A_43 = arith.subf %add3A_31, %sub3A : vector<10000x64xf32>
    %integer_pow3A = arith.mulf %sub3A_43, %sub3A_43 : vector<10000x64xf32>
    %reduce_sum3A_44 = arith.constant dense<0.000000e+00> : vector<64xf32>
    %reduce_sum3A_45 = vector.multi_reduction <add>, %integer_pow3A, %reduce_sum3A_44 [0] : vector<10000x64xf32> to vector<64xf32>
    %broadcast_in_dim3A_46 = vector.shape_cast %reduce_sum3A_45 : vector<64xf32> to vector<1x64xf32>
    %div3A_47 = arith.constant 1.000000e+04 : f32
    %div3A_48 = vector.broadcast %div3A_47 : f32 to vector<1x64xf32>
    %div3A_49 = arith.divf %broadcast_in_dim3A_46, %div3A_48 : vector<1x64xf32>
    %sub3A_50 = vector.broadcast %div3A_42 : vector<1x64xf32> to vector<10000x64xf32>
    %sub3A_51 = arith.subf %add3A_31, %sub3A_50 : vector<10000x64xf32>
    %mul3A_52 = vector.broadcast %get3A_34 : vector<1x64xf32> to vector<10000x64xf32>
    %mul3A_53 = arith.mulf %mul3A_52, %sub3A_51 : vector<10000x64xf32>
    %add3A_54 = arith.constant 9.99999974E-6 : f32
    %add3A_55 = vector.broadcast %add3A_54 : f32 to vector<1x64xf32>
    %add3A_56 = arith.addf %div3A_49, %add3A_55 : vector<1x64xf32>
    %rsqrt3A = math.rsqrt %add3A_56 : vector<1x64xf32>
    %mul3A_57 = vector.broadcast %rsqrt3A : vector<1x64xf32> to vector<10000x64xf32>
    %mul3A_58 = arith.mulf %mul3A_53, %mul3A_57 : vector<10000x64xf32>
    %add3A_59 = vector.broadcast %get3A_37 : vector<1x64xf32> to vector<10000x64xf32>
    %add3A_60 = arith.addf %mul3A_58, %add3A_59 : vector<10000x64xf32>
    %max3A_61 = arith.constant 0.000000e+00 : f32
    %max3A_62 = vector.broadcast %max3A_61 : f32 to vector<10000x64xf32>
    %max3A_63 = arith.maximumf %add3A_60, %max3A_62 : vector<10000x64xf32>
    %get3A_64 = arith.constant 0 : index
    %get3A_65 = arith.constant 0 : index
    %get3A_66 = vector.load %arg6[%get3A_64, %get3A_65] : memref<64x64xf32, #tpu.memory_space<vmem>>, vector<64x64xf32>
    %dot_general3A = arith.constant dense<0.000000e+00> : vector<10000x64xf32>
    %dot_general3A_67 = tpu.matmul %max3A_63, %get3A_66, %dot_general3A {dimension_numbers = #tpu.dot_dimension_numbers<[1], [0], [0], [1], [0, 0, 1, 1], [], []>, transpose_lhs_hint = false} : vector<10000x64xf32>, vector<64x64xf32>, vector<10000x64xf32> -> vector<10000x64xf32>
    %swap3A = arith.constant 0 : index
    %swap3A_68 = arith.constant 0 : index
    %swap3A_69 = vector.load %arg8[%swap3A, %swap3A_68] : memref<10000x64xf32, #tpu.memory_space<vmem>>, vector<10000x64xf32>
    tpu.vector_store %arg8[%swap3A, %swap3A_68], %dot_general3A_67 {strides = array<i32>} : memref<10000x64xf32, #tpu.memory_space<vmem>>, vector<10000x64xf32>,
    %get3A_70 = arith.constant 0 : index
    %get3A_71 = arith.constant 0 : index
    %get3A_72 = vector.load %arg7[%get3A_70, %get3A_71] : memref<64x64xf32, #tpu.memory_space<vmem>>, vector<64x64xf32>
    %dot_general3A_73 = arith.constant dense<0.000000e+00> : vector<10000x64xf32>
    %dot_general3A_74 = tpu.matmul %max3A_63, %get3A_72, %dot_general3A_73 {dimension_numbers = #tpu.dot_dimension_numbers<[1], [0], [0], [1], [0, 0, 1, 1], [], []>, transpose_lhs_hint = false} : vector<10000x64xf32>, vector<64x64xf32>, vector<10000x64xf32> -> vector<10000x64xf32>
    %swap3A_75 = arith.constant 0 : index
    %swap3A_76 = arith.constant 0 : index
    %swap3A_77 = vector.load %arg9[%swap3A_75, %swap3A_76] : memref<10000x64xf32, #tpu.memory_space<vmem>>, vector<10000x64xf32>
    tpu.vector_store %arg9[%swap3A_75, %swap3A_76], %dot_general3A_74 {strides = array<i32>} : memref<10000x64xf32, #tpu.memory_space<vmem>>, vector<10000x64xf32>,
    %broadcast_in_dim3A_78 = vector.shape_cast %div3A_14 : vector<10000xf32> to vector<10000x1xf32>
    %swap3A_79 = arith.constant 0 : index
    %swap3A_80 = arith.constant 0 : index
    %swap3A_81 = vector.load %arg10[%swap3A_79, %swap3A_80] : memref<10000x1xf32, #tpu.memory_space<vmem>>, vector<10000x1xf32>
    tpu.vector_store %arg10[%swap3A_79, %swap3A_80], %broadcast_in_dim3A_78 {strides = array<i32>} : memref<10000x1xf32, #tpu.memory_space<vmem>>, vector<10000x1xf32>,
    return
  }
}

module attributes {stable_mosaic.version = 14 : i64} {
  func.func @_tc_comb2_body(%arg0: memref<10000x64xf32, #tpu.memory_space<vmem>>, %arg1: memref<2x10000x64xf32, #tpu.memory_space<vmem>>, %arg2: memref<10000x1xf32, #tpu.memory_space<vmem>>, %arg3: memref<1x64xf32, #tpu.memory_space<vmem>>, %arg4: memref<1x64xf32, #tpu.memory_space<vmem>>, %arg5: memref<1x64xf32, #tpu.memory_space<vmem>>, %arg6: memref<64x2xf32, #tpu.memory_space<vmem>>, %arg7: memref<1x2xf32, #tpu.memory_space<vmem>>, %arg8: memref<10000x2xf32, #tpu.memory_space<vmem>>) attributes {dimension_semantics = [], scalar_prefetch = 0 : i64, scratch_operands = 0 : i64, tpu.core_type = #tpu.core_type<tc>} {
    %get3A = arith.constant 0 : index
    %get3A_0 = arith.constant 0 : index
    %get3A_1 = arith.constant 0 : index
    %get3A_2 = vector.load %arg1[%get3A, %get3A_0, %get3A_1] : memref<2x10000x64xf32, #tpu.memory_space<vmem>>, vector<2x10000x64xf32>
    %get3A_3 = arith.constant 0 : index
    %get3A_4 = arith.constant 0 : index
    %get3A_5 = vector.load %arg2[%get3A_3, %get3A_4] : memref<10000x1xf32, #tpu.memory_space<vmem>>, vector<10000x1xf32>
    %squeeze3A = vector.shape_cast %get3A_5 : vector<10000x1xf32> to vector<10000xf32>
    %slice3A = vector.extract_strided_slice %get3A_2 {offsets = [0, 0, 0], sizes = [1, 10000, 64], strides = [1, 1, 1]} : vector<2x10000x64xf32> to vector<1x10000x64xf32>
    %squeeze3A_6 = vector.shape_cast %slice3A : vector<1x10000x64xf32> to vector<10000x64xf32>
    %slice3A_7 = vector.extract_strided_slice %get3A_2 {offsets = [1, 0, 0], sizes = [1, 10000, 64], strides = [1, 1, 1]} : vector<2x10000x64xf32> to vector<1x10000x64xf32>
    %squeeze3A_8 = vector.shape_cast %slice3A_7 : vector<1x10000x64xf32> to vector<10000x64xf32>
    %add3A = arith.addf %squeeze3A_6, %squeeze3A_8 : vector<10000x64xf32>
    %get3A_9 = arith.constant 0 : index
    %get3A_10 = arith.constant 0 : index
    %get3A_11 = vector.load %arg0[%get3A_9, %get3A_10] : memref<10000x64xf32, #tpu.memory_space<vmem>>, vector<10000x64xf32>
    %broadcast_in_dim3A = vector.shape_cast %squeeze3A : vector<10000xf32> to vector<10000x1xf32>
    %mul3A = vector.broadcast %broadcast_in_dim3A : vector<10000x1xf32> to vector<10000x64xf32>
    %mul3A_12 = arith.mulf %add3A, %mul3A : vector<10000x64xf32>
    %add3A_13 = arith.addf %get3A_11, %mul3A_12 : vector<10000x64xf32>
    %get3A_14 = arith.constant 0 : index
    %get3A_15 = arith.constant 0 : index
    %get3A_16 = vector.load %arg3[%get3A_14, %get3A_15] : memref<1x64xf32, #tpu.memory_space<vmem>>, vector<1x64xf32>
    %add3A_17 = vector.broadcast %get3A_16 : vector<1x64xf32> to vector<10000x64xf32>
    %add3A_18 = arith.addf %add3A_13, %add3A_17 : vector<10000x64xf32>
    %get3A_19 = arith.constant 0 : index
    %get3A_20 = arith.constant 0 : index
    %get3A_21 = vector.load %arg4[%get3A_19, %get3A_20] : memref<1x64xf32, #tpu.memory_space<vmem>>, vector<1x64xf32>
    %get3A_22 = arith.constant 0 : index
    %get3A_23 = arith.constant 0 : index
    %get3A_24 = vector.load %arg5[%get3A_22, %get3A_23] : memref<1x64xf32, #tpu.memory_space<vmem>>, vector<1x64xf32>
    %reduce_sum3A = arith.constant dense<0.000000e+00> : vector<64xf32>
    %reduce_sum3A_25 = vector.multi_reduction <add>, %add3A_18, %reduce_sum3A [0] : vector<10000x64xf32> to vector<64xf32>
    %broadcast_in_dim3A_26 = vector.shape_cast %reduce_sum3A_25 : vector<64xf32> to vector<1x64xf32>
    %div3A = arith.constant 1.000000e+04 : f32
    %div3A_27 = vector.broadcast %div3A : f32 to vector<1x64xf32>
    %div3A_28 = arith.divf %broadcast_in_dim3A_26, %div3A_27 : vector<1x64xf32>
    %sub3A = vector.broadcast %div3A_28 : vector<1x64xf32> to vector<10000x64xf32>
    %sub3A_29 = arith.subf %add3A_18, %sub3A : vector<10000x64xf32>
    %integer_pow3A = arith.mulf %sub3A_29, %sub3A_29 : vector<10000x64xf32>
    %reduce_sum3A_30 = arith.constant dense<0.000000e+00> : vector<64xf32>
    %reduce_sum3A_31 = vector.multi_reduction <add>, %integer_pow3A, %reduce_sum3A_30 [0] : vector<10000x64xf32> to vector<64xf32>
    %broadcast_in_dim3A_32 = vector.shape_cast %reduce_sum3A_31 : vector<64xf32> to vector<1x64xf32>
    %div3A_33 = arith.constant 1.000000e+04 : f32
    %div3A_34 = vector.broadcast %div3A_33 : f32 to vector<1x64xf32>
    %div3A_35 = arith.divf %broadcast_in_dim3A_32, %div3A_34 : vector<1x64xf32>
    %sub3A_36 = vector.broadcast %div3A_28 : vector<1x64xf32> to vector<10000x64xf32>
    %sub3A_37 = arith.subf %add3A_18, %sub3A_36 : vector<10000x64xf32>
    %mul3A_38 = vector.broadcast %get3A_21 : vector<1x64xf32> to vector<10000x64xf32>
    %mul3A_39 = arith.mulf %mul3A_38, %sub3A_37 : vector<10000x64xf32>
    %add3A_40 = arith.constant 9.99999974E-6 : f32
    %add3A_41 = vector.broadcast %add3A_40 : f32 to vector<1x64xf32>
    %add3A_42 = arith.addf %div3A_35, %add3A_41 : vector<1x64xf32>
    %rsqrt3A = math.rsqrt %add3A_42 : vector<1x64xf32>
    %mul3A_43 = vector.broadcast %rsqrt3A : vector<1x64xf32> to vector<10000x64xf32>
    %mul3A_44 = arith.mulf %mul3A_39, %mul3A_43 : vector<10000x64xf32>
    %add3A_45 = vector.broadcast %get3A_24 : vector<1x64xf32> to vector<10000x64xf32>
    %add3A_46 = arith.addf %mul3A_44, %add3A_45 : vector<10000x64xf32>
    %max3A = arith.constant 0.000000e+00 : f32
    %max3A_47 = vector.broadcast %max3A : f32 to vector<10000x64xf32>
    %max3A_48 = arith.maximumf %add3A_46, %max3A_47 : vector<10000x64xf32>
    %get3A_49 = arith.constant 0 : index
    %get3A_50 = arith.constant 0 : index
    %get3A_51 = vector.load %arg6[%get3A_49, %get3A_50] : memref<64x2xf32, #tpu.memory_space<vmem>>, vector<64x2xf32>
    %dot_general3A = arith.constant dense<0.000000e+00> : vector<10000x2xf32>
    %dot_general3A_52 = tpu.matmul %max3A_48, %get3A_51, %dot_general3A {dimension_numbers = #tpu.dot_dimension_numbers<[1], [0], [0], [1], [0, 0, 1, 1], [], []>, transpose_lhs_hint = false} : vector<10000x64xf32>, vector<64x2xf32>, vector<10000x2xf32> -> vector<10000x2xf32>
    %get3A_53 = arith.constant 0 : index
    %get3A_54 = arith.constant 0 : index
    %get3A_55 = vector.load %arg7[%get3A_53, %get3A_54] : memref<1x2xf32, #tpu.memory_space<vmem>>, vector<1x2xf32>
    %add3A_56 = vector.broadcast %get3A_55 : vector<1x2xf32> to vector<10000x2xf32>
    %add3A_57 = arith.addf %dot_general3A_52, %add3A_56 : vector<10000x2xf32>
    %swap3A = arith.constant 0 : index
    %swap3A_58 = arith.constant 0 : index
    %swap3A_59 = vector.load %arg8[%swap3A, %swap3A_58] : memref<10000x2xf32, #tpu.memory_space<vmem>>, vector<10000x2xf32>
    tpu.vector_store %arg8[%swap3A, %swap3A_58], %add3A_57 {strides = array<i32>} : memref<10000x2xf32, #tpu.memory_space<vmem>>, vector<10000x2xf32>,
    return
  }
}

</mosaic_0001>

<sc_bundles>
// kernel: kernel.12.cloned.1.call-start
scs
__scs_entry_jumppad:
0x0: {  	(pc) =	sbr.rel $0x88, $3  }
0x1: {  	(tag) =	ssettag $0x0;
	lr =	simm.s32 $0x1  }
0x2: {  	[smem:$0x3F90] =	sst lr;
	_ =	strace $0xD0000000  }
0x3: {  	_ = 	snop  }
0x4: {  	_ = 	snop  }
0x5: {  	_ = 	snop  }
0x6: {  	_ = 	snop  }
0x7: {  	_ = 	snop  }
__scs_overlays_trampoline_lowered:
0x8: {  	[smem:$0x3F9F] =	sst s0  }
0x9: {  	[smem:$0x3FA0] =	sst s1  }
0xa: {  	[smem:$0x3FA1] =	sst s2  }
0xb: {  	[smem:$0x3FA2] =	sst s3  }
0xc: {  	[smem:$0x3FA3] =	sst s4  }
0xd: {  	[smem:$0x3FA4] =	sst s5  }
0xe: {  	[smem:$0x3FA5] =	sst s6  }
0xf: {  	[smem:$0x3FA6] =	sst s7  }
0x10: {  	[smem:$0x3FA7] =	sst s8  }
0x11: {  	[smem:$0x3FA8] =	sst s9;
	s0 =	simm.s32 @!p0 $0x0  }
0x12: {  	s1 =	sld [smem:$0x3F8E];
	s0 =	simm.s32 @p0 $0x1  }
0x13: {  	[smem:$0x3FA9] =	sst s0;
	s0 =	simm.s32 @!p1 $0x0  }
0x14: {  	s2 =	sld [smem:$0x3F8D];
	s0 =	simm.s32 @p1 $0x1  }
0x15: {  	[smem:$0x3FAA] =	sst s0;
	s0 =	simm.s32 @!p2 $0x0  }
0x16: {  	s3 =	sld [smem:$0x3FDB];
	s0 =	simm.s32 @p2 $0x1  }
0x17: {  	s4 =	simm.s32 $0x1BF5;
	[smem:$0x3FAC] =	sst s0  }
0x18: {  	s0 =	sld [smem:$0x3F8F];
	_ =	swait.ge [sflag:s4], $0x0  }
0x19: {  	s7 =	sld [smem:$0x3F90]  }
0x1a: {  	s8 =	sadd.s32 $0xFFFFE003, lr  }
0x1b: {  	s9 =	sadd.s32 $0xFFFFFEF7, lr;
	s5 =	simm.s32 $0xFFFFFFFF;
	p2 =	slt.u32 s8, $0xFFFFF086  }
0x1c: {  	p1 =	slt.u32 s9, $0xF7A;
	s5 =	simm.s32 @!p2 $0x0  }
0x1d: {  	s5 =	simm.s32 @p1 $0x1;
	p0 =	seq.s32 s7, s2  }
0x1e: {  	s7 =	smul.u32 @!p0 $0xF7A, s2;
	p2 =	seq.s32 @!p0 s5, $0x0  }
0x1f: {  	s9 =	smul.u32 $0xF7A, s1;
	s8 =	simm.s32 @!p0 $0x1BF5;
	p2 =	por !p2, p0  }
0x20: {  	[sflag:s8] =	ssyncset.s32 @!p0 $0xFFFFF086;
	s6 =	sadd.s32 @!p0 s3, s7;
	s7 =	simm.s32 @!p0 $0x108  }
0x21: {  	s3 =	sadd.s32 s3, s9;
	s6 =	sadd.s32 @!p0 $0x88, s6;
	s7 =	simm.s32 @p2 $0x1082  }
0x22: {  	[simem:s7], [sflag:s8] =	dma.local @!p0 [hbm:s6], $0xF7A  }
0x23: {  	s9 =	sor.u32 $0xD0000000, s2;
	s6 =	simm.s32 $0x108;
	_ =	swait.ge @!p0 [sflag:s8], $0x0  }
0x24: {  	s3 =	sadd.s32 $0x88, s3;
	s6 =	simm.s32 @!p1 $0x1082;
	[sflag:s4] =	ssyncset.s32 $0xFFFFF086  }
0x25: {  	[simem:s6], [sflag:s4] =	dma.local [hbm:s3], $0xF7A  }
0x26: {  	[smem:$0x3F90] =	sst s1;
	(tag) =	ssettag s2;
	_ =	strace s9  }
0x27: {  	s1 =	sld [smem:$0x3FA0]  }
0x28: {  	s2 =	sld [smem:$0x3FA1]  }
0x29: {  	s4 =	sld [smem:$0x3FA3]  }
0x2a: {  	p0 =	seq.s32 s5, $0x0;
	s5 =	sld [smem:$0x3FA4]  }
0x2b: {  	s6 =	sld [smem:$0x3FA5]  }
0x2c: {  	s7 =	sld [smem:$0x3FA6]  }
0x2d: {  	s3 =	simm.s32 $0x108;
	s8 =	sld [smem:$0x3FA7]  }
0x2e: {  	s3 =	simm.s32 @!p0 $0x1082;
	s9 =	sld [smem:$0x3FA8]  }
0x2f: {  	lr =	sadd.s32 s0, s3;
	s0 =	sld [smem:$0x3F9F]  }
0x30: {  	s3 =	sld [smem:$0x3FA2]  }
0x31: {  	[smem:$0x3FAB] =	sst s10  }
0x32: {  	s10 =	sld [smem:$0x3FA9];
	_ =	sdelay $0x3  }
0x33: {  	p0 =	seq.s32 s10, $0x1;
	s10 =	sld [smem:$0x3FAB];
	_ =	sdelay $0x3  }
0x34: {  	[smem:$0x3FAB] =	sst s10  }
0x35: {  	s10 =	sld [smem:$0x3FAA];
	_ =	sdelay $0x3  }
0x36: {  	p1 =	seq.s32 s10, $0x1;
	s10 =	sld [smem:$0x3FAB];
	_ =	sdelay $0x3  }
0x37: {  	[smem:$0x3FAB] =	sst s10  }
0x38: {  	s10 =	sld [smem:$0x3FAC]  }
0x39: {  	_ = 	snop;
	(pc) =	sbr.ind lr, $3  }
0x3a: {  	_ = 	snop  }
0x3b: {  	_ = 	snop  }
0x3c: {  	p2 =	seq.s32 s10, $0x1;
	s10 =	sld [smem:$0x3FAB]  }
0x3d: {  	_ =	shalt  }
0x3e: {  	_ =	shalt  }
0x3f: {  	_ =	shalt  }
0x40: {  	_ =	shalt  }
0x41: {  	_ =	shalt  }
0x42: {  	_ =	shalt  }
0x43: {  	_ =	shalt  }
0x44: {  	_ =	shalt  }
0x45: {  	_ =	shalt  }
0x46: {  	_ =	shalt  }
0x47: {  	_ =	shalt  }
0x48: {  	_ =	shalt  }
0x49: {  	_ =	shalt  }
0x4a: {  	_ =	shalt  }
0x4b: {  	_ =	shalt  }
0x4c: {  	_ =	shalt  }
0x4d: {  	_ =	shalt  }
0x4e: {  	_ =	shalt  }
0x4f: {  	_ =	shalt  }
0x50: {  	_ =	shalt  }
0x51: {  	_ =	shalt  }
0x52: {  	_ =	shalt  }
0x53: {  	_ =	shalt  }
0x54: {  	_ =	shalt  }
0x55: {  	_ =	shalt  }
0x56: {  	_ =	shalt  }
0x57: {  	_ =	shalt  }
0x58: {  	_ =	shalt  }
0x59: {  	_ =	shalt  }
0x5a: {  	_ =	shalt  }
0x5b: {  	_ =	shalt  }
0x5c: {  	_ =	shalt  }
0x5d: {  	_ =	shalt  }
0x5e: {  	_ =	shalt  }
0x5f: {  	_ =	shalt  }
0x60: {  	_ =	shalt  }
0x61: {  	_ =	shalt  }
0x62: {  	_ =	shalt  }
0x63: {  	_ =	shalt  }
0x64: {  	_ =	shalt  }
0x65: {  	_ =	shalt  }
0x66: {  	_ =	shalt  }
0x67: {  	_ =	shalt  }
0x68: {  	_ =	shalt  }
0x69: {  	_ =	shalt  }
0x6a: {  	_ =	shalt  }
0x6b: {  	_ =	shalt  }
0x6c: {  	_ =	shalt  }
0x6d: {  	_ =	shalt  }
0x6e: {  	_ =	shalt  }
0x6f: {  	_ =	shalt  }
0x70: {  	_ =	shalt  }
0x71: {  	_ =	shalt  }
0x72: {  	_ =	shalt  }
0x73: {  	_ =	shalt  }
0x74: {  	_ =	shalt  }
0x75: {  	_ =	shalt  }
0x76: {  	_ =	shalt  }
0x77: {  	_ =	shalt  }
0x78: {  	_ =	shalt  }
0x79: {  	_ =	shalt  }
0x7a: {  	_ =	shalt  }
0x7b: {  	_ =	shalt  }
0x7c: {  	_ =	shalt  }
0x7d: {  	_ =	shalt  }
0x7e: {  	_ =	shalt  }
0x7f: {  	_ =	shalt  }
0x80: {  	_ =	shalt  }
0x81: {  	_ =	shalt  }
0x82: {  	_ =	shalt  }
0x83: {  	_ =	shalt  }
0x84: {  	_ =	shalt  }
0x85: {  	_ =	shalt  }
0x86: {  	_ =	shalt  }
0x87: {  	_ =	shalt  }
.Lfunc_end0:
.L_simem_size_0:
called_computation.1_lowered:
.L_overlay_start_0:
0x88: {  	s2 =	sld [smem:$0x3FD9]  }
0x89: {  	s3 =	sld [smem:$0x3FFE];
	_ =	sdelay $0x1  }
0x8a: {  	s1 =	srdreg.scid  }
0x8b: {  	s0 =	sand.u32 $0x1, s1  }
0x8c: {  	s16 =	sshll.u32 s0, $0xA;
	s2 =	sadd.s32 s3, s2  }
0x8d: {  	s2 =	sadd.s32 s2, s16  }
0x8e: {  	[smem:$0x3FB7] =	sst s2  }
0x8f: {  	_ = 	snop  }
0x90: {  	(tm) =	ssettm $0x1  }
0x91: {  	s17 =	sld [smem:$0x3FFB];
	_ =	sdelay $0x3  }
0x92: {  	_ =	strace s17  }
0x93: {  	s2 =	sld [smem:$0x3FFC];
	_ =	sdelay $0x3  }
0x94: {  	_ =	strace s2  }
0x95: {  	s2 =	sld [smem:$0x3FFD];
	_ =	sdelay $0x3  }
0x96: {  	_ =	strace s2  }
0x97: {  	_ =	strace $0x8FFFFFFF  }
0x98: {  	s18 =	sld [smem:$0x3FDB];
	_ =	sdelay $0x1  }
0x99: {  	s19 =	simm.s32 $_scs_section_size  }
0x9a: {  	s4 =	simm.s32 $_size__tile_overlayer_lowered;
	s5 =	simm.s32 $_tile_overlayer_lowered  }
0x9b: {  	s22 =	simm.s32 $0x1BFF;
	s21 =	sshll.u32 s5, $0x1;
	s2 =	sadd.s32 s19, s18  }
0x9c: {  	s6 =	simm.s32 $0x0;
	s20 =	sshll.u32 s4, $0x1;
	s4 =	sadd.s32 s21, s2  }
0x9d: {  	[timem:s6], [sflag:s22] =	dma.local [hbm:s4], s20  }
0x9e: {  	_ =	swait.ge [sflag:s22], s20  }
0x9f: {  	s3 =	ssub.s32 $0x0, s20;
	[sflag:s22] =	ssyncset.done $0x0  }
0xa0: {  	[sflag:s22] =	ssyncadd.s32 s3;
	_ =	sdelay $0x1  }
0xa1: {  	s23 =	simm.s32 $0x1B8B  }
0xa2: {  	_ =	swait.ge [sflag:s23], $0x1  }
0xa3: {  	[sflag:s23] =	ssyncset.done $0x0  }
0xa4: {  	s25 =	simm.s32 $0x1B8E;
	s24 =	sld [smem:$0x3FFE];
	[sflag:s23] =	ssyncadd.s32 $0xFFFFFFFF  }
0xa5: {  	s26 =	simm.s32 $execute0_lowered;
	[smem:$0x3FD2] =	sst s25  }
0xa6: {  	s4 =	sshll.u32 s26, $0x1;
	_ =	strace $0x80000046;
	[dreg:$0x1] =	wrdreg $0xFFFFFFFF  }
0xa7: {  	s28 =	simm.s32 $_size_execute0_lowered;
	s2 =	sadd.s32 s2, s4;
	[dreg:$0x0] =	wrdreg $0x0  }
0xa8: {  	s4 =	sshll.u32 s28, $0x1;
	[dreg:$0x2] =	wrdreg s2  }
0xa9: {  	[dreg:$0x3] =	wrdreg s4  }
0xaa: {  	[dreg:$0x4] =	wrdreg $0xC0  }
0xab: {  	_ =	task [dreg:s6], $0x5FFFF  }
0xac: {  	[dreg:$0x1] =	wrdreg $0xFFFFFFFF  }
0xad: {  	[dreg:$0x0] =	wrdreg $0x60  }
0xae: {  	[dreg:$0x2] =	wrdreg s24  }
0xaf: {  	[dreg:$0x3] =	wrdreg $0x0  }
0xb0: {  	[dreg:$0x4] =	wrdreg $0xA  }
0xb1: {  	_ =	task.clear_ibuf [dreg:s6], $0x5FFFF;
	_ =	strace $0x90000046  }
0xb2: {  	s29 =	simm.s32 $0xA;
	_ =	strace $0x80000048  }
0xb3: {  	_ =	swait.ge [sflag:s29], $0x1  }
0xb4: {  	[sflag:s29] =	ssyncadd.s32 $0xFFFFFFFF  }
0xb5: {  	_ =	strace $0x90000048  }
0xb6: {  	_ =	sfence  }
0xb7: {  	s30 =	sld [smem:$0x0];
	_ =	sdelay $0x2  }
0xb8: {  	s31 =	sshll.u32 s1, $0xD;
	s1 =	sshrl.u32 s1, $0x2  }
0xb9: {  	s3 =	sand.u32 $0x4000, s31;
	s1 =	sadd.s32 s1, s30  }
0xba: {  	s0 =	sor.u32 s3, s0;
	s1 =	sshll.u32 s1, $0x11  }
0xbb: {  	s0 =	sor.u32 s1, s0  }
0xbc: {  	s0 =	sadd.s32 $0x8F2B, s0  }
0xbd: {  	[sflag:s0] =	ssyncadd.remote.s32 $0x1  }
0xbe: {  	_ =	sfence.sel $0xFFFF  }
0xbf: {  	[dreg:$0x0] =	wrdreg $0xFFFFFFFF;
	(pc) =	sbr.abs _section_cstart, $3  }
0xc0: {  	[dreg:$0x1] =	wrdreg $0xFFFFFFFF  }
0xc1: {  	_ =	task.clear_ibuf [dreg:s6], $0x2FFFF;
	_ =	strace $0x9FFFFFFF  }
0xc2: {  	(tm) =	ssettm $0x7FFFFFFF  }
0xc3: {  	_ =	shalt  }
tec
execute0_lowered:
.L_overlay_start_1:
0x0: {  	(tag) =	ssettag $0x1  }
0x1: {  	s0 =	rddreg [dreg:$0x0]  }
0x2: {  	s2 =	rddreg [dreg:$0x1];
	s1 =	simm.s32 $0x0  }
0x3: {  	s5 =	stileid.u32;
	s6 =	srdreg.scid;
	s26 =	simm.s32 $0x9CC0  }
0x4: {  	s31 =	simm.s32 $0x9DC0;
	s28 =	simm.s32 $0x8;
	s29 =	simm.s32 $0x6  }
0x5: {  	s30 =	simm.s32 $0x0;
	[smem:$0x7FF] =	sst s1;
	s17 =	smul.u32 $0x9E00, s5  }
0x6: {  	s4 =	sadd.s32 $0x2B800, s0;
	s3 =	sadd.s32 $0x3F200, s0;
	s13 =	sand.u32 $0x1, s6  }
0x7: {  	s18 =	sshll.u32 s5, $0x1;
	p0 =	slt.u32 s5, $0x2;
	s24 =	smul.u32 $0x1380, s5  }
0x8: {  	_ =	strace $0x80000047;
	s7 =	smul.u32 $0x13880, s13;
	[dreg:$0x5] =	wrdreg s26  }
0x9: {  	s8 =	ssub.s32 $0x2, s13;
	s6 =	sor.u32 s13, s18;
	[dreg:$0x6] =	wrdreg s31  }
0xa: {  	s26 =	simm.s32 $0xC040;
	s9 =	sshrl.u32 s17, $0x3;
	s10 =	sshrl.u32 s8, $0x1  }
0xb: {  	s11 =	smul.u32 $0x4E, s6;
	s16 =	smin.u32 s6, $0x4;
	s1 =	sadd.s32 s17, s2  }
0xc: {  	s17 =	sadd.s32 $0x94200, s2;
	[dreg:$0x7] =	wrdreg s9;
	s9 =	sadd.s32 s9, s0  }
0xd: {  	s14 =	sadd.s32 s7, s0;
	s15 =	ssub.s32 s8, s10;
	s7 =	simm.s32 $0x4F  }
0xe: {  	s0 =	sadd.s32 $0x65440, s0;
	s25 =	sshll.u32 s16, $0x5;
	s19 =	sadd.s32 $0x52C00, s9  }
0xf: {  	s20 =	sadd.s32 s16, s11;
	s7 =	simm.s32 @!p0 $0x4E;
	[dreg:$0xa] =	wrdreg s0  }
0x10: {  	s0 =	sadd.s32 s24, s3;
	p0 =	seq.s32 s5, $0xF;
	s24 =	simm.s32 $0x5  }
0x11: {  	[dreg:$0x8] =	wrdreg s19;
	s8 =	sshll.u32 s20, $0x5;
	s23 =	sadd.s32 $0xFFFFFFFE, s7  }
0x12: {  	s11 =	sadd.s32 $0xFFFFFFFD, s7;
	s12 =	sadd.s32 $0xFFFFFFFC, s7;
	s18 =	sadd.s32 $0xFFFFFFFB, s7  }
0x13: {  	s19 =	smul.u32 $0x9C0, s13;
	s13 =	sadd.s32 $0x66600, s14;
	s14 =	smax.u32 s15, $0x1  }
0x14: {  	s16 =	sshrl.u32 @p0 s17, $0x3;
	s20 =	simm.s32 $0x9D40;
	[dreg:$0x3] =	wrdreg s23  }
0x15: {  	s21 =	sadd.s32 s3, s8;
	[dreg:$0x4] =	wrdreg s18;
	s18 =	sshrl.u32 @!p0 s1, $0x3  }
0x16: {  	s23 =	simm.s32 $0xA040;
	[dreg:$0x9] =	wrdreg s21;
	s22 =	sadd.s32 $0x20, s21  }
0x17: {  	s0 =	sadd.s32 s19, s0;
	s19 =	simm.s32 $0x9C40;
	s21 =	simm.s32 $0x1  }
0x18: {  	[dreg:$0xb] =	wrdreg s22;
	s15 =	sadd.s32 s25, s0;
	s0 =	sshll.u32 @!p0 s5, $0x6  }
0x19: {  	s22 =	simm.s32 $0x80;
	s25 =	simm.s32 $0x2;
	s17 =	sor.u32 @!p0 $0x1C07, s0  }
.LBB2_1:
0x1a: {  	s0 =	simm.s32 @p0 $0x1FC7;
	s1 =	rddreg [dreg:$0xa]  }
0x1b: {  	[spmem:s16], [sflag:s0] =	dma.local @p0 [hbm:s1], $0x1040  }
0x1c: {  	s0 =	simm.s32 @p0 $0x7  }
0x1d: {  	_ =	swait.ge @p0 [sflag:s0], $0x1040  }
0x1e: {  	[sflag:s0] =	ssyncset.done @p0 $0x0  }
0x1f: {  	[sflag:s0] =	ssyncadd.s32 @p0 $0xFFFFEFC0;
	s0 =	rddreg [dreg:$0x8]  }
0x20: {  	[spmem:s18], [sflag:s17] =	dma.local @!p0 [hbm:s0], $0x13C0  }
0x21: {  	s0 =	simm.s32 @!p0 $0x7  }
0x22: {  	_ =	swait.ge @!p0 [sflag:s0], $0x13C0  }
0x23: {  	[sflag:s0] =	ssyncset.done @!p0 $0x0  }
0x24: {  	[sflag:s0] =	ssyncadd.s32 @!p0 $0xFFFFEC40  }
0x25: {  	[bflag:$0x0] =	sbarrier.arrive $0xFFFF  }
0x26: {  	s3 =	simm.s32 $0x0;
	s5 =	rddreg [dreg:$0x9]  }
0x27: {  	[tilespmem:s19], [sflag:$0x1] =	stream.linear.gather [hbm4b:s5+s3], $0x100, $0x38;
	[tilespmem:$0xE040] =	vst v63  }
0x28: {  	s6 =	rddreg [dreg:$0xb]  }
0x29: {  	[tilespmem:s20], [sflag:$0x2] =	stream.linear.gather [hbm4b:s6+s3], $0x100, $0x38;
	[tilespmem:$0xE040] =	vst v63  }
0x2a: {  	_ =	swait.ge [sflag:s21], $0x100  }
0x2b: {  	[sflag:s21] =	ssyncset.done $0x0  }
0x2c: {  	[sflag:s21] =	ssyncadd.s32 $0xFFFFFF00  }
0x2d: {  	[tilespmem:s23], [sflag:$0x5] =	stream.indirect.gather [hbm4b:s4+s22], $0x40, s19, s22, $0xb8;
	[tilespmem:$0xE040] =	vst v63  }
0x2e: {  	_ =	swait.ge [sflag:s24], $0x2000  }
0x2f: {  	s8 =	rddreg [dreg:$0x3]  }
0x30: {  	[sflag:s24] =	ssyncset.done $0x0;
	p1 =	sle.u32 s8, $0x0  }
0x31: {  	[sflag:s24] =	ssyncadd.s32 $0xFFFFE000;
	s0 =	sadd.s32 @!p1 $0x0, s15  }
0x32: {  	s1 =	simm.s32 @!p1 $0x0;
	s3 =	simm.s32 @!p1 $0x9E40;
	s0 =	sadd.s32 @!p1 $0x40, s0  }
0x33: {  	[tilespmem:s3], [sflag:$0x3] =	stream.linear.gather @!p1 [hbm4b:s0+s1], $0x100, $0x38;
	[tilespmem:$0xE040] =	vst v63  }
0x34: {  	_ =	swait.ge [sflag:s25], $0x100  }
0x35: {  	[sflag:s25] =	ssyncset.done $0x0  }
0x36: {  	[sflag:s25] =	ssyncadd.s32 $0xFFFFFF00  }
0x37: {  	[tilespmem:s26], [sflag:$0x6] =	stream.indirect.gather [hbm4b:s4+s22], $0x40, s20, s22, $0xb8;
	[tilespmem:$0xE040] =	vst v63  }
0x38: {  	s9 =	rddreg [dreg:$0x5]  }
0x39: {  	[spmem:s2] =	stream.indirect.scatter.add.f32 [tilespmem:s23], [sflag:$0x8], $0x40, s9, s22, $0xb8;
	[tilespmem:$0xE040] =	vst v63  }
0x3a: {  	_ =	swait.ge [sflag:s28], $0x2000  }
0x3b: {  	[sflag:s28] =	ssyncset.done $0x0  }
0x3c: {  	[sflag:s28] =	ssyncadd.s32 $0xFFFFE000  }
0x3d: {  	p2 =	sle.u32 s11, $0x0;
	_ =	swait.ge [sflag:s29], $0x2000  }
0x3e: {  	s31 =	simm.s32 @!p2 $0x9F40;
	s0 =	sadd.s32 @!p2 $0x0, s15;
	[sflag:s29] =	ssyncset.done $0x0  }
0x3f: {  	s1 =	simm.s32 @!p2 $0x0;
	s0 =	sadd.s32 @!p2 $0x60, s0;
	[sflag:s29] =	ssyncadd.s32 $0xFFFFE000  }
0x40: {  	[tilespmem:s31], [sflag:$0x4] =	stream.linear.gather @!p2 [hbm4b:s0+s1], $0x100, $0x38;
	[tilespmem:$0xE040] =	vst v63  }
0x41: {  	s0 =	simm.s32 @!p1 $0x3  }
0x42: {  	_ =	swait.ge @!p1 [sflag:s0], $0x100  }
0x43: {  	[sflag:s0] =	ssyncset.done @!p1 $0x0  }
0x44: {  	s1 =	simm.s32 @!p1 $0xA040;
	s31 =	simm.s32 @!p1 $0x80;
	[sflag:s0] =	ssyncadd.s32 @!p1 $0xFFFFFF00  }
0x45: {  	[tilespmem:s1], [sflag:$0x5] =	stream.indirect.gather @!p1 [hbm4b:s4+s31], $0x40, s3, s31, $0xb8;
	[tilespmem:$0xE040] =	vst v63  }
0x46: {  	s10 =	rddreg [dreg:$0x6]  }
0x47: {  	[spmem:s2] =	stream.indirect.scatter.add.f32 [tilespmem:s26], [sflag:$0x8], $0x40, s10, s22, $0xb8;
	[tilespmem:$0xE040] =	vst v63  }
0x48: {  	p1 =	sle.u32 s7, $0x2;
	_ =	swait.ge [sflag:s28], $0x2000  }
0x49: {  	p2 =	sle.u32 @!p1 s12, $0x0;
	[sflag:s28] =	ssyncset.done $0x0  }
0x4a: {  	s0 =	simm.s32 @!p1 $0x5;
	p3 =	sle.u32 @!p1 s11, $0x0;
	[sflag:s28] =	ssyncadd.s32 $0xFFFFE000  }
0x4b: {  	p2 =	por p2, p1;
	p3 =	por p3, p1;
	_ =	swait.ge @!p1 [sflag:s0], $0x2000  }
0x4c: {  	s1 =	sadd.s32 @!p2 $0x0, s15;
	s3 =	simm.s32 @!p2 $0x0;
	[sflag:s0] =	ssyncset.done @!p1 $0x0  }
0x4d: {  	s1 =	sadd.s32 @!p2 $0x80, s1;
	[sflag:s0] =	ssyncadd.s32 @!p1 $0xFFFFE000;
	s0 =	simm.s32 @!p2 $0x9C40  }
0x4e: {  	[tilespmem:s0], [sflag:$0x1] =	stream.linear.gather @!p2 [hbm4b:s1+s3], $0x100, $0x38;
	[tilespmem:$0xE040] =	vst v63  }
0x4f: {  	s0 =	simm.s32 @!p3 $0x4  }
0x50: {  	_ =	swait.ge @!p3 [sflag:s0], $0x100  }
0x51: {  	s1 =	simm.s32 @!p3 $0xC040;
	[sflag:s0] =	ssyncset.done @!p3 $0x0  }
0x52: {  	s3 =	simm.s32 @!p3 $0x80;
	[sflag:s0] =	ssyncadd.s32 @!p3 $0xFFFFFF00;
	s0 =	simm.s32 @!p3 $0x9F40  }
0x53: {  	[tilespmem:s1], [sflag:$0x6] =	stream.indirect.gather @!p3 [hbm4b:s4+s3], $0x40, s0, s3, $0xb8;
	[tilespmem:$0xE040] =	vst v63  }
0x54: {  	s0 =	simm.s32 @!p1 $0xA040;
	s1 =	simm.s32 @!p1 $0x80;
	s3 =	simm.s32 @!p1 $0x9EC0  }
0x55: {  	[spmem:s2] =	stream.indirect.scatter.add.f32 @!p1 [tilespmem:s0], [sflag:$0x8], $0x40, s3, s1, $0xb8;
	[tilespmem:$0xE040] =	vst v63  }
0x56: {  	s0 =	simm.s32 @!p1 $0x8  }
0x57: {  	_ =	swait.ge @!p1 [sflag:s0], $0x2000  }
0x58: {  	p2 =	sle.u32 s7, $0x3;
	[sflag:s0] =	ssyncset.done @!p1 $0x0  }
0x59: {  	[sflag:s0] =	ssyncadd.s32 @!p1 $0xFFFFE000;
	s0 =	simm.s32 @!p2 $0x6  }
0x5a: {  	_ =	swait.ge @!p2 [sflag:s0], $0x2000  }
0x5b: {  	s1 =	rddreg [dreg:$0x4]  }
0x5c: {  	p1 =	sle.u32 @!p2 s1, $0x0  }
0x5d: {  	p3 =	sle.u32 @!p2 s12, $0x0;
	[sflag:s0] =	ssyncset.done @!p2 $0x0;
	p1 =	por p1, p2  }
0x5e: {  	p3 =	por p3, p2;
	[sflag:s0] =	ssyncadd.s32 @!p2 $0xFFFFE000;
	s1 =	sadd.s32 @!p1 $0x0, s15  }
0x5f: {  	s3 =	simm.s32 @!p1 $0x0;
	s0 =	simm.s32 @!p1 $0x9D40;
	s1 =	sadd.s32 @!p1 $0xA0, s1  }
0x60: {  	[tilespmem:s0], [sflag:$0x2] =	stream.linear.gather @!p1 [hbm4b:s1+s3], $0x100, $0x38;
	[tilespmem:$0xE040] =	vst v63  }
0x61: {  	s0 =	simm.s32 @!p3 $0x1  }
0x62: {  	_ =	swait.ge @!p3 [sflag:s0], $0x100  }
0x63: {  	s1 =	simm.s32 @!p3 $0xA040;
	[sflag:s0] =	ssyncset.done @!p3 $0x0  }
0x64: {  	s3 =	simm.s32 @!p3 $0x80;
	[sflag:s0] =	ssyncadd.s32 @!p3 $0xFFFFFF00;
	s0 =	simm.s32 @!p3 $0x9C40  }
0x65: {  	[tilespmem:s1], [sflag:$0x5] =	stream.indirect.gather @!p3 [hbm4b:s4+s3], $0x40, s0, s3, $0xb8;
	[tilespmem:$0xE040] =	vst v63  }
0x66: {  	s0 =	simm.s32 @!p2 $0xC040;
	s1 =	simm.s32 @!p2 $0x80;
	s3 =	simm.s32 @!p2 $0x9FC0  }
0x67: {  	[spmem:s2] =	stream.indirect.scatter.add.f32 @!p2 [tilespmem:s0], [sflag:$0x7], $0x40, s3, s1, $0xb8;
	[tilespmem:$0xE040] =	vst v63  }
0x68: {  	s31 =	simm.s32 $0x80;
	s3 =	simm.s32 @!p2 $0x7;
	s0 =	simm.s32 $0x0  }
.LBB2_2:
0x69: {  	_ =	swait.ge @!p2 [sflag:s3], $0x2000  }
0x6a: {  	[sflag:s3] =	ssyncset.done @!p2 $0x0  }
0x6b: {  	[sflag:s3] =	ssyncadd.s32 @!p2 $0xFFFFE000  }
0x6c: {  	_ =	swait.ge [sflag:s24], $0x2000  }
0x6d: {  	s0 =	sadd.s32 $0x4, s0;
	s10 =	rddreg [dreg:$0x3]  }
0x6e: {  	s1 =	smov.u32 s31;
	[sflag:s24] =	ssyncset.done $0x0;
	p2 =	sge.u32 s0, s10  }
0x6f: {  	[sflag:s24] =	ssyncadd.s32 $0xFFFFE000;
	s3 =	sadd.s32 @!p2 s1, s15  }
0x70: {  	s5 =	simm.s32 @!p2 $0x0;
	s6 =	simm.s32 @!p2 $0x9E40;
	s3 =	sadd.s32 @!p2 $0x40, s3  }
0x71: {  	[tilespmem:s6], [sflag:$0x3] =	stream.linear.gather @!p2 [hbm4b:s3+s5], $0x100, $0x38;
	[tilespmem:$0xE040] =	vst v63  }
0x72: {  	_ =	swait.ge [sflag:s25], $0x100  }
0x73: {  	[sflag:s25] =	ssyncset.done $0x0  }
0x74: {  	[sflag:s25] =	ssyncadd.s32 $0xFFFFFF00  }
0x75: {  	[tilespmem:s26], [sflag:$0x6] =	stream.indirect.gather [hbm4b:s4+s22], $0x40, s20, s22, $0xb8;
	[tilespmem:$0xE040] =	vst v63  }
0x76: {  	s5 =	rddreg [dreg:$0x5]  }
0x77: {  	[spmem:s2] =	stream.indirect.scatter.add.f32 [tilespmem:s23], [sflag:$0x8], $0x40, s5, s22, $0xb8;
	[tilespmem:$0xE040] =	vst v63  }
0x78: {  	_ =	swait.ge [sflag:s28], $0x2000  }
0x79: {  	[sflag:s28] =	ssyncset.done $0x0  }
0x7a: {  	p3 =	sge.u32 s0, s11;
	[sflag:s28] =	ssyncadd.s32 $0xFFFFE000  }
0x7b: {  	s10 =	simm.s32 @!p3 $0x9F40;
	_ =	swait.ge [sflag:s29], $0x2000  }
0x7c: {  	s9 =	simm.s32 @!p2 $0x3;
	s3 =	sadd.s32 @!p3 s1, s15;
	[sflag:s29] =	ssyncset.done $0x0  }
0x7d: {  	s3 =	sadd.s32 @!p3 $0x60, s3;
	s5 =	simm.s32 @!p3 $0x0;
	[sflag:s29] =	ssyncadd.s32 $0xFFFFE000  }
0x7e: {  	[tilespmem:s10], [sflag:$0x4] =	stream.linear.gather @!p3 [hbm4b:s3+s5], $0x100, $0x38;
	[tilespmem:$0xE040] =	vst v63  }
0x7f: {  	_ =	swait.ge @!p2 [sflag:s9], $0x100  }
0x80: {  	[sflag:s9] =	ssyncset.done @!p2 $0x0  }
0x81: {  	s3 =	simm.s32 @!p2 $0xA040;
	s5 =	simm.s32 @!p2 $0x80;
	[sflag:s9] =	ssyncadd.s32 @!p2 $0xFFFFFF00  }
0x82: {  	[tilespmem:s3], [sflag:$0x5] =	stream.indirect.gather @!p2 [hbm4b:s4+s5], $0x40, s6, s5, $0xb8;
	[tilespmem:$0xE040] =	vst v63  }
0x83: {  	s8 =	rddreg [dreg:$0x6];
	s9 =	sadd.s32 $0x2, s0  }
0x84: {  	[spmem:s2] =	stream.indirect.scatter.add.f32 [tilespmem:s26], [sflag:$0x8], $0x40, s8, s22, $0xb8;
	[tilespmem:$0xE040] =	vst v63  }
0x85: {  	p3 =	sge.u32 s9, s7;
	_ =	swait.ge [sflag:s28], $0x2000  }
0x86: {  	s3 =	simm.s32 @!p3 $0x5;
	p2 =	sge.u32 @!p3 s0, s12;
	[sflag:s28] =	ssyncset.done $0x0  }
0x87: {  	p4 =	por p2, p3;
	p2 =	sge.u32 @!p3 s0, s11;
	[sflag:s28] =	ssyncadd.s32 $0xFFFFE000  }
0x88: {  	s5 =	sadd.s32 @!p4 s1, s15;
	p2 =	por p2, p3;
	_ =	swait.ge @!p3 [sflag:s3], $0x2000  }
0x89: {  	s6 =	simm.s32 @!p4 $0x0;
	s5 =	sadd.s32 @!p4 $0x80, s5;
	[sflag:s3] =	ssyncset.done @!p3 $0x0  }
0x8a: {  	s9 =	simm.s32 @!p2 $0x4;
	[sflag:s3] =	ssyncadd.s32 @!p3 $0xFFFFE000;
	s3 =	simm.s32 @!p4 $0x9C40  }
0x8b: {  	[tilespmem:s3], [sflag:$0x1] =	stream.linear.gather @!p4 [hbm4b:s5+s6], $0x100, $0x38;
	[tilespmem:$0xE040] =	vst v63  }
0x8c: {  	_ =	swait.ge @!p2 [sflag:s9], $0x100  }
0x8d: {  	s8 =	simm.s32 @!p3 $0x9EC0;
	s10 =	simm.s32 @!p2 $0x9F40;
	[sflag:s9] =	ssyncset.done @!p2 $0x0  }
0x8e: {  	s3 =	simm.s32 @!p2 $0xC040;
	s6 =	simm.s32 @!p2 $0x80;
	[sflag:s9] =	ssyncadd.s32 @!p2 $0xFFFFFF00  }
0x8f: {  	[tilespmem:s3], [sflag:$0x6] =	stream.indirect.gather @!p2 [hbm4b:s4+s6], $0x40, s10, s6, $0xb8;
	[tilespmem:$0xE040] =	vst v63  }
0x90: {  	s5 =	simm.s32 @!p3 $0xA040;
	s9 =	simm.s32 @!p3 $0x80;
	s3 =	simm.s32 @!p3 $0x8  }
0x91: {  	[spmem:s2] =	stream.indirect.scatter.add.f32 @!p3 [tilespmem:s5], [sflag:$0x8], $0x40, s8, s9, $0xb8;
	[tilespmem:$0xE040] =	vst v63  }
0x92: {  	s10 =	sadd.s32 $0x3, s0;
	_ =	swait.ge @!p3 [sflag:s3], $0x2000  }
0x93: {  	p2 =	sge.u32 s10, s7;
	[sflag:s3] =	ssyncset.done @!p3 $0x0  }
0x94: {  	[sflag:s3] =	ssyncadd.s32 @!p3 $0xFFFFE000;
	s3 =	simm.s32 @!p2 $0x6  }
0x95: {  	_ =	swait.ge @!p2 [sflag:s3], $0x2000  }
0x96: {  	s5 =	rddreg [dreg:$0x4]  }
0x97: {  	p4 =	sge.u32 @!p2 s0, s5  }
0x98: {  	p3 =	sge.u32 @!p2 s0, s12;
	[sflag:s3] =	ssyncset.done @!p2 $0x0;
	p4 =	por p4, p2  }
0x99: {  	p3 =	por p3, p2;
	[sflag:s3] =	ssyncadd.s32 @!p2 $0xFFFFE000;
	s1 =	sadd.s32 @!p4 s1, s15  }
0x9a: {  	s5 =	simm.s32 @!p4 $0x0;
	s6 =	simm.s32 @!p4 $0x9D40;
	s1 =	sadd.s32 @!p4 $0xA0, s1  }
0x9b: {  	[tilespmem:s6], [sflag:$0x2] =	stream.linear.gather @!p4 [hbm4b:s1+s5], $0x100, $0x38;
	[tilespmem:$0xE040] =	vst v63  }
0x9c: {  	s31 =	sadd.s32 $0x80, s31;
	s1 =	simm.s32 @!p3 $0x1  }
0x9d: {  	p1 =	sne.s32 s31, $0xA00;
	s9 =	simm.s32 @!p2 $0x9FC0;
	_ =	swait.ge @!p3 [sflag:s1], $0x100  }
.Ltmp0:
0x9e: {  	s8 =	simm.s32 @!p3 $0x9C40;
	[sflag:s1] =	ssyncset.done @!p3 $0x0;
	(pc) =	sbr.rel @p1 .LBB2_2-.Ltmp0, $4  }
0x9f: {  	s3 =	simm.s32 @!p3 $0xA040;
	s6 =	simm.s32 @!p3 $0x80;
	[sflag:s1] =	ssyncadd.s32 @!p3 $0xFFFFFF00  }
0xa0: {  	[tilespmem:s3], [sflag:$0x5] =	stream.indirect.gather @!p3 [hbm4b:s4+s6], $0x40, s8, s6, $0xb8;
	[tilespmem:$0xE040] =	vst v63  }
0xa1: {  	s5 =	simm.s32 @!p2 $0xC040;
	s1 =	simm.s32 @!p2 $0x80;
	s3 =	simm.s32 @!p2 $0x7  }
0xa2: {  	[spmem:s2] =	stream.indirect.scatter.add.f32 @!p2 [tilespmem:s5], [sflag:$0x7], $0x40, s9, s1, $0xb8;
	[tilespmem:$0xE040] =	vst v63  }
0xa3: {  	_ =	swait.ge @!p2 [sflag:s3], $0x2000  }
0xa4: {  	[sflag:s3] =	ssyncset.done @!p2 $0x0  }
0xa5: {  	[sflag:s3] =	ssyncadd.s32 @!p2 $0xFFFFE000  }
0xa6: {  	s0 =	sadd.s32 @p0 $0x12840, s13;
	s1 =	simm.s32 @p0 $0x1FC7;
	[bflag:$0x0] =	sbarrier.arrive $0xFFFF  }
0xa7: {  	[hbm:s0], [sflag:s1] =	dma.local @p0 [spmem:s16], $0x1040  }
0xa8: {  	s0 =	simm.s32 @p0 $0x7  }
0xa9: {  	_ =	swait.ge @p0 [sflag:s0], $0x1040  }
0xaa: {  	[sflag:s0] =	ssyncset.done @p0 $0x0  }
0xab: {  	s30 =	sadd.s32 $0x1, s30;
	[sflag:s0] =	ssyncadd.s32 @p0 $0xFFFFEFC0;
	s0 =	rddreg [dreg:$0x7]  }
0xac: {  	p1 =	sne.s32 s30, s14;
	s0 =	sadd.s32 @!p0 s0, s13  }
0xad: {  	[hbm:s0], [sflag:s17] =	dma.local @!p0 [spmem:s18], $0x13C0  }
.Ltmp1:
0xae: {  	_ = 	snop;
	(pc) =	sbr.rel @p1 .LBB2_1-.Ltmp1, $4  }
0xaf: {  	s0 =	simm.s32 @!p0 $0x7  }
0xb0: {  	_ =	swait.ge @!p0 [sflag:s0], $0x13C0  }
0xb1: {  	[sflag:s0] =	ssyncset.done @!p0 $0x0  }
0xb2: {  	[sflag:s0] =	ssyncadd.s32 @!p0 $0xFFFFEC40  }
0xb3: {  	_ =	sfence.sel $0x180000  }
0xb4: {  	[bflag:$0x0] =	sbarrier.arrive $0xFFFF  }
0xb5: {  	_ =	strace $0x90000047  }
0xb6: {  	s0 =	stileid.u32;
	[bflag:$0x2] =	sbarrier.arrive $0xFFFF  }
0xb7: {  	p0 =	sne.s32 s0, $0x0;
	s0 =	rddreg [dreg:$0x2]  }
0xb8: {  	s0 =	sadd.s32 @!p0 $0x100000, s0  }
0xb9: {  	[sflag:s0] =	ssyncadd.tile.s32 @!p0 $0x1;
	_ =	shalt  }
.Lfunc_end2:
_tile_overlayer_lowered:
.L_overlay_start_2:
0xba: {  	(tag) =	ssettag $0x2  }
0xbb: {  	s0 =	rddreg [dreg:$0x0];
	s2 =	stileid.u32  }
0xbc: {  	s1 =	rddreg [dreg:$0x1];
	p0 =	sne.s32 s2, $0x0  }
0xbd: {  	s3 =	rddreg [dreg:$0x2];
	[bflag:$0x3] =	sbarrier.arrive $0xFFFF;
	s2 =	simm.s32 @!p0 $0x1C07  }
0xbe: {  	[timem:s3], [sflag:s2] =	dma.local @!p0 [hbm:s0], s1  }
0xbf: {  	s0 =	simm.s32 @!p0 $0x7  }
0xc0: {  	_ =	swait.ge @!p0 [sflag:s0], s1  }
0xc1: {  	s1 =	ssub.s32 @!p0 $0x0, s1;
	[sflag:s0] =	ssyncset.done @!p0 $0x0  }
0xc2: {  	[sflag:s0] =	ssyncadd.s32 @!p0 s1  }
0xc3: {  	[bflag:$0x3] =	sbarrier.arrive $0xFFFF  }
0xc4: {  	_ =	shalt  }

// kernel: kernel.15.cloned.1.call-start
scs
__scs_entry_jumppad:
0x0: {  	(pc) =	sbr.rel $0x88, $3  }
0x1: {  	(tag) =	ssettag $0x0;
	lr =	simm.s32 $0x1  }
0x2: {  	[smem:$0x3F90] =	sst lr;
	_ =	strace $0xD0000000  }
0x3: {  	_ = 	snop  }
0x4: {  	_ = 	snop  }
0x5: {  	_ = 	snop  }
0x6: {  	_ = 	snop  }
0x7: {  	_ = 	snop  }
__scs_overlays_trampoline_lowered:
0x8: {  	[smem:$0x3F9F] =	sst s0  }
0x9: {  	[smem:$0x3FA0] =	sst s1  }
0xa: {  	[smem:$0x3FA1] =	sst s2  }
0xb: {  	[smem:$0x3FA2] =	sst s3  }
0xc: {  	[smem:$0x3FA3] =	sst s4  }
0xd: {  	[smem:$0x3FA4] =	sst s5  }
0xe: {  	[smem:$0x3FA5] =	sst s6  }
0xf: {  	[smem:$0x3FA6] =	sst s7  }
0x10: {  	[smem:$0x3FA7] =	sst s8  }
0x11: {  	[smem:$0x3FA8] =	sst s9;
	s0 =	simm.s32 @!p0 $0x0  }
0x12: {  	s1 =	sld [smem:$0x3F8E];
	s0 =	simm.s32 @p0 $0x1  }
0x13: {  	[smem:$0x3FA9] =	sst s0;
	s0 =	simm.s32 @!p1 $0x0  }
0x14: {  	s2 =	sld [smem:$0x3F8D];
	s0 =	simm.s32 @p1 $0x1  }
0x15: {  	[smem:$0x3FAA] =	sst s0;
	s0 =	simm.s32 @!p2 $0x0  }
0x16: {  	s3 =	sld [smem:$0x3FDB];
	s0 =	simm.s32 @p2 $0x1  }
0x17: {  	s4 =	simm.s32 $0x1BF5;
	[smem:$0x3FAC] =	sst s0  }
0x18: {  	s0 =	sld [smem:$0x3F8F];
	_ =	swait.ge [sflag:s4], $0x0  }
0x19: {  	s7 =	sld [smem:$0x3F90]  }
0x1a: {  	s8 =	sadd.s32 $0xFFFFE003, lr  }
0x1b: {  	s9 =	sadd.s32 $0xFFFFFEF7, lr;
	s5 =	simm.s32 $0xFFFFFFFF;
	p2 =	slt.u32 s8, $0xFFFFF086  }
0x1c: {  	p1 =	slt.u32 s9, $0xF7A;
	s5 =	simm.s32 @!p2 $0x0  }
0x1d: {  	s5 =	simm.s32 @p1 $0x1;
	p0 =	seq.s32 s7, s2  }
0x1e: {  	s7 =	smul.u32 @!p0 $0xF7A, s2;
	p2 =	seq.s32 @!p0 s5, $0x0  }
0x1f: {  	s9 =	smul.u32 $0xF7A, s1;
	s8 =	simm.s32 @!p0 $0x1BF5;
	p2 =	por !p2, p0  }
0x20: {  	[sflag:s8] =	ssyncset.s32 @!p0 $0xFFFFF086;
	s6 =	sadd.s32 @!p0 s3, s7;
	s7 =	simm.s32 @!p0 $0x108  }
0x21: {  	s3 =	sadd.s32 s3, s9;
	s6 =	sadd.s32 @!p0 $0x88, s6;
	s7 =	simm.s32 @p2 $0x1082  }
0x22: {  	[simem:s7], [sflag:s8] =	dma.local @!p0 [hbm:s6], $0xF7A  }
0x23: {  	s9 =	sor.u32 $0xD0000000, s2;
	s6 =	simm.s32 $0x108;
	_ =	swait.ge @!p0 [sflag:s8], $0x0  }
0x24: {  	s3 =	sadd.s32 $0x88, s3;
	s6 =	simm.s32 @!p1 $0x1082;
	[sflag:s4] =	ssyncset.s32 $0xFFFFF086  }
0x25: {  	[simem:s6], [sflag:s4] =	dma.local [hbm:s3], $0xF7A  }
0x26: {  	[smem:$0x3F90] =	sst s1;
	(tag) =	ssettag s2;
	_ =	strace s9  }
0x27: {  	s1 =	sld [smem:$0x3FA0]  }
0x28: {  	s2 =	sld [smem:$0x3FA1]  }
0x29: {  	s4 =	sld [smem:$0x3FA3]  }
0x2a: {  	p0 =	seq.s32 s5, $0x0;
	s5 =	sld [smem:$0x3FA4]  }
0x2b: {  	s6 =	sld [smem:$0x3FA5]  }
0x2c: {  	s7 =	sld [smem:$0x3FA6]  }
0x2d: {  	s3 =	simm.s32 $0x108;
	s8 =	sld [smem:$0x3FA7]  }
0x2e: {  	s3 =	simm.s32 @!p0 $0x1082;
	s9 =	sld [smem:$0x3FA8]  }
0x2f: {  	lr =	sadd.s32 s0, s3;
	s0 =	sld [smem:$0x3F9F]  }
0x30: {  	s3 =	sld [smem:$0x3FA2]  }
0x31: {  	[smem:$0x3FAB] =	sst s10  }
0x32: {  	s10 =	sld [smem:$0x3FA9];
	_ =	sdelay $0x3  }
0x33: {  	p0 =	seq.s32 s10, $0x1;
	s10 =	sld [smem:$0x3FAB];
	_ =	sdelay $0x3  }
0x34: {  	[smem:$0x3FAB] =	sst s10  }
0x35: {  	s10 =	sld [smem:$0x3FAA];
	_ =	sdelay $0x3  }
0x36: {  	p1 =	seq.s32 s10, $0x1;
	s10 =	sld [smem:$0x3FAB];
	_ =	sdelay $0x3  }
0x37: {  	[smem:$0x3FAB] =	sst s10  }
0x38: {  	s10 =	sld [smem:$0x3FAC]  }
0x39: {  	_ = 	snop;
	(pc) =	sbr.ind lr, $3  }
0x3a: {  	_ = 	snop  }
0x3b: {  	_ = 	snop  }
0x3c: {  	p2 =	seq.s32 s10, $0x1;
	s10 =	sld [smem:$0x3FAB]  }
0x3d: {  	_ =	shalt  }
0x3e: {  	_ =	shalt  }
0x3f: {  	_ =	shalt  }
0x40: {  	_ =	shalt  }
0x41: {  	_ =	shalt  }
0x42: {  	_ =	shalt  }
0x43: {  	_ =	shalt  }
0x44: {  	_ =	shalt  }
0x45: {  	_ =	shalt  }
0x46: {  	_ =	shalt  }
0x47: {  	_ =	shalt  }
0x48: {  	_ =	shalt  }
0x49: {  	_ =	shalt  }
0x4a: {  	_ =	shalt  }
0x4b: {  	_ =	shalt  }
0x4c: {  	_ =	shalt  }
0x4d: {  	_ =	shalt  }
0x4e: {  	_ =	shalt  }
0x4f: {  	_ =	shalt  }
0x50: {  	_ =	shalt  }
0x51: {  	_ =	shalt  }
0x52: {  	_ =	shalt  }
0x53: {  	_ =	shalt  }
0x54: {  	_ =	shalt  }
0x55: {  	_ =	shalt  }
0x56: {  	_ =	shalt  }
0x57: {  	_ =	shalt  }
0x58: {  	_ =	shalt  }
0x59: {  	_ =	shalt  }
0x5a: {  	_ =	shalt  }
0x5b: {  	_ =	shalt  }
0x5c: {  	_ =	shalt  }
0x5d: {  	_ =	shalt  }
0x5e: {  	_ =	shalt  }
0x5f: {  	_ =	shalt  }
0x60: {  	_ =	shalt  }
0x61: {  	_ =	shalt  }
0x62: {  	_ =	shalt  }
0x63: {  	_ =	shalt  }
0x64: {  	_ =	shalt  }
0x65: {  	_ =	shalt  }
0x66: {  	_ =	shalt  }
0x67: {  	_ =	shalt  }
0x68: {  	_ =	shalt  }
0x69: {  	_ =	shalt  }
0x6a: {  	_ =	shalt  }
0x6b: {  	_ =	shalt  }
0x6c: {  	_ =	shalt  }
0x6d: {  	_ =	shalt  }
0x6e: {  	_ =	shalt  }
0x6f: {  	_ =	shalt  }
0x70: {  	_ =	shalt  }
0x71: {  	_ =	shalt  }
0x72: {  	_ =	shalt  }
0x73: {  	_ =	shalt  }
0x74: {  	_ =	shalt  }
0x75: {  	_ =	shalt  }
0x76: {  	_ =	shalt  }
0x77: {  	_ =	shalt  }
0x78: {  	_ =	shalt  }
0x79: {  	_ =	shalt  }
0x7a: {  	_ =	shalt  }
0x7b: {  	_ =	shalt  }
0x7c: {  	_ =	shalt  }
0x7d: {  	_ =	shalt  }
0x7e: {  	_ =	shalt  }
0x7f: {  	_ =	shalt  }
0x80: {  	_ =	shalt  }
0x81: {  	_ =	shalt  }
0x82: {  	_ =	shalt  }
0x83: {  	_ =	shalt  }
0x84: {  	_ =	shalt  }
0x85: {  	_ =	shalt  }
0x86: {  	_ =	shalt  }
0x87: {  	_ =	shalt  }
.Lfunc_end0:
.L_simem_size_0:
called_computation.2_lowered:
.L_overlay_start_0:
0x88: {  	s2 =	sld [smem:$0x3FD9]  }
0x89: {  	s3 =	sld [smem:$0x3FFE];
	_ =	sdelay $0x1  }
0x8a: {  	s1 =	srdreg.scid  }
0x8b: {  	s0 =	sand.u32 $0x1, s1  }
0x8c: {  	s16 =	sshll.u32 s0, $0xA;
	s2 =	sadd.s32 s3, s2  }
0x8d: {  	s2 =	sadd.s32 s2, s16  }
0x8e: {  	[smem:$0x3FB7] =	sst s2  }
0x8f: {  	_ = 	snop  }
0x90: {  	(tm) =	ssettm $0x1  }
0x91: {  	s17 =	sld [smem:$0x3FFB];
	_ =	sdelay $0x3  }
0x92: {  	_ =	strace s17  }
0x93: {  	s2 =	sld [smem:$0x3FFC];
	_ =	sdelay $0x3  }
0x94: {  	_ =	strace s2  }
0x95: {  	s2 =	sld [smem:$0x3FFD];
	_ =	sdelay $0x3  }
0x96: {  	_ =	strace s2  }
0x97: {  	_ =	strace $0x8FFFFFFF  }
0x98: {  	s18 =	sld [smem:$0x3FDB];
	_ =	sdelay $0x1  }
0x99: {  	s19 =	simm.s32 $_scs_section_size  }
0x9a: {  	s4 =	simm.s32 $_size__tile_overlayer_lowered;
	s5 =	simm.s32 $_tile_overlayer_lowered  }
0x9b: {  	s22 =	simm.s32 $0x1BFF;
	s21 =	sshll.u32 s5, $0x1;
	s2 =	sadd.s32 s19, s18  }
0x9c: {  	s6 =	simm.s32 $0x0;
	s20 =	sshll.u32 s4, $0x1;
	s4 =	sadd.s32 s21, s2  }
0x9d: {  	[timem:s6], [sflag:s22] =	dma.local [hbm:s4], s20  }
0x9e: {  	_ =	swait.ge [sflag:s22], s20  }
0x9f: {  	s3 =	ssub.s32 $0x0, s20;
	[sflag:s22] =	ssyncset.done $0x0  }
0xa0: {  	[sflag:s22] =	ssyncadd.s32 s3;
	_ =	sdelay $0x1  }
0xa1: {  	s23 =	simm.s32 $0x1B8B  }
0xa2: {  	_ =	swait.ge [sflag:s23], $0x1  }
0xa3: {  	[sflag:s23] =	ssyncset.done $0x0  }
0xa4: {  	s25 =	simm.s32 $0x1B8E;
	s24 =	sld [smem:$0x3FFE];
	[sflag:s23] =	ssyncadd.s32 $0xFFFFFFFF  }
0xa5: {  	s26 =	simm.s32 $execute0_lowered;
	[smem:$0x3FD2] =	sst s25  }
0xa6: {  	s4 =	sshll.u32 s26, $0x1;
	_ =	strace $0x8000004C;
	[dreg:$0x1] =	wrdreg $0xFFFFFFFF  }
0xa7: {  	s28 =	simm.s32 $_size_execute0_lowered;
	s2 =	sadd.s32 s2, s4;
	[dreg:$0x0] =	wrdreg $0x0  }
0xa8: {  	s4 =	sshll.u32 s28, $0x1;
	[dreg:$0x2] =	wrdreg s2  }
0xa9: {  	[dreg:$0x3] =	wrdreg s4  }
0xaa: {  	[dreg:$0x4] =	wrdreg $0xC0  }
0xab: {  	_ =	task [dreg:s6], $0x5FFFF  }
0xac: {  	[dreg:$0x1] =	wrdreg $0xFFFFFFFF  }
0xad: {  	[dreg:$0x0] =	wrdreg $0x60  }
0xae: {  	[dreg:$0x2] =	wrdreg s24  }
0xaf: {  	[dreg:$0x3] =	wrdreg $0x0  }
0xb0: {  	[dreg:$0x4] =	wrdreg $0x9  }
0xb1: {  	_ =	task.clear_ibuf [dreg:s6], $0x5FFFF;
	_ =	strace $0x9000004C  }
0xb2: {  	s29 =	simm.s32 $0x9;
	_ =	strace $0x8000004E  }
0xb3: {  	_ =	swait.ge [sflag:s29], $0x1  }
0xb4: {  	[sflag:s29] =	ssyncadd.s32 $0xFFFFFFFF  }
0xb5: {  	_ =	strace $0x9000004E  }
0xb6: {  	_ =	sfence  }
0xb7: {  	s30 =	sld [smem:$0x0];
	_ =	sdelay $0x2  }
0xb8: {  	s31 =	sshll.u32 s1, $0xD;
	s1 =	sshrl.u32 s1, $0x2  }
0xb9: {  	s3 =	sand.u32 $0x4000, s31;
	s1 =	sadd.s32 s1, s30  }
0xba: {  	s0 =	sor.u32 s3, s0;
	s1 =	sshll.u32 s1, $0x11  }
0xbb: {  	s0 =	sor.u32 s1, s0  }
0xbc: {  	s0 =	sadd.s32 $0x8F2B, s0  }
0xbd: {  	[sflag:s0] =	ssyncadd.remote.s32 $0x1  }
0xbe: {  	_ =	sfence.sel $0xFFFF  }
0xbf: {  	[dreg:$0x0] =	wrdreg $0xFFFFFFFF;
	(pc) =	sbr.abs _section_cstart, $3  }
0xc0: {  	[dreg:$0x1] =	wrdreg $0xFFFFFFFF  }
0xc1: {  	_ =	task.clear_ibuf [dreg:s6], $0x2FFFF;
	_ =	strace $0x9FFFFFFF  }
0xc2: {  	(tm) =	ssettm $0x7FFFFFFF  }
0xc3: {  	_ =	shalt  }
tec
execute0_lowered:
.L_overlay_start_1:
0x0: {  	(tag) =	ssettag $0x1  }
0x1: {  	s0 =	rddreg [dreg:$0x0]  }
0x2: {  	s2 =	rddreg [dreg:$0x1];
	s1 =	simm.s32 $0x0  }
0x3: {  	s5 =	stileid.u32;
	s6 =	srdreg.scid;
	s26 =	simm.s32 $0x9CC0  }
0x4: {  	s31 =	simm.s32 $0x9DC0;
	s28 =	simm.s32 $0x8;
	s29 =	simm.s32 $0x6  }
0x5: {  	s30 =	simm.s32 $0x0;
	[smem:$0x7FF] =	sst s1;
	s17 =	smul.u32 $0x9E00, s5  }
0x6: {  	s4 =	sadd.s32 $0x4600, s0;
	s3 =	sadd.s32 $0x3F200, s0;
	s13 =	sand.u32 $0x1, s6  }
0x7: {  	s18 =	sshll.u32 s5, $0x1;
	p0 =	slt.u32 s5, $0x2;
	s24 =	smul.u32 $0x1380, s5  }
0x8: {  	_ =	strace $0x8000004D;
	s7 =	smul.u32 $0x13880, s13;
	[dreg:$0x5] =	wrdreg s26  }
0x9: {  	s8 =	ssub.s32 $0x2, s13;
	s6 =	sor.u32 s13, s18;
	[dreg:$0x6] =	wrdreg s31  }
0xa: {  	s26 =	simm.s32 $0xC040;
	s9 =	sshrl.u32 s17, $0x3;
	s10 =	sshrl.u32 s8, $0x1  }
0xb: {  	s11 =	smul.u32 $0x4E, s6;
	s16 =	smin.u32 s6, $0x4;
	s1 =	sadd.s32 s17, s2  }
0xc: {  	s17 =	sadd.s32 $0x94200, s2;
	[dreg:$0x7] =	wrdreg s9;
	s9 =	sadd.s32 s9, s0  }
0xd: {  	s14 =	sadd.s32 s7, s0;
	s15 =	ssub.s32 s8, s10;
	s7 =	simm.s32 $0x4F  }
0xe: {  	s0 =	sadd.s32 $0x65440, s0;
	s25 =	sshll.u32 s16, $0x5;
	s19 =	sadd.s32 $0x52C00, s9  }
0xf: {  	s20 =	sadd.s32 s16, s11;
	s7 =	simm.s32 @!p0 $0x4E;
	[dreg:$0xa] =	wrdreg s0  }
0x10: {  	s0 =	sadd.s32 s24, s3;
	p0 =	seq.s32 s5, $0xF;
	s24 =	simm.s32 $0x5  }
0x11: {  	[dreg:$0x8] =	wrdreg s19;
	s8 =	sshll.u32 s20, $0x5;
	s23 =	sadd.s32 $0xFFFFFFFE, s7  }
0x12: {  	s11 =	sadd.s32 $0xFFFFFFFD, s7;
	s12 =	sadd.s32 $0xFFFFFFFC, s7;
	s18 =	sadd.s32 $0xFFFFFFFB, s7  }
0x13: {  	s19 =	smul.u32 $0x9C0, s13;
	s13 =	sadd.s32 $0x66600, s14;
	s14 =	smax.u32 s15, $0x1  }
0x14: {  	s16 =	sshrl.u32 @p0 s17, $0x3;
	s20 =	simm.s32 $0x9D40;
	[dreg:$0x3] =	wrdreg s23  }
0x15: {  	s21 =	sadd.s32 s3, s8;
	[dreg:$0x4] =	wrdreg s18;
	s18 =	sshrl.u32 @!p0 s1, $0x3  }
0x16: {  	s23 =	simm.s32 $0xA040;
	[dreg:$0x9] =	wrdreg s21;
	s22 =	sadd.s32 $0x20, s21  }
0x17: {  	s0 =	sadd.s32 s19, s0;
	s19 =	simm.s32 $0x9C40;
	s21 =	simm.s32 $0x1  }
0x18: {  	[dreg:$0xb] =	wrdreg s22;
	s15 =	sadd.s32 s25, s0;
	s0 =	sshll.u32 @!p0 s5, $0x6  }
0x19: {  	s22 =	simm.s32 $0x80;
	s25 =	simm.s32 $0x2;
	s17 =	sor.u32 @!p0 $0x1C07, s0  }
.LBB2_1:
0x1a: {  	s0 =	simm.s32 @p0 $0x1FC7;
	s1 =	rddreg [dreg:$0xa]  }
0x1b: {  	[spmem:s16], [sflag:s0] =	dma.local @p0 [hbm:s1], $0x1040  }
0x1c: {  	s0 =	simm.s32 @p0 $0x7  }
0x1d: {  	_ =	swait.ge @p0 [sflag:s0], $0x1040  }
0x1e: {  	[sflag:s0] =	ssyncset.done @p0 $0x0  }
0x1f: {  	[sflag:s0] =	ssyncadd.s32 @p0 $0xFFFFEFC0;
	s0 =	rddreg [dreg:$0x8]  }
0x20: {  	[spmem:s18], [sflag:s17] =	dma.local @!p0 [hbm:s0], $0x13C0  }
0x21: {  	s0 =	simm.s32 @!p0 $0x7  }
0x22: {  	_ =	swait.ge @!p0 [sflag:s0], $0x13C0  }
0x23: {  	[sflag:s0] =	ssyncset.done @!p0 $0x0  }
0x24: {  	[sflag:s0] =	ssyncadd.s32 @!p0 $0xFFFFEC40  }
0x25: {  	[bflag:$0x0] =	sbarrier.arrive $0xFFFF  }
0x26: {  	s3 =	simm.s32 $0x0;
	s5 =	rddreg [dreg:$0x9]  }
0x27: {  	[tilespmem:s19], [sflag:$0x1] =	stream.linear.gather [hbm4b:s5+s3], $0x100, $0x38;
	[tilespmem:$0xE040] =	vst v63  }
0x28: {  	s6 =	rddreg [dreg:$0xb]  }
0x29: {  	[tilespmem:s20], [sflag:$0x2] =	stream.linear.gather [hbm4b:s6+s3], $0x100, $0x38;
	[tilespmem:$0xE040] =	vst v63  }
0x2a: {  	_ =	swait.ge [sflag:s21], $0x100  }
0x2b: {  	[sflag:s21] =	ssyncset.done $0x0  }
0x2c: {  	[sflag:s21] =	ssyncadd.s32 $0xFFFFFF00  }
0x2d: {  	[tilespmem:s23], [sflag:$0x5] =	stream.indirect.gather [hbm4b:s4+s22], $0x40, s19, s22, $0xb8;
	[tilespmem:$0xE040] =	vst v63  }
0x2e: {  	_ =	swait.ge [sflag:s24], $0x2000  }
0x2f: {  	s8 =	rddreg [dreg:$0x3]  }
0x30: {  	[sflag:s24] =	ssyncset.done $0x0;
	p1 =	sle.u32 s8, $0x0  }
0x31: {  	[sflag:s24] =	ssyncadd.s32 $0xFFFFE000;
	s0 =	sadd.s32 @!p1 $0x0, s15  }
0x32: {  	s1 =	simm.s32 @!p1 $0x0;
	s3 =	simm.s32 @!p1 $0x9E40;
	s0 =	sadd.s32 @!p1 $0x40, s0  }
0x33: {  	[tilespmem:s3], [sflag:$0x3] =	stream.linear.gather @!p1 [hbm4b:s0+s1], $0x100, $0x38;
	[tilespmem:$0xE040] =	vst v63  }
0x34: {  	_ =	swait.ge [sflag:s25], $0x100  }
0x35: {  	[sflag:s25] =	ssyncset.done $0x0  }
0x36: {  	[sflag:s25] =	ssyncadd.s32 $0xFFFFFF00  }
0x37: {  	[tilespmem:s26], [sflag:$0x6] =	stream.indirect.gather [hbm4b:s4+s22], $0x40, s20, s22, $0xb8;
	[tilespmem:$0xE040] =	vst v63  }
0x38: {  	s9 =	rddreg [dreg:$0x5]  }
0x39: {  	[spmem:s2] =	stream.indirect.scatter.add.f32 [tilespmem:s23], [sflag:$0x8], $0x40, s9, s22, $0xb8;
	[tilespmem:$0xE040] =	vst v63  }
0x3a: {  	_ =	swait.ge [sflag:s28], $0x2000  }
0x3b: {  	[sflag:s28] =	ssyncset.done $0x0  }
0x3c: {  	[sflag:s28] =	ssyncadd.s32 $0xFFFFE000  }
0x3d: {  	p2 =	sle.u32 s11, $0x0;
	_ =	swait.ge [sflag:s29], $0x2000  }
0x3e: {  	s31 =	simm.s32 @!p2 $0x9F40;
	s0 =	sadd.s32 @!p2 $0x0, s15;
	[sflag:s29] =	ssyncset.done $0x0  }
0x3f: {  	s1 =	simm.s32 @!p2 $0x0;
	s0 =	sadd.s32 @!p2 $0x60, s0;
	[sflag:s29] =	ssyncadd.s32 $0xFFFFE000  }
0x40: {  	[tilespmem:s31], [sflag:$0x4] =	stream.linear.gather @!p2 [hbm4b:s0+s1], $0x100, $0x38;
	[tilespmem:$0xE040] =	vst v63  }
0x41: {  	s0 =	simm.s32 @!p1 $0x3  }
0x42: {  	_ =	swait.ge @!p1 [sflag:s0], $0x100  }
0x43: {  	[sflag:s0] =	ssyncset.done @!p1 $0x0  }
0x44: {  	s1 =	simm.s32 @!p1 $0xA040;
	s31 =	simm.s32 @!p1 $0x80;
	[sflag:s0] =	ssyncadd.s32 @!p1 $0xFFFFFF00  }
0x45: {  	[tilespmem:s1], [sflag:$0x5] =	stream.indirect.gather @!p1 [hbm4b:s4+s31], $0x40, s3, s31, $0xb8;
	[tilespmem:$0xE040] =	vst v63  }
0x46: {  	s10 =	rddreg [dreg:$0x6]  }
0x47: {  	[spmem:s2] =	stream.indirect.scatter.add.f32 [tilespmem:s26], [sflag:$0x8], $0x40, s10, s22, $0xb8;
	[tilespmem:$0xE040] =	vst v63  }
0x48: {  	p1 =	sle.u32 s7, $0x2;
	_ =	swait.ge [sflag:s28], $0x2000  }
0x49: {  	p2 =	sle.u32 @!p1 s12, $0x0;
	[sflag:s28] =	ssyncset.done $0x0  }
0x4a: {  	s0 =	simm.s32 @!p1 $0x5;
	p3 =	sle.u32 @!p1 s11, $0x0;
	[sflag:s28] =	ssyncadd.s32 $0xFFFFE000  }
0x4b: {  	p2 =	por p2, p1;
	p3 =	por p3, p1;
	_ =	swait.ge @!p1 [sflag:s0], $0x2000  }
0x4c: {  	s1 =	sadd.s32 @!p2 $0x0, s15;
	s3 =	simm.s32 @!p2 $0x0;
	[sflag:s0] =	ssyncset.done @!p1 $0x0  }
0x4d: {  	s1 =	sadd.s32 @!p2 $0x80, s1;
	[sflag:s0] =	ssyncadd.s32 @!p1 $0xFFFFE000;
	s0 =	simm.s32 @!p2 $0x9C40  }
0x4e: {  	[tilespmem:s0], [sflag:$0x1] =	stream.linear.gather @!p2 [hbm4b:s1+s3], $0x100, $0x38;
	[tilespmem:$0xE040] =	vst v63  }
0x4f: {  	s0 =	simm.s32 @!p3 $0x4  }
0x50: {  	_ =	swait.ge @!p3 [sflag:s0], $0x100  }
0x51: {  	s1 =	simm.s32 @!p3 $0xC040;
	[sflag:s0] =	ssyncset.done @!p3 $0x0  }
0x52: {  	s3 =	simm.s32 @!p3 $0x80;
	[sflag:s0] =	ssyncadd.s32 @!p3 $0xFFFFFF00;
	s0 =	simm.s32 @!p3 $0x9F40  }
0x53: {  	[tilespmem:s1], [sflag:$0x6] =	stream.indirect.gather @!p3 [hbm4b:s4+s3], $0x40, s0, s3, $0xb8;
	[tilespmem:$0xE040] =	vst v63  }
0x54: {  	s0 =	simm.s32 @!p1 $0xA040;
	s1 =	simm.s32 @!p1 $0x80;
	s3 =	simm.s32 @!p1 $0x9EC0  }
0x55: {  	[spmem:s2] =	stream.indirect.scatter.add.f32 @!p1 [tilespmem:s0], [sflag:$0x8], $0x40, s3, s1, $0xb8;
	[tilespmem:$0xE040] =	vst v63  }
0x56: {  	s0 =	simm.s32 @!p1 $0x8  }
0x57: {  	_ =	swait.ge @!p1 [sflag:s0], $0x2000  }
0x58: {  	p2 =	sle.u32 s7, $0x3;
	[sflag:s0] =	ssyncset.done @!p1 $0x0  }
0x59: {  	[sflag:s0] =	ssyncadd.s32 @!p1 $0xFFFFE000;
	s0 =	simm.s32 @!p2 $0x6  }
0x5a: {  	_ =	swait.ge @!p2 [sflag:s0], $0x2000  }
0x5b: {  	s1 =	rddreg [dreg:$0x4]  }
0x5c: {  	p1 =	sle.u32 @!p2 s1, $0x0  }
0x5d: {  	p3 =	sle.u32 @!p2 s12, $0x0;
	[sflag:s0] =	ssyncset.done @!p2 $0x0;
	p1 =	por p1, p2  }
0x5e: {  	p3 =	por p3, p2;
	[sflag:s0] =	ssyncadd.s32 @!p2 $0xFFFFE000;
	s1 =	sadd.s32 @!p1 $0x0, s15  }
0x5f: {  	s3 =	simm.s32 @!p1 $0x0;
	s0 =	simm.s32 @!p1 $0x9D40;
	s1 =	sadd.s32 @!p1 $0xA0, s1  }
0x60: {  	[tilespmem:s0], [sflag:$0x2] =	stream.linear.gather @!p1 [hbm4b:s1+s3], $0x100, $0x38;
	[tilespmem:$0xE040] =	vst v63  }
0x61: {  	s0 =	simm.s32 @!p3 $0x1  }
0x62: {  	_ =	swait.ge @!p3 [sflag:s0], $0x100  }
0x63: {  	s1 =	simm.s32 @!p3 $0xA040;
	[sflag:s0] =	ssyncset.done @!p3 $0x0  }
0x64: {  	s3 =	simm.s32 @!p3 $0x80;
	[sflag:s0] =	ssyncadd.s32 @!p3 $0xFFFFFF00;
	s0 =	simm.s32 @!p3 $0x9C40  }
0x65: {  	[tilespmem:s1], [sflag:$0x5] =	stream.indirect.gather @!p3 [hbm4b:s4+s3], $0x40, s0, s3, $0xb8;
	[tilespmem:$0xE040] =	vst v63  }
0x66: {  	s0 =	simm.s32 @!p2 $0xC040;
	s1 =	simm.s32 @!p2 $0x80;
	s3 =	simm.s32 @!p2 $0x9FC0  }
0x67: {  	[spmem:s2] =	stream.indirect.scatter.add.f32 @!p2 [tilespmem:s0], [sflag:$0x7], $0x40, s3, s1, $0xb8;
	[tilespmem:$0xE040] =	vst v63  }
0x68: {  	s31 =	simm.s32 $0x80;
	s3 =	simm.s32 @!p2 $0x7;
	s0 =	simm.s32 $0x0  }
.LBB2_2:
0x69: {  	_ =	swait.ge @!p2 [sflag:s3], $0x2000  }
0x6a: {  	[sflag:s3] =	ssyncset.done @!p2 $0x0  }
0x6b: {  	[sflag:s3] =	ssyncadd.s32 @!p2 $0xFFFFE000  }
0x6c: {  	_ =	swait.ge [sflag:s24], $0x2000  }
0x6d: {  	s0 =	sadd.s32 $0x4, s0;
	s10 =	rddreg [dreg:$0x3]  }
0x6e: {  	s1 =	smov.u32 s31;
	[sflag:s24] =	ssyncset.done $0x0;
	p2 =	sge.u32 s0, s10  }
0x6f: {  	[sflag:s24] =	ssyncadd.s32 $0xFFFFE000;
	s3 =	sadd.s32 @!p2 s1, s15  }
0x70: {  	s5 =	simm.s32 @!p2 $0x0;
	s6 =	simm.s32 @!p2 $0x9E40;
	s3 =	sadd.s32 @!p2 $0x40, s3  }
0x71: {  	[tilespmem:s6], [sflag:$0x3] =	stream.linear.gather @!p2 [hbm4b:s3+s5], $0x100, $0x38;
	[tilespmem:$0xE040] =	vst v63  }
0x72: {  	_ =	swait.ge [sflag:s25], $0x100  }
0x73: {  	[sflag:s25] =	ssyncset.done $0x0  }
0x74: {  	[sflag:s25] =	ssyncadd.s32 $0xFFFFFF00  }
0x75: {  	[tilespmem:s26], [sflag:$0x6] =	stream.indirect.gather [hbm4b:s4+s22], $0x40, s20, s22, $0xb8;
	[tilespmem:$0xE040] =	vst v63  }
0x76: {  	s5 =	rddreg [dreg:$0x5]  }
0x77: {  	[spmem:s2] =	stream.indirect.scatter.add.f32 [tilespmem:s23], [sflag:$0x8], $0x40, s5, s22, $0xb8;
	[tilespmem:$0xE040] =	vst v63  }
0x78: {  	_ =	swait.ge [sflag:s28], $0x2000  }
0x79: {  	[sflag:s28] =	ssyncset.done $0x0  }
0x7a: {  	p3 =	sge.u32 s0, s11;
	[sflag:s28] =	ssyncadd.s32 $0xFFFFE000  }
0x7b: {  	s10 =	simm.s32 @!p3 $0x9F40;
	_ =	swait.ge [sflag:s29], $0x2000  }
0x7c: {  	s9 =	simm.s32 @!p2 $0x3;
	s3 =	sadd.s32 @!p3 s1, s15;
	[sflag:s29] =	ssyncset.done $0x0  }
0x7d: {  	s3 =	sadd.s32 @!p3 $0x60, s3;
	s5 =	simm.s32 @!p3 $0x0;
	[sflag:s29] =	ssyncadd.s32 $0xFFFFE000  }
0x7e: {  	[tilespmem:s10], [sflag:$0x4] =	stream.linear.gather @!p3 [hbm4b:s3+s5], $0x100, $0x38;
	[tilespmem:$0xE040] =	vst v63  }
0x7f: {  	_ =	swait.ge @!p2 [sflag:s9], $0x100  }
0x80: {  	[sflag:s9] =	ssyncset.done @!p2 $0x0  }
0x81: {  	s3 =	simm.s32 @!p2 $0xA040;
	s5 =	simm.s32 @!p2 $0x80;
	[sflag:s9] =	ssyncadd.s32 @!p2 $0xFFFFFF00  }
0x82: {  	[tilespmem:s3], [sflag:$0x5] =	stream.indirect.gather @!p2 [hbm4b:s4+s5], $0x40, s6, s5, $0xb8;
	[tilespmem:$0xE040] =	vst v63  }
0x83: {  	s8 =	rddreg [dreg:$0x6];
	s9 =	sadd.s32 $0x2, s0  }
0x84: {  	[spmem:s2] =	stream.indirect.scatter.add.f32 [tilespmem:s26], [sflag:$0x8], $0x40, s8, s22, $0xb8;
	[tilespmem:$0xE040] =	vst v63  }
0x85: {  	p3 =	sge.u32 s9, s7;
	_ =	swait.ge [sflag:s28], $0x2000  }
0x86: {  	s3 =	simm.s32 @!p3 $0x5;
	p2 =	sge.u32 @!p3 s0, s12;
	[sflag:s28] =	ssyncset.done $0x0  }
0x87: {  	p4 =	por p2, p3;
	p2 =	sge.u32 @!p3 s0, s11;
	[sflag:s28] =	ssyncadd.s32 $0xFFFFE000  }
0x88: {  	s5 =	sadd.s32 @!p4 s1, s15;
	p2 =	por p2, p3;
	_ =	swait.ge @!p3 [sflag:s3], $0x2000  }
0x89: {  	s6 =	simm.s32 @!p4 $0x0;
	s5 =	sadd.s32 @!p4 $0x80, s5;
	[sflag:s3] =	ssyncset.done @!p3 $0x0  }
0x8a: {  	s9 =	simm.s32 @!p2 $0x4;
	[sflag:s3] =	ssyncadd.s32 @!p3 $0xFFFFE000;
	s3 =	simm.s32 @!p4 $0x9C40  }
0x8b: {  	[tilespmem:s3], [sflag:$0x1] =	stream.linear.gather @!p4 [hbm4b:s5+s6], $0x100, $0x38;
	[tilespmem:$0xE040] =	vst v63  }
0x8c: {  	_ =	swait.ge @!p2 [sflag:s9], $0x100  }
0x8d: {  	s8 =	simm.s32 @!p3 $0x9EC0;
	s10 =	simm.s32 @!p2 $0x9F40;
	[sflag:s9] =	ssyncset.done @!p2 $0x0  }
0x8e: {  	s3 =	simm.s32 @!p2 $0xC040;
	s6 =	simm.s32 @!p2 $0x80;
	[sflag:s9] =	ssyncadd.s32 @!p2 $0xFFFFFF00  }
0x8f: {  	[tilespmem:s3], [sflag:$0x6] =	stream.indirect.gather @!p2 [hbm4b:s4+s6], $0x40, s10, s6, $0xb8;
	[tilespmem:$0xE040] =	vst v63  }
0x90: {  	s5 =	simm.s32 @!p3 $0xA040;
	s9 =	simm.s32 @!p3 $0x80;
	s3 =	simm.s32 @!p3 $0x8  }
0x91: {  	[spmem:s2] =	stream.indirect.scatter.add.f32 @!p3 [tilespmem:s5], [sflag:$0x8], $0x40, s8, s9, $0xb8;
	[tilespmem:$0xE040] =	vst v63  }
0x92: {  	s10 =	sadd.s32 $0x3, s0;
	_ =	swait.ge @!p3 [sflag:s3], $0x2000  }
0x93: {  	p2 =	sge.u32 s10, s7;
	[sflag:s3] =	ssyncset.done @!p3 $0x0  }
0x94: {  	[sflag:s3] =	ssyncadd.s32 @!p3 $0xFFFFE000;
	s3 =	simm.s32 @!p2 $0x6  }
0x95: {  	_ =	swait.ge @!p2 [sflag:s3], $0x2000  }
0x96: {  	s5 =	rddreg [dreg:$0x4]  }
0x97: {  	p4 =	sge.u32 @!p2 s0, s5  }
0x98: {  	p3 =	sge.u32 @!p2 s0, s12;
	[sflag:s3] =	ssyncset.done @!p2 $0x0;
	p4 =	por p4, p2  }
0x99: {  	p3 =	por p3, p2;
	[sflag:s3] =	ssyncadd.s32 @!p2 $0xFFFFE000;
	s1 =	sadd.s32 @!p4 s1, s15  }
0x9a: {  	s5 =	simm.s32 @!p4 $0x0;
	s6 =	simm.s32 @!p4 $0x9D40;
	s1 =	sadd.s32 @!p4 $0xA0, s1  }
0x9b: {  	[tilespmem:s6], [sflag:$0x2] =	stream.linear.gather @!p4 [hbm4b:s1+s5], $0x100, $0x38;
	[tilespmem:$0xE040] =	vst v63  }
0x9c: {  	s31 =	sadd.s32 $0x80, s31;
	s1 =	simm.s32 @!p3 $0x1  }
0x9d: {  	p1 =	sne.s32 s31, $0xA00;
	s9 =	simm.s32 @!p2 $0x9FC0;
	_ =	swait.ge @!p3 [sflag:s1], $0x100  }
.Ltmp0:
0x9e: {  	s8 =	simm.s32 @!p3 $0x9C40;
	[sflag:s1] =	ssyncset.done @!p3 $0x0;
	(pc) =	sbr.rel @p1 .LBB2_2-.Ltmp0, $4  }
0x9f: {  	s3 =	simm.s32 @!p3 $0xA040;
	s6 =	simm.s32 @!p3 $0x80;
	[sflag:s1] =	ssyncadd.s32 @!p3 $0xFFFFFF00  }
0xa0: {  	[tilespmem:s3], [sflag:$0x5] =	stream.indirect.gather @!p3 [hbm4b:s4+s6], $0x40, s8, s6, $0xb8;
	[tilespmem:$0xE040] =	vst v63  }
0xa1: {  	s5 =	simm.s32 @!p2 $0xC040;
	s1 =	simm.s32 @!p2 $0x80;
	s3 =	simm.s32 @!p2 $0x7  }
0xa2: {  	[spmem:s2] =	stream.indirect.scatter.add.f32 @!p2 [tilespmem:s5], [sflag:$0x7], $0x40, s9, s1, $0xb8;
	[tilespmem:$0xE040] =	vst v63  }
0xa3: {  	_ =	swait.ge @!p2 [sflag:s3], $0x2000  }
0xa4: {  	[sflag:s3] =	ssyncset.done @!p2 $0x0  }
0xa5: {  	[sflag:s3] =	ssyncadd.s32 @!p2 $0xFFFFE000  }
0xa6: {  	s0 =	sadd.s32 @p0 $0x12840, s13;
	s1 =	simm.s32 @p0 $0x1FC7;
	[bflag:$0x0] =	sbarrier.arrive $0xFFFF  }
0xa7: {  	[hbm:s0], [sflag:s1] =	dma.local @p0 [spmem:s16], $0x1040  }
0xa8: {  	s0 =	simm.s32 @p0 $0x7  }
0xa9: {  	_ =	swait.ge @p0 [sflag:s0], $0x1040  }
0xaa: {  	[sflag:s0] =	ssyncset.done @p0 $0x0  }
0xab: {  	s30 =	sadd.s32 $0x1, s30;
	[sflag:s0] =	ssyncadd.s32 @p0 $0xFFFFEFC0;
	s0 =	rddreg [dreg:$0x7]  }
0xac: {  	p1 =	sne.s32 s30, s14;
	s0 =	sadd.s32 @!p0 s0, s13  }
0xad: {  	[hbm:s0], [sflag:s17] =	dma.local @!p0 [spmem:s18], $0x13C0  }
.Ltmp1:
0xae: {  	_ = 	snop;
	(pc) =	sbr.rel @p1 .LBB2_1-.Ltmp1, $4  }
0xaf: {  	s0 =	simm.s32 @!p0 $0x7  }
0xb0: {  	_ =	swait.ge @!p0 [sflag:s0], $0x13C0  }
0xb1: {  	[sflag:s0] =	ssyncset.done @!p0 $0x0  }
0xb2: {  	[sflag:s0] =	ssyncadd.s32 @!p0 $0xFFFFEC40  }
0xb3: {  	_ =	sfence.sel $0x180000  }
0xb4: {  	[bflag:$0x0] =	sbarrier.arrive $0xFFFF  }
0xb5: {  	_ =	strace $0x9000004D  }
0xb6: {  	s0 =	stileid.u32;
	[bflag:$0x2] =	sbarrier.arrive $0xFFFF  }
0xb7: {  	p0 =	sne.s32 s0, $0x0;
	s0 =	rddreg [dreg:$0x2]  }
0xb8: {  	s0 =	sadd.s32 @!p0 $0x100000, s0  }
0xb9: {  	[sflag:s0] =	ssyncadd.tile.s32 @!p0 $0x1;
	_ =	shalt  }
.Lfunc_end2:
_tile_overlayer_lowered:
.L_overlay_start_2:
0xba: {  	(tag) =	ssettag $0x2  }
0xbb: {  	s0 =	rddreg [dreg:$0x0];
	s2 =	stileid.u32  }
0xbc: {  	s1 =	rddreg [dreg:$0x1];
	p0 =	sne.s32 s2, $0x0  }
0xbd: {  	s3 =	rddreg [dreg:$0x2];
	[bflag:$0x3] =	sbarrier.arrive $0xFFFF;
	s2 =	simm.s32 @!p0 $0x1C07  }
0xbe: {  	[timem:s3], [sflag:s2] =	dma.local @!p0 [hbm:s0], s1  }
0xbf: {  	s0 =	simm.s32 @!p0 $0x7  }
0xc0: {  	_ =	swait.ge @!p0 [sflag:s0], s1  }
0xc1: {  	s1 =	ssub.s32 @!p0 $0x0, s1;
	[sflag:s0] =	ssyncset.done @!p0 $0x0  }
0xc2: {  	[sflag:s0] =	ssyncadd.s32 @!p0 s1  }
0xc3: {  	[bflag:$0x3] =	sbarrier.arrive $0xFFFF  }
0xc4: {  	_ =	shalt  }

// kernel: kernel.9.cloned.1.call-start
scs
__scs_entry_jumppad:
0x0: {  	(pc) =	sbr.rel $0x88, $3  }
0x1: {  	(tag) =	ssettag $0x0;
	lr =	simm.s32 $0x1  }
0x2: {  	[smem:$0x3F90] =	sst lr;
	_ =	strace $0xD0000000  }
0x3: {  	_ = 	snop  }
0x4: {  	_ = 	snop  }
0x5: {  	_ = 	snop  }
0x6: {  	_ = 	snop  }
0x7: {  	_ = 	snop  }
__scs_overlays_trampoline_lowered:
0x8: {  	[smem:$0x3F9F] =	sst s0  }
0x9: {  	[smem:$0x3FA0] =	sst s1  }
0xa: {  	[smem:$0x3FA1] =	sst s2  }
0xb: {  	[smem:$0x3FA2] =	sst s3  }
0xc: {  	[smem:$0x3FA3] =	sst s4  }
0xd: {  	[smem:$0x3FA4] =	sst s5  }
0xe: {  	[smem:$0x3FA5] =	sst s6  }
0xf: {  	[smem:$0x3FA6] =	sst s7  }
0x10: {  	[smem:$0x3FA7] =	sst s8  }
0x11: {  	[smem:$0x3FA8] =	sst s9;
	s0 =	simm.s32 @!p0 $0x0  }
0x12: {  	s1 =	sld [smem:$0x3F8E];
	s0 =	simm.s32 @p0 $0x1  }
0x13: {  	[smem:$0x3FA9] =	sst s0;
	s0 =	simm.s32 @!p1 $0x0  }
0x14: {  	s2 =	sld [smem:$0x3F8D];
	s0 =	simm.s32 @p1 $0x1  }
0x15: {  	[smem:$0x3FAA] =	sst s0;
	s0 =	simm.s32 @!p2 $0x0  }
0x16: {  	s3 =	sld [smem:$0x3FDB];
	s0 =	simm.s32 @p2 $0x1  }
0x17: {  	s4 =	simm.s32 $0x1BF5;
	[smem:$0x3FAC] =	sst s0  }
0x18: {  	s0 =	sld [smem:$0x3F8F];
	_ =	swait.ge [sflag:s4], $0x0  }
0x19: {  	s7 =	sld [smem:$0x3F90]  }
0x1a: {  	s8 =	sadd.s32 $0xFFFFE003, lr  }
0x1b: {  	s9 =	sadd.s32 $0xFFFFFEF7, lr;
	s5 =	simm.s32 $0xFFFFFFFF;
	p2 =	slt.u32 s8, $0xFFFFF086  }
0x1c: {  	p1 =	slt.u32 s9, $0xF7A;
	s5 =	simm.s32 @!p2 $0x0  }
0x1d: {  	s5 =	simm.s32 @p1 $0x1;
	p0 =	seq.s32 s7, s2  }
0x1e: {  	s7 =	smul.u32 @!p0 $0xF7A, s2;
	p2 =	seq.s32 @!p0 s5, $0x0  }
0x1f: {  	s9 =	smul.u32 $0xF7A, s1;
	s8 =	simm.s32 @!p0 $0x1BF5;
	p2 =	por !p2, p0  }
0x20: {  	[sflag:s8] =	ssyncset.s32 @!p0 $0xFFFFF086;
	s6 =	sadd.s32 @!p0 s3, s7;
	s7 =	simm.s32 @!p0 $0x108  }
0x21: {  	s3 =	sadd.s32 s3, s9;
	s6 =	sadd.s32 @!p0 $0x88, s6;
	s7 =	simm.s32 @p2 $0x1082  }
0x22: {  	[simem:s7], [sflag:s8] =	dma.local @!p0 [hbm:s6], $0xF7A  }
0x23: {  	s9 =	sor.u32 $0xD0000000, s2;
	s6 =	simm.s32 $0x108;
	_ =	swait.ge @!p0 [sflag:s8], $0x0  }
0x24: {  	s3 =	sadd.s32 $0x88, s3;
	s6 =	simm.s32 @!p1 $0x1082;
	[sflag:s4] =	ssyncset.s32 $0xFFFFF086  }
0x25: {  	[simem:s6], [sflag:s4] =	dma.local [hbm:s3], $0xF7A  }
0x26: {  	[smem:$0x3F90] =	sst s1;
	(tag) =	ssettag s2;
	_ =	strace s9  }
0x27: {  	s1 =	sld [smem:$0x3FA0]  }
0x28: {  	s2 =	sld [smem:$0x3FA1]  }
0x29: {  	s4 =	sld [smem:$0x3FA3]  }
0x2a: {  	p0 =	seq.s32 s5, $0x0;
	s5 =	sld [smem:$0x3FA4]  }
0x2b: {  	s6 =	sld [smem:$0x3FA5]  }
0x2c: {  	s7 =	sld [smem:$0x3FA6]  }
0x2d: {  	s3 =	simm.s32 $0x108;
	s8 =	sld [smem:$0x3FA7]  }
0x2e: {  	s3 =	simm.s32 @!p0 $0x1082;
	s9 =	sld [smem:$0x3FA8]  }
0x2f: {  	lr =	sadd.s32 s0, s3;
	s0 =	sld [smem:$0x3F9F]  }
0x30: {  	s3 =	sld [smem:$0x3FA2]  }
0x31: {  	[smem:$0x3FAB] =	sst s10  }
0x32: {  	s10 =	sld [smem:$0x3FA9];
	_ =	sdelay $0x3  }
0x33: {  	p0 =	seq.s32 s10, $0x1;
	s10 =	sld [smem:$0x3FAB];
	_ =	sdelay $0x3  }
0x34: {  	[smem:$0x3FAB] =	sst s10  }
0x35: {  	s10 =	sld [smem:$0x3FAA];
	_ =	sdelay $0x3  }
0x36: {  	p1 =	seq.s32 s10, $0x1;
	s10 =	sld [smem:$0x3FAB];
	_ =	sdelay $0x3  }
0x37: {  	[smem:$0x3FAB] =	sst s10  }
0x38: {  	s10 =	sld [smem:$0x3FAC]  }
0x39: {  	_ = 	snop;
	(pc) =	sbr.ind lr, $3  }
0x3a: {  	_ = 	snop  }
0x3b: {  	_ = 	snop  }
0x3c: {  	p2 =	seq.s32 s10, $0x1;
	s10 =	sld [smem:$0x3FAB]  }
0x3d: {  	_ =	shalt  }
0x3e: {  	_ =	shalt  }
0x3f: {  	_ =	shalt  }
0x40: {  	_ =	shalt  }
0x41: {  	_ =	shalt  }
0x42: {  	_ =	shalt  }
0x43: {  	_ =	shalt  }
0x44: {  	_ =	shalt  }
0x45: {  	_ =	shalt  }
0x46: {  	_ =	shalt  }
0x47: {  	_ =	shalt  }
0x48: {  	_ =	shalt  }
0x49: {  	_ =	shalt  }
0x4a: {  	_ =	shalt  }
0x4b: {  	_ =	shalt  }
0x4c: {  	_ =	shalt  }
0x4d: {  	_ =	shalt  }
0x4e: {  	_ =	shalt  }
0x4f: {  	_ =	shalt  }
0x50: {  	_ =	shalt  }
0x51: {  	_ =	shalt  }
0x52: {  	_ =	shalt  }
0x53: {  	_ =	shalt  }
0x54: {  	_ =	shalt  }
0x55: {  	_ =	shalt  }
0x56: {  	_ =	shalt  }
0x57: {  	_ =	shalt  }
0x58: {  	_ =	shalt  }
0x59: {  	_ =	shalt  }
0x5a: {  	_ =	shalt  }
0x5b: {  	_ =	shalt  }
0x5c: {  	_ =	shalt  }
0x5d: {  	_ =	shalt  }
0x5e: {  	_ =	shalt  }
0x5f: {  	_ =	shalt  }
0x60: {  	_ =	shalt  }
0x61: {  	_ =	shalt  }
0x62: {  	_ =	shalt  }
0x63: {  	_ =	shalt  }
0x64: {  	_ =	shalt  }
0x65: {  	_ =	shalt  }
0x66: {  	_ =	shalt  }
0x67: {  	_ =	shalt  }
0x68: {  	_ =	shalt  }
0x69: {  	_ =	shalt  }
0x6a: {  	_ =	shalt  }
0x6b: {  	_ =	shalt  }
0x6c: {  	_ =	shalt  }
0x6d: {  	_ =	shalt  }
0x6e: {  	_ =	shalt  }
0x6f: {  	_ =	shalt  }
0x70: {  	_ =	shalt  }
0x71: {  	_ =	shalt  }
0x72: {  	_ =	shalt  }
0x73: {  	_ =	shalt  }
0x74: {  	_ =	shalt  }
0x75: {  	_ =	shalt  }
0x76: {  	_ =	shalt  }
0x77: {  	_ =	shalt  }
0x78: {  	_ =	shalt  }
0x79: {  	_ =	shalt  }
0x7a: {  	_ =	shalt  }
0x7b: {  	_ =	shalt  }
0x7c: {  	_ =	shalt  }
0x7d: {  	_ =	shalt  }
0x7e: {  	_ =	shalt  }
0x7f: {  	_ =	shalt  }
0x80: {  	_ =	shalt  }
0x81: {  	_ =	shalt  }
0x82: {  	_ =	shalt  }
0x83: {  	_ =	shalt  }
0x84: {  	_ =	shalt  }
0x85: {  	_ =	shalt  }
0x86: {  	_ =	shalt  }
0x87: {  	_ =	shalt  }
.Lfunc_end0:
.L_simem_size_0:
called_computation_lowered:
.L_overlay_start_0:
0x88: {  	s2 =	sld [smem:$0x3FD9]  }
0x89: {  	s3 =	sld [smem:$0x3FFE];
	_ =	sdelay $0x1  }
0x8a: {  	s1 =	srdreg.scid  }
0x8b: {  	s0 =	sand.u32 $0x1, s1  }
0x8c: {  	s17 =	sshll.u32 s0, $0xA;
	s2 =	sadd.s32 s3, s2  }
0x8d: {  	s2 =	sadd.s32 s2, s17  }
0x8e: {  	[smem:$0x3FB7] =	sst s2  }
0x8f: {  	_ = 	snop  }
0x90: {  	(tm) =	ssettm $0x1  }
0x91: {  	s18 =	sld [smem:$0x3FFB];
	_ =	sdelay $0x3  }
0x92: {  	_ =	strace s18  }
0x93: {  	s2 =	sld [smem:$0x3FFC];
	_ =	sdelay $0x3  }
0x94: {  	_ =	strace s2  }
0x95: {  	s2 =	sld [smem:$0x3FFD];
	_ =	sdelay $0x3  }
0x96: {  	_ =	strace s2  }
0x97: {  	_ =	strace $0x8FFFFFFF  }
0x98: {  	s19 =	sld [smem:$0x3FDB];
	_ =	sdelay $0x1  }
0x99: {  	s20 =	simm.s32 $_scs_section_size  }
0x9a: {  	s4 =	simm.s32 $_size__tile_overlayer_lowered;
	s5 =	simm.s32 $_tile_overlayer_lowered  }
0x9b: {  	s6 =	simm.s32 $0x1BFF;
	s21 =	sshll.u32 s5, $0x1;
	s3 =	sadd.s32 s20, s19  }
0x9c: {  	s22 =	simm.s32 $0x0;
	s4 =	sshll.u32 s4, $0x1;
	s5 =	sadd.s32 s21, s3  }
0x9d: {  	[timem:s22], [sflag:s6] =	dma.local [hbm:s5], s4  }
0x9e: {  	_ =	swait.ge [sflag:s6], s4  }
0x9f: {  	s4 =	ssub.s32 $0x0, s4;
	[sflag:s6] =	ssyncset.done $0x0  }
0xa0: {  	[sflag:s6] =	ssyncadd.s32 s4;
	_ =	sdelay $0x1  }
0xa1: {  	s23 =	simm.s32 $0x1B8B  }
0xa2: {  	_ =	swait.ge [sflag:s23], $0x1  }
0xa3: {  	[sflag:s23] =	ssyncset.done $0x0  }
0xa4: {  	[sflag:s23] =	ssyncadd.s32 $0xFFFFFFFF  }
0xa5: {  	s4 =	sld [smem:$0x0]  }
0xa6: {  	s5 =	sand.u32 $0xFFFFFFFE, s1  }
0xa7: {  	p0 =	sne.s32 s1, s5  }
0xa8: {  	s5 =	sshll.u32 @p0 s5, $0xE  }
0xa9: {  	s5 =	sadd.s32 @p0 $0x11B8D, s5;
	s6 =	sshll.u32 @p0 s4, $0x11  }
0xaa: {  	s5 =	sor.u32 @p0 s6, s5  }
0xab: {  	[sflag:s5] =	ssyncadd.remote.s32 @p0 $0x1;
	_ =	sdelay $0x1  }
0xac: {  	s5 =	simm.s32 @p0 $0x1B8D  }
0xad: {  	_ =	swait.eq @p0 [sflag:s5], $0x1  }
0xae: {  	[sflag:s5] =	ssyncadd.s32 @p0 $0xFFFFFFFF  }
0xaf: {  	s6 =	sshll.u32 @!p0 s1, $0xE  }
0xb0: {  	s6 =	sor.u32 @!p0 $0x4000, s6;
	s5 =	simm.s32 @!p0 $0x1B8D  }
0xb1: {  	s4 =	sshll.u32 @!p0 s4, $0x11;
	s6 =	sadd.s32 @!p0 $0x11B8D, s6;
	_ =	swait.eq @!p0 [sflag:s5], $0x1  }
0xb2: {  	s4 =	sor.u32 @!p0 s4, s6;
	[sflag:s5] =	ssyncadd.s32 @!p0 $0xFFFFFFFF  }
0xb3: {  	s25 =	simm.s32 $0x1B8E;
	s24 =	sld [smem:$0x3FFE];
	[sflag:s4] =	ssyncadd.remote.s32 @!p0 $0x1  }
0xb4: {  	s26 =	simm.s32 $execute0_lowered;
	[smem:$0x3FD2] =	sst s25  }
0xb5: {  	s5 =	sshll.u32 s26, $0x1;
	_ =	strace $0x80000049;
	[dreg:$0x1] =	wrdreg $0xFFFFFFFF  }
0xb6: {  	s28 =	simm.s32 $_size_execute0_lowered;
	s3 =	sadd.s32 s3, s5;
	[dreg:$0x0] =	wrdreg $0x0  }
0xb7: {  	s5 =	sshll.u32 s28, $0x1;
	[dreg:$0x2] =	wrdreg s3  }
0xb8: {  	[dreg:$0x3] =	wrdreg s5  }
0xb9: {  	[dreg:$0x4] =	wrdreg $0xC0  }
0xba: {  	_ =	task [dreg:s22], $0x5FFFF  }
0xbb: {  	[dreg:$0x1] =	wrdreg $0xFFFFFFFF  }
0xbc: {  	[dreg:$0x0] =	wrdreg $0x60  }
0xbd: {  	[dreg:$0x2] =	wrdreg s24  }
0xbe: {  	[dreg:$0x3] =	wrdreg $0x0  }
0xbf: {  	[dreg:$0x4] =	wrdreg $0x9  }
0xc0: {  	_ =	task.clear_ibuf [dreg:s22], $0x5FFFF;
	_ =	strace $0x90000049  }
0xc1: {  	s29 =	simm.s32 $0x9;
	_ =	strace $0x8000004B  }
0xc2: {  	_ =	swait.ge [sflag:s29], $0x1  }
0xc3: {  	[sflag:s29] =	ssyncadd.s32 $0xFFFFFFFF  }
0xc4: {  	_ =	strace $0x9000004B  }
0xc5: {  	_ =	sfence  }
0xc6: {  	s30 =	sld [smem:$0x0];
	_ =	sdelay $0x2  }
0xc7: {  	s31 =	sshll.u32 s1, $0xD;
	s1 =	sshrl.u32 s1, $0x2  }
0xc8: {  	s4 =	sand.u32 $0x4000, s31;
	s1 =	sadd.s32 s1, s30  }
0xc9: {  	s0 =	sor.u32 s4, s0;
	s1 =	sshll.u32 s1, $0x11  }
0xca: {  	s0 =	sor.u32 s1, s0  }
0xcb: {  	s0 =	sadd.s32 $0x8F2B, s0  }
0xcc: {  	[sflag:s0] =	ssyncadd.remote.s32 $0x1  }
0xcd: {  	_ =	sfence.sel $0xFFFF  }
0xce: {  	[dreg:$0x0] =	wrdreg $0xFFFFFFFF;
	(pc) =	sbr.abs _section_cstart, $3  }
0xcf: {  	[dreg:$0x1] =	wrdreg $0xFFFFFFFF  }
0xd0: {  	_ =	task.clear_ibuf [dreg:s22], $0x2FFFF;
	_ =	strace $0x9FFFFFFF  }
0xd1: {  	(tm) =	ssettm $0x7FFFFFFF  }
tec
execute0_lowered:
.L_overlay_start_1:
0x0: {  	(tag) =	ssettag $0x1  }
0x1: {  	s0 =	rddreg [dreg:$0x0]  }
0x2: {  	s2 =	rddreg [dreg:$0x1];
	s3 =	simm.s32 $0x0;
	s20 =	stileid.u32  }
0x3: {  	s1 =	srdreg.scid;
	s25 =	simm.s32 $0x13900;
	s28 =	simm.s32 $0x8  }
0x4: {  	s29 =	simm.s32 $0x6;
	s30 =	simm.s32 $0x2;
	s31 =	simm.s32 $0x0  }
0x5: {  	[smem:$0x7FF] =	sst s3;
	s7 =	smul.u32 $0x2780, s20;
	s1 =	sand.u32 $0x1, s1  }
0x6: {  	s4 =	sadd.s32 $0x56F800, s0;
	s5 =	sadd.s32 $0x3F200, s0;
	s8 =	sshll.u32 s20, $0x1  }
0x7: {  	s9 =	smul.u32 $0x4F000, s20;
	s18 =	sadd.s32 $0x128400, s2;
	p0 =	slt.u32 s20, $0x2  }
0x8: {  	_ =	strace $0x8000004A;
	s6 =	smul.u32 $0x27100, s1;
	s26 =	ssub.s32 $0x2, s1  }
0x9: {  	s8 =	sor.u32 s1, s8;
	s21 =	smul.u32 $0x27000, s1;
	[dreg:$0x5] =	wrdreg s25  }
0xa: {  	s1 =	smul.u32 $0x9C0, s1;
	s25 =	simm.s32 $0x1;
	[dreg:$0x7] =	wrdreg s7  }
0xb: {  	s7 =	sadd.s32 s7, s0;
	s10 =	sshrl.u32 s26, $0x1;
	s9 =	sshrl.u32 s9, $0x2  }
0xc: {  	s11 =	smul.u32 $0x4E, s8;
	s17 =	smin.u32 s8, $0x4;
	s14 =	sadd.s32 s6, s0  }
0xd: {  	s15 =	ssub.s32 s26, s10;
	s9 =	sadd.s32 s9, s2;
	s10 =	sadd.s32 $0x8D800, s7  }
0xe: {  	s7 =	simm.s32 $0x4F;
	s0 =	sadd.s32 $0xB2880, s0;
	[dreg:$0x8] =	wrdreg s9  }
0xf: {  	s22 =	sshll.u32 s17, $0xB;
	s24 =	sshll.u32 s17, $0x5;
	[dreg:$0x9] =	wrdreg s10  }
0x10: {  	s26 =	simm.s32 $0x13A00;
	s11 =	sadd.s32 s17, s11;
	[dreg:$0xa] =	wrdreg s0  }
0x11: {  	s7 =	simm.s32 @!p0 $0x4E;
	s14 =	sadd.s32 $0xB4A00, s14;
	s15 =	smax.u32 s15, $0x1  }
0x12: {  	p0 =	seq.s32 s20, $0xF;
	[dreg:$0x6] =	wrdreg s26;
	s26 =	simm.s32 $0x80  }
0x13: {  	s12 =	sshll.u32 s11, $0x5;
	s16 =	sshll.u32 s11, $0xB;
	s19 =	sadd.s32 $0xFFFFFFFB, s7  }
0x14: {  	s18 =	sshrl.u32 @p0 s18, $0x3;
	s9 =	sadd.s32 s5, s12;
	s12 =	sadd.s32 $0xFFFFFFFE, s7  }
0x15: {  	s0 =	sadd.s32 s4, s16;
	s16 =	smul.u32 $0x4E000, s20;
	[dreg:$0x4] =	wrdreg s19  }
0x16: {  	s19 =	smul.u32 $0x1380, s20;
	s13 =	sadd.s32 $0x20, s9;
	[dreg:$0xc] =	wrdreg s0  }
0x17: {  	[dreg:$0x3] =	wrdreg s12;
	s12 =	sadd.s32 $0xFFFFFFFD, s7;
	s4 =	sadd.s32 s16, s4  }
0x18: {  	[dreg:$0xb] =	wrdreg s13;
	s13 =	sadd.s32 $0xFFFFFFFC, s7;
	s0 =	sadd.s32 s21, s4  }
0x19: {  	s23 =	sadd.s32 s19, s5;
	s4 =	sshll.u32 @!p0 s20, $0x6;
	s16 =	sadd.s32 s22, s0  }
0x1a: {  	s0 =	sadd.s32 s1, s23;
	s19 =	sor.u32 @!p0 $0x1C07, s4;
	s22 =	simm.s32 $0x13C80  }
0x1b: {  	s23 =	simm.s32 $0x5;
	s17 =	sadd.s32 s24, s0;
	s24 =	simm.s32 $0x17C80  }
.LBB2_1:
0x1c: {  	s0 =	simm.s32 @p0 $0x1FC7;
	s1 =	rddreg [dreg:$0xa]  }
0x1d: {  	[spmem:s18], [sflag:s0] =	dma.local @p0 [hbm:s1], $0x2080  }
0x1e: {  	s0 =	simm.s32 @p0 $0x7  }
0x1f: {  	_ =	swait.ge @p0 [sflag:s0], $0x2080  }
0x20: {  	[sflag:s0] =	ssyncset.done @p0 $0x0  }
0x21: {  	[sflag:s0] =	ssyncadd.s32 @p0 $0xFFFFDF80;
	s0 =	rddreg [dreg:$0x8]  }
0x22: {  	s1 =	rddreg [dreg:$0x9];
	s0 =	sshrl.u32 @!p0 s0, $0x3  }
0x23: {  	[spmem:s0], [sflag:s19] =	dma.local @!p0 [hbm:s1], $0x2780  }
0x24: {  	s1 =	simm.s32 @!p0 $0x7  }
0x25: {  	_ =	swait.ge @!p0 [sflag:s1], $0x2780  }
0x26: {  	[sflag:s1] =	ssyncset.done @!p0 $0x0  }
0x27: {  	[sflag:s1] =	ssyncadd.s32 @!p0 $0xFFFFD880  }
0x28: {  	s5 =	simm.s32 $0x13880;
	[bflag:$0x0] =	sbarrier.arrive $0xFFFF  }
0x29: {  	[tilespmem:s5], [sflag:$0x1] =	stream.linear.gather [hbm4b:s9+s3], $0x100, $0x38;
	[tilespmem:$0x1BC80] =	vst v63  }
0x2a: {  	s4 =	simm.s32 $0x13980;
	s6 =	rddreg [dreg:$0xb]  }
0x2b: {  	[tilespmem:s4], [sflag:$0x2] =	stream.linear.gather [hbm4b:s6+s3], $0x100, $0x38;
	[tilespmem:$0x1BC80] =	vst v63  }
0x2c: {  	s8 =	rddreg [dreg:$0xc]  }
0x2d: {  	[tilespmem:s22], [sflag:$0x5] =	stream.linear.gather [hbm4b:s8+s3], $0x4000, $0x38;
	[tilespmem:$0x1BC80] =	vst v63  }
0x2e: {  	_ =	swait.ge [sflag:s23], $0x4000  }
0x2f: {  	s10 =	rddreg [dreg:$0x3]  }
0x30: {  	[sflag:s23] =	ssyncset.done $0x0;
	p1 =	sle.u32 s10, $0x0  }
0x31: {  	s11 =	sadd.s32 $0x0, s16;
	[sflag:s23] =	ssyncadd.s32 $0xFFFFC000;
	s4 =	sadd.s32 @!p1 $0x0, s17  }
0x32: {  	s5 =	simm.s32 @!p1 $0x0;
	s20 =	simm.s32 @!p1 $0x13A80;
	s4 =	sadd.s32 @!p1 $0x40, s4  }
0x33: {  	[tilespmem:s20], [sflag:$0x3] =	stream.linear.gather @!p1 [hbm4b:s4+s5], $0x100, $0x38;
	[tilespmem:$0x1BC80] =	vst v63  }
0x34: {  	s1 =	sadd.s32 $0x800, s11  }
0x35: {  	[tilespmem:s24], [sflag:$0x6] =	stream.linear.gather [hbm4b:s1+s3], $0x4000, $0x38;
	[tilespmem:$0x1BC80] =	vst v63  }
0x36: {  	_ =	swait.ge [sflag:s25], $0x100  }
0x37: {  	[sflag:s25] =	ssyncset.done $0x0  }
0x38: {  	s20 =	rddreg [dreg:$0x5];
	[sflag:s25] =	ssyncadd.s32 $0xFFFFFF00  }
0x39: {  	[spmem:s2] =	stream.indirect.scatter.add.f32 [tilespmem:s22], [sflag:$0x8], $0x80, s20, s26, $0xb8;
	[tilespmem:$0x1BC80] =	vst v63  }
0x3a: {  	_ =	swait.ge [sflag:s28], $0x4000  }
0x3b: {  	[sflag:s28] =	ssyncset.done $0x0  }
0x3c: {  	[sflag:s28] =	ssyncadd.s32 $0xFFFFC000  }
0x3d: {  	p2 =	sle.u32 s12, $0x0;
	_ =	swait.ge [sflag:s29], $0x4000  }
0x3e: {  	s4 =	simm.s32 @!p2 $0x13B80;
	s1 =	sadd.s32 @!p2 $0x0, s17;
	[sflag:s29] =	ssyncset.done $0x0  }
0x3f: {  	s1 =	sadd.s32 @!p2 $0x60, s1;
	s20 =	simm.s32 @!p2 $0x0;
	[sflag:s29] =	ssyncadd.s32 $0xFFFFC000  }
0x40: {  	[tilespmem:s4], [sflag:$0x4] =	stream.linear.gather @!p2 [hbm4b:s1+s20], $0x100, $0x38;
	[tilespmem:$0x1BC80] =	vst v63  }
0x41: {  	s1 =	sadd.s32 @!p1 $0x0, s16  }
0x42: {  	s4 =	simm.s32 @!p1 $0x13C80;
	s1 =	sadd.s32 @!p1 $0x1000, s1  }
0x43: {  	[tilespmem:s4], [sflag:$0x5] =	stream.linear.gather @!p1 [hbm4b:s1+s5], $0x4000, $0x38;
	[tilespmem:$0x1BC80] =	vst v63  }
0x44: {  	_ =	swait.ge [sflag:s30], $0x100  }
0x45: {  	[sflag:s30] =	ssyncset.done $0x0  }
0x46: {  	s21 =	rddreg [dreg:$0x6];
	[sflag:s30] =	ssyncadd.s32 $0xFFFFFF00  }
0x47: {  	[spmem:s2] =	stream.indirect.scatter.add.f32 [tilespmem:s24], [sflag:$0x8], $0x80, s21, s26, $0xb8;
	[tilespmem:$0x1BC80] =	vst v63  }
0x48: {  	p1 =	sle.u32 s7, $0x2;
	_ =	swait.ge [sflag:s28], $0x4000  }
0x49: {  	p2 =	sle.u32 @!p1 s13, $0x0;
	[sflag:s28] =	ssyncset.done $0x0  }
0x4a: {  	s1 =	simm.s32 @!p1 $0x5;
	p3 =	sle.u32 @!p1 s12, $0x0;
	[sflag:s28] =	ssyncadd.s32 $0xFFFFC000  }
0x4b: {  	p2 =	por p2, p1;
	p3 =	por p3, p1;
	_ =	swait.ge @!p1 [sflag:s1], $0x4000  }
0x4c: {  	s4 =	sadd.s32 @!p2 $0x0, s17;
	s5 =	simm.s32 @!p2 $0x0;
	[sflag:s1] =	ssyncset.done @!p1 $0x0  }
0x4d: {  	s20 =	simm.s32 @!p2 $0x13880;
	s4 =	sadd.s32 @!p2 $0x80, s4;
	[sflag:s1] =	ssyncadd.s32 @!p1 $0xFFFFC000  }
0x4e: {  	[tilespmem:s20], [sflag:$0x1] =	stream.linear.gather @!p2 [hbm4b:s4+s5], $0x100, $0x38;
	[tilespmem:$0x1BC80] =	vst v63  }
0x4f: {  	s1 =	sadd.s32 @!p3 $0x0, s16;
	s4 =	simm.s32 @!p3 $0x0  }
0x50: {  	s5 =	simm.s32 @!p3 $0x17C80;
	s1 =	sadd.s32 @!p3 $0x1800, s1;
	s20 =	simm.s32 @!p1 $0x3  }
0x51: {  	[tilespmem:s5], [sflag:$0x6] =	stream.linear.gather @!p3 [hbm4b:s1+s4], $0x4000, $0x38;
	[tilespmem:$0x1BC80] =	vst v63  }
0x52: {  	_ =	swait.ge @!p1 [sflag:s20], $0x100  }
0x53: {  	s1 =	simm.s32 @!p1 $0x13C80;
	s4 =	simm.s32 @!p1 $0x80;
	[sflag:s20] =	ssyncset.done @!p1 $0x0  }
0x54: {  	s5 =	simm.s32 @!p1 $0x13B00;
	[sflag:s20] =	ssyncadd.s32 @!p1 $0xFFFFFF00;
	s20 =	simm.s32 @!p1 $0x8  }
0x55: {  	[spmem:s2] =	stream.indirect.scatter.add.f32 @!p1 [tilespmem:s1], [sflag:$0x8], $0x80, s5, s4, $0xb8;
	[tilespmem:$0x1BC80] =	vst v63  }
0x56: {  	_ =	swait.ge @!p1 [sflag:s20], $0x4000  }
0x57: {  	p2 =	sle.u32 s7, $0x3;
	[sflag:s20] =	ssyncset.done @!p1 $0x0  }
0x58: {  	s1 =	simm.s32 @!p2 $0x6;
	[sflag:s20] =	ssyncadd.s32 @!p1 $0xFFFFC000  }
0x59: {  	_ =	swait.ge @!p2 [sflag:s1], $0x4000  }
0x5a: {  	p1 =	sle.u32 @!p2 s13, $0x0;
	s4 =	rddreg [dreg:$0x4]  }
0x5b: {  	p1 =	por p1, p2;
	p3 =	sle.u32 @!p2 s4, $0x0  }
0x5c: {  	[sflag:s1] =	ssyncset.done @!p2 $0x0;
	s4 =	sadd.s32 @!p1 $0x0, s16;
	p3 =	por p3, p2  }
0x5d: {  	[sflag:s1] =	ssyncadd.s32 @!p2 $0xFFFFC000;
	s4 =	sadd.s32 @!p1 $0x2000, s4;
	s1 =	sadd.s32 @!p3 $0x0, s17  }
0x5e: {  	s5 =	simm.s32 @!p3 $0x0;
	s20 =	simm.s32 @!p3 $0x13980;
	s1 =	sadd.s32 @!p3 $0xA0, s1  }
0x5f: {  	[tilespmem:s20], [sflag:$0x2] =	stream.linear.gather @!p3 [hbm4b:s1+s5], $0x100, $0x38;
	[tilespmem:$0x1BC80] =	vst v63  }
0x60: {  	s1 =	simm.s32 @!p1 $0x13C80;
	s5 =	simm.s32 @!p1 $0x0;
	s20 =	simm.s32 @!p2 $0x4  }
0x61: {  	[tilespmem:s1], [sflag:$0x5] =	stream.linear.gather @!p1 [hbm4b:s4+s5], $0x4000, $0x38;
	[tilespmem:$0x1BC80] =	vst v63  }
0x62: {  	_ =	swait.ge @!p2 [sflag:s20], $0x100  }
0x63: {  	s21 =	simm.s32 $0x0;
	s1 =	simm.s32 @!p2 $0x17C80;
	[sflag:s20] =	ssyncset.done @!p2 $0x0  }
0x64: {  	s4 =	simm.s32 @!p2 $0x80;
	s5 =	simm.s32 @!p2 $0x13C00;
	[sflag:s20] =	ssyncadd.s32 @!p2 $0xFFFFFF00  }
0x65: {  	[spmem:s2] =	stream.indirect.scatter.add.f32 @!p2 [tilespmem:s1], [sflag:$0x7], $0x80, s5, s4, $0xb8;
	[tilespmem:$0x1BC80] =	vst v63  }
0x66: {  	s20 =	simm.s32 $0x80;
	s1 =	simm.s32 $0x2000;
	s5 =	simm.s32 @!p2 $0x7  }
.LBB2_2:
0x67: {  	_ =	swait.ge @!p2 [sflag:s5], $0x4000  }
0x68: {  	[sflag:s5] =	ssyncset.done @!p2 $0x0  }
0x69: {  	[sflag:s5] =	ssyncadd.s32 @!p2 $0xFFFFC000  }
0x6a: {  	_ =	swait.ge [sflag:s23], $0x4000  }
0x6b: {  	s21 =	sadd.s32 $0x4, s21;
	s8 =	rddreg [dreg:$0x3]  }
0x6c: {  	s4 =	smov.u32 s1;
	[sflag:s23] =	ssyncset.done $0x0;
	p2 =	sge.u32 s21, s8  }
0x6d: {  	s6 =	sadd.s32 s4, s16;
	[sflag:s23] =	ssyncadd.s32 $0xFFFFC000;
	s5 =	sadd.s32 @!p2 s20, s17  }
0x6e: {  	s8 =	simm.s32 @!p2 $0x0;
	s10 =	simm.s32 @!p2 $0x13A80;
	s5 =	sadd.s32 @!p2 $0x40, s5  }
0x6f: {  	[tilespmem:s10], [sflag:$0x3] =	stream.linear.gather @!p2 [hbm4b:s5+s8], $0x100, $0x38;
	[tilespmem:$0x1BC80] =	vst v63  }
0x70: {  	s10 =	sadd.s32 $0x800, s6  }
0x71: {  	[tilespmem:s24], [sflag:$0x6] =	stream.linear.gather [hbm4b:s10+s3], $0x4000, $0x38;
	[tilespmem:$0x1BC80] =	vst v63  }
0x72: {  	_ =	swait.ge [sflag:s25], $0x100  }
0x73: {  	s11 =	sadd.s32 @!p2 s4, s16;
	[sflag:s25] =	ssyncset.done $0x0  }
0x74: {  	s6 =	sadd.s32 @!p2 $0x1000, s11;
	s11 =	rddreg [dreg:$0x5];
	[sflag:s25] =	ssyncadd.s32 $0xFFFFFF00  }
0x75: {  	[spmem:s2] =	stream.indirect.scatter.add.f32 [tilespmem:s22], [sflag:$0x8], $0x80, s11, s26, $0xb8;
	[tilespmem:$0x1BC80] =	vst v63  }
0x76: {  	_ =	swait.ge [sflag:s28], $0x4000  }
0x77: {  	[sflag:s28] =	ssyncset.done $0x0  }
0x78: {  	p3 =	sge.u32 s21, s12;
	[sflag:s28] =	ssyncadd.s32 $0xFFFFC000  }
0x79: {  	s5 =	sadd.s32 @!p3 s20, s17;
	_ =	swait.ge [sflag:s29], $0x4000  }
0x7a: {  	s5 =	sadd.s32 @!p3 $0x60, s5;
	[sflag:s29] =	ssyncset.done $0x0  }
0x7b: {  	s10 =	simm.s32 @!p3 $0x13B80;
	s11 =	simm.s32 @!p3 $0x0;
	[sflag:s29] =	ssyncadd.s32 $0xFFFFC000  }
0x7c: {  	[tilespmem:s10], [sflag:$0x4] =	stream.linear.gather @!p3 [hbm4b:s5+s11], $0x100, $0x38;
	[tilespmem:$0x1BC80] =	vst v63  }
0x7d: {  	s5 =	simm.s32 @!p2 $0x13C80  }
0x7e: {  	[tilespmem:s5], [sflag:$0x5] =	stream.linear.gather @!p2 [hbm4b:s6+s8], $0x4000, $0x38;
	[tilespmem:$0x1BC80] =	vst v63  }
0x7f: {  	_ =	swait.ge [sflag:s30], $0x100  }
0x80: {  	[sflag:s30] =	ssyncset.done $0x0  }
0x81: {  	s11 =	sadd.s32 $0x2, s21;
	s10 =	rddreg [dreg:$0x6];
	[sflag:s30] =	ssyncadd.s32 $0xFFFFFF00  }
0x82: {  	[spmem:s2] =	stream.indirect.scatter.add.f32 [tilespmem:s24], [sflag:$0x8], $0x80, s10, s26, $0xb8;
	[tilespmem:$0x1BC80] =	vst v63  }
0x83: {  	p3 =	sge.u32 s11, s7;
	_ =	swait.ge [sflag:s28], $0x4000  }
0x84: {  	s5 =	simm.s32 @!p3 $0x5;
	[sflag:s28] =	ssyncset.done $0x0  }
0x85: {  	p2 =	sge.u32 @!p3 s21, s13;
	p4 =	sge.u32 @!p3 s21, s12;
	[sflag:s28] =	ssyncadd.s32 $0xFFFFC000  }
0x86: {  	p2 =	por p2, p3;
	p4 =	por p4, p3;
	_ =	swait.ge @!p3 [sflag:s5], $0x4000  }
0x87: {  	s6 =	sadd.s32 @!p2 s20, s17;
	s8 =	simm.s32 @!p2 $0x0;
	[sflag:s5] =	ssyncset.done @!p3 $0x0  }
0x88: {  	s6 =	sadd.s32 @!p2 $0x80, s6;
	s10 =	simm.s32 @!p2 $0x13880;
	[sflag:s5] =	ssyncadd.s32 @!p3 $0xFFFFC000  }
0x89: {  	[tilespmem:s10], [sflag:$0x1] =	stream.linear.gather @!p2 [hbm4b:s6+s8], $0x100, $0x38;
	[tilespmem:$0x1BC80] =	vst v63  }
0x8a: {  	s5 =	sadd.s32 @!p4 s4, s16;
	s6 =	simm.s32 @!p4 $0x0  }
0x8b: {  	s8 =	simm.s32 @!p4 $0x17C80;
	s5 =	sadd.s32 @!p4 $0x1800, s5;
	s10 =	simm.s32 @!p3 $0x3  }
0x8c: {  	[tilespmem:s8], [sflag:$0x6] =	stream.linear.gather @!p4 [hbm4b:s5+s6], $0x4000, $0x38;
	[tilespmem:$0x1BC80] =	vst v63  }
0x8d: {  	_ =	swait.ge @!p3 [sflag:s10], $0x100  }
0x8e: {  	s5 =	simm.s32 @!p3 $0x13C80;
	s6 =	simm.s32 @!p3 $0x80;
	[sflag:s10] =	ssyncset.done @!p3 $0x0  }
0x8f: {  	s8 =	simm.s32 @!p3 $0x13B00;
	[sflag:s10] =	ssyncadd.s32 @!p3 $0xFFFFFF00;
	s10 =	simm.s32 @!p3 $0x8  }
0x90: {  	[spmem:s2] =	stream.indirect.scatter.add.f32 @!p3 [tilespmem:s5], [sflag:$0x8], $0x80, s8, s6, $0xb8;
	[tilespmem:$0x1BC80] =	vst v63  }
0x91: {  	s11 =	sadd.s32 $0x3, s21;
	_ =	swait.ge @!p3 [sflag:s10], $0x4000  }
0x92: {  	p2 =	sge.u32 s11, s7;
	[sflag:s10] =	ssyncset.done @!p3 $0x0  }
0x93: {  	s5 =	simm.s32 @!p2 $0x6;
	[sflag:s10] =	ssyncadd.s32 @!p3 $0xFFFFC000  }
0x94: {  	_ =	swait.ge @!p2 [sflag:s5], $0x4000  }
0x95: {  	p4 =	sge.u32 @!p2 s21, s13;
	s6 =	rddreg [dreg:$0x4]  }
0x96: {  	s1 =	sadd.s32 $0x2000, s1;
	p3 =	por p4, p2;
	p4 =	sge.u32 @!p2 s21, s6  }
0x97: {  	p1 =	sne.s32 s1, $0x28000;
	[sflag:s5] =	ssyncset.done @!p2 $0x0;
	p4 =	por p4, p2  }
0x98: {  	s4 =	sadd.s32 @!p3 s4, s16;
	[sflag:s5] =	ssyncadd.s32 @!p2 $0xFFFFC000;
	s5 =	sadd.s32 @!p4 s20, s17  }
0x99: {  	s8 =	simm.s32 @!p4 $0x0;
	s10 =	simm.s32 @!p4 $0x13980;
	s5 =	sadd.s32 @!p4 $0xA0, s5  }
0x9a: {  	[tilespmem:s10], [sflag:$0x2] =	stream.linear.gather @!p4 [hbm4b:s5+s8], $0x100, $0x38;
	[tilespmem:$0x1BC80] =	vst v63  }
0x9b: {  	s11 =	simm.s32 @!p3 $0x0;
	s4 =	sadd.s32 @!p3 $0x2000, s4;
	s6 =	simm.s32 @!p3 $0x13C80  }
0x9c: {  	[tilespmem:s6], [sflag:$0x5] =	stream.linear.gather @!p3 [hbm4b:s4+s11], $0x4000, $0x38;
	[tilespmem:$0x1BC80] =	vst v63  }
.Ltmp0:
0x9d: {  	s5 =	simm.s32 @!p2 $0x4;
	(pc) =	sbr.rel @p1 .LBB2_2-.Ltmp0, $4  }
0x9e: {  	s20 =	sadd.s32 $0x80, s20;
	_ =	swait.ge @!p2 [sflag:s5], $0x100  }
0x9f: {  	s8 =	simm.s32 @!p2 $0x13C00;
	s4 =	simm.s32 @!p2 $0x17C80;
	[sflag:s5] =	ssyncset.done @!p2 $0x0  }
0xa0: {  	s6 =	simm.s32 @!p2 $0x80;
	[sflag:s5] =	ssyncadd.s32 @!p2 $0xFFFFFF00;
	s5 =	simm.s32 @!p2 $0x7  }
0xa1: {  	[spmem:s2] =	stream.indirect.scatter.add.f32 @!p2 [tilespmem:s4], [sflag:$0x7], $0x80, s8, s6, $0xb8;
	[tilespmem:$0x1BC80] =	vst v63  }
0xa2: {  	_ =	swait.ge @!p2 [sflag:s5], $0x4000  }
0xa3: {  	[sflag:s5] =	ssyncset.done @!p2 $0x0  }
0xa4: {  	[sflag:s5] =	ssyncadd.s32 @!p2 $0xFFFFC000  }
0xa5: {  	s1 =	sadd.s32 @p0 $0x25080, s14;
	s4 =	simm.s32 @p0 $0x1FC7;
	[bflag:$0x0] =	sbarrier.arrive $0xFFFF  }
0xa6: {  	[hbm:s1], [sflag:s4] =	dma.local @p0 [spmem:s18], $0x2080  }
0xa7: {  	s1 =	simm.s32 @p0 $0x7  }
0xa8: {  	_ =	swait.ge @p0 [sflag:s1], $0x2080  }
0xa9: {  	[sflag:s1] =	ssyncset.done @p0 $0x0  }
0xaa: {  	s31 =	sadd.s32 $0x1, s31;
	[sflag:s1] =	ssyncadd.s32 @p0 $0xFFFFDF80;
	s1 =	rddreg [dreg:$0x7]  }
0xab: {  	p1 =	sne.s32 s31, s15;
	s1 =	sadd.s32 @!p0 s1, s14  }
0xac: {  	[hbm:s1], [sflag:s19] =	dma.local @!p0 [spmem:s0], $0x2780  }
.Ltmp1:
0xad: {  	_ = 	snop;
	(pc) =	sbr.rel @p1 .LBB2_1-.Ltmp1, $4  }
0xae: {  	s0 =	simm.s32 @!p0 $0x7  }
0xaf: {  	_ =	swait.ge @!p0 [sflag:s0], $0x2780  }
0xb0: {  	[sflag:s0] =	ssyncset.done @!p0 $0x0  }
0xb1: {  	[sflag:s0] =	ssyncadd.s32 @!p0 $0xFFFFD880  }
0xb2: {  	_ =	sfence.sel $0x180000  }
0xb3: {  	[bflag:$0x0] =	sbarrier.arrive $0xFFFF  }
0xb4: {  	_ =	strace $0x9000004A  }
0xb5: {  	s0 =	stileid.u32;
	[bflag:$0x2] =	sbarrier.arrive $0xFFFF  }
0xb6: {  	p0 =	sne.s32 s0, $0x0;
	s0 =	rddreg [dreg:$0x2]  }
0xb7: {  	s0 =	sadd.s32 @!p0 $0x100000, s0  }
0xb8: {  	[sflag:s0] =	ssyncadd.tile.s32 @!p0 $0x1;
	_ =	shalt  }
.Lfunc_end2:
_tile_overlayer_lowered:
.L_overlay_start_2:
0xb9: {  	(tag) =	ssettag $0x2  }
0xba: {  	s0 =	rddreg [dreg:$0x0];
	s2 =	stileid.u32  }
0xbb: {  	s1 =	rddreg [dreg:$0x1];
	p0 =	sne.s32 s2, $0x0  }
0xbc: {  	s3 =	rddreg [dreg:$0x2];
	[bflag:$0x3] =	sbarrier.arrive $0xFFFF;
	s2 =	simm.s32 @!p0 $0x1C07  }
0xbd: {  	[timem:s3], [sflag:s2] =	dma.local @!p0 [hbm:s0], s1  }
0xbe: {  	s0 =	simm.s32 @!p0 $0x7  }
0xbf: {  	_ =	swait.ge @!p0 [sflag:s0], s1  }
0xc0: {  	s1 =	ssub.s32 @!p0 $0x0, s1;
	[sflag:s0] =	ssyncset.done @!p0 $0x0  }
0xc1: {  	[sflag:s0] =	ssyncadd.s32 @!p0 s1  }
0xc2: {  	[bflag:$0x3] =	sbarrier.arrive $0xFFFF  }
0xc3: {  	_ =	shalt  }

</sc_bundles>
